<compile_context>
chip_gen: v7x
topology: tpu7x:2x2x1
jax: 0.10.2.dev20260603
libtpu: 0.0.44.dev20260713+nightly
codegen_flags: <defaults>
</compile_context>

<pallas_src>
import functools

import jax
import jax.numpy as jnp
import numpy as np
from jax import lax
from jax.experimental import pallas as pl
from jax.experimental.pallas import tpu as pltpu
from jax.experimental.pallas import tpu_sc as plsc

S, H = 2048, 1024
NH, DH = 16, 64
FF = 2048
NUM_REC = 3
NUM_EXPERTS = 2 ** NUM_REC
RB = 256
QB = 256
KB = 256
NW = 32
RPW = S // NW


def _pcall(body, **kw):
    return pl.pallas_call(body, **kw)



def _router_body(x_ref, ek_ref, pos_ref, sw_ref, dest_ref, cnt_ref,
                 tok_ref, pp_ref, xcopy_ref):
    x = x_ref[...]
    xcopy_ref[...] = x
    scores = lax.dot_general(x, ek_ref[...], (((1,), (1,)), ((), ())),
                             preferred_element_type=jnp.float32)
    m = jnp.max(scores, axis=-1, keepdims=True)
    w = 1.0 / jnp.sum(jnp.exp(scores - m), axis=-1, keepdims=True)
    chosen = jnp.argmax(scores, axis=-1).astype(jnp.int32)
    bits = lax.broadcasted_iota(jnp.int32, (S, NUM_EXPERTS), 1)
    active = ((chosen[:, None] >> bits) & 1).astype(jnp.float32)
    sw_ref[...] = active * w

    r_io = lax.broadcasted_iota(jnp.int32, (S, S), 0)
    c_io = lax.broadcasted_iota(jnp.int32, (S, S), 1)
    tri = (r_io >= c_io).astype(jnp.bfloat16)
    rank = lax.dot_general(tri, active.astype(jnp.bfloat16),
                           (((1,), (0,)), ((), ())),
                           preferred_element_type=jnp.float32)
    total = rank[S - 1:S, :]
    t_col = lax.broadcasted_iota(jnp.int32, (S, 1), 0).astype(jnp.float32)
    dest = jnp.where(active > 0.5, rank - 1.0, total + t_col - rank)
    desti = dest.astype(jnp.int32)
    dest_ref[...] = desti
    cnt_ref[...] = total.astype(jnp.int32)

    p_row = lax.broadcasted_iota(jnp.int32, (1, S), 1)
    posf = pos_ref[...].astype(jnp.float32)
    tp_in = jnp.concatenate([t_col, posf], axis=1)
    toks = []
    pps = []
    for d in range(NUM_REC):
        pm = (desti[:, d:d + 1] == p_row).astype(jnp.float32)
        tp = lax.dot_general(pm, tp_in, (((0,), (0,)), ((), ())),
                             preferred_element_type=jnp.float32)
        toks.append(tp[:, 0:1])
        pps.append(tp[:, 1:2])
    pad = jnp.zeros((S, NUM_EXPERTS - NUM_REC), jnp.float32)
    tok_ref[...] = jnp.concatenate(toks + [pad], axis=1).astype(jnp.int32)
    pp_ref[...] = jnp.concatenate(pps + [pad], axis=1).astype(jnp.int32)



def _sc_scatter(src, idx):
    mesh = plsc.VectorSubcoreMesh(core_axis_name="c", subcore_axis_name="s")

    @functools.partial(
        pl.kernel, mesh=mesh,
        out_type=jax.ShapeDtypeStruct((S, H), jnp.float32),
        scratch_types=[
            pltpu.VMEM((RPW,), jnp.int32),
            pltpu.VMEM((RPW, H), jnp.float32),
            pltpu.SemaphoreType.DMA,
        ],
    )
    def k(src_hbm, idx_hbm, out_hbm, idx_v, rows_v, sem):
        wid = lax.axis_index("s") * 2 + lax.axis_index("c")
        base = wid * RPW
        pltpu.sync_copy(idx_hbm.at[pl.ds(base, RPW)], idx_v)
        pltpu.sync_copy(src_hbm.at[pl.ds(base, RPW)], rows_v)
        pltpu.async_copy(rows_v, out_hbm.at[idx_v], sem).wait()

    return k(src, idx)


def _sc_gather(src, idx):
    mesh = plsc.VectorSubcoreMesh(core_axis_name="c", subcore_axis_name="s")

    @functools.partial(
        pl.kernel, mesh=mesh,
        out_type=jax.ShapeDtypeStruct((S, H), jnp.float32),
        scratch_types=[
            pltpu.VMEM((RPW,), jnp.int32),
            pltpu.VMEM((RPW, H), jnp.float32),
            pltpu.SemaphoreType.DMA,
        ],
    )
    def k(src_hbm, idx_hbm, out_hbm, idx_v, rows_v, sem):
        wid = lax.axis_index("s") * 2 + lax.axis_index("c")
        base = wid * RPW
        pltpu.sync_copy(idx_hbm.at[pl.ds(base, RPW)], idx_v)
        pltpu.async_copy(src_hbm.at[idx_v], rows_v, sem).wait()
        pltpu.sync_copy(rows_v, out_hbm.at[pl.ds(base, RPW)])

    return k(src, idx)



def _qkv_body(depth, cnt_ref, x_ref, ek_ref, norm_ref, pp_ref,
              wq_ref, wk_ref, wv_ref, q_ref, k_ref, v_ref):
    i = pl.program_id(0)
    a = cnt_ref[depth]

    @pl.when(i * RB < a)
    def _():
        x = x_ref[...] + ek_ref[...]
        h = x * lax.rsqrt(jnp.mean(x * x, axis=-1, keepdims=True) + 1e-6)
        h = (h * norm_ref[...]).astype(jnp.bfloat16)
        q = jnp.dot(h, wq_ref[...], preferred_element_type=jnp.float32)
        k = jnp.dot(h, wk_ref[...], preferred_element_type=jnp.float32)
        v = jnp.dot(h, wv_ref[...], preferred_element_type=jnp.float32)

        pos_blk = pp_ref[...].astype(jnp.float32)
        col = lax.broadcasted_iota(jnp.int32, (1, H), 1)
        offs = col % DH
        f = (offs % (DH // 2)).astype(jnp.float32)
        inv = jnp.exp(f * (-np.log(10000.0) / (DH // 2)))
        ang = pos_blk * inv
        cosf = jnp.cos(ang)
        sinf = jnp.sin(ang)
        first_half = offs < (DH // 2)

        def rope(t):
            rot_m = jnp.concatenate([t[:, DH // 2:], t[:, :DH // 2]], axis=1)
            rot_p = jnp.concatenate([t[:, -(DH // 2):], t[:, :-(DH // 2)]],
                                    axis=1)
            rot = jnp.where(first_half, -rot_m, rot_p)
            return t * cosf + rot * sinf

        q_ref[...] = (rope(q) * (1.0 / np.sqrt(DH))).astype(jnp.bfloat16)
        k_ref[...] = rope(k).astype(jnp.bfloat16)
        v_ref[...] = v.astype(jnp.bfloat16)

    @pl.when(i * RB >= a)
    def _():
        q_ref[...] = jnp.zeros_like(q_ref)
        k_ref[...] = jnp.zeros_like(k_ref)
        v_ref[...] = jnp.zeros_like(v_ref)


def _attn_body(depth, cnt_ref, q_ref, k_ref, v_ref, o_ref):
    qb = pl.program_id(1)
    a = cnt_ref[depth]

    def go(w):
        key_ok = lax.broadcasted_iota(jnp.int32, (1, w), 1) < a
        for sub in range(2):
            sl = slice(sub * DH, (sub + 1) * DH)
            att = lax.dot_general(
                q_ref[:, sl], k_ref[:w, sl], (((1,), (1,)), ((), ())),
                preferred_element_type=jnp.float32)
            att = jnp.where(key_ok, att, -1e30)
            mx = jnp.max(att, axis=-1, keepdims=True)
            e = jnp.exp(att - mx)
            den = jnp.sum(e, axis=-1, keepdims=True)
            o = jnp.dot(e.astype(jnp.bfloat16), v_ref[:w, sl],
                        preferred_element_type=jnp.float32)
            o_ref[:, sl] = (o / den).astype(jnp.bfloat16)

    @pl.when(qb * QB < a)
    def _():
        @pl.when(a <= S // 4)
        def _():
            go(S // 4)

        @pl.when((a > S // 4) & (a <= S // 2))
        def _():
            go(S // 2)

        @pl.when((a > S // 2) & (a <= 3 * S // 4))
        def _():
            go(3 * S // 4)

        @pl.when(a > 3 * S // 4)
        def _():
            go(S)

    @pl.when(qb * QB >= a)
    def _():
        o_ref[...] = jnp.zeros_like(o_ref)


def _post_body(depth, cnt_ref, x_ref, ek_ref, o_ref, wo_ref, norm_ref,
               wg_ref, wu_ref, wd_ref, y_ref):
    i = pl.program_id(0)
    a = cnt_ref[depth]

    @pl.when(i * RB < a)
    def _():
        x = x_ref[...] + ek_ref[...] + jnp.dot(
            o_ref[...], wo_ref[...], preferred_element_type=jnp.float32)
        h2 = x * lax.rsqrt(jnp.mean(x * x, axis=-1, keepdims=True) + 1e-6)
        h2 = (h2 * norm_ref[...]).astype(jnp.bfloat16)
        g = jnp.dot(h2, wg_ref[...], preferred_element_type=jnp.float32)
        u = jnp.dot(h2, wu_ref[...], preferred_element_type=jnp.float32)
        act = ((g * lax.logistic(g)) * u).astype(jnp.bfloat16)
        y_ref[...] = x + jnp.dot(act, wd_ref[...],
                                 preferred_element_type=jnp.float32)

    @pl.when(i * RB >= a)
    def _():
        y_ref[...] = jnp.zeros_like(y_ref)


def _combine_body(final_ref, y_ref, sw_ref, out_ref):
    out_ref[...] = final_ref[...] + y_ref[...] * sw_ref[...]



def kernel(hidden_states, position_ids, expert_keys, params):
    Bb, Ss, Hh = hidden_states.shape
    flat = hidden_states.reshape(Ss, Hh)
    pos = position_ids.reshape(Ss, 1).astype(jnp.int32)

    sw, dest3, cnt, tok3, pp3, xcopy = _pcall(
        _router_body,
        out_shape=(
            jax.ShapeDtypeStruct((S, NUM_EXPERTS), jnp.float32),
            jax.ShapeDtypeStruct((S, NUM_EXPERTS), jnp.int32),
            jax.ShapeDtypeStruct((1, NUM_EXPERTS), jnp.int32),
            jax.ShapeDtypeStruct((S, NUM_EXPERTS), jnp.int32),
            jax.ShapeDtypeStruct((S, NUM_EXPERTS), jnp.int32),
            jax.ShapeDtypeStruct((S, H), jnp.float32),
        ),
    )(flat, expert_keys, pos)
    cnt_flat = cnt.reshape(NUM_EXPERTS)

    final = flat
    for d in range(NUM_REC):
        p = params[d]
        ek_row = expert_keys[1 << d][None, :]
        wq, wk, wv, wo, wg, wu, wd = (
            p[n].astype(jnp.bfloat16)
            for n in ("Wq", "Wk", "Wv", "Wo", "Wg", "Wu", "Wd"))
        dest_d = dest3[:, d]
        pp_col = pp3[:, d:d + 1]

        xpack = _sc_scatter(final, dest_d)

        q, k, v = pl.pallas_call(
            functools.partial(_qkv_body, d),
            grid_spec=pltpu.PrefetchScalarGridSpec(
                num_scalar_prefetch=1,
                grid=(S // RB,),
                in_specs=[
                    pl.BlockSpec((RB, H), lambda i, c: (i, 0)),
                    pl.BlockSpec((1, H), lambda i, c: (0, 0)),
                    pl.BlockSpec((1, H), lambda i, c: (0, 0)),
                    pl.BlockSpec((RB, 1), lambda i, c: (i, 0)),
                    pl.BlockSpec((H, H), lambda i, c: (0, 0)),
                    pl.BlockSpec((H, H), lambda i, c: (0, 0)),
                    pl.BlockSpec((H, H), lambda i, c: (0, 0)),
                ],
                out_specs=[
                    pl.BlockSpec((RB, H), lambda i, c: (i, 0)),
                    pl.BlockSpec((RB, H), lambda i, c: (i, 0)),
                    pl.BlockSpec((RB, H), lambda i, c: (i, 0)),
                ],
            ),
            out_shape=[jax.ShapeDtypeStruct((S, H), jnp.bfloat16)] * 3,
        )(cnt_flat, xpack, ek_row, p["attn_norm"][None, :], pp_col,
          wq, wk, wv)

        o = pl.pallas_call(
            functools.partial(_attn_body, d),
            grid_spec=pltpu.PrefetchScalarGridSpec(
                num_scalar_prefetch=1,
                grid=(NH // 2, S // QB),
                in_specs=[
                    pl.BlockSpec((QB, 2 * DH), lambda h, qb, c: (qb, h)),
                    pl.BlockSpec((S, 2 * DH), lambda h, qb, c: (0, h)),
                    pl.BlockSpec((S, 2 * DH), lambda h, qb, c: (0, h)),
                ],
                out_specs=pl.BlockSpec((QB, 2 * DH), lambda h, qb, c: (qb, h)),
            ),
            out_shape=jax.ShapeDtypeStruct((S, H), jnp.bfloat16),
        )(cnt_flat, q, k, v)

        ypack = pl.pallas_call(
            functools.partial(_post_body, d),
            grid_spec=pltpu.PrefetchScalarGridSpec(
                num_scalar_prefetch=1,
                grid=(S // RB,),
                in_specs=[
                    pl.BlockSpec((RB, H), lambda i, c: (i, 0)),
                    pl.BlockSpec((1, H), lambda i, c: (0, 0)),
                    pl.BlockSpec((RB, H), lambda i, c: (i, 0)),
                    pl.BlockSpec((H, H), lambda i, c: (0, 0)),
                    pl.BlockSpec((1, H), lambda i, c: (0, 0)),
                    pl.BlockSpec((H, FF), lambda i, c: (0, 0)),
                    pl.BlockSpec((H, FF), lambda i, c: (0, 0)),
                    pl.BlockSpec((FF, H), lambda i, c: (0, 0)),
                ],
                out_specs=pl.BlockSpec((RB, H), lambda i, c: (i, 0)),
            ),
            out_shape=jax.ShapeDtypeStruct((S, H), jnp.float32),
        )(cnt_flat, xpack, ek_row, o, wo, p["mlp_norm"][None, :], wg, wu, wd)

        y = _sc_gather(ypack, dest_d)

        final = _pcall(
            _combine_body,
            grid=(S // 512,),
            in_specs=[
                pl.BlockSpec((512, H), lambda i: (i, 0)),
                pl.BlockSpec((512, H), lambda i: (i, 0)),
                pl.BlockSpec((512, 1), lambda i: (i, 0)),
            ],
            out_specs=pl.BlockSpec((512, H), lambda i: (i, 0)),
            out_shape=jax.ShapeDtypeStruct((S, H), jnp.float32),
        )(final, y, sw[:, d:d + 1])

    return final.reshape(Bb, Ss, Hh)

# --- scband reference (transcript-rebuilt; emitter-appended) ---
"""Pipeline reference for scband-prototype-mo-rllama-decoder-layer-7825430413894 (READ-ONLY COPY).

The authoritative reference and input builder live on the scoring server;
editing this copy changes nothing except your own understanding.
"""

import jax, jax.numpy as jnp
import numpy as np

B, S, H = 1, 2048, 1024
NH, DH = 16, 64
FF = 2048
NUM_REC = 3
NUM_EXPERTS = 2 ** NUM_REC


def _rmsnorm(x, w, eps=1e-6):
    return x * jax.lax.rsqrt(jnp.mean(x * x, axis=-1, keepdims=True) + eps) * w


def _rope(x, pos):
    # x: [A, NH, DH], pos: [A] int
    half = x.shape[-1] // 2
    inv = 1.0 / (10000.0 ** (jnp.arange(half, dtype=jnp.float32) / half))
    ang = pos.astype(jnp.float32)[:, None] * inv[None, :]
    cos = jnp.cos(ang)[:, None, :]
    sin = jnp.sin(ang)[:, None, :]
    x1, x2 = x[..., :half], x[..., half:]
    return jnp.concatenate([x1 * cos - x2 * sin, x2 * cos + x1 * sin], axis=-1)


def _block(x, pos, p, key_mask):
    # one shared Llama-style decoder layer over the active-token sequence
    A = x.shape[0]
    h = _rmsnorm(x, p["attn_norm"])
    q = _rope((h @ p["Wq"]).reshape(A, NH, DH), pos)
    k = _rope((h @ p["Wk"]).reshape(A, NH, DH), pos)
    v = (h @ p["Wv"]).reshape(A, NH, DH)
    att = jnp.einsum("qhd,khd->hqk", q, k) / float(np.sqrt(DH))
    att = jnp.where(key_mask[None, None, :], att, -jnp.inf)
    pr = jax.nn.softmax(att, axis=-1)
    o = jnp.einsum("hqk,khd->qhd", pr, v).reshape(A, H)
    x = x + o @ p["Wo"]
    h2 = _rmsnorm(x, p["mlp_norm"])
    return x + (jax.nn.silu(h2 @ p["Wg"]) * (h2 @ p["Wu"])) @ p["Wd"]


def setup_inputs(seed: int = 0) -> dict:
    key = jax.random.key(seed)
    ks = jax.random.split(key, 2 + NUM_REC * 7)
    hidden_states = jax.random.normal(ks[0], (B, S, H), dtype=jnp.float32)
    position_ids = jnp.broadcast_to(jnp.arange(S, dtype=jnp.int32)[None, :], (B, S))
    expert_keys = 0.02 * jax.random.normal(ks[1], (NUM_EXPERTS, H), dtype=jnp.float32)
    params = []
    ki = 2
    for d in range(NUM_REC):
        p = {}
        for name, shp in [("Wq", (H, H)), ("Wk", (H, H)), ("Wv", (H, H)), ("Wo", (H, H)), ("Wg", (H, FF)), ("Wu", (H, FF)), ("Wd", (FF, H))]:
            p[name] = 0.02 * jax.random.normal(ks[ki], shp, dtype=jnp.float32)
            ki += 1
        p["attn_norm"] = jnp.ones((H,), dtype=jnp.float32)
        p["mlp_norm"] = jnp.ones((H,), dtype=jnp.float32)
        params.append(p)
    return {"hidden_states": hidden_states, "position_ids": position_ids, "expert_keys": expert_keys, "params": params}


def reference(hidden_states, position_ids, expert_keys, params):
    Bb, Ss, Hh = hidden_states.shape
    flat = hidden_states.reshape(-1, Hh)
    T = flat.shape[0]
    # prototype router: top-1 over 2^num_recursion prototype keys
    scores = flat @ expert_keys.T  # [T, NUM_EXPERTS]
    topk_idx = jnp.argmax(scores, axis=-1)  # [T]
    chosen = topk_idx.reshape(Bb, Ss)
    soft = jax.nn.softmax(scores, axis=-1)
    weights_flat = soft[jnp.arange(T), topk_idx][:, None]  # [T, 1]
    final = hidden_states
    for d in range(NUM_REC):
        active_mask = ((chosen >> d) & 1) == 1
        am_flat = active_mask.reshape(-1)  # [T]
        x = final.reshape(-1, Hh) + expert_keys[1 << d]
        pos = position_ids.reshape(-1)
        x = _block(x, pos, params[d], am_flat)
        contrib = jnp.where(am_flat[:, None], x * weights_flat, 0.0)
        final = final + contrib.reshape(Bb, Ss, Hh)
    return final

if __name__ == "__main__":
    import jax
    _d = setup_inputs()
    print(jax.jit(kernel)(*tuple(_d.values())))

</pallas_src>

<mosaic_0001>
#map = affine_map<(d0, d1) -> (0, 0)>
#map1 = affine_map<(d0, d1) -> (0)>
module attributes {stable_mosaic.version = 14 : i64} {
  func.func @k(%arg0: i32, %arg1: i32, %arg2: memref<2048x1024xf32, #tpu.memory_space<hbm>>, %arg3: memref<2048xi32, #tpu.memory_space<hbm>>, %arg4: memref<2048x1024xf32, #tpu.memory_space<hbm>>, %arg5: memref<64xi32, #tpu.memory_space<vmem>>, %arg6: memref<64x1024xf32, #tpu.memory_space<vmem>>, %arg7: memref<!tpu.dma_semaphore, #tpu.memory_space<semaphore_mem>>) attributes {dimension_semantics = [#tpu.dimension_semantics<core_parallel>, #tpu.dimension_semantics<subcore_parallel>], iteration_bounds = array<i64: 2, 16>, scalar_prefetch = 0 : i64, scratch_operands = 3 : i64, tpu.core_type = #tpu.core_type<sc_vector_subcore>, window_params = [{transform_indices = #map}, {transform_indices = #map1}, {transform_indices = #map}]} {
    %mul3A = arith.constant 2 : i32
    %mul3A_0 = arith.muli %arg1, %mul3A : i32
    %add3A = arith.addi %mul3A_0, %arg0 : i32
    %mul3A_1 = arith.constant 64 : i32
    %mul3A_2 = arith.muli %add3A, %mul3A_1 : i32
    "tpu.region"() ({
      %run_scoped3A = tpu.sem_alloc : memref<!tpu.dma_semaphore, #tpu.memory_space<semaphore_mem>>
      %dma_start3A_7 = tpu.memref_slice %arg3[%mul3A_2] : memref<2048xi32, #tpu.memory_space<hbm>> -> memref<64xi32, #tpu.memory_space<hbm>>
      %dma_start3A_8 = tpu.memref_slice %arg3[%mul3A_2] : memref<2048xi32, #tpu.memory_space<hbm>> -> memref<64xi32, #tpu.memory_space<hbm>>
      tpu.enqueue_dma source(%dma_start3A_8 : memref<64xi32, #tpu.memory_space<hbm>>) target(%arg5 : memref<64xi32, #tpu.memory_space<vmem>>) target_semaphore(%run_scoped3A : memref<!tpu.dma_semaphore, #tpu.memory_space<semaphore_mem>>)
      %dma_wait3A_9 = tpu.memref_slice %arg3[%mul3A_2] : memref<2048xi32, #tpu.memory_space<hbm>> -> memref<64xi32, #tpu.memory_space<hbm>>
      %dma_wait3A_10 = tpu.memref_slice %arg3[%mul3A_2] : memref<2048xi32, #tpu.memory_space<hbm>> -> memref<64xi32, #tpu.memory_space<hbm>>
      tpu.wait_dma2 semaphore(%run_scoped3A : memref<!tpu.dma_semaphore, #tpu.memory_space<semaphore_mem>>) src(%dma_wait3A_10 : memref<64xi32, #tpu.memory_space<hbm>>) dst(%arg5 : memref<64xi32, #tpu.memory_space<vmem>>)
      tpu.yield
    }) : () -> ()
    "tpu.region"() ({
      %run_scoped3A = tpu.sem_alloc : memref<!tpu.dma_semaphore, #tpu.memory_space<semaphore_mem>>
      %dma_start3A_7 = arith.constant 0 : i32
      %dma_start3A_8 = tpu.memref_slice %arg2[%mul3A_2, %dma_start3A_7] : memref<2048x1024xf32, #tpu.memory_space<hbm>> -> memref<64x1024xf32, #tpu.memory_space<hbm>>
      %dma_start3A_9 = arith.constant 0 : i32
      %dma_start3A_10 = tpu.memref_slice %arg2[%mul3A_2, %dma_start3A_9] : memref<2048x1024xf32, #tpu.memory_space<hbm>> -> memref<64x1024xf32, #tpu.memory_space<hbm>>
      tpu.enqueue_dma source(%dma_start3A_10 : memref<64x1024xf32, #tpu.memory_space<hbm>>) target(%arg6 : memref<64x1024xf32, #tpu.memory_space<vmem>>) target_semaphore(%run_scoped3A : memref<!tpu.dma_semaphore, #tpu.memory_space<semaphore_mem>>)
      %dma_wait3A_11 = arith.constant 0 : i32
      %dma_wait3A_12 = tpu.memref_slice %arg2[%mul3A_2, %dma_wait3A_11] : memref<2048x1024xf32, #tpu.memory_space<hbm>> -> memref<64x1024xf32, #tpu.memory_space<hbm>>
      %dma_wait3A_13 = arith.constant 0 : i32
      %dma_wait3A_14 = tpu.memref_slice %arg2[%mul3A_2, %dma_wait3A_13] : memref<2048x1024xf32, #tpu.memory_space<hbm>> -> memref<64x1024xf32, #tpu.memory_space<hbm>>
      tpu.wait_dma2 semaphore(%run_scoped3A : memref<!tpu.dma_semaphore, #tpu.memory_space<semaphore_mem>>) src(%dma_wait3A_14 : memref<64x1024xf32, #tpu.memory_space<hbm>>) dst(%arg6 : memref<64x1024xf32, #tpu.memory_space<vmem>>)
      tpu.yield
    }) : () -> ()
    %dma_start3A = arith.constant 0 : i32
    %dma_start3A_3 = arith.constant 0 : i32
    %dma_start3A_4 = tpu.memref_slice %arg4[%dma_start3A, %dma_start3A_3] : memref<2048x1024xf32, #tpu.memory_space<hbm>> -> memref<2048x1024xf32, #tpu.memory_space<hbm>>
    tpu.enqueue_indirect_dma source(%arg6 : memref<64x1024xf32, #tpu.memory_space<vmem>>) target(%dma_start3A_4 : memref<2048x1024xf32, #tpu.memory_space<hbm>>) offsets(%arg5 : memref<64xi32, #tpu.memory_space<vmem>>) semaphore(%arg7 : memref<!tpu.dma_semaphore, #tpu.memory_space<semaphore_mem>>)
    %dma_wait3A = arith.constant 0 : i32
    %dma_wait3A_5 = arith.constant 0 : i32
    %dma_wait3A_6 = tpu.memref_slice %arg4[%dma_wait3A, %dma_wait3A_5] : memref<2048x1024xf32, #tpu.memory_space<hbm>> -> memref<2048x1024xf32, #tpu.memory_space<hbm>>
    tpu.wait_indirect_dma semaphore(%arg7 : memref<!tpu.dma_semaphore, #tpu.memory_space<semaphore_mem>>) src(%arg6 : memref<64x1024xf32, #tpu.memory_space<vmem>>) dst(%dma_wait3A_6 : memref<2048x1024xf32, #tpu.memory_space<hbm>>)
    return
  }
}

#map = affine_map<(d0, d1) -> (0, 0)>
#map1 = affine_map<(d0, d1) -> (0)>
module attributes {stable_mosaic.version = 14 : i64} {
  func.func @k(%arg0: i32, %arg1: i32, %arg2: memref<2048x1024xf32, #tpu.memory_space<hbm>>, %arg3: memref<2048xi32, #tpu.memory_space<hbm>>, %arg4: memref<2048x1024xf32, #tpu.memory_space<hbm>>, %arg5: memref<64xi32, #tpu.memory_space<vmem>>, %arg6: memref<64x1024xf32, #tpu.memory_space<vmem>>, %arg7: memref<!tpu.dma_semaphore, #tpu.memory_space<semaphore_mem>>) attributes {dimension_semantics = [#tpu.dimension_semantics<core_parallel>, #tpu.dimension_semantics<subcore_parallel>], iteration_bounds = array<i64: 2, 16>, scalar_prefetch = 0 : i64, scratch_operands = 3 : i64, tpu.core_type = #tpu.core_type<sc_vector_subcore>, window_params = [{transform_indices = #map}, {transform_indices = #map1}, {transform_indices = #map}]} {
    %mul3A = arith.constant 2 : i32
    %mul3A_0 = arith.muli %arg1, %mul3A : i32
    %add3A = arith.addi %mul3A_0, %arg0 : i32
    %mul3A_1 = arith.constant 64 : i32
    %mul3A_2 = arith.muli %add3A, %mul3A_1 : i32
    "tpu.region"() ({
      %run_scoped3A = tpu.sem_alloc : memref<!tpu.dma_semaphore, #tpu.memory_space<semaphore_mem>>
      %dma_start3A_7 = tpu.memref_slice %arg3[%mul3A_2] : memref<2048xi32, #tpu.memory_space<hbm>> -> memref<64xi32, #tpu.memory_space<hbm>>
      %dma_start3A_8 = tpu.memref_slice %arg3[%mul3A_2] : memref<2048xi32, #tpu.memory_space<hbm>> -> memref<64xi32, #tpu.memory_space<hbm>>
      tpu.enqueue_dma source(%dma_start3A_8 : memref<64xi32, #tpu.memory_space<hbm>>) target(%arg5 : memref<64xi32, #tpu.memory_space<vmem>>) target_semaphore(%run_scoped3A : memref<!tpu.dma_semaphore, #tpu.memory_space<semaphore_mem>>)
      %dma_wait3A_9 = tpu.memref_slice %arg3[%mul3A_2] : memref<2048xi32, #tpu.memory_space<hbm>> -> memref<64xi32, #tpu.memory_space<hbm>>
      %dma_wait3A_10 = tpu.memref_slice %arg3[%mul3A_2] : memref<2048xi32, #tpu.memory_space<hbm>> -> memref<64xi32, #tpu.memory_space<hbm>>
      tpu.wait_dma2 semaphore(%run_scoped3A : memref<!tpu.dma_semaphore, #tpu.memory_space<semaphore_mem>>) src(%dma_wait3A_10 : memref<64xi32, #tpu.memory_space<hbm>>) dst(%arg5 : memref<64xi32, #tpu.memory_space<vmem>>)
      tpu.yield
    }) : () -> ()
    %dma_start3A = arith.constant 0 : i32
    %dma_start3A_3 = arith.constant 0 : i32
    %dma_start3A_4 = tpu.memref_slice %arg2[%dma_start3A, %dma_start3A_3] : memref<2048x1024xf32, #tpu.memory_space<hbm>> -> memref<2048x1024xf32, #tpu.memory_space<hbm>>
    tpu.enqueue_indirect_dma source(%dma_start3A_4 : memref<2048x1024xf32, #tpu.memory_space<hbm>>) target(%arg6 : memref<64x1024xf32, #tpu.memory_space<vmem>>) offsets(%arg5 : memref<64xi32, #tpu.memory_space<vmem>>) semaphore(%arg7 : memref<!tpu.dma_semaphore, #tpu.memory_space<semaphore_mem>>)
    %dma_wait3A = arith.constant 0 : i32
    %dma_wait3A_5 = arith.constant 0 : i32
    %dma_wait3A_6 = tpu.memref_slice %arg2[%dma_wait3A, %dma_wait3A_5] : memref<2048x1024xf32, #tpu.memory_space<hbm>> -> memref<2048x1024xf32, #tpu.memory_space<hbm>>
    tpu.wait_indirect_dma semaphore(%arg7 : memref<!tpu.dma_semaphore, #tpu.memory_space<semaphore_mem>>) src(%dma_wait3A_6 : memref<2048x1024xf32, #tpu.memory_space<hbm>>) dst(%arg6 : memref<64x1024xf32, #tpu.memory_space<vmem>>)
    "tpu.region"() ({
      %run_scoped3A = tpu.sem_alloc : memref<!tpu.dma_semaphore, #tpu.memory_space<semaphore_mem>>
      %dma_start3A_7 = arith.constant 0 : i32
      %dma_start3A_8 = tpu.memref_slice %arg4[%mul3A_2, %dma_start3A_7] : memref<2048x1024xf32, #tpu.memory_space<hbm>> -> memref<64x1024xf32, #tpu.memory_space<hbm>>
      %dma_start3A_9 = arith.constant 0 : i32
      %dma_start3A_10 = tpu.memref_slice %arg4[%mul3A_2, %dma_start3A_9] : memref<2048x1024xf32, #tpu.memory_space<hbm>> -> memref<64x1024xf32, #tpu.memory_space<hbm>>
      tpu.enqueue_dma source(%arg6 : memref<64x1024xf32, #tpu.memory_space<vmem>>) target(%dma_start3A_10 : memref<64x1024xf32, #tpu.memory_space<hbm>>) target_semaphore(%run_scoped3A : memref<!tpu.dma_semaphore, #tpu.memory_space<semaphore_mem>>)
      %dma_wait3A_11 = arith.constant 0 : i32
      %dma_wait3A_12 = tpu.memref_slice %arg4[%mul3A_2, %dma_wait3A_11] : memref<2048x1024xf32, #tpu.memory_space<hbm>> -> memref<64x1024xf32, #tpu.memory_space<hbm>>
      %dma_wait3A_13 = arith.constant 0 : i32
      %dma_wait3A_14 = tpu.memref_slice %arg4[%mul3A_2, %dma_wait3A_13] : memref<2048x1024xf32, #tpu.memory_space<hbm>> -> memref<64x1024xf32, #tpu.memory_space<hbm>>
      tpu.wait_dma2 semaphore(%run_scoped3A : memref<!tpu.dma_semaphore, #tpu.memory_space<semaphore_mem>>) src(%arg6 : memref<64x1024xf32, #tpu.memory_space<vmem>>) dst(%dma_wait3A_14 : memref<64x1024xf32, #tpu.memory_space<hbm>>)
      tpu.yield
    }) : () -> ()
    return
  }
}

#map = affine_map<(d0, d1) -> (0, 0)>
#map1 = affine_map<(d0, d1) -> (0)>
module attributes {stable_mosaic.version = 14 : i64} {
  func.func @k(%arg0: i32, %arg1: i32, %arg2: memref<2048x1024xf32, #tpu.memory_space<hbm>>, %arg3: memref<2048xi32, #tpu.memory_space<hbm>>, %arg4: memref<2048x1024xf32, #tpu.memory_space<hbm>>, %arg5: memref<64xi32, #tpu.memory_space<vmem>>, %arg6: memref<64x1024xf32, #tpu.memory_space<vmem>>, %arg7: memref<!tpu.dma_semaphore, #tpu.memory_space<semaphore_mem>>) attributes {dimension_semantics = [#tpu.dimension_semantics<core_parallel>, #tpu.dimension_semantics<subcore_parallel>], iteration_bounds = array<i64: 2, 16>, scalar_prefetch = 0 : i64, scratch_operands = 3 : i64, tpu.core_type = #tpu.core_type<sc_vector_subcore>, window_params = [{transform_indices = #map}, {transform_indices = #map1}, {transform_indices = #map}]} {
    %mul3A = arith.constant 2 : i32
    %mul3A_0 = arith.muli %arg1, %mul3A : i32
    %add3A = arith.addi %mul3A_0, %arg0 : i32
    %mul3A_1 = arith.constant 64 : i32
    %mul3A_2 = arith.muli %add3A, %mul3A_1 : i32
    "tpu.region"() ({
      %run_scoped3A = tpu.sem_alloc : memref<!tpu.dma_semaphore, #tpu.memory_space<semaphore_mem>>
      %dma_start3A_7 = tpu.memref_slice %arg3[%mul3A_2] : memref<2048xi32, #tpu.memory_space<hbm>> -> memref<64xi32, #tpu.memory_space<hbm>>
      %dma_start3A_8 = tpu.memref_slice %arg3[%mul3A_2] : memref<2048xi32, #tpu.memory_space<hbm>> -> memref<64xi32, #tpu.memory_space<hbm>>
      tpu.enqueue_dma source(%dma_start3A_8 : memref<64xi32, #tpu.memory_space<hbm>>) target(%arg5 : memref<64xi32, #tpu.memory_space<vmem>>) target_semaphore(%run_scoped3A : memref<!tpu.dma_semaphore, #tpu.memory_space<semaphore_mem>>)
      %dma_wait3A_9 = tpu.memref_slice %arg3[%mul3A_2] : memref<2048xi32, #tpu.memory_space<hbm>> -> memref<64xi32, #tpu.memory_space<hbm>>
      %dma_wait3A_10 = tpu.memref_slice %arg3[%mul3A_2] : memref<2048xi32, #tpu.memory_space<hbm>> -> memref<64xi32, #tpu.memory_space<hbm>>
      tpu.wait_dma2 semaphore(%run_scoped3A : memref<!tpu.dma_semaphore, #tpu.memory_space<semaphore_mem>>) src(%dma_wait3A_10 : memref<64xi32, #tpu.memory_space<hbm>>) dst(%arg5 : memref<64xi32, #tpu.memory_space<vmem>>)
      tpu.yield
    }) : () -> ()
    "tpu.region"() ({
      %run_scoped3A = tpu.sem_alloc : memref<!tpu.dma_semaphore, #tpu.memory_space<semaphore_mem>>
      %dma_start3A_7 = arith.constant 0 : i32
      %dma_start3A_8 = tpu.memref_slice %arg2[%mul3A_2, %dma_start3A_7] : memref<2048x1024xf32, #tpu.memory_space<hbm>> -> memref<64x1024xf32, #tpu.memory_space<hbm>>
      %dma_start3A_9 = arith.constant 0 : i32
      %dma_start3A_10 = tpu.memref_slice %arg2[%mul3A_2, %dma_start3A_9] : memref<2048x1024xf32, #tpu.memory_space<hbm>> -> memref<64x1024xf32, #tpu.memory_space<hbm>>
      tpu.enqueue_dma source(%dma_start3A_10 : memref<64x1024xf32, #tpu.memory_space<hbm>>) target(%arg6 : memref<64x1024xf32, #tpu.memory_space<vmem>>) target_semaphore(%run_scoped3A : memref<!tpu.dma_semaphore, #tpu.memory_space<semaphore_mem>>)
      %dma_wait3A_11 = arith.constant 0 : i32
      %dma_wait3A_12 = tpu.memref_slice %arg2[%mul3A_2, %dma_wait3A_11] : memref<2048x1024xf32, #tpu.memory_space<hbm>> -> memref<64x1024xf32, #tpu.memory_space<hbm>>
      %dma_wait3A_13 = arith.constant 0 : i32
      %dma_wait3A_14 = tpu.memref_slice %arg2[%mul3A_2, %dma_wait3A_13] : memref<2048x1024xf32, #tpu.memory_space<hbm>> -> memref<64x1024xf32, #tpu.memory_space<hbm>>
      tpu.wait_dma2 semaphore(%run_scoped3A : memref<!tpu.dma_semaphore, #tpu.memory_space<semaphore_mem>>) src(%dma_wait3A_14 : memref<64x1024xf32, #tpu.memory_space<hbm>>) dst(%arg6 : memref<64x1024xf32, #tpu.memory_space<vmem>>)
      tpu.yield
    }) : () -> ()
    %dma_start3A = arith.constant 0 : i32
    %dma_start3A_3 = arith.constant 0 : i32
    %dma_start3A_4 = tpu.memref_slice %arg4[%dma_start3A, %dma_start3A_3] : memref<2048x1024xf32, #tpu.memory_space<hbm>> -> memref<2048x1024xf32, #tpu.memory_space<hbm>>
    tpu.enqueue_indirect_dma source(%arg6 : memref<64x1024xf32, #tpu.memory_space<vmem>>) target(%dma_start3A_4 : memref<2048x1024xf32, #tpu.memory_space<hbm>>) offsets(%arg5 : memref<64xi32, #tpu.memory_space<vmem>>) semaphore(%arg7 : memref<!tpu.dma_semaphore, #tpu.memory_space<semaphore_mem>>)
    %dma_wait3A = arith.constant 0 : i32
    %dma_wait3A_5 = arith.constant 0 : i32
    %dma_wait3A_6 = tpu.memref_slice %arg4[%dma_wait3A, %dma_wait3A_5] : memref<2048x1024xf32, #tpu.memory_space<hbm>> -> memref<2048x1024xf32, #tpu.memory_space<hbm>>
    tpu.wait_indirect_dma semaphore(%arg7 : memref<!tpu.dma_semaphore, #tpu.memory_space<semaphore_mem>>) src(%arg6 : memref<64x1024xf32, #tpu.memory_space<vmem>>) dst(%dma_wait3A_6 : memref<2048x1024xf32, #tpu.memory_space<hbm>>)
    return
  }
}

#map = affine_map<(d0, d1) -> (0, 0)>
#map1 = affine_map<(d0, d1) -> (0)>
module attributes {stable_mosaic.version = 14 : i64} {
  func.func @k(%arg0: i32, %arg1: i32, %arg2: memref<2048x1024xf32, #tpu.memory_space<hbm>>, %arg3: memref<2048xi32, #tpu.memory_space<hbm>>, %arg4: memref<2048x1024xf32, #tpu.memory_space<hbm>>, %arg5: memref<64xi32, #tpu.memory_space<vmem>>, %arg6: memref<64x1024xf32, #tpu.memory_space<vmem>>, %arg7: memref<!tpu.dma_semaphore, #tpu.memory_space<semaphore_mem>>) attributes {dimension_semantics = [#tpu.dimension_semantics<core_parallel>, #tpu.dimension_semantics<subcore_parallel>], iteration_bounds = array<i64: 2, 16>, scalar_prefetch = 0 : i64, scratch_operands = 3 : i64, tpu.core_type = #tpu.core_type<sc_vector_subcore>, window_params = [{transform_indices = #map}, {transform_indices = #map1}, {transform_indices = #map}]} {
    %mul3A = arith.constant 2 : i32
    %mul3A_0 = arith.muli %arg1, %mul3A : i32
    %add3A = arith.addi %mul3A_0, %arg0 : i32
    %mul3A_1 = arith.constant 64 : i32
    %mul3A_2 = arith.muli %add3A, %mul3A_1 : i32
    "tpu.region"() ({
      %run_scoped3A = tpu.sem_alloc : memref<!tpu.dma_semaphore, #tpu.memory_space<semaphore_mem>>
      %dma_start3A_7 = tpu.memref_slice %arg3[%mul3A_2] : memref<2048xi32, #tpu.memory_space<hbm>> -> memref<64xi32, #tpu.memory_space<hbm>>
      %dma_start3A_8 = tpu.memref_slice %arg3[%mul3A_2] : memref<2048xi32, #tpu.memory_space<hbm>> -> memref<64xi32, #tpu.memory_space<hbm>>
      tpu.enqueue_dma source(%dma_start3A_8 : memref<64xi32, #tpu.memory_space<hbm>>) target(%arg5 : memref<64xi32, #tpu.memory_space<vmem>>) target_semaphore(%run_scoped3A : memref<!tpu.dma_semaphore, #tpu.memory_space<semaphore_mem>>)
      %dma_wait3A_9 = tpu.memref_slice %arg3[%mul3A_2] : memref<2048xi32, #tpu.memory_space<hbm>> -> memref<64xi32, #tpu.memory_space<hbm>>
      %dma_wait3A_10 = tpu.memref_slice %arg3[%mul3A_2] : memref<2048xi32, #tpu.memory_space<hbm>> -> memref<64xi32, #tpu.memory_space<hbm>>
      tpu.wait_dma2 semaphore(%run_scoped3A : memref<!tpu.dma_semaphore, #tpu.memory_space<semaphore_mem>>) src(%dma_wait3A_10 : memref<64xi32, #tpu.memory_space<hbm>>) dst(%arg5 : memref<64xi32, #tpu.memory_space<vmem>>)
      tpu.yield
    }) : () -> ()
    %dma_start3A = arith.constant 0 : i32
    %dma_start3A_3 = arith.constant 0 : i32
    %dma_start3A_4 = tpu.memref_slice %arg2[%dma_start3A, %dma_start3A_3] : memref<2048x1024xf32, #tpu.memory_space<hbm>> -> memref<2048x1024xf32, #tpu.memory_space<hbm>>
    tpu.enqueue_indirect_dma source(%dma_start3A_4 : memref<2048x1024xf32, #tpu.memory_space<hbm>>) target(%arg6 : memref<64x1024xf32, #tpu.memory_space<vmem>>) offsets(%arg5 : memref<64xi32, #tpu.memory_space<vmem>>) semaphore(%arg7 : memref<!tpu.dma_semaphore, #tpu.memory_space<semaphore_mem>>)
    %dma_wait3A = arith.constant 0 : i32
    %dma_wait3A_5 = arith.constant 0 : i32
    %dma_wait3A_6 = tpu.memref_slice %arg2[%dma_wait3A, %dma_wait3A_5] : memref<2048x1024xf32, #tpu.memory_space<hbm>> -> memref<2048x1024xf32, #tpu.memory_space<hbm>>
    tpu.wait_indirect_dma semaphore(%arg7 : memref<!tpu.dma_semaphore, #tpu.memory_space<semaphore_mem>>) src(%dma_wait3A_6 : memref<2048x1024xf32, #tpu.memory_space<hbm>>) dst(%arg6 : memref<64x1024xf32, #tpu.memory_space<vmem>>)
    "tpu.region"() ({
      %run_scoped3A = tpu.sem_alloc : memref<!tpu.dma_semaphore, #tpu.memory_space<semaphore_mem>>
      %dma_start3A_7 = arith.constant 0 : i32
      %dma_start3A_8 = tpu.memref_slice %arg4[%mul3A_2, %dma_start3A_7] : memref<2048x1024xf32, #tpu.memory_space<hbm>> -> memref<64x1024xf32, #tpu.memory_space<hbm>>
      %dma_start3A_9 = arith.constant 0 : i32
      %dma_start3A_10 = tpu.memref_slice %arg4[%mul3A_2, %dma_start3A_9] : memref<2048x1024xf32, #tpu.memory_space<hbm>> -> memref<64x1024xf32, #tpu.memory_space<hbm>>
      tpu.enqueue_dma source(%arg6 : memref<64x1024xf32, #tpu.memory_space<vmem>>) target(%dma_start3A_10 : memref<64x1024xf32, #tpu.memory_space<hbm>>) target_semaphore(%run_scoped3A : memref<!tpu.dma_semaphore, #tpu.memory_space<semaphore_mem>>)
      %dma_wait3A_11 = arith.constant 0 : i32
      %dma_wait3A_12 = tpu.memref_slice %arg4[%mul3A_2, %dma_wait3A_11] : memref<2048x1024xf32, #tpu.memory_space<hbm>> -> memref<64x1024xf32, #tpu.memory_space<hbm>>
      %dma_wait3A_13 = arith.constant 0 : i32
      %dma_wait3A_14 = tpu.memref_slice %arg4[%mul3A_2, %dma_wait3A_13] : memref<2048x1024xf32, #tpu.memory_space<hbm>> -> memref<64x1024xf32, #tpu.memory_space<hbm>>
      tpu.wait_dma2 semaphore(%run_scoped3A : memref<!tpu.dma_semaphore, #tpu.memory_space<semaphore_mem>>) src(%arg6 : memref<64x1024xf32, #tpu.memory_space<vmem>>) dst(%dma_wait3A_14 : memref<64x1024xf32, #tpu.memory_space<hbm>>)
      tpu.yield
    }) : () -> ()
    return
  }
}

#map = affine_map<(d0, d1) -> (0, 0)>
#map1 = affine_map<(d0, d1) -> (0)>
module attributes {stable_mosaic.version = 14 : i64} {
  func.func @k(%arg0: i32, %arg1: i32, %arg2: memref<2048x1024xf32, #tpu.memory_space<hbm>>, %arg3: memref<2048xi32, #tpu.memory_space<hbm>>, %arg4: memref<2048x1024xf32, #tpu.memory_space<hbm>>, %arg5: memref<64xi32, #tpu.memory_space<vmem>>, %arg6: memref<64x1024xf32, #tpu.memory_space<vmem>>, %arg7: memref<!tpu.dma_semaphore, #tpu.memory_space<semaphore_mem>>) attributes {dimension_semantics = [#tpu.dimension_semantics<core_parallel>, #tpu.dimension_semantics<subcore_parallel>], iteration_bounds = array<i64: 2, 16>, scalar_prefetch = 0 : i64, scratch_operands = 3 : i64, tpu.core_type = #tpu.core_type<sc_vector_subcore>, window_params = [{transform_indices = #map}, {transform_indices = #map1}, {transform_indices = #map}]} {
    %mul3A = arith.constant 2 : i32
    %mul3A_0 = arith.muli %arg1, %mul3A : i32
    %add3A = arith.addi %mul3A_0, %arg0 : i32
    %mul3A_1 = arith.constant 64 : i32
    %mul3A_2 = arith.muli %add3A, %mul3A_1 : i32
    "tpu.region"() ({
      %run_scoped3A = tpu.sem_alloc : memref<!tpu.dma_semaphore, #tpu.memory_space<semaphore_mem>>
      %dma_start3A_7 = tpu.memref_slice %arg3[%mul3A_2] : memref<2048xi32, #tpu.memory_space<hbm>> -> memref<64xi32, #tpu.memory_space<hbm>>
      %dma_start3A_8 = tpu.memref_slice %arg3[%mul3A_2] : memref<2048xi32, #tpu.memory_space<hbm>> -> memref<64xi32, #tpu.memory_space<hbm>>
      tpu.enqueue_dma source(%dma_start3A_8 : memref<64xi32, #tpu.memory_space<hbm>>) target(%arg5 : memref<64xi32, #tpu.memory_space<vmem>>) target_semaphore(%run_scoped3A : memref<!tpu.dma_semaphore, #tpu.memory_space<semaphore_mem>>)
      %dma_wait3A_9 = tpu.memref_slice %arg3[%mul3A_2] : memref<2048xi32, #tpu.memory_space<hbm>> -> memref<64xi32, #tpu.memory_space<hbm>>
      %dma_wait3A_10 = tpu.memref_slice %arg3[%mul3A_2] : memref<2048xi32, #tpu.memory_space<hbm>> -> memref<64xi32, #tpu.memory_space<hbm>>
      tpu.wait_dma2 semaphore(%run_scoped3A : memref<!tpu.dma_semaphore, #tpu.memory_space<semaphore_mem>>) src(%dma_wait3A_10 : memref<64xi32, #tpu.memory_space<hbm>>) dst(%arg5 : memref<64xi32, #tpu.memory_space<vmem>>)
      tpu.yield
    }) : () -> ()
    "tpu.region"() ({
      %run_scoped3A = tpu.sem_alloc : memref<!tpu.dma_semaphore, #tpu.memory_space<semaphore_mem>>
      %dma_start3A_7 = arith.constant 0 : i32
      %dma_start3A_8 = tpu.memref_slice %arg2[%mul3A_2, %dma_start3A_7] : memref<2048x1024xf32, #tpu.memory_space<hbm>> -> memref<64x1024xf32, #tpu.memory_space<hbm>>
      %dma_start3A_9 = arith.constant 0 : i32
      %dma_start3A_10 = tpu.memref_slice %arg2[%mul3A_2, %dma_start3A_9] : memref<2048x1024xf32, #tpu.memory_space<hbm>> -> memref<64x1024xf32, #tpu.memory_space<hbm>>
      tpu.enqueue_dma source(%dma_start3A_10 : memref<64x1024xf32, #tpu.memory_space<hbm>>) target(%arg6 : memref<64x1024xf32, #tpu.memory_space<vmem>>) target_semaphore(%run_scoped3A : memref<!tpu.dma_semaphore, #tpu.memory_space<semaphore_mem>>)
      %dma_wait3A_11 = arith.constant 0 : i32
      %dma_wait3A_12 = tpu.memref_slice %arg2[%mul3A_2, %dma_wait3A_11] : memref<2048x1024xf32, #tpu.memory_space<hbm>> -> memref<64x1024xf32, #tpu.memory_space<hbm>>
      %dma_wait3A_13 = arith.constant 0 : i32
      %dma_wait3A_14 = tpu.memref_slice %arg2[%mul3A_2, %dma_wait3A_13] : memref<2048x1024xf32, #tpu.memory_space<hbm>> -> memref<64x1024xf32, #tpu.memory_space<hbm>>
      tpu.wait_dma2 semaphore(%run_scoped3A : memref<!tpu.dma_semaphore, #tpu.memory_space<semaphore_mem>>) src(%dma_wait3A_14 : memref<64x1024xf32, #tpu.memory_space<hbm>>) dst(%arg6 : memref<64x1024xf32, #tpu.memory_space<vmem>>)
      tpu.yield
    }) : () -> ()
    %dma_start3A = arith.constant 0 : i32
    %dma_start3A_3 = arith.constant 0 : i32
    %dma_start3A_4 = tpu.memref_slice %arg4[%dma_start3A, %dma_start3A_3] : memref<2048x1024xf32, #tpu.memory_space<hbm>> -> memref<2048x1024xf32, #tpu.memory_space<hbm>>
    tpu.enqueue_indirect_dma source(%arg6 : memref<64x1024xf32, #tpu.memory_space<vmem>>) target(%dma_start3A_4 : memref<2048x1024xf32, #tpu.memory_space<hbm>>) offsets(%arg5 : memref<64xi32, #tpu.memory_space<vmem>>) semaphore(%arg7 : memref<!tpu.dma_semaphore, #tpu.memory_space<semaphore_mem>>)
    %dma_wait3A = arith.constant 0 : i32
    %dma_wait3A_5 = arith.constant 0 : i32
    %dma_wait3A_6 = tpu.memref_slice %arg4[%dma_wait3A, %dma_wait3A_5] : memref<2048x1024xf32, #tpu.memory_space<hbm>> -> memref<2048x1024xf32, #tpu.memory_space<hbm>>
    tpu.wait_indirect_dma semaphore(%arg7 : memref<!tpu.dma_semaphore, #tpu.memory_space<semaphore_mem>>) src(%arg6 : memref<64x1024xf32, #tpu.memory_space<vmem>>) dst(%dma_wait3A_6 : memref<2048x1024xf32, #tpu.memory_space<hbm>>)
    return
  }
}

#map = affine_map<(d0, d1) -> (0, 0)>
#map1 = affine_map<(d0, d1) -> (0)>
module attributes {stable_mosaic.version = 14 : i64} {
  func.func @k(%arg0: i32, %arg1: i32, %arg2: memref<2048x1024xf32, #tpu.memory_space<hbm>>, %arg3: memref<2048xi32, #tpu.memory_space<hbm>>, %arg4: memref<2048x1024xf32, #tpu.memory_space<hbm>>, %arg5: memref<64xi32, #tpu.memory_space<vmem>>, %arg6: memref<64x1024xf32, #tpu.memory_space<vmem>>, %arg7: memref<!tpu.dma_semaphore, #tpu.memory_space<semaphore_mem>>) attributes {dimension_semantics = [#tpu.dimension_semantics<core_parallel>, #tpu.dimension_semantics<subcore_parallel>], iteration_bounds = array<i64: 2, 16>, scalar_prefetch = 0 : i64, scratch_operands = 3 : i64, tpu.core_type = #tpu.core_type<sc_vector_subcore>, window_params = [{transform_indices = #map}, {transform_indices = #map1}, {transform_indices = #map}]} {
    %mul3A = arith.constant 2 : i32
    %mul3A_0 = arith.muli %arg1, %mul3A : i32
    %add3A = arith.addi %mul3A_0, %arg0 : i32
    %mul3A_1 = arith.constant 64 : i32
    %mul3A_2 = arith.muli %add3A, %mul3A_1 : i32
    "tpu.region"() ({
      %run_scoped3A = tpu.sem_alloc : memref<!tpu.dma_semaphore, #tpu.memory_space<semaphore_mem>>
      %dma_start3A_7 = tpu.memref_slice %arg3[%mul3A_2] : memref<2048xi32, #tpu.memory_space<hbm>> -> memref<64xi32, #tpu.memory_space<hbm>>
      %dma_start3A_8 = tpu.memref_slice %arg3[%mul3A_2] : memref<2048xi32, #tpu.memory_space<hbm>> -> memref<64xi32, #tpu.memory_space<hbm>>
      tpu.enqueue_dma source(%dma_start3A_8 : memref<64xi32, #tpu.memory_space<hbm>>) target(%arg5 : memref<64xi32, #tpu.memory_space<vmem>>) target_semaphore(%run_scoped3A : memref<!tpu.dma_semaphore, #tpu.memory_space<semaphore_mem>>)
      %dma_wait3A_9 = tpu.memref_slice %arg3[%mul3A_2] : memref<2048xi32, #tpu.memory_space<hbm>> -> memref<64xi32, #tpu.memory_space<hbm>>
      %dma_wait3A_10 = tpu.memref_slice %arg3[%mul3A_2] : memref<2048xi32, #tpu.memory_space<hbm>> -> memref<64xi32, #tpu.memory_space<hbm>>
      tpu.wait_dma2 semaphore(%run_scoped3A : memref<!tpu.dma_semaphore, #tpu.memory_space<semaphore_mem>>) src(%dma_wait3A_10 : memref<64xi32, #tpu.memory_space<hbm>>) dst(%arg5 : memref<64xi32, #tpu.memory_space<vmem>>)
      tpu.yield
    }) : () -> ()
    %dma_start3A = arith.constant 0 : i32
    %dma_start3A_3 = arith.constant 0 : i32
    %dma_start3A_4 = tpu.memref_slice %arg2[%dma_start3A, %dma_start3A_3] : memref<2048x1024xf32, #tpu.memory_space<hbm>> -> memref<2048x1024xf32, #tpu.memory_space<hbm>>
    tpu.enqueue_indirect_dma source(%dma_start3A_4 : memref<2048x1024xf32, #tpu.memory_space<hbm>>) target(%arg6 : memref<64x1024xf32, #tpu.memory_space<vmem>>) offsets(%arg5 : memref<64xi32, #tpu.memory_space<vmem>>) semaphore(%arg7 : memref<!tpu.dma_semaphore, #tpu.memory_space<semaphore_mem>>)
    %dma_wait3A = arith.constant 0 : i32
    %dma_wait3A_5 = arith.constant 0 : i32
    %dma_wait3A_6 = tpu.memref_slice %arg2[%dma_wait3A, %dma_wait3A_5] : memref<2048x1024xf32, #tpu.memory_space<hbm>> -> memref<2048x1024xf32, #tpu.memory_space<hbm>>
    tpu.wait_indirect_dma semaphore(%arg7 : memref<!tpu.dma_semaphore, #tpu.memory_space<semaphore_mem>>) src(%dma_wait3A_6 : memref<2048x1024xf32, #tpu.memory_space<hbm>>) dst(%arg6 : memref<64x1024xf32, #tpu.memory_space<vmem>>)
    "tpu.region"() ({
      %run_scoped3A = tpu.sem_alloc : memref<!tpu.dma_semaphore, #tpu.memory_space<semaphore_mem>>
      %dma_start3A_7 = arith.constant 0 : i32
      %dma_start3A_8 = tpu.memref_slice %arg4[%mul3A_2, %dma_start3A_7] : memref<2048x1024xf32, #tpu.memory_space<hbm>> -> memref<64x1024xf32, #tpu.memory_space<hbm>>
      %dma_start3A_9 = arith.constant 0 : i32
      %dma_start3A_10 = tpu.memref_slice %arg4[%mul3A_2, %dma_start3A_9] : memref<2048x1024xf32, #tpu.memory_space<hbm>> -> memref<64x1024xf32, #tpu.memory_space<hbm>>
      tpu.enqueue_dma source(%arg6 : memref<64x1024xf32, #tpu.memory_space<vmem>>) target(%dma_start3A_10 : memref<64x1024xf32, #tpu.memory_space<hbm>>) target_semaphore(%run_scoped3A : memref<!tpu.dma_semaphore, #tpu.memory_space<semaphore_mem>>)
      %dma_wait3A_11 = arith.constant 0 : i32
      %dma_wait3A_12 = tpu.memref_slice %arg4[%mul3A_2, %dma_wait3A_11] : memref<2048x1024xf32, #tpu.memory_space<hbm>> -> memref<64x1024xf32, #tpu.memory_space<hbm>>
      %dma_wait3A_13 = arith.constant 0 : i32
      %dma_wait3A_14 = tpu.memref_slice %arg4[%mul3A_2, %dma_wait3A_13] : memref<2048x1024xf32, #tpu.memory_space<hbm>> -> memref<64x1024xf32, #tpu.memory_space<hbm>>
      tpu.wait_dma2 semaphore(%run_scoped3A : memref<!tpu.dma_semaphore, #tpu.memory_space<semaphore_mem>>) src(%arg6 : memref<64x1024xf32, #tpu.memory_space<vmem>>) dst(%dma_wait3A_14 : memref<64x1024xf32, #tpu.memory_space<hbm>>)
      tpu.yield
    }) : () -> ()
    return
  }
}

module attributes {stable_mosaic.version = 14 : i64} {
  func.func @_router_body(%arg0: memref<2048x1024xf32, #tpu.memory_space<vmem>>, %arg1: memref<8x1024xf32, #tpu.memory_space<vmem>>, %arg2: memref<2048x1xi32, #tpu.memory_space<vmem>>, %arg3: memref<2048x8xf32, #tpu.memory_space<vmem>>, %arg4: memref<2048x8xi32, #tpu.memory_space<vmem>>, %arg5: memref<1x8xi32, #tpu.memory_space<vmem>>, %arg6: memref<2048x8xi32, #tpu.memory_space<vmem>>, %arg7: memref<2048x8xi32, #tpu.memory_space<vmem>>, %arg8: memref<2048x1024xf32, #tpu.memory_space<vmem>>) attributes {dimension_semantics = [], scalar_prefetch = 0 : i64, scratch_operands = 0 : i64, tpu.core_type = #tpu.core_type<tc>} {
    %get3A = arith.constant 0 : index
    %get3A_0 = arith.constant 0 : index
    %get3A_1 = vector.load %arg0[%get3A, %get3A_0] : memref<2048x1024xf32, #tpu.memory_space<vmem>>, vector<2048x1024xf32>
    %swap3A = arith.constant 0 : index
    %swap3A_2 = arith.constant 0 : index
    %swap3A_3 = vector.load %arg8[%swap3A, %swap3A_2] : memref<2048x1024xf32, #tpu.memory_space<vmem>>, vector<2048x1024xf32>
    tpu.vector_store %arg8[%swap3A, %swap3A_2], %get3A_1 {strides = array<i32>} : memref<2048x1024xf32, #tpu.memory_space<vmem>>, vector<2048x1024xf32>,
    %get3A_4 = arith.constant 0 : index
    %get3A_5 = arith.constant 0 : index
    %get3A_6 = vector.load %arg1[%get3A_4, %get3A_5] : memref<8x1024xf32, #tpu.memory_space<vmem>>, vector<8x1024xf32>
    %dot_general3A = arith.constant dense<0.000000e+00> : vector<2048x8xf32>
    %dot_general3A_7 = tpu.matmul %get3A_1, %get3A_6, %dot_general3A {dimension_numbers = #tpu.dot_dimension_numbers<[1], [1], [0], [0], [0, 0, 1, 0], [], []>, transpose_lhs_hint = false} : vector<2048x1024xf32>, vector<8x1024xf32>, vector<2048x8xf32> -> vector<2048x8xf32>
    %reduce_max3A = arith.constant dense<0xFF800000> : vector<2048xf32>
    %reduce_max3A_8 = vector.multi_reduction <maximumf>, %dot_general3A_7, %reduce_max3A [1] : vector<2048x8xf32> to vector<2048xf32>
    %broadcast_in_dim3A = vector.shape_cast %reduce_max3A_8 : vector<2048xf32> to vector<2048x1xf32>
    %sub3A = vector.broadcast %broadcast_in_dim3A : vector<2048x1xf32> to vector<2048x8xf32>
    %sub3A_9 = arith.subf %dot_general3A_7, %sub3A : vector<2048x8xf32>
    %exp3A = math.exp %sub3A_9 : vector<2048x8xf32>
    %reduce_sum3A = arith.constant dense<0.000000e+00> : vector<2048xf32>
    %reduce_sum3A_10 = vector.multi_reduction <add>, %exp3A, %reduce_sum3A [1] : vector<2048x8xf32> to vector<2048xf32>
    %broadcast_in_dim3A_11 = vector.shape_cast %reduce_sum3A_10 : vector<2048xf32> to vector<2048x1xf32>
    %div3A = arith.constant 1.000000e+00 : f32
    %div3A_12 = vector.broadcast %div3A : f32 to vector<2048x1xf32>
    %div3A_13 = arith.divf %div3A_12, %broadcast_in_dim3A_11 : vector<2048x1xf32>
    %argmax3A = tpu.reduce_index %dot_general3A_7 {axis = 1 : i32, kind = #tpu.reduction_kind<arg_max>} : vector<2048x8xf32> -> vector<2048xi32>
    %iota3A = tpu.iota {dimensions = array<i32: 1>} : vector<2048x8xi32>
    %broadcast_in_dim3A_14 = vector.shape_cast %argmax3A : vector<2048xi32> to vector<2048x1xi32>
    %shift_right_arithmetic3A = vector.broadcast %broadcast_in_dim3A_14 : vector<2048x1xi32> to vector<2048x8xi32>
    %shift_right_arithmetic3A_15 = arith.shrsi %shift_right_arithmetic3A, %iota3A : vector<2048x8xi32>
    %and3A = arith.constant 1 : i32
    %and3A_16 = vector.broadcast %and3A : i32 to vector<2048x8xi32>
    %and3A_17 = arith.andi %shift_right_arithmetic3A_15, %and3A_16 : vector<2048x8xi32>
    %convert_element_type3A = arith.sitofp %and3A_17 : vector<2048x8xi32> to vector<2048x8xf32>
    %mul3A = vector.broadcast %div3A_13 : vector<2048x1xf32> to vector<2048x8xf32>
    %mul3A_18 = arith.mulf %convert_element_type3A, %mul3A : vector<2048x8xf32>
    %swap3A_19 = arith.constant 0 : index
    %swap3A_20 = arith.constant 0 : index
    %swap3A_21 = vector.load %arg3[%swap3A_19, %swap3A_20] : memref<2048x8xf32, #tpu.memory_space<vmem>>, vector<2048x8xf32>
    tpu.vector_store %arg3[%swap3A_19, %swap3A_20], %mul3A_18 {strides = array<i32>} : memref<2048x8xf32, #tpu.memory_space<vmem>>, vector<2048x8xf32>,
    %iota3A_22 = tpu.iota {dimensions = array<i32: 0>} : vector<2048x2048xi32>
    %iota3A_23 = tpu.iota {dimensions = array<i32: 1>} : vector<2048x2048xi32>
    %ge3A = arith.cmpi sge, %iota3A_22, %iota3A_23 : vector<2048x2048xi32>
    %convert_element_type3A_24 = arith.extui %ge3A : vector<2048x2048xi1> to vector<2048x2048xi32>
    %convert_element_type3A_25 = arith.sitofp %convert_element_type3A_24 : vector<2048x2048xi32> to vector<2048x2048xf32>
    %convert_element_type3A_26 = arith.truncf %convert_element_type3A_25 : vector<2048x2048xf32> to vector<2048x2048xbf16>
    %convert_element_type3A_27 = arith.truncf %convert_element_type3A : vector<2048x8xf32> to vector<2048x8xbf16>
    %dot_general3A_28 = arith.constant dense<0.000000e+00> : vector<2048x8xf32>
    %dot_general3A_29 = tpu.matmul %convert_element_type3A_26, %convert_element_type3A_27, %dot_general3A_28 {dimension_numbers = #tpu.dot_dimension_numbers<[1], [0], [0], [1], [0, 0, 1, 1], [], []>, transpose_lhs_hint = false} : vector<2048x2048xbf16>, vector<2048x8xbf16>, vector<2048x8xf32> -> vector<2048x8xf32>
    %slice3A = vector.extract_strided_slice %dot_general3A_29 {offsets = [2047, 0], sizes = [1, 8], strides = [1, 1]} : vector<2048x8xf32> to vector<1x8xf32>
    %iota3A_30 = tpu.iota {dimensions = array<i32: 0>} : vector<2048x1xi32>
    %convert_element_type3A_31 = arith.sitofp %iota3A_30 : vector<2048x1xi32> to vector<2048x1xf32>
    %gt3A = arith.constant 5.000000e-01 : f32
    %gt3A_32 = vector.broadcast %gt3A : f32 to vector<2048x8xf32>
    %gt3A_33 = arith.cmpf ogt, %convert_element_type3A, %gt3A_32 : vector<2048x8xf32>
    %sub3A_34 = arith.constant 1.000000e+00 : f32
    %sub3A_35 = vector.broadcast %sub3A_34 : f32 to vector<2048x8xf32>
    %sub3A_36 = arith.subf %dot_general3A_29, %sub3A_35 : vector<2048x8xf32>
    %add3A = vector.broadcast %slice3A : vector<1x8xf32> to vector<2048x8xf32>
    %add3A_37 = vector.broadcast %convert_element_type3A_31 : vector<2048x1xf32> to vector<2048x8xf32>
    %add3A_38 = arith.addf %add3A, %add3A_37 : vector<2048x8xf32>
    %sub3A_39 = arith.subf %add3A_38, %dot_general3A_29 : vector<2048x8xf32>
    %select_n3A = arith.select %gt3A_33, %sub3A_36, %sub3A_39 : vector<2048x8xi1>, vector<2048x8xf32>
    %convert_element_type3A_40 = arith.fptosi %select_n3A : vector<2048x8xf32> to vector<2048x8xi32>
    %swap3A_41 = arith.constant 0 : index
    %swap3A_42 = arith.constant 0 : index
    %swap3A_43 = vector.load %arg4[%swap3A_41, %swap3A_42] : memref<2048x8xi32, #tpu.memory_space<vmem>>, vector<2048x8xi32>
    tpu.vector_store %arg4[%swap3A_41, %swap3A_42], %convert_element_type3A_40 {strides = array<i32>} : memref<2048x8xi32, #tpu.memory_space<vmem>>, vector<2048x8xi32>,
    %convert_element_type3A_44 = arith.fptosi %slice3A : vector<1x8xf32> to vector<1x8xi32>
    %swap3A_45 = arith.constant 0 : index
    %swap3A_46 = arith.constant 0 : index
    %swap3A_47 = vector.load %arg5[%swap3A_45, %swap3A_46] : memref<1x8xi32, #tpu.memory_space<vmem>>, vector<1x8xi32>
    tpu.vector_store %arg5[%swap3A_45, %swap3A_46], %convert_element_type3A_44 {strides = array<i32>} : memref<1x8xi32, #tpu.memory_space<vmem>>, vector<1x8xi32>,
    %iota3A_48 = tpu.iota {dimensions = array<i32: 1>} : vector<1x2048xi32>
    %get3A_49 = arith.constant 0 : index
    %get3A_50 = arith.constant 0 : index
    %get3A_51 = vector.load %arg2[%get3A_49, %get3A_50] : memref<2048x1xi32, #tpu.memory_space<vmem>>, vector<2048x1xi32>
    %convert_element_type3A_52 = arith.sitofp %get3A_51 : vector<2048x1xi32> to vector<2048x1xf32>
    %concatenate3A = tpu.concatenate %convert_element_type3A_31, %convert_element_type3A_52 in 1 : vector<2048x1xf32>, vector<2048x1xf32> -> vector<2048x2xf32>
    %slice3A_53 = vector.extract_strided_slice %convert_element_type3A_40 {offsets = [0, 0], sizes = [2048, 1], strides = [1, 1]} : vector<2048x8xi32> to vector<2048x1xi32>
    %eq3A = vector.broadcast %slice3A_53 : vector<2048x1xi32> to vector<2048x2048xi32>
    %eq3A_54 = vector.broadcast %iota3A_48 : vector<1x2048xi32> to vector<2048x2048xi32>
    %eq3A_55 = arith.cmpi eq, %eq3A, %eq3A_54 : vector<2048x2048xi32>
    %convert_element_type3A_56 = arith.extui %eq3A_55 : vector<2048x2048xi1> to vector<2048x2048xi32>
    %convert_element_type3A_57 = arith.sitofp %convert_element_type3A_56 : vector<2048x2048xi32> to vector<2048x2048xf32>
    %dot_general3A_58 = arith.constant dense<0.000000e+00> : vector<2048x2xf32>
    %dot_general3A_59 = tpu.matmul %convert_element_type3A_57, %concatenate3A, %dot_general3A_58 {dimension_numbers = #tpu.dot_dimension_numbers<[0], [0], [1], [1], [0, 1, 1, 1], [], []>, transpose_lhs_hint = false} : vector<2048x2048xf32>, vector<2048x2xf32>, vector<2048x2xf32> -> vector<2048x2xf32>
    %slice3A_60 = vector.extract_strided_slice %dot_general3A_59 {offsets = [0, 0], sizes = [2048, 1], strides = [1, 1]} : vector<2048x2xf32> to vector<2048x1xf32>
    %slice3A_61 = vector.extract_strided_slice %dot_general3A_59 {offsets = [0, 1], sizes = [2048, 1], strides = [1, 1]} : vector<2048x2xf32> to vector<2048x1xf32>
    %slice3A_62 = vector.extract_strided_slice %convert_element_type3A_40 {offsets = [0, 1], sizes = [2048, 1], strides = [1, 1]} : vector<2048x8xi32> to vector<2048x1xi32>
    %eq3A_63 = vector.broadcast %slice3A_62 : vector<2048x1xi32> to vector<2048x2048xi32>
    %eq3A_64 = vector.broadcast %iota3A_48 : vector<1x2048xi32> to vector<2048x2048xi32>
    %eq3A_65 = arith.cmpi eq, %eq3A_63, %eq3A_64 : vector<2048x2048xi32>
    %convert_element_type3A_66 = arith.extui %eq3A_65 : vector<2048x2048xi1> to vector<2048x2048xi32>
    %convert_element_type3A_67 = arith.sitofp %convert_element_type3A_66 : vector<2048x2048xi32> to vector<2048x2048xf32>
    %dot_general3A_68 = arith.constant dense<0.000000e+00> : vector<2048x2xf32>
    %dot_general3A_69 = tpu.matmul %convert_element_type3A_67, %concatenate3A, %dot_general3A_68 {dimension_numbers = #tpu.dot_dimension_numbers<[0], [0], [1], [1], [0, 1, 1, 1], [], []>, transpose_lhs_hint = false} : vector<2048x2048xf32>, vector<2048x2xf32>, vector<2048x2xf32> -> vector<2048x2xf32>
    %slice3A_70 = vector.extract_strided_slice %dot_general3A_69 {offsets = [0, 0], sizes = [2048, 1], strides = [1, 1]} : vector<2048x2xf32> to vector<2048x1xf32>
    %slice3A_71 = vector.extract_strided_slice %dot_general3A_69 {offsets = [0, 1], sizes = [2048, 1], strides = [1, 1]} : vector<2048x2xf32> to vector<2048x1xf32>
    %slice3A_72 = vector.extract_strided_slice %convert_element_type3A_40 {offsets = [0, 2], sizes = [2048, 1], strides = [1, 1]} : vector<2048x8xi32> to vector<2048x1xi32>
    %eq3A_73 = vector.broadcast %slice3A_72 : vector<2048x1xi32> to vector<2048x2048xi32>
    %eq3A_74 = vector.broadcast %iota3A_48 : vector<1x2048xi32> to vector<2048x2048xi32>
    %eq3A_75 = arith.cmpi eq, %eq3A_73, %eq3A_74 : vector<2048x2048xi32>
    %convert_element_type3A_76 = arith.extui %eq3A_75 : vector<2048x2048xi1> to vector<2048x2048xi32>
    %convert_element_type3A_77 = arith.sitofp %convert_element_type3A_76 : vector<2048x2048xi32> to vector<2048x2048xf32>
    %dot_general3A_78 = arith.constant dense<0.000000e+00> : vector<2048x2xf32>
    %dot_general3A_79 = tpu.matmul %convert_element_type3A_77, %concatenate3A, %dot_general3A_78 {dimension_numbers = #tpu.dot_dimension_numbers<[0], [0], [1], [1], [0, 1, 1, 1], [], []>, transpose_lhs_hint = false} : vector<2048x2048xf32>, vector<2048x2xf32>, vector<2048x2xf32> -> vector<2048x2xf32>
    %slice3A_80 = vector.extract_strided_slice %dot_general3A_79 {offsets = [0, 0], sizes = [2048, 1], strides = [1, 1]} : vector<2048x2xf32> to vector<2048x1xf32>
    %slice3A_81 = vector.extract_strided_slice %dot_general3A_79 {offsets = [0, 1], sizes = [2048, 1], strides = [1, 1]} : vector<2048x2xf32> to vector<2048x1xf32>
    %broadcast_in_dim3A_82 = arith.constant 0.000000e+00 : f32
    %broadcast_in_dim3A_83 = vector.broadcast %broadcast_in_dim3A_82 : f32 to vector<2048x5xf32>
    %concatenate3A_84 = tpu.concatenate %slice3A_60, %slice3A_70, %slice3A_80, %broadcast_in_dim3A_83 in 1 : vector<2048x1xf32>, vector<2048x1xf32>, vector<2048x1xf32>, vector<2048x5xf32> -> vector<2048x8xf32>
    %convert_element_type3A_85 = arith.fptosi %concatenate3A_84 : vector<2048x8xf32> to vector<2048x8xi32>
    %swap3A_86 = arith.constant 0 : index
    %swap3A_87 = arith.constant 0 : index
    %swap3A_88 = vector.load %arg6[%swap3A_86, %swap3A_87] : memref<2048x8xi32, #tpu.memory_space<vmem>>, vector<2048x8xi32>
    tpu.vector_store %arg6[%swap3A_86, %swap3A_87], %convert_element_type3A_85 {strides = array<i32>} : memref<2048x8xi32, #tpu.memory_space<vmem>>, vector<2048x8xi32>,
    %concatenate3A_89 = tpu.concatenate %slice3A_61, %slice3A_71, %slice3A_81, %broadcast_in_dim3A_83 in 1 : vector<2048x1xf32>, vector<2048x1xf32>, vector<2048x1xf32>, vector<2048x5xf32> -> vector<2048x8xf32>
    %convert_element_type3A_90 = arith.fptosi %concatenate3A_89 : vector<2048x8xf32> to vector<2048x8xi32>
    %swap3A_91 = arith.constant 0 : index
    %swap3A_92 = arith.constant 0 : index
    %swap3A_93 = vector.load %arg7[%swap3A_91, %swap3A_92] : memref<2048x8xi32, #tpu.memory_space<vmem>>, vector<2048x8xi32>
    tpu.vector_store %arg7[%swap3A_91, %swap3A_92], %convert_element_type3A_90 {strides = array<i32>} : memref<2048x8xi32, #tpu.memory_space<vmem>>, vector<2048x8xi32>,
    return
  }
}

module attributes {stable_mosaic.version = 14 : i64} {
  func.func @_qkv_body(%arg0: i32, %arg1: memref<8xi32, #tpu.memory_space<smem>>, %arg2: memref<256x1024xf32, #tpu.memory_space<vmem>>, %arg3: memref<1x1024xf32, #tpu.memory_space<vmem>>, %arg4: memref<1x1024xf32, #tpu.memory_space<vmem>>, %arg5: memref<256x1xi32, #tpu.memory_space<vmem>>, %arg6: memref<1024x1024xbf16, #tpu.memory_space<vmem>>, %arg7: memref<1024x1024xbf16, #tpu.memory_space<vmem>>, %arg8: memref<1024x1024xbf16, #tpu.memory_space<vmem>>, %arg9: memref<256x1024xbf16, #tpu.memory_space<vmem>>, %arg10: memref<256x1024xbf16, #tpu.memory_space<vmem>>, %arg11: memref<256x1024xbf16, #tpu.memory_space<vmem>>) attributes {dimension_semantics = [#tpu.dimension_semantics<arbitrary>], iteration_bounds = array<i64: 8>, scalar_prefetch = 1 : i64, scratch_operands = 0 : i64, tpu.core_type = #tpu.core_type<tc>, window_params = [{transform_indices = @transform_0, window_bounds = array<i64: 256, 1024>}, {pipeline_mode = #tpu.pipeline_mode<synchronous>, transform_indices = @transform_1, window_bounds = array<i64: 1, 1024>}, {pipeline_mode = #tpu.pipeline_mode<synchronous>, transform_indices = @transform_2, window_bounds = array<i64: 1, 1024>}, {transform_indices = @transform_3, window_bounds = array<i64: 256, 1>}, {pipeline_mode = #tpu.pipeline_mode<synchronous>, transform_indices = @transform_4, window_bounds = array<i64: 1024, 1024>}, {pipeline_mode = #tpu.pipeline_mode<synchronous>, transform_indices = @transform_5, window_bounds = array<i64: 1024, 1024>}, {pipeline_mode = #tpu.pipeline_mode<synchronous>, transform_indices = @transform_6, window_bounds = array<i64: 1024, 1024>}, {transform_indices = @transform_7, window_bounds = array<i64: 256, 1024>}, {transform_indices = @transform_8, window_bounds = array<i64: 256, 1024>}, {transform_indices = @transform_9, window_bounds = array<i64: 256, 1024>}]} {
    %get3A = arith.constant 0 : index
    %get3A_0 = memref.load %arg1[%get3A] : memref<8xi32, #tpu.memory_space<smem>>
    %mul3A = arith.constant 256 : i32
    %mul3A_1 = arith.muli %arg0, %mul3A : i32
    %lt3A = arith.cmpi slt, %mul3A_1, %get3A_0 : i32
    %convert_element_type3A = arith.extui %lt3A : i1 to i32
    %cond3A = arith.constant 0 : i32
    %cond3A_2 = arith.cmpi ne, %convert_element_type3A, %cond3A : i32
    scf.if %cond3A_2 {
      %get3A_8 = arith.constant 0 : index
      %get3A_9 = arith.constant 0 : index
      %get3A_10 = vector.load %arg2[%get3A_8, %get3A_9] : memref<256x1024xf32, #tpu.memory_space<vmem>>, vector<256x1024xf32>
      %get3A_11 = arith.constant 0 : index
      %get3A_12 = arith.constant 0 : index
      %get3A_13 = vector.load %arg3[%get3A_11, %get3A_12] : memref<1x1024xf32, #tpu.memory_space<vmem>>, vector<1x1024xf32>
      %add3A = vector.broadcast %get3A_13 : vector<1x1024xf32> to vector<256x1024xf32>
      %add3A_14 = arith.addf %get3A_10, %add3A : vector<256x1024xf32>
      %mul3A_15 = arith.mulf %add3A_14, %add3A_14 : vector<256x1024xf32>
      %reduce_sum3A = arith.constant dense<0.000000e+00> : vector<256xf32>
      %reduce_sum3A_16 = vector.multi_reduction <add>, %mul3A_15, %reduce_sum3A [1] : vector<256x1024xf32> to vector<256xf32>
      %broadcast_in_dim3A = vector.shape_cast %reduce_sum3A_16 : vector<256xf32> to vector<256x1xf32>
      %div3A = arith.constant 1.024000e+03 : f32
      %div3A_17 = vector.broadcast %div3A : f32 to vector<256x1xf32>
      %div3A_18 = arith.divf %broadcast_in_dim3A, %div3A_17 : vector<256x1xf32>
      %add3A_19 = arith.constant 9.99999997E-7 : f32
      %add3A_20 = vector.broadcast %add3A_19 : f32 to vector<256x1xf32>
      %add3A_21 = arith.addf %div3A_18, %add3A_20 : vector<256x1xf32>
      %rsqrt3A = math.rsqrt %add3A_21 : vector<256x1xf32>
      %mul3A_22 = vector.broadcast %rsqrt3A : vector<256x1xf32> to vector<256x1024xf32>
      %mul3A_23 = arith.mulf %add3A_14, %mul3A_22 : vector<256x1024xf32>
      %get3A_24 = arith.constant 0 : index
      %get3A_25 = arith.constant 0 : index
      %get3A_26 = vector.load %arg4[%get3A_24, %get3A_25] : memref<1x1024xf32, #tpu.memory_space<vmem>>, vector<1x1024xf32>
      %mul3A_27 = vector.broadcast %get3A_26 : vector<1x1024xf32> to vector<256x1024xf32>
      %mul3A_28 = arith.mulf %mul3A_23, %mul3A_27 : vector<256x1024xf32>
      %convert_element_type3A_29 = arith.truncf %mul3A_28 : vector<256x1024xf32> to vector<256x1024xbf16>
      %get3A_30 = arith.constant 0 : index
      %get3A_31 = arith.constant 0 : index
      %get3A_32 = vector.load %arg6[%get3A_30, %get3A_31] : memref<1024x1024xbf16, #tpu.memory_space<vmem>>, vector<1024x1024xbf16>
      %dot_general3A = arith.constant dense<0.000000e+00> : vector<256x1024xf32>
      %dot_general3A_33 = tpu.matmul %convert_element_type3A_29, %get3A_32, %dot_general3A {dimension_numbers = #tpu.dot_dimension_numbers<[1], [0], [0], [1], [0, 0, 1, 1], [], []>, transpose_lhs_hint = false} : vector<256x1024xbf16>, vector<1024x1024xbf16>, vector<256x1024xf32> -> vector<256x1024xf32>
      %get3A_34 = arith.constant 0 : index
      %get3A_35 = arith.constant 0 : index
      %get3A_36 = vector.load %arg7[%get3A_34, %get3A_35] : memref<1024x1024xbf16, #tpu.memory_space<vmem>>, vector<1024x1024xbf16>
      %dot_general3A_37 = arith.constant dense<0.000000e+00> : vector<256x1024xf32>
      %dot_general3A_38 = tpu.matmul %convert_element_type3A_29, %get3A_36, %dot_general3A_37 {dimension_numbers = #tpu.dot_dimension_numbers<[1], [0], [0], [1], [0, 0, 1, 1], [], []>, transpose_lhs_hint = false} : vector<256x1024xbf16>, vector<1024x1024xbf16>, vector<256x1024xf32> -> vector<256x1024xf32>
      %get3A_39 = arith.constant 0 : index
      %get3A_40 = arith.constant 0 : index
      %get3A_41 = vector.load %arg8[%get3A_39, %get3A_40] : memref<1024x1024xbf16, #tpu.memory_space<vmem>>, vector<1024x1024xbf16>
      %dot_general3A_42 = arith.constant dense<0.000000e+00> : vector<256x1024xf32>
      %dot_general3A_43 = tpu.matmul %convert_element_type3A_29, %get3A_41, %dot_general3A_42 {dimension_numbers = #tpu.dot_dimension_numbers<[1], [0], [0], [1], [0, 0, 1, 1], [], []>, transpose_lhs_hint = false} : vector<256x1024xbf16>, vector<1024x1024xbf16>, vector<256x1024xf32> -> vector<256x1024xf32>
      %get3A_44 = arith.constant 0 : index
      %get3A_45 = arith.constant 0 : index
      %get3A_46 = vector.load %arg5[%get3A_44, %get3A_45] : memref<256x1xi32, #tpu.memory_space<vmem>>, vector<256x1xi32>
      %convert_element_type3A_47 = arith.sitofp %get3A_46 : vector<256x1xi32> to vector<256x1xf32>
      %iota3A = tpu.iota {dimensions = array<i32: 1>} : vector<1x1024xi32>
      %jit3A = arith.constant 64 : i32
      %eq3A = arith.constant 0 : i32
      %eq3A_48 = arith.cmpi eq, %jit3A, %eq3A : i32
      %jit3A_49 = arith.constant 1 : i32
      %select_n3A = arith.select %eq3A_48, %jit3A_49, %jit3A : i32
      %rem3A = vector.broadcast %select_n3A : i32 to vector<1x1024xi32>
      %rem3A_50 = arith.remsi %iota3A, %rem3A : vector<1x1024xi32>
      %ne3A = arith.constant 0 : i32
      %ne3A_51 = vector.broadcast %ne3A : i32 to vector<1x1024xi32>
      %ne3A_52 = arith.cmpi ne, %rem3A_50, %ne3A_51 : vector<1x1024xi32>
      %lt3A_53 = arith.constant 0 : i32
      %lt3A_54 = vector.broadcast %lt3A_53 : i32 to vector<1x1024xi32>
      %lt3A_55 = arith.cmpi slt, %rem3A_50, %lt3A_54 : vector<1x1024xi32>
      %lt3A_56 = arith.constant 0 : i32
      %lt3A_57 = arith.cmpi slt, %select_n3A, %lt3A_56 : i32
      %ne3A_58 = vector.broadcast %lt3A_57 : i1 to vector<1x1024xi1>
      %ne3A_59 = vector.broadcast %ne3A_58 : vector<1x1024xi1> to vector<1x1024xi1>
      %ne3A_60 = arith.xori %lt3A_55, %ne3A_59 : vector<1x1024xi1>
      %and3A = arith.andi %ne3A_60, %ne3A_52 : vector<1x1024xi1>
      %add3A_61 = vector.broadcast %select_n3A : i32 to vector<1x1024xi32>
      %add3A_62 = arith.addi %rem3A_50, %add3A_61 : vector<1x1024xi32>
      %select_n3A_63 = arith.select %and3A, %add3A_62, %rem3A_50 : vector<1x1024xi1>, vector<1x1024xi32>
      %jit3A_64 = arith.constant 32 : i32
      %eq3A_65 = arith.constant 0 : i32
      %eq3A_66 = arith.cmpi eq, %jit3A_64, %eq3A_65 : i32
      %jit3A_67 = arith.constant 1 : i32
      %select_n3A_68 = arith.select %eq3A_66, %jit3A_67, %jit3A_64 : i32
      %rem3A_69 = vector.broadcast %select_n3A_68 : i32 to vector<1x1024xi32>
      %rem3A_70 = arith.remsi %select_n3A_63, %rem3A_69 : vector<1x1024xi32>
      %ne3A_71 = arith.constant 0 : i32
      %ne3A_72 = vector.broadcast %ne3A_71 : i32 to vector<1x1024xi32>
      %ne3A_73 = arith.cmpi ne, %rem3A_70, %ne3A_72 : vector<1x1024xi32>
      %lt3A_74 = arith.constant 0 : i32
      %lt3A_75 = vector.broadcast %lt3A_74 : i32 to vector<1x1024xi32>
      %lt3A_76 = arith.cmpi slt, %rem3A_70, %lt3A_75 : vector<1x1024xi32>
      %lt3A_77 = arith.constant 0 : i32
      %lt3A_78 = arith.cmpi slt, %select_n3A_68, %lt3A_77 : i32
      %ne3A_79 = vector.broadcast %lt3A_78 : i1 to vector<1x1024xi1>
      %ne3A_80 = vector.broadcast %ne3A_79 : vector<1x1024xi1> to vector<1x1024xi1>
      %ne3A_81 = arith.xori %lt3A_76, %ne3A_80 : vector<1x1024xi1>
      %and3A_82 = arith.andi %ne3A_81, %ne3A_73 : vector<1x1024xi1>
      %add3A_83 = vector.broadcast %select_n3A_68 : i32 to vector<1x1024xi32>
      %add3A_84 = arith.addi %rem3A_70, %add3A_83 : vector<1x1024xi32>
      %select_n3A_85 = arith.select %and3A_82, %add3A_84, %rem3A_70 : vector<1x1024xi1>, vector<1x1024xi32>
      %convert_element_type3A_86 = arith.sitofp %select_n3A_85 : vector<1x1024xi32> to vector<1x1024xf32>
      %mul3A_87 = arith.constant -0.287823141 : f32
      %mul3A_88 = vector.broadcast %mul3A_87 : f32 to vector<1x1024xf32>
      %mul3A_89 = arith.mulf %convert_element_type3A_86, %mul3A_88 : vector<1x1024xf32>
      %exp3A = math.exp %mul3A_89 : vector<1x1024xf32>
      %mul3A_90 = vector.broadcast %convert_element_type3A_47 : vector<256x1xf32> to vector<256x1024xf32>
      %mul3A_91 = vector.broadcast %exp3A : vector<1x1024xf32> to vector<256x1024xf32>
      %mul3A_92 = arith.mulf %mul3A_90, %mul3A_91 : vector<256x1024xf32>
      %cos3A = math.cos %mul3A_92 : vector<256x1024xf32>
      %sin3A = math.sin %mul3A_92 : vector<256x1024xf32>
      %lt3A_93 = arith.constant 32 : i32
      %lt3A_94 = vector.broadcast %lt3A_93 : i32 to vector<1x1024xi32>
      %lt3A_95 = arith.cmpi slt, %select_n3A_63, %lt3A_94 : vector<1x1024xi32>
      %slice3A = vector.extract_strided_slice %dot_general3A_33 {offsets = [0, 32], sizes = [256, 992], strides = [1, 1]} : vector<256x1024xf32> to vector<256x992xf32>
      %slice3A_96 = vector.extract_strided_slice %dot_general3A_33 {offsets = [0, 0], sizes = [256, 32], strides = [1, 1]} : vector<256x1024xf32> to vector<256x32xf32>
      %concatenate3A = tpu.concatenate %slice3A, %slice3A_96 in 1 : vector<256x992xf32>, vector<256x32xf32> -> vector<256x1024xf32>
      %slice3A_97 = vector.extract_strided_slice %dot_general3A_33 {offsets = [0, 992], sizes = [256, 32], strides = [1, 1]} : vector<256x1024xf32> to vector<256x32xf32>
      %slice3A_98 = vector.extract_strided_slice %dot_general3A_33 {offsets = [0, 0], sizes = [256, 992], strides = [1, 1]} : vector<256x1024xf32> to vector<256x992xf32>
      %concatenate3A_99 = tpu.concatenate %slice3A_97, %slice3A_98 in 1 : vector<256x32xf32>, vector<256x992xf32> -> vector<256x1024xf32>
      %neg3A = arith.constant 0.000000e+00 : f32
      %neg3A_100 = vector.broadcast %neg3A : f32 to vector<256x1024xf32>
      %neg3A_101 = arith.subf %neg3A_100, %concatenate3A : vector<256x1024xf32>
      %broadcast_in_dim3A_102 = vector.shape_cast %lt3A_95 : vector<1x1024xi1> to vector<1x1024xi1>
      %broadcast_in_dim3A_103 = vector.broadcast %broadcast_in_dim3A_102 : vector<1x1024xi1> to vector<256x1024xi1>
      %select_n3A_104 = arith.select %broadcast_in_dim3A_103, %neg3A_101, %concatenate3A_99 : vector<256x1024xi1>, vector<256x1024xf32>
      %mul3A_105 = arith.mulf %dot_general3A_33, %cos3A : vector<256x1024xf32>
      %mul3A_106 = arith.mulf %select_n3A_104, %sin3A : vector<256x1024xf32>
      %add3A_107 = arith.addf %mul3A_105, %mul3A_106 : vector<256x1024xf32>
      %mul3A_108 = arith.constant 1.250000e-01 : f32
      %mul3A_109 = vector.broadcast %mul3A_108 : f32 to vector<256x1024xf32>
      %mul3A_110 = arith.mulf %add3A_107, %mul3A_109 : vector<256x1024xf32>
      %convert_element_type3A_111 = arith.truncf %mul3A_110 : vector<256x1024xf32> to vector<256x1024xbf16>
      %swap3A = arith.constant 0 : index
      %swap3A_112 = arith.constant 0 : index
      %swap3A_113 = vector.load %arg9[%swap3A, %swap3A_112] : memref<256x1024xbf16, #tpu.memory_space<vmem>>, vector<256x1024xbf16>
      tpu.vector_store %arg9[%swap3A, %swap3A_112], %convert_element_type3A_111 {strides = array<i32>} : memref<256x1024xbf16, #tpu.memory_space<vmem>>, vector<256x1024xbf16>,
      %slice3A_114 = vector.extract_strided_slice %dot_general3A_38 {offsets = [0, 32], sizes = [256, 992], strides = [1, 1]} : vector<256x1024xf32> to vector<256x992xf32>
      %slice3A_115 = vector.extract_strided_slice %dot_general3A_38 {offsets = [0, 0], sizes = [256, 32], strides = [1, 1]} : vector<256x1024xf32> to vector<256x32xf32>
      %concatenate3A_116 = tpu.concatenate %slice3A_114, %slice3A_115 in 1 : vector<256x992xf32>, vector<256x32xf32> -> vector<256x1024xf32>
      %slice3A_117 = vector.extract_strided_slice %dot_general3A_38 {offsets = [0, 992], sizes = [256, 32], strides = [1, 1]} : vector<256x1024xf32> to vector<256x32xf32>
      %slice3A_118 = vector.extract_strided_slice %dot_general3A_38 {offsets = [0, 0], sizes = [256, 992], strides = [1, 1]} : vector<256x1024xf32> to vector<256x992xf32>
      %concatenate3A_119 = tpu.concatenate %slice3A_117, %slice3A_118 in 1 : vector<256x32xf32>, vector<256x992xf32> -> vector<256x1024xf32>
      %neg3A_120 = arith.constant 0.000000e+00 : f32
      %neg3A_121 = vector.broadcast %neg3A_120 : f32 to vector<256x1024xf32>
      %neg3A_122 = arith.subf %neg3A_121, %concatenate3A_116 : vector<256x1024xf32>
      %broadcast_in_dim3A_123 = vector.shape_cast %lt3A_95 : vector<1x1024xi1> to vector<1x1024xi1>
      %broadcast_in_dim3A_124 = vector.broadcast %broadcast_in_dim3A_123 : vector<1x1024xi1> to vector<256x1024xi1>
      %select_n3A_125 = arith.select %broadcast_in_dim3A_124, %neg3A_122, %concatenate3A_119 : vector<256x1024xi1>, vector<256x1024xf32>
      %mul3A_126 = arith.mulf %dot_general3A_38, %cos3A : vector<256x1024xf32>
      %mul3A_127 = arith.mulf %select_n3A_125, %sin3A : vector<256x1024xf32>
      %add3A_128 = arith.addf %mul3A_126, %mul3A_127 : vector<256x1024xf32>
      %convert_element_type3A_129 = arith.truncf %add3A_128 : vector<256x1024xf32> to vector<256x1024xbf16>
      %swap3A_130 = arith.constant 0 : index
      %swap3A_131 = arith.constant 0 : index
      %swap3A_132 = vector.load %arg10[%swap3A_130, %swap3A_131] : memref<256x1024xbf16, #tpu.memory_space<vmem>>, vector<256x1024xbf16>
      tpu.vector_store %arg10[%swap3A_130, %swap3A_131], %convert_element_type3A_129 {strides = array<i32>} : memref<256x1024xbf16, #tpu.memory_space<vmem>>, vector<256x1024xbf16>,
      %convert_element_type3A_133 = arith.truncf %dot_general3A_43 : vector<256x1024xf32> to vector<256x1024xbf16>
      %swap3A_134 = arith.constant 0 : index
      %swap3A_135 = arith.constant 0 : index
      %swap3A_136 = vector.load %arg11[%swap3A_134, %swap3A_135] : memref<256x1024xbf16, #tpu.memory_space<vmem>>, vector<256x1024xbf16>
      tpu.vector_store %arg11[%swap3A_134, %swap3A_135], %convert_element_type3A_133 {strides = array<i32>} : memref<256x1024xbf16, #tpu.memory_space<vmem>>, vector<256x1024xbf16>,
    } else {
    }
    %mul3A_3 = arith.constant 256 : i32
    %mul3A_4 = arith.muli %arg0, %mul3A_3 : i32
    %ge3A = arith.cmpi sge, %mul3A_4, %get3A_0 : i32
    %convert_element_type3A_5 = arith.extui %ge3A : i1 to i32
    %cond3A_6 = arith.constant 0 : i32
    %cond3A_7 = arith.cmpi ne, %convert_element_type3A_5, %cond3A_6 : i32
    scf.if %cond3A_7 {
      %broadcast_in_dim3A = arith.constant 0.000000e+00 : bf16
      %broadcast_in_dim3A_8 = vector.broadcast %broadcast_in_dim3A : bf16 to vector<256x1024xbf16>
      %swap3A = arith.constant 0 : index
      %swap3A_9 = arith.constant 0 : index
      %swap3A_10 = vector.load %arg9[%swap3A, %swap3A_9] : memref<256x1024xbf16, #tpu.memory_space<vmem>>, vector<256x1024xbf16>
      tpu.vector_store %arg9[%swap3A, %swap3A_9], %broadcast_in_dim3A_8 {strides = array<i32>} : memref<256x1024xbf16, #tpu.memory_space<vmem>>, vector<256x1024xbf16>,
      %broadcast_in_dim3A_11 = arith.constant 0.000000e+00 : bf16
      %broadcast_in_dim3A_12 = vector.broadcast %broadcast_in_dim3A_11 : bf16 to vector<256x1024xbf16>
      %swap3A_13 = arith.constant 0 : index
      %swap3A_14 = arith.constant 0 : index
      %swap3A_15 = vector.load %arg10[%swap3A_13, %swap3A_14] : memref<256x1024xbf16, #tpu.memory_space<vmem>>, vector<256x1024xbf16>
      tpu.vector_store %arg10[%swap3A_13, %swap3A_14], %broadcast_in_dim3A_12 {strides = array<i32>} : memref<256x1024xbf16, #tpu.memory_space<vmem>>, vector<256x1024xbf16>,
      %broadcast_in_dim3A_16 = arith.constant 0.000000e+00 : bf16
      %broadcast_in_dim3A_17 = vector.broadcast %broadcast_in_dim3A_16 : bf16 to vector<256x1024xbf16>
      %swap3A_18 = arith.constant 0 : index
      %swap3A_19 = arith.constant 0 : index
      %swap3A_20 = vector.load %arg11[%swap3A_18, %swap3A_19] : memref<256x1024xbf16, #tpu.memory_space<vmem>>, vector<256x1024xbf16>
      tpu.vector_store %arg11[%swap3A_18, %swap3A_19], %broadcast_in_dim3A_17 {strides = array<i32>} : memref<256x1024xbf16, #tpu.memory_space<vmem>>, vector<256x1024xbf16>,
    } else {
    }
    return
  }
  func.func @transform_0(%arg0: i32, %arg1: memref<8xi32, #tpu.memory_space<smem>>) -> (i32, i32) {
    %c0_i32 = arith.constant 0 : i32
    %c0_i32_0 = arith.constant 0 : i32
    return %arg0, %c0_i32 : i32, i32
  }
  func.func @transform_1(%arg0: i32, %arg1: memref<8xi32, #tpu.memory_space<smem>>) -> (i32, i32) {
    %c0_i32 = arith.constant 0 : i32
    %c0_i32_0 = arith.constant 0 : i32
    %c0_i32_1 = arith.constant 0 : i32
    return %c0_i32, %c0_i32_0 : i32, i32
  }
  func.func @transform_2(%arg0: i32, %arg1: memref<8xi32, #tpu.memory_space<smem>>) -> (i32, i32) {
    %c0_i32 = arith.constant 0 : i32
    %c0_i32_0 = arith.constant 0 : i32
    %c0_i32_1 = arith.constant 0 : i32
    return %c0_i32, %c0_i32_0 : i32, i32
  }
  func.func @transform_3(%arg0: i32, %arg1: memref<8xi32, #tpu.memory_space<smem>>) -> (i32, i32) {
    %c0_i32 = arith.constant 0 : i32
    %c0_i32_0 = arith.constant 0 : i32
    return %arg0, %c0_i32 : i32, i32
  }
  func.func @transform_4(%arg0: i32, %arg1: memref<8xi32, #tpu.memory_space<smem>>) -> (i32, i32) {
    %c0_i32 = arith.constant 0 : i32
    %c0_i32_0 = arith.constant 0 : i32
    %c0_i32_1 = arith.constant 0 : i32
    return %c0_i32, %c0_i32_0 : i32, i32
  }
  func.func @transform_5(%arg0: i32, %arg1: memref<8xi32, #tpu.memory_space<smem>>) -> (i32, i32) {
    %c0_i32 = arith.constant 0 : i32
    %c0_i32_0 = arith.constant 0 : i32
    %c0_i32_1 = arith.constant 0 : i32
    return %c0_i32, %c0_i32_0 : i32, i32
  }
  func.func @transform_6(%arg0: i32, %arg1: memref<8xi32, #tpu.memory_space<smem>>) -> (i32, i32) {
    %c0_i32 = arith.constant 0 : i32
    %c0_i32_0 = arith.constant 0 : i32
    %c0_i32_1 = arith.constant 0 : i32
    return %c0_i32, %c0_i32_0 : i32, i32
  }
  func.func @transform_7(%arg0: i32, %arg1: memref<8xi32, #tpu.memory_space<smem>>) -> (i32, i32) {
    %c0_i32 = arith.constant 0 : i32
    %c0_i32_0 = arith.constant 0 : i32
    return %arg0, %c0_i32 : i32, i32
  }
  func.func @transform_8(%arg0: i32, %arg1: memref<8xi32, #tpu.memory_space<smem>>) -> (i32, i32) {
    %c0_i32 = arith.constant 0 : i32
    %c0_i32_0 = arith.constant 0 : i32
    return %arg0, %c0_i32 : i32, i32
  }
  func.func @transform_9(%arg0: i32, %arg1: memref<8xi32, #tpu.memory_space<smem>>) -> (i32, i32) {
    %c0_i32 = arith.constant 0 : i32
    %c0_i32_0 = arith.constant 0 : i32
    return %arg0, %c0_i32 : i32, i32
  }
}

module attributes {stable_mosaic.version = 14 : i64} {
  func.func @_attn_body(%arg0: i32, %arg1: i32, %arg2: memref<8xi32, #tpu.memory_space<smem>>, %arg3: memref<256x128xbf16, #tpu.memory_space<vmem>>, %arg4: memref<2048x128xbf16, #tpu.memory_space<vmem>>, %arg5: memref<2048x128xbf16, #tpu.memory_space<vmem>>, %arg6: memref<256x128xbf16, #tpu.memory_space<vmem>>) attributes {dimension_semantics = [#tpu.dimension_semantics<arbitrary>, #tpu.dimension_semantics<arbitrary>], iteration_bounds = array<i64: 8, 8>, scalar_prefetch = 1 : i64, scratch_operands = 0 : i64, tpu.core_type = #tpu.core_type<tc>, window_params = [{transform_indices = @transform_0, window_bounds = array<i64: 256, 128>}, {transform_indices = @transform_1, window_bounds = array<i64: 2048, 128>}, {transform_indices = @transform_2, window_bounds = array<i64: 2048, 128>}, {transform_indices = @transform_3, window_bounds = array<i64: 256, 128>}]} {
    %get3A = arith.constant 0 : index
    %get3A_0 = memref.load %arg2[%get3A] : memref<8xi32, #tpu.memory_space<smem>>
    %mul3A = arith.constant 256 : i32
    %mul3A_1 = arith.muli %arg1, %mul3A : i32
    %lt3A = arith.cmpi slt, %mul3A_1, %get3A_0 : i32
    %convert_element_type3A = arith.extui %lt3A : i1 to i32
    %cond3A = arith.constant 0 : i32
    %cond3A_2 = arith.cmpi ne, %convert_element_type3A, %cond3A : i32
    scf.if %cond3A_2 {
      %le3A = arith.constant 512 : i32
      %le3A_8 = arith.cmpi sle, %get3A_0, %le3A : i32
      %convert_element_type3A_9 = arith.extui %le3A_8 : i1 to i32
      %cond3A_10 = arith.constant 0 : i32
      %cond3A_11 = arith.cmpi ne, %convert_element_type3A_9, %cond3A_10 : i32
      scf.if %cond3A_11 {
        %iota3A = tpu.iota {dimensions = array<i32: 1>} : vector<1x512xi32>
        %lt3A_31 = vector.broadcast %get3A_0 : i32 to vector<1x512xi32>
        %lt3A_32 = arith.cmpi slt, %iota3A, %lt3A_31 : vector<1x512xi32>
        %get3A_33 = arith.constant 0 : index
        %get3A_34 = arith.constant 0 : index
        %get3A_35 = vector.load %arg3[%get3A_33, %get3A_34] : memref<256x128xbf16, #tpu.memory_space<vmem>>, vector<256x64xbf16>
        %get3A_36 = arith.constant 0 : index
        %get3A_37 = arith.constant 0 : index
        %get3A_38 = vector.load %arg4[%get3A_36, %get3A_37] : memref<2048x128xbf16, #tpu.memory_space<vmem>>, vector<512x64xbf16>
        %dot_general3A = arith.constant dense<0.000000e+00> : vector<256x512xf32>
        %dot_general3A_39 = tpu.matmul %get3A_35, %get3A_38, %dot_general3A {dimension_numbers = #tpu.dot_dimension_numbers<[1], [1], [0], [0], [0, 0, 1, 0], [], []>, transpose_lhs_hint = false} : vector<256x64xbf16>, vector<512x64xbf16>, vector<256x512xf32> -> vector<256x512xf32>
        %jit3A = arith.constant -1.000000e+30 : f32
        %broadcast_in_dim3A = vector.shape_cast %lt3A_32 : vector<1x512xi1> to vector<1x512xi1>
        %broadcast_in_dim3A_40 = vector.broadcast %broadcast_in_dim3A : vector<1x512xi1> to vector<256x512xi1>
        %broadcast_in_dim3A_41 = vector.broadcast %jit3A : f32 to vector<256x512xf32>
        %select_n3A = arith.select %broadcast_in_dim3A_40, %dot_general3A_39, %broadcast_in_dim3A_41 : vector<256x512xi1>, vector<256x512xf32>
        %reduce_max3A = arith.constant dense<0xFF800000> : vector<256xf32>
        %reduce_max3A_42 = vector.multi_reduction <maximumf>, %select_n3A, %reduce_max3A [1] : vector<256x512xf32> to vector<256xf32>
        %broadcast_in_dim3A_43 = vector.shape_cast %reduce_max3A_42 : vector<256xf32> to vector<256x1xf32>
        %sub3A = vector.broadcast %broadcast_in_dim3A_43 : vector<256x1xf32> to vector<256x512xf32>
        %sub3A_44 = arith.subf %select_n3A, %sub3A : vector<256x512xf32>
        %exp3A = math.exp %sub3A_44 : vector<256x512xf32>
        %reduce_sum3A = arith.constant dense<0.000000e+00> : vector<256xf32>
        %reduce_sum3A_45 = vector.multi_reduction <add>, %exp3A, %reduce_sum3A [1] : vector<256x512xf32> to vector<256xf32>
        %broadcast_in_dim3A_46 = vector.shape_cast %reduce_sum3A_45 : vector<256xf32> to vector<256x1xf32>
        %convert_element_type3A_47 = arith.truncf %exp3A : vector<256x512xf32> to vector<256x512xbf16>
        %get3A_48 = arith.constant 0 : index
        %get3A_49 = arith.constant 0 : index
        %get3A_50 = vector.load %arg5[%get3A_48, %get3A_49] : memref<2048x128xbf16, #tpu.memory_space<vmem>>, vector<512x64xbf16>
        %dot_general3A_51 = arith.constant dense<0.000000e+00> : vector<256x64xf32>
        %dot_general3A_52 = tpu.matmul %convert_element_type3A_47, %get3A_50, %dot_general3A_51 {dimension_numbers = #tpu.dot_dimension_numbers<[1], [0], [0], [1], [0, 0, 1, 1], [], []>, transpose_lhs_hint = false} : vector<256x512xbf16>, vector<512x64xbf16>, vector<256x64xf32> -> vector<256x64xf32>
        %div3A = vector.broadcast %broadcast_in_dim3A_46 : vector<256x1xf32> to vector<256x64xf32>
        %div3A_53 = arith.divf %dot_general3A_52, %div3A : vector<256x64xf32>
        %convert_element_type3A_54 = arith.truncf %div3A_53 : vector<256x64xf32> to vector<256x64xbf16>
        %swap3A = arith.constant 0 : index
        %swap3A_55 = arith.constant 0 : index
        %swap3A_56 = vector.load %arg6[%swap3A, %swap3A_55] : memref<256x128xbf16, #tpu.memory_space<vmem>>, vector<256x64xbf16>
        tpu.vector_store %arg6[%swap3A, %swap3A_55], %convert_element_type3A_54 {strides = array<i32>} : memref<256x128xbf16, #tpu.memory_space<vmem>>, vector<256x64xbf16>,
        %get3A_57 = arith.constant 0 : index
        %get3A_58 = arith.constant 64 : index
        %get3A_59 = vector.load %arg3[%get3A_57, %get3A_58] : memref<256x128xbf16, #tpu.memory_space<vmem>>, vector<256x64xbf16>
        %get3A_60 = arith.constant 0 : index
        %get3A_61 = arith.constant 64 : index
        %get3A_62 = vector.load %arg4[%get3A_60, %get3A_61] : memref<2048x128xbf16, #tpu.memory_space<vmem>>, vector<512x64xbf16>
        %dot_general3A_63 = arith.constant dense<0.000000e+00> : vector<256x512xf32>
        %dot_general3A_64 = tpu.matmul %get3A_59, %get3A_62, %dot_general3A_63 {dimension_numbers = #tpu.dot_dimension_numbers<[1], [1], [0], [0], [0, 0, 1, 0], [], []>, transpose_lhs_hint = false} : vector<256x64xbf16>, vector<512x64xbf16>, vector<256x512xf32> -> vector<256x512xf32>
        %jit3A_65 = arith.constant -1.000000e+30 : f32
        %broadcast_in_dim3A_66 = vector.shape_cast %lt3A_32 : vector<1x512xi1> to vector<1x512xi1>
        %broadcast_in_dim3A_67 = vector.broadcast %broadcast_in_dim3A_66 : vector<1x512xi1> to vector<256x512xi1>
        %broadcast_in_dim3A_68 = vector.broadcast %jit3A_65 : f32 to vector<256x512xf32>
        %select_n3A_69 = arith.select %broadcast_in_dim3A_67, %dot_general3A_64, %broadcast_in_dim3A_68 : vector<256x512xi1>, vector<256x512xf32>
        %reduce_max3A_70 = arith.constant dense<0xFF800000> : vector<256xf32>
        %reduce_max3A_71 = vector.multi_reduction <maximumf>, %select_n3A_69, %reduce_max3A_70 [1] : vector<256x512xf32> to vector<256xf32>
        %broadcast_in_dim3A_72 = vector.shape_cast %reduce_max3A_71 : vector<256xf32> to vector<256x1xf32>
        %sub3A_73 = vector.broadcast %broadcast_in_dim3A_72 : vector<256x1xf32> to vector<256x512xf32>
        %sub3A_74 = arith.subf %select_n3A_69, %sub3A_73 : vector<256x512xf32>
        %exp3A_75 = math.exp %sub3A_74 : vector<256x512xf32>
        %reduce_sum3A_76 = arith.constant dense<0.000000e+00> : vector<256xf32>
        %reduce_sum3A_77 = vector.multi_reduction <add>, %exp3A_75, %reduce_sum3A_76 [1] : vector<256x512xf32> to vector<256xf32>
        %broadcast_in_dim3A_78 = vector.shape_cast %reduce_sum3A_77 : vector<256xf32> to vector<256x1xf32>
        %convert_element_type3A_79 = arith.truncf %exp3A_75 : vector<256x512xf32> to vector<256x512xbf16>
        %get3A_80 = arith.constant 0 : index
        %get3A_81 = arith.constant 64 : index
        %get3A_82 = vector.load %arg5[%get3A_80, %get3A_81] : memref<2048x128xbf16, #tpu.memory_space<vmem>>, vector<512x64xbf16>
        %dot_general3A_83 = arith.constant dense<0.000000e+00> : vector<256x64xf32>
        %dot_general3A_84 = tpu.matmul %convert_element_type3A_79, %get3A_82, %dot_general3A_83 {dimension_numbers = #tpu.dot_dimension_numbers<[1], [0], [0], [1], [0, 0, 1, 1], [], []>, transpose_lhs_hint = false} : vector<256x512xbf16>, vector<512x64xbf16>, vector<256x64xf32> -> vector<256x64xf32>
        %div3A_85 = vector.broadcast %broadcast_in_dim3A_78 : vector<256x1xf32> to vector<256x64xf32>
        %div3A_86 = arith.divf %dot_general3A_84, %div3A_85 : vector<256x64xf32>
        %convert_element_type3A_87 = arith.truncf %div3A_86 : vector<256x64xf32> to vector<256x64xbf16>
        %swap3A_88 = arith.constant 0 : index
        %swap3A_89 = arith.constant 64 : index
        %swap3A_90 = vector.load %arg6[%swap3A_88, %swap3A_89] : memref<256x128xbf16, #tpu.memory_space<vmem>>, vector<256x64xbf16>
        tpu.vector_store %arg6[%swap3A_88, %swap3A_89], %convert_element_type3A_87 {strides = array<i32>} : memref<256x128xbf16, #tpu.memory_space<vmem>>, vector<256x64xbf16>,
      } else {
      }
      %gt3A = arith.constant 512 : i32
      %gt3A_12 = arith.cmpi sgt, %get3A_0, %gt3A : i32
      %le3A_13 = arith.constant 1024 : i32
      %le3A_14 = arith.cmpi sle, %get3A_0, %le3A_13 : i32
      %and3A = arith.andi %gt3A_12, %le3A_14 : i1
      %convert_element_type3A_15 = arith.extui %and3A : i1 to i32
      %cond3A_16 = arith.constant 0 : i32
      %cond3A_17 = arith.cmpi ne, %convert_element_type3A_15, %cond3A_16 : i32
      scf.if %cond3A_17 {
        %iota3A = tpu.iota {dimensions = array<i32: 1>} : vector<1x1024xi32>
        %lt3A_31 = vector.broadcast %get3A_0 : i32 to vector<1x1024xi32>
        %lt3A_32 = arith.cmpi slt, %iota3A, %lt3A_31 : vector<1x1024xi32>
        %get3A_33 = arith.constant 0 : index
        %get3A_34 = arith.constant 0 : index
        %get3A_35 = vector.load %arg3[%get3A_33, %get3A_34] : memref<256x128xbf16, #tpu.memory_space<vmem>>, vector<256x64xbf16>
        %get3A_36 = arith.constant 0 : index
        %get3A_37 = arith.constant 0 : index
        %get3A_38 = vector.load %arg4[%get3A_36, %get3A_37] : memref<2048x128xbf16, #tpu.memory_space<vmem>>, vector<1024x64xbf16>
        %dot_general3A = arith.constant dense<0.000000e+00> : vector<256x1024xf32>
        %dot_general3A_39 = tpu.matmul %get3A_35, %get3A_38, %dot_general3A {dimension_numbers = #tpu.dot_dimension_numbers<[1], [1], [0], [0], [0, 0, 1, 0], [], []>, transpose_lhs_hint = false} : vector<256x64xbf16>, vector<1024x64xbf16>, vector<256x1024xf32> -> vector<256x1024xf32>
        %jit3A = arith.constant -1.000000e+30 : f32
        %broadcast_in_dim3A = vector.shape_cast %lt3A_32 : vector<1x1024xi1> to vector<1x1024xi1>
        %broadcast_in_dim3A_40 = vector.broadcast %broadcast_in_dim3A : vector<1x1024xi1> to vector<256x1024xi1>
        %broadcast_in_dim3A_41 = vector.broadcast %jit3A : f32 to vector<256x1024xf32>
        %select_n3A = arith.select %broadcast_in_dim3A_40, %dot_general3A_39, %broadcast_in_dim3A_41 : vector<256x1024xi1>, vector<256x1024xf32>
        %reduce_max3A = arith.constant dense<0xFF800000> : vector<256xf32>
        %reduce_max3A_42 = vector.multi_reduction <maximumf>, %select_n3A, %reduce_max3A [1] : vector<256x1024xf32> to vector<256xf32>
        %broadcast_in_dim3A_43 = vector.shape_cast %reduce_max3A_42 : vector<256xf32> to vector<256x1xf32>
        %sub3A = vector.broadcast %broadcast_in_dim3A_43 : vector<256x1xf32> to vector<256x1024xf32>
        %sub3A_44 = arith.subf %select_n3A, %sub3A : vector<256x1024xf32>
        %exp3A = math.exp %sub3A_44 : vector<256x1024xf32>
        %reduce_sum3A = arith.constant dense<0.000000e+00> : vector<256xf32>
        %reduce_sum3A_45 = vector.multi_reduction <add>, %exp3A, %reduce_sum3A [1] : vector<256x1024xf32> to vector<256xf32>
        %broadcast_in_dim3A_46 = vector.shape_cast %reduce_sum3A_45 : vector<256xf32> to vector<256x1xf32>
        %convert_element_type3A_47 = arith.truncf %exp3A : vector<256x1024xf32> to vector<256x1024xbf16>
        %get3A_48 = arith.constant 0 : index
        %get3A_49 = arith.constant 0 : index
        %get3A_50 = vector.load %arg5[%get3A_48, %get3A_49] : memref<2048x128xbf16, #tpu.memory_space<vmem>>, vector<1024x64xbf16>
        %dot_general3A_51 = arith.constant dense<0.000000e+00> : vector<256x64xf32>
        %dot_general3A_52 = tpu.matmul %convert_element_type3A_47, %get3A_50, %dot_general3A_51 {dimension_numbers = #tpu.dot_dimension_numbers<[1], [0], [0], [1], [0, 0, 1, 1], [], []>, transpose_lhs_hint = false} : vector<256x1024xbf16>, vector<1024x64xbf16>, vector<256x64xf32> -> vector<256x64xf32>
        %div3A = vector.broadcast %broadcast_in_dim3A_46 : vector<256x1xf32> to vector<256x64xf32>
        %div3A_53 = arith.divf %dot_general3A_52, %div3A : vector<256x64xf32>
        %convert_element_type3A_54 = arith.truncf %div3A_53 : vector<256x64xf32> to vector<256x64xbf16>
        %swap3A = arith.constant 0 : index
        %swap3A_55 = arith.constant 0 : index
        %swap3A_56 = vector.load %arg6[%swap3A, %swap3A_55] : memref<256x128xbf16, #tpu.memory_space<vmem>>, vector<256x64xbf16>
        tpu.vector_store %arg6[%swap3A, %swap3A_55], %convert_element_type3A_54 {strides = array<i32>} : memref<256x128xbf16, #tpu.memory_space<vmem>>, vector<256x64xbf16>,
        %get3A_57 = arith.constant 0 : index
        %get3A_58 = arith.constant 64 : index
        %get3A_59 = vector.load %arg3[%get3A_57, %get3A_58] : memref<256x128xbf16, #tpu.memory_space<vmem>>, vector<256x64xbf16>
        %get3A_60 = arith.constant 0 : index
        %get3A_61 = arith.constant 64 : index
        %get3A_62 = vector.load %arg4[%get3A_60, %get3A_61] : memref<2048x128xbf16, #tpu.memory_space<vmem>>, vector<1024x64xbf16>
        %dot_general3A_63 = arith.constant dense<0.000000e+00> : vector<256x1024xf32>
        %dot_general3A_64 = tpu.matmul %get3A_59, %get3A_62, %dot_general3A_63 {dimension_numbers = #tpu.dot_dimension_numbers<[1], [1], [0], [0], [0, 0, 1, 0], [], []>, transpose_lhs_hint = false} : vector<256x64xbf16>, vector<1024x64xbf16>, vector<256x1024xf32> -> vector<256x1024xf32>
        %jit3A_65 = arith.constant -1.000000e+30 : f32
        %broadcast_in_dim3A_66 = vector.shape_cast %lt3A_32 : vector<1x1024xi1> to vector<1x1024xi1>
        %broadcast_in_dim3A_67 = vector.broadcast %broadcast_in_dim3A_66 : vector<1x1024xi1> to vector<256x1024xi1>
        %broadcast_in_dim3A_68 = vector.broadcast %jit3A_65 : f32 to vector<256x1024xf32>
        %select_n3A_69 = arith.select %broadcast_in_dim3A_67, %dot_general3A_64, %broadcast_in_dim3A_68 : vector<256x1024xi1>, vector<256x1024xf32>
        %reduce_max3A_70 = arith.constant dense<0xFF800000> : vector<256xf32>
        %reduce_max3A_71 = vector.multi_reduction <maximumf>, %select_n3A_69, %reduce_max3A_70 [1] : vector<256x1024xf32> to vector<256xf32>
        %broadcast_in_dim3A_72 = vector.shape_cast %reduce_max3A_71 : vector<256xf32> to vector<256x1xf32>
        %sub3A_73 = vector.broadcast %broadcast_in_dim3A_72 : vector<256x1xf32> to vector<256x1024xf32>
        %sub3A_74 = arith.subf %select_n3A_69, %sub3A_73 : vector<256x1024xf32>
        %exp3A_75 = math.exp %sub3A_74 : vector<256x1024xf32>
        %reduce_sum3A_76 = arith.constant dense<0.000000e+00> : vector<256xf32>
        %reduce_sum3A_77 = vector.multi_reduction <add>, %exp3A_75, %reduce_sum3A_76 [1] : vector<256x1024xf32> to vector<256xf32>
        %broadcast_in_dim3A_78 = vector.shape_cast %reduce_sum3A_77 : vector<256xf32> to vector<256x1xf32>
        %convert_element_type3A_79 = arith.truncf %exp3A_75 : vector<256x1024xf32> to vector<256x1024xbf16>
        %get3A_80 = arith.constant 0 : index
        %get3A_81 = arith.constant 64 : index
        %get3A_82 = vector.load %arg5[%get3A_80, %get3A_81] : memref<2048x128xbf16, #tpu.memory_space<vmem>>, vector<1024x64xbf16>
        %dot_general3A_83 = arith.constant dense<0.000000e+00> : vector<256x64xf32>
        %dot_general3A_84 = tpu.matmul %convert_element_type3A_79, %get3A_82, %dot_general3A_83 {dimension_numbers = #tpu.dot_dimension_numbers<[1], [0], [0], [1], [0, 0, 1, 1], [], []>, transpose_lhs_hint = false} : vector<256x1024xbf16>, vector<1024x64xbf16>, vector<256x64xf32> -> vector<256x64xf32>
        %div3A_85 = vector.broadcast %broadcast_in_dim3A_78 : vector<256x1xf32> to vector<256x64xf32>
        %div3A_86 = arith.divf %dot_general3A_84, %div3A_85 : vector<256x64xf32>
        %convert_element_type3A_87 = arith.truncf %div3A_86 : vector<256x64xf32> to vector<256x64xbf16>
        %swap3A_88 = arith.constant 0 : index
        %swap3A_89 = arith.constant 64 : index
        %swap3A_90 = vector.load %arg6[%swap3A_88, %swap3A_89] : memref<256x128xbf16, #tpu.memory_space<vmem>>, vector<256x64xbf16>
        tpu.vector_store %arg6[%swap3A_88, %swap3A_89], %convert_element_type3A_87 {strides = array<i32>} : memref<256x128xbf16, #tpu.memory_space<vmem>>, vector<256x64xbf16>,
      } else {
      }
      %gt3A_18 = arith.constant 1024 : i32
      %gt3A_19 = arith.cmpi sgt, %get3A_0, %gt3A_18 : i32
      %le3A_20 = arith.constant 1536 : i32
      %le3A_21 = arith.cmpi sle, %get3A_0, %le3A_20 : i32
      %and3A_22 = arith.andi %gt3A_19, %le3A_21 : i1
      %convert_element_type3A_23 = arith.extui %and3A_22 : i1 to i32
      %cond3A_24 = arith.constant 0 : i32
      %cond3A_25 = arith.cmpi ne, %convert_element_type3A_23, %cond3A_24 : i32
      scf.if %cond3A_25 {
        %iota3A = tpu.iota {dimensions = array<i32: 1>} : vector<1x1536xi32>
        %lt3A_31 = vector.broadcast %get3A_0 : i32 to vector<1x1536xi32>
        %lt3A_32 = arith.cmpi slt, %iota3A, %lt3A_31 : vector<1x1536xi32>
        %get3A_33 = arith.constant 0 : index
        %get3A_34 = arith.constant 0 : index
        %get3A_35 = vector.load %arg3[%get3A_33, %get3A_34] : memref<256x128xbf16, #tpu.memory_space<vmem>>, vector<256x64xbf16>
        %get3A_36 = arith.constant 0 : index
        %get3A_37 = arith.constant 0 : index
        %get3A_38 = vector.load %arg4[%get3A_36, %get3A_37] : memref<2048x128xbf16, #tpu.memory_space<vmem>>, vector<1536x64xbf16>
        %dot_general3A = arith.constant dense<0.000000e+00> : vector<256x1536xf32>
        %dot_general3A_39 = tpu.matmul %get3A_35, %get3A_38, %dot_general3A {dimension_numbers = #tpu.dot_dimension_numbers<[1], [1], [0], [0], [0, 0, 1, 0], [], []>, transpose_lhs_hint = false} : vector<256x64xbf16>, vector<1536x64xbf16>, vector<256x1536xf32> -> vector<256x1536xf32>
        %jit3A = arith.constant -1.000000e+30 : f32
        %broadcast_in_dim3A = vector.shape_cast %lt3A_32 : vector<1x1536xi1> to vector<1x1536xi1>
        %broadcast_in_dim3A_40 = vector.broadcast %broadcast_in_dim3A : vector<1x1536xi1> to vector<256x1536xi1>
        %broadcast_in_dim3A_41 = vector.broadcast %jit3A : f32 to vector<256x1536xf32>
        %select_n3A = arith.select %broadcast_in_dim3A_40, %dot_general3A_39, %broadcast_in_dim3A_41 : vector<256x1536xi1>, vector<256x1536xf32>
        %reduce_max3A = arith.constant dense<0xFF800000> : vector<256xf32>
        %reduce_max3A_42 = vector.multi_reduction <maximumf>, %select_n3A, %reduce_max3A [1] : vector<256x1536xf32> to vector<256xf32>
        %broadcast_in_dim3A_43 = vector.shape_cast %reduce_max3A_42 : vector<256xf32> to vector<256x1xf32>
        %sub3A = vector.broadcast %broadcast_in_dim3A_43 : vector<256x1xf32> to vector<256x1536xf32>
        %sub3A_44 = arith.subf %select_n3A, %sub3A : vector<256x1536xf32>
        %exp3A = math.exp %sub3A_44 : vector<256x1536xf32>
        %reduce_sum3A = arith.constant dense<0.000000e+00> : vector<256xf32>
        %reduce_sum3A_45 = vector.multi_reduction <add>, %exp3A, %reduce_sum3A [1] : vector<256x1536xf32> to vector<256xf32>
        %broadcast_in_dim3A_46 = vector.shape_cast %reduce_sum3A_45 : vector<256xf32> to vector<256x1xf32>
        %convert_element_type3A_47 = arith.truncf %exp3A : vector<256x1536xf32> to vector<256x1536xbf16>
        %get3A_48 = arith.constant 0 : index
        %get3A_49 = arith.constant 0 : index
        %get3A_50 = vector.load %arg5[%get3A_48, %get3A_49] : memref<2048x128xbf16, #tpu.memory_space<vmem>>, vector<1536x64xbf16>
        %dot_general3A_51 = arith.constant dense<0.000000e+00> : vector<256x64xf32>
        %dot_general3A_52 = tpu.matmul %convert_element_type3A_47, %get3A_50, %dot_general3A_51 {dimension_numbers = #tpu.dot_dimension_numbers<[1], [0], [0], [1], [0, 0, 1, 1], [], []>, transpose_lhs_hint = false} : vector<256x1536xbf16>, vector<1536x64xbf16>, vector<256x64xf32> -> vector<256x64xf32>
        %div3A = vector.broadcast %broadcast_in_dim3A_46 : vector<256x1xf32> to vector<256x64xf32>
        %div3A_53 = arith.divf %dot_general3A_52, %div3A : vector<256x64xf32>
        %convert_element_type3A_54 = arith.truncf %div3A_53 : vector<256x64xf32> to vector<256x64xbf16>
        %swap3A = arith.constant 0 : index
        %swap3A_55 = arith.constant 0 : index
        %swap3A_56 = vector.load %arg6[%swap3A, %swap3A_55] : memref<256x128xbf16, #tpu.memory_space<vmem>>, vector<256x64xbf16>
        tpu.vector_store %arg6[%swap3A, %swap3A_55], %convert_element_type3A_54 {strides = array<i32>} : memref<256x128xbf16, #tpu.memory_space<vmem>>, vector<256x64xbf16>,
        %get3A_57 = arith.constant 0 : index
        %get3A_58 = arith.constant 64 : index
        %get3A_59 = vector.load %arg3[%get3A_57, %get3A_58] : memref<256x128xbf16, #tpu.memory_space<vmem>>, vector<256x64xbf16>
        %get3A_60 = arith.constant 0 : index
        %get3A_61 = arith.constant 64 : index
        %get3A_62 = vector.load %arg4[%get3A_60, %get3A_61] : memref<2048x128xbf16, #tpu.memory_space<vmem>>, vector<1536x64xbf16>
        %dot_general3A_63 = arith.constant dense<0.000000e+00> : vector<256x1536xf32>
        %dot_general3A_64 = tpu.matmul %get3A_59, %get3A_62, %dot_general3A_63 {dimension_numbers = #tpu.dot_dimension_numbers<[1], [1], [0], [0], [0, 0, 1, 0], [], []>, transpose_lhs_hint = false} : vector<256x64xbf16>, vector<1536x64xbf16>, vector<256x1536xf32> -> vector<256x1536xf32>
        %jit3A_65 = arith.constant -1.000000e+30 : f32
        %broadcast_in_dim3A_66 = vector.shape_cast %lt3A_32 : vector<1x1536xi1> to vector<1x1536xi1>
        %broadcast_in_dim3A_67 = vector.broadcast %broadcast_in_dim3A_66 : vector<1x1536xi1> to vector<256x1536xi1>
        %broadcast_in_dim3A_68 = vector.broadcast %jit3A_65 : f32 to vector<256x1536xf32>
        %select_n3A_69 = arith.select %broadcast_in_dim3A_67, %dot_general3A_64, %broadcast_in_dim3A_68 : vector<256x1536xi1>, vector<256x1536xf32>
        %reduce_max3A_70 = arith.constant dense<0xFF800000> : vector<256xf32>
        %reduce_max3A_71 = vector.multi_reduction <maximumf>, %select_n3A_69, %reduce_max3A_70 [1] : vector<256x1536xf32> to vector<256xf32>
        %broadcast_in_dim3A_72 = vector.shape_cast %reduce_max3A_71 : vector<256xf32> to vector<256x1xf32>
        %sub3A_73 = vector.broadcast %broadcast_in_dim3A_72 : vector<256x1xf32> to vector<256x1536xf32>
        %sub3A_74 = arith.subf %select_n3A_69, %sub3A_73 : vector<256x1536xf32>
        %exp3A_75 = math.exp %sub3A_74 : vector<256x1536xf32>
        %reduce_sum3A_76 = arith.constant dense<0.000000e+00> : vector<256xf32>
        %reduce_sum3A_77 = vector.multi_reduction <add>, %exp3A_75, %reduce_sum3A_76 [1] : vector<256x1536xf32> to vector<256xf32>
        %broadcast_in_dim3A_78 = vector.shape_cast %reduce_sum3A_77 : vector<256xf32> to vector<256x1xf32>
        %convert_element_type3A_79 = arith.truncf %exp3A_75 : vector<256x1536xf32> to vector<256x1536xbf16>
        %get3A_80 = arith.constant 0 : index
        %get3A_81 = arith.constant 64 : index
        %get3A_82 = vector.load %arg5[%get3A_80, %get3A_81] : memref<2048x128xbf16, #tpu.memory_space<vmem>>, vector<1536x64xbf16>
        %dot_general3A_83 = arith.constant dense<0.000000e+00> : vector<256x64xf32>
        %dot_general3A_84 = tpu.matmul %convert_element_type3A_79, %get3A_82, %dot_general3A_83 {dimension_numbers = #tpu.dot_dimension_numbers<[1], [0], [0], [1], [0, 0, 1, 1], [], []>, transpose_lhs_hint = false} : vector<256x1536xbf16>, vector<1536x64xbf16>, vector<256x64xf32> -> vector<256x64xf32>
        %div3A_85 = vector.broadcast %broadcast_in_dim3A_78 : vector<256x1xf32> to vector<256x64xf32>
        %div3A_86 = arith.divf %dot_general3A_84, %div3A_85 : vector<256x64xf32>
        %convert_element_type3A_87 = arith.truncf %div3A_86 : vector<256x64xf32> to vector<256x64xbf16>
        %swap3A_88 = arith.constant 0 : index
        %swap3A_89 = arith.constant 64 : index
        %swap3A_90 = vector.load %arg6[%swap3A_88, %swap3A_89] : memref<256x128xbf16, #tpu.memory_space<vmem>>, vector<256x64xbf16>
        tpu.vector_store %arg6[%swap3A_88, %swap3A_89], %convert_element_type3A_87 {strides = array<i32>} : memref<256x128xbf16, #tpu.memory_space<vmem>>, vector<256x64xbf16>,
      } else {
      }
      %gt3A_26 = arith.constant 1536 : i32
      %gt3A_27 = arith.cmpi sgt, %get3A_0, %gt3A_26 : i32
      %convert_element_type3A_28 = arith.extui %gt3A_27 : i1 to i32
      %cond3A_29 = arith.constant 0 : i32
      %cond3A_30 = arith.cmpi ne, %convert_element_type3A_28, %cond3A_29 : i32
      scf.if %cond3A_30 {
        %iota3A = tpu.iota {dimensions = array<i32: 1>} : vector<1x2048xi32>
        %lt3A_31 = vector.broadcast %get3A_0 : i32 to vector<1x2048xi32>
        %lt3A_32 = arith.cmpi slt, %iota3A, %lt3A_31 : vector<1x2048xi32>
        %get3A_33 = arith.constant 0 : index
        %get3A_34 = arith.constant 0 : index
        %get3A_35 = vector.load %arg3[%get3A_33, %get3A_34] : memref<256x128xbf16, #tpu.memory_space<vmem>>, vector<256x64xbf16>
        %get3A_36 = arith.constant 0 : index
        %get3A_37 = arith.constant 0 : index
        %get3A_38 = vector.load %arg4[%get3A_36, %get3A_37] : memref<2048x128xbf16, #tpu.memory_space<vmem>>, vector<2048x64xbf16>
        %dot_general3A = arith.constant dense<0.000000e+00> : vector<256x2048xf32>
        %dot_general3A_39 = tpu.matmul %get3A_35, %get3A_38, %dot_general3A {dimension_numbers = #tpu.dot_dimension_numbers<[1], [1], [0], [0], [0, 0, 1, 0], [], []>, transpose_lhs_hint = false} : vector<256x64xbf16>, vector<2048x64xbf16>, vector<256x2048xf32> -> vector<256x2048xf32>
        %jit3A = arith.constant -1.000000e+30 : f32
        %broadcast_in_dim3A = vector.shape_cast %lt3A_32 : vector<1x2048xi1> to vector<1x2048xi1>
        %broadcast_in_dim3A_40 = vector.broadcast %broadcast_in_dim3A : vector<1x2048xi1> to vector<256x2048xi1>
        %broadcast_in_dim3A_41 = vector.broadcast %jit3A : f32 to vector<256x2048xf32>
        %select_n3A = arith.select %broadcast_in_dim3A_40, %dot_general3A_39, %broadcast_in_dim3A_41 : vector<256x2048xi1>, vector<256x2048xf32>
        %reduce_max3A = arith.constant dense<0xFF800000> : vector<256xf32>
        %reduce_max3A_42 = vector.multi_reduction <maximumf>, %select_n3A, %reduce_max3A [1] : vector<256x2048xf32> to vector<256xf32>
        %broadcast_in_dim3A_43 = vector.shape_cast %reduce_max3A_42 : vector<256xf32> to vector<256x1xf32>
        %sub3A = vector.broadcast %broadcast_in_dim3A_43 : vector<256x1xf32> to vector<256x2048xf32>
        %sub3A_44 = arith.subf %select_n3A, %sub3A : vector<256x2048xf32>
        %exp3A = math.exp %sub3A_44 : vector<256x2048xf32>
        %reduce_sum3A = arith.constant dense<0.000000e+00> : vector<256xf32>
        %reduce_sum3A_45 = vector.multi_reduction <add>, %exp3A, %reduce_sum3A [1] : vector<256x2048xf32> to vector<256xf32>
        %broadcast_in_dim3A_46 = vector.shape_cast %reduce_sum3A_45 : vector<256xf32> to vector<256x1xf32>
        %convert_element_type3A_47 = arith.truncf %exp3A : vector<256x2048xf32> to vector<256x2048xbf16>
        %get3A_48 = arith.constant 0 : index
        %get3A_49 = arith.constant 0 : index
        %get3A_50 = vector.load %arg5[%get3A_48, %get3A_49] : memref<2048x128xbf16, #tpu.memory_space<vmem>>, vector<2048x64xbf16>
        %dot_general3A_51 = arith.constant dense<0.000000e+00> : vector<256x64xf32>
        %dot_general3A_52 = tpu.matmul %convert_element_type3A_47, %get3A_50, %dot_general3A_51 {dimension_numbers = #tpu.dot_dimension_numbers<[1], [0], [0], [1], [0, 0, 1, 1], [], []>, transpose_lhs_hint = false} : vector<256x2048xbf16>, vector<2048x64xbf16>, vector<256x64xf32> -> vector<256x64xf32>
        %div3A = vector.broadcast %broadcast_in_dim3A_46 : vector<256x1xf32> to vector<256x64xf32>
        %div3A_53 = arith.divf %dot_general3A_52, %div3A : vector<256x64xf32>
        %convert_element_type3A_54 = arith.truncf %div3A_53 : vector<256x64xf32> to vector<256x64xbf16>
        %swap3A = arith.constant 0 : index
        %swap3A_55 = arith.constant 0 : index
        %swap3A_56 = vector.load %arg6[%swap3A, %swap3A_55] : memref<256x128xbf16, #tpu.memory_space<vmem>>, vector<256x64xbf16>
        tpu.vector_store %arg6[%swap3A, %swap3A_55], %convert_element_type3A_54 {strides = array<i32>} : memref<256x128xbf16, #tpu.memory_space<vmem>>, vector<256x64xbf16>,
        %get3A_57 = arith.constant 0 : index
        %get3A_58 = arith.constant 64 : index
        %get3A_59 = vector.load %arg3[%get3A_57, %get3A_58] : memref<256x128xbf16, #tpu.memory_space<vmem>>, vector<256x64xbf16>
        %get3A_60 = arith.constant 0 : index
        %get3A_61 = arith.constant 64 : index
        %get3A_62 = vector.load %arg4[%get3A_60, %get3A_61] : memref<2048x128xbf16, #tpu.memory_space<vmem>>, vector<2048x64xbf16>
        %dot_general3A_63 = arith.constant dense<0.000000e+00> : vector<256x2048xf32>
        %dot_general3A_64 = tpu.matmul %get3A_59, %get3A_62, %dot_general3A_63 {dimension_numbers = #tpu.dot_dimension_numbers<[1], [1], [0], [0], [0, 0, 1, 0], [], []>, transpose_lhs_hint = false} : vector<256x64xbf16>, vector<2048x64xbf16>, vector<256x2048xf32> -> vector<256x2048xf32>
        %jit3A_65 = arith.constant -1.000000e+30 : f32
        %broadcast_in_dim3A_66 = vector.shape_cast %lt3A_32 : vector<1x2048xi1> to vector<1x2048xi1>
        %broadcast_in_dim3A_67 = vector.broadcast %broadcast_in_dim3A_66 : vector<1x2048xi1> to vector<256x2048xi1>
        %broadcast_in_dim3A_68 = vector.broadcast %jit3A_65 : f32 to vector<256x2048xf32>
        %select_n3A_69 = arith.select %broadcast_in_dim3A_67, %dot_general3A_64, %broadcast_in_dim3A_68 : vector<256x2048xi1>, vector<256x2048xf32>
        %reduce_max3A_70 = arith.constant dense<0xFF800000> : vector<256xf32>
        %reduce_max3A_71 = vector.multi_reduction <maximumf>, %select_n3A_69, %reduce_max3A_70 [1] : vector<256x2048xf32> to vector<256xf32>
        %broadcast_in_dim3A_72 = vector.shape_cast %reduce_max3A_71 : vector<256xf32> to vector<256x1xf32>
        %sub3A_73 = vector.broadcast %broadcast_in_dim3A_72 : vector<256x1xf32> to vector<256x2048xf32>
        %sub3A_74 = arith.subf %select_n3A_69, %sub3A_73 : vector<256x2048xf32>
        %exp3A_75 = math.exp %sub3A_74 : vector<256x2048xf32>
        %reduce_sum3A_76 = arith.constant dense<0.000000e+00> : vector<256xf32>
        %reduce_sum3A_77 = vector.multi_reduction <add>, %exp3A_75, %reduce_sum3A_76 [1] : vector<256x2048xf32> to vector<256xf32>
        %broadcast_in_dim3A_78 = vector.shape_cast %reduce_sum3A_77 : vector<256xf32> to vector<256x1xf32>
        %convert_element_type3A_79 = arith.truncf %exp3A_75 : vector<256x2048xf32> to vector<256x2048xbf16>
        %get3A_80 = arith.constant 0 : index
        %get3A_81 = arith.constant 64 : index
        %get3A_82 = vector.load %arg5[%get3A_80, %get3A_81] : memref<2048x128xbf16, #tpu.memory_space<vmem>>, vector<2048x64xbf16>
        %dot_general3A_83 = arith.constant dense<0.000000e+00> : vector<256x64xf32>
        %dot_general3A_84 = tpu.matmul %convert_element_type3A_79, %get3A_82, %dot_general3A_83 {dimension_numbers = #tpu.dot_dimension_numbers<[1], [0], [0], [1], [0, 0, 1, 1], [], []>, transpose_lhs_hint = false} : vector<256x2048xbf16>, vector<2048x64xbf16>, vector<256x64xf32> -> vector<256x64xf32>
        %div3A_85 = vector.broadcast %broadcast_in_dim3A_78 : vector<256x1xf32> to vector<256x64xf32>
        %div3A_86 = arith.divf %dot_general3A_84, %div3A_85 : vector<256x64xf32>
        %convert_element_type3A_87 = arith.truncf %div3A_86 : vector<256x64xf32> to vector<256x64xbf16>
        %swap3A_88 = arith.constant 0 : index
        %swap3A_89 = arith.constant 64 : index
        %swap3A_90 = vector.load %arg6[%swap3A_88, %swap3A_89] : memref<256x128xbf16, #tpu.memory_space<vmem>>, vector<256x64xbf16>
        tpu.vector_store %arg6[%swap3A_88, %swap3A_89], %convert_element_type3A_87 {strides = array<i32>} : memref<256x128xbf16, #tpu.memory_space<vmem>>, vector<256x64xbf16>,
      } else {
      }
    } else {
    }
    %mul3A_3 = arith.constant 256 : i32
    %mul3A_4 = arith.muli %arg1, %mul3A_3 : i32
    %ge3A = arith.cmpi sge, %mul3A_4, %get3A_0 : i32
    %convert_element_type3A_5 = arith.extui %ge3A : i1 to i32
    %cond3A_6 = arith.constant 0 : i32
    %cond3A_7 = arith.cmpi ne, %convert_element_type3A_5, %cond3A_6 : i32
    scf.if %cond3A_7 {
      %broadcast_in_dim3A = arith.constant 0.000000e+00 : bf16
      %broadcast_in_dim3A_8 = vector.broadcast %broadcast_in_dim3A : bf16 to vector<256x128xbf16>
      %swap3A = arith.constant 0 : index
      %swap3A_9 = arith.constant 0 : index
      %swap3A_10 = vector.load %arg6[%swap3A, %swap3A_9] : memref<256x128xbf16, #tpu.memory_space<vmem>>, vector<256x128xbf16>
      tpu.vector_store %arg6[%swap3A, %swap3A_9], %broadcast_in_dim3A_8 {strides = array<i32>} : memref<256x128xbf16, #tpu.memory_space<vmem>>, vector<256x128xbf16>,
    } else {
    }
    return
  }
  func.func @transform_0(%arg0: i32, %arg1: i32, %arg2: memref<8xi32, #tpu.memory_space<smem>>) -> (i32, i32) {
    %c0_i32 = arith.constant 0 : i32
    return %arg1, %arg0 : i32, i32
  }
  func.func @transform_1(%arg0: i32, %arg1: i32, %arg2: memref<8xi32, #tpu.memory_space<smem>>) -> (i32, i32) {
    %c0_i32 = arith.constant 0 : i32
    %c0_i32_0 = arith.constant 0 : i32
    return %c0_i32, %arg0 : i32, i32
  }
  func.func @transform_2(%arg0: i32, %arg1: i32, %arg2: memref<8xi32, #tpu.memory_space<smem>>) -> (i32, i32) {
    %c0_i32 = arith.constant 0 : i32
    %c0_i32_0 = arith.constant 0 : i32
    return %c0_i32, %arg0 : i32, i32
  }
  func.func @transform_3(%arg0: i32, %arg1: i32, %arg2: memref<8xi32, #tpu.memory_space<smem>>) -> (i32, i32) {
    %c0_i32 = arith.constant 0 : i32
    return %arg1, %arg0 : i32, i32
  }
}

module attributes {stable_mosaic.version = 14 : i64} {
  func.func @_post_body(%arg0: i32, %arg1: memref<8xi32, #tpu.memory_space<smem>>, %arg2: memref<256x1024xf32, #tpu.memory_space<vmem>>, %arg3: memref<1x1024xf32, #tpu.memory_space<vmem>>, %arg4: memref<256x1024xbf16, #tpu.memory_space<vmem>>, %arg5: memref<1024x1024xbf16, #tpu.memory_space<vmem>>, %arg6: memref<1x1024xf32, #tpu.memory_space<vmem>>, %arg7: memref<1024x2048xbf16, #tpu.memory_space<vmem>>, %arg8: memref<1024x2048xbf16, #tpu.memory_space<vmem>>, %arg9: memref<2048x1024xbf16, #tpu.memory_space<vmem>>, %arg10: memref<256x1024xf32, #tpu.memory_space<vmem>>) attributes {dimension_semantics = [#tpu.dimension_semantics<arbitrary>], iteration_bounds = array<i64: 8>, scalar_prefetch = 1 : i64, scratch_operands = 0 : i64, tpu.core_type = #tpu.core_type<tc>, window_params = [{transform_indices = @transform_0, window_bounds = array<i64: 256, 1024>}, {pipeline_mode = #tpu.pipeline_mode<synchronous>, transform_indices = @transform_1, window_bounds = array<i64: 1, 1024>}, {transform_indices = @transform_2, window_bounds = array<i64: 256, 1024>}, {pipeline_mode = #tpu.pipeline_mode<synchronous>, transform_indices = @transform_3, window_bounds = array<i64: 1024, 1024>}, {pipeline_mode = #tpu.pipeline_mode<synchronous>, transform_indices = @transform_4, window_bounds = array<i64: 1, 1024>}, {pipeline_mode = #tpu.pipeline_mode<synchronous>, transform_indices = @transform_5, window_bounds = array<i64: 1024, 2048>}, {pipeline_mode = #tpu.pipeline_mode<synchronous>, transform_indices = @transform_6, window_bounds = array<i64: 1024, 2048>}, {pipeline_mode = #tpu.pipeline_mode<synchronous>, transform_indices = @transform_7, window_bounds = array<i64: 2048, 1024>}, {transform_indices = @transform_8, window_bounds = array<i64: 256, 1024>}]} {
    %get3A = arith.constant 0 : index
    %get3A_0 = memref.load %arg1[%get3A] : memref<8xi32, #tpu.memory_space<smem>>
    %mul3A = arith.constant 256 : i32
    %mul3A_1 = arith.muli %arg0, %mul3A : i32
    %lt3A = arith.cmpi slt, %mul3A_1, %get3A_0 : i32
    %convert_element_type3A = arith.extui %lt3A : i1 to i32
    %cond3A = arith.constant 0 : i32
    %cond3A_2 = arith.cmpi ne, %convert_element_type3A, %cond3A : i32
    scf.if %cond3A_2 {
      %get3A_8 = arith.constant 0 : index
      %get3A_9 = arith.constant 0 : index
      %get3A_10 = vector.load %arg2[%get3A_8, %get3A_9] : memref<256x1024xf32, #tpu.memory_space<vmem>>, vector<256x1024xf32>
      %get3A_11 = arith.constant 0 : index
      %get3A_12 = arith.constant 0 : index
      %get3A_13 = vector.load %arg3[%get3A_11, %get3A_12] : memref<1x1024xf32, #tpu.memory_space<vmem>>, vector<1x1024xf32>
      %add3A = vector.broadcast %get3A_13 : vector<1x1024xf32> to vector<256x1024xf32>
      %add3A_14 = arith.addf %get3A_10, %add3A : vector<256x1024xf32>
      %get3A_15 = arith.constant 0 : index
      %get3A_16 = arith.constant 0 : index
      %get3A_17 = vector.load %arg4[%get3A_15, %get3A_16] : memref<256x1024xbf16, #tpu.memory_space<vmem>>, vector<256x1024xbf16>
      %get3A_18 = arith.constant 0 : index
      %get3A_19 = arith.constant 0 : index
      %get3A_20 = vector.load %arg5[%get3A_18, %get3A_19] : memref<1024x1024xbf16, #tpu.memory_space<vmem>>, vector<1024x1024xbf16>
      %dot_general3A = arith.constant dense<0.000000e+00> : vector<256x1024xf32>
      %dot_general3A_21 = tpu.matmul %get3A_17, %get3A_20, %dot_general3A {dimension_numbers = #tpu.dot_dimension_numbers<[1], [0], [0], [1], [0, 0, 1, 1], [], []>, transpose_lhs_hint = false} : vector<256x1024xbf16>, vector<1024x1024xbf16>, vector<256x1024xf32> -> vector<256x1024xf32>
      %add3A_22 = arith.addf %add3A_14, %dot_general3A_21 : vector<256x1024xf32>
      %mul3A_23 = arith.mulf %add3A_22, %add3A_22 : vector<256x1024xf32>
      %reduce_sum3A = arith.constant dense<0.000000e+00> : vector<256xf32>
      %reduce_sum3A_24 = vector.multi_reduction <add>, %mul3A_23, %reduce_sum3A [1] : vector<256x1024xf32> to vector<256xf32>
      %broadcast_in_dim3A = vector.shape_cast %reduce_sum3A_24 : vector<256xf32> to vector<256x1xf32>
      %div3A = arith.constant 1.024000e+03 : f32
      %div3A_25 = vector.broadcast %div3A : f32 to vector<256x1xf32>
      %div3A_26 = arith.divf %broadcast_in_dim3A, %div3A_25 : vector<256x1xf32>
      %add3A_27 = arith.constant 9.99999997E-7 : f32
      %add3A_28 = vector.broadcast %add3A_27 : f32 to vector<256x1xf32>
      %add3A_29 = arith.addf %div3A_26, %add3A_28 : vector<256x1xf32>
      %rsqrt3A = math.rsqrt %add3A_29 : vector<256x1xf32>
      %mul3A_30 = vector.broadcast %rsqrt3A : vector<256x1xf32> to vector<256x1024xf32>
      %mul3A_31 = arith.mulf %add3A_22, %mul3A_30 : vector<256x1024xf32>
      %get3A_32 = arith.constant 0 : index
      %get3A_33 = arith.constant 0 : index
      %get3A_34 = vector.load %arg6[%get3A_32, %get3A_33] : memref<1x1024xf32, #tpu.memory_space<vmem>>, vector<1x1024xf32>
      %mul3A_35 = vector.broadcast %get3A_34 : vector<1x1024xf32> to vector<256x1024xf32>
      %mul3A_36 = arith.mulf %mul3A_31, %mul3A_35 : vector<256x1024xf32>
      %convert_element_type3A_37 = arith.truncf %mul3A_36 : vector<256x1024xf32> to vector<256x1024xbf16>
      %get3A_38 = arith.constant 0 : index
      %get3A_39 = arith.constant 0 : index
      %get3A_40 = vector.load %arg7[%get3A_38, %get3A_39] : memref<1024x2048xbf16, #tpu.memory_space<vmem>>, vector<1024x2048xbf16>
      %dot_general3A_41 = arith.constant dense<0.000000e+00> : vector<256x2048xf32>
      %dot_general3A_42 = tpu.matmul %convert_element_type3A_37, %get3A_40, %dot_general3A_41 {dimension_numbers = #tpu.dot_dimension_numbers<[1], [0], [0], [1], [0, 0, 1, 1], [], []>, transpose_lhs_hint = false} : vector<256x1024xbf16>, vector<1024x2048xbf16>, vector<256x2048xf32> -> vector<256x2048xf32>
      %get3A_43 = arith.constant 0 : index
      %get3A_44 = arith.constant 0 : index
      %get3A_45 = vector.load %arg8[%get3A_43, %get3A_44] : memref<1024x2048xbf16, #tpu.memory_space<vmem>>, vector<1024x2048xbf16>
      %dot_general3A_46 = arith.constant dense<0.000000e+00> : vector<256x2048xf32>
      %dot_general3A_47 = tpu.matmul %convert_element_type3A_37, %get3A_45, %dot_general3A_46 {dimension_numbers = #tpu.dot_dimension_numbers<[1], [0], [0], [1], [0, 0, 1, 1], [], []>, transpose_lhs_hint = false} : vector<256x1024xbf16>, vector<1024x2048xbf16>, vector<256x2048xf32> -> vector<256x2048xf32>
      %logistic3A = arith.negf %dot_general3A_42 : vector<256x2048xf32>
      %logistic3A_48 = math.exp %logistic3A : vector<256x2048xf32>
      %logistic3A_49 = arith.constant 1.000000e+00 : f32
      %logistic3A_50 = vector.broadcast %logistic3A_49 : f32 to vector<256x2048xf32>
      %logistic3A_51 = arith.addf %logistic3A_50, %logistic3A_48 : vector<256x2048xf32>
      %logistic3A_52 = arith.divf %logistic3A_50, %logistic3A_51 : vector<256x2048xf32>
      %mul3A_53 = arith.mulf %dot_general3A_42, %logistic3A_52 : vector<256x2048xf32>
      %mul3A_54 = arith.mulf %mul3A_53, %dot_general3A_47 : vector<256x2048xf32>
      %convert_element_type3A_55 = arith.truncf %mul3A_54 : vector<256x2048xf32> to vector<256x2048xbf16>
      %get3A_56 = arith.constant 0 : index
      %get3A_57 = arith.constant 0 : index
      %get3A_58 = vector.load %arg9[%get3A_56, %get3A_57] : memref<2048x1024xbf16, #tpu.memory_space<vmem>>, vector<2048x1024xbf16>
      %dot_general3A_59 = arith.constant dense<0.000000e+00> : vector<256x1024xf32>
      %dot_general3A_60 = tpu.matmul %convert_element_type3A_55, %get3A_58, %dot_general3A_59 {dimension_numbers = #tpu.dot_dimension_numbers<[1], [0], [0], [1], [0, 0, 1, 1], [], []>, transpose_lhs_hint = false} : vector<256x2048xbf16>, vector<2048x1024xbf16>, vector<256x1024xf32> -> vector<256x1024xf32>
      %add3A_61 = arith.addf %add3A_22, %dot_general3A_60 : vector<256x1024xf32>
      %swap3A = arith.constant 0 : index
      %swap3A_62 = arith.constant 0 : index
      %swap3A_63 = vector.load %arg10[%swap3A, %swap3A_62] : memref<256x1024xf32, #tpu.memory_space<vmem>>, vector<256x1024xf32>
      tpu.vector_store %arg10[%swap3A, %swap3A_62], %add3A_61 {strides = array<i32>} : memref<256x1024xf32, #tpu.memory_space<vmem>>, vector<256x1024xf32>,
    } else {
    }
    %mul3A_3 = arith.constant 256 : i32
    %mul3A_4 = arith.muli %arg0, %mul3A_3 : i32
    %ge3A = arith.cmpi sge, %mul3A_4, %get3A_0 : i32
    %convert_element_type3A_5 = arith.extui %ge3A : i1 to i32
    %cond3A_6 = arith.constant 0 : i32
    %cond3A_7 = arith.cmpi ne, %convert_element_type3A_5, %cond3A_6 : i32
    scf.if %cond3A_7 {
      %broadcast_in_dim3A = arith.constant 0.000000e+00 : f32
      %broadcast_in_dim3A_8 = vector.broadcast %broadcast_in_dim3A : f32 to vector<256x1024xf32>
      %swap3A = arith.constant 0 : index
      %swap3A_9 = arith.constant 0 : index
      %swap3A_10 = vector.load %arg10[%swap3A, %swap3A_9] : memref<256x1024xf32, #tpu.memory_space<vmem>>, vector<256x1024xf32>
      tpu.vector_store %arg10[%swap3A, %swap3A_9], %broadcast_in_dim3A_8 {strides = array<i32>} : memref<256x1024xf32, #tpu.memory_space<vmem>>, vector<256x1024xf32>,
    } else {
    }
    return
  }
  func.func @transform_0(%arg0: i32, %arg1: memref<8xi32, #tpu.memory_space<smem>>) -> (i32, i32) {
    %c0_i32 = arith.constant 0 : i32
    %c0_i32_0 = arith.constant 0 : i32
    return %arg0, %c0_i32 : i32, i32
  }
  func.func @transform_1(%arg0: i32, %arg1: memref<8xi32, #tpu.memory_space<smem>>) -> (i32, i32) {
    %c0_i32 = arith.constant 0 : i32
    %c0_i32_0 = arith.constant 0 : i32
    %c0_i32_1 = arith.constant 0 : i32
    return %c0_i32, %c0_i32_0 : i32, i32
  }
  func.func @transform_2(%arg0: i32, %arg1: memref<8xi32, #tpu.memory_space<smem>>) -> (i32, i32) {
    %c0_i32 = arith.constant 0 : i32
    %c0_i32_0 = arith.constant 0 : i32
    return %arg0, %c0_i32 : i32, i32
  }
  func.func @transform_3(%arg0: i32, %arg1: memref<8xi32, #tpu.memory_space<smem>>) -> (i32, i32) {
    %c0_i32 = arith.constant 0 : i32
    %c0_i32_0 = arith.constant 0 : i32
    %c0_i32_1 = arith.constant 0 : i32
    return %c0_i32, %c0_i32_0 : i32, i32
  }
  func.func @transform_4(%arg0: i32, %arg1: memref<8xi32, #tpu.memory_space<smem>>) -> (i32, i32) {
    %c0_i32 = arith.constant 0 : i32
    %c0_i32_0 = arith.constant 0 : i32
    %c0_i32_1 = arith.constant 0 : i32
    return %c0_i32, %c0_i32_0 : i32, i32
  }
  func.func @transform_5(%arg0: i32, %arg1: memref<8xi32, #tpu.memory_space<smem>>) -> (i32, i32) {
    %c0_i32 = arith.constant 0 : i32
    %c0_i32_0 = arith.constant 0 : i32
    %c0_i32_1 = arith.constant 0 : i32
    return %c0_i32, %c0_i32_0 : i32, i32
  }
  func.func @transform_6(%arg0: i32, %arg1: memref<8xi32, #tpu.memory_space<smem>>) -> (i32, i32) {
    %c0_i32 = arith.constant 0 : i32
    %c0_i32_0 = arith.constant 0 : i32
    %c0_i32_1 = arith.constant 0 : i32
    return %c0_i32, %c0_i32_0 : i32, i32
  }
  func.func @transform_7(%arg0: i32, %arg1: memref<8xi32, #tpu.memory_space<smem>>) -> (i32, i32) {
    %c0_i32 = arith.constant 0 : i32
    %c0_i32_0 = arith.constant 0 : i32
    %c0_i32_1 = arith.constant 0 : i32
    return %c0_i32, %c0_i32_0 : i32, i32
  }
  func.func @transform_8(%arg0: i32, %arg1: memref<8xi32, #tpu.memory_space<smem>>) -> (i32, i32) {
    %c0_i32 = arith.constant 0 : i32
    %c0_i32_0 = arith.constant 0 : i32
    return %arg0, %c0_i32 : i32, i32
  }
}

module attributes {stable_mosaic.version = 14 : i64} {
  func.func @_combine_body(%arg0: i32, %arg1: memref<512x1024xf32, #tpu.memory_space<vmem>>, %arg2: memref<512x1024xf32, #tpu.memory_space<vmem>>, %arg3: memref<512x1xf32, #tpu.memory_space<vmem>>, %arg4: memref<512x1024xf32, #tpu.memory_space<vmem>>) attributes {dimension_semantics = [#tpu.dimension_semantics<arbitrary>], iteration_bounds = array<i64: 4>, scalar_prefetch = 0 : i64, scratch_operands = 0 : i64, tpu.core_type = #tpu.core_type<tc>, window_params = [{transform_indices = @transform_0, window_bounds = array<i64: 512, 1024>}, {transform_indices = @transform_1, window_bounds = array<i64: 512, 1024>}, {transform_indices = @transform_2, window_bounds = array<i64: 512, 1>}, {transform_indices = @transform_3, window_bounds = array<i64: 512, 1024>}]} {
    %get3A = arith.constant 0 : index
    %get3A_0 = arith.constant 0 : index
    %get3A_1 = vector.load %arg1[%get3A, %get3A_0] : memref<512x1024xf32, #tpu.memory_space<vmem>>, vector<512x1024xf32>
    %get3A_2 = arith.constant 0 : index
    %get3A_3 = arith.constant 0 : index
    %get3A_4 = vector.load %arg2[%get3A_2, %get3A_3] : memref<512x1024xf32, #tpu.memory_space<vmem>>, vector<512x1024xf32>
    %get3A_5 = arith.constant 0 : index
    %get3A_6 = arith.constant 0 : index
    %get3A_7 = vector.load %arg3[%get3A_5, %get3A_6] : memref<512x1xf32, #tpu.memory_space<vmem>>, vector<512x1xf32>
    %mul3A = vector.broadcast %get3A_7 : vector<512x1xf32> to vector<512x1024xf32>
    %mul3A_8 = arith.mulf %get3A_4, %mul3A : vector<512x1024xf32>
    %add3A = arith.addf %get3A_1, %mul3A_8 : vector<512x1024xf32>
    %swap3A = arith.constant 0 : index
    %swap3A_9 = arith.constant 0 : index
    %swap3A_10 = vector.load %arg4[%swap3A, %swap3A_9] : memref<512x1024xf32, #tpu.memory_space<vmem>>, vector<512x1024xf32>
    tpu.vector_store %arg4[%swap3A, %swap3A_9], %add3A {strides = array<i32>} : memref<512x1024xf32, #tpu.memory_space<vmem>>, vector<512x1024xf32>,
    return
  }
  func.func @transform_0(%arg0: i32) -> (i32, i32) {
    %c0_i32 = arith.constant 0 : i32
    %c0_i32_0 = arith.constant 0 : i32
    return %arg0, %c0_i32 : i32, i32
  }
  func.func @transform_1(%arg0: i32) -> (i32, i32) {
    %c0_i32 = arith.constant 0 : i32
    %c0_i32_0 = arith.constant 0 : i32
    return %arg0, %c0_i32 : i32, i32
  }
  func.func @transform_2(%arg0: i32) -> (i32, i32) {
    %c0_i32 = arith.constant 0 : i32
    %c0_i32_0 = arith.constant 0 : i32
    return %arg0, %c0_i32 : i32, i32
  }
  func.func @transform_3(%arg0: i32) -> (i32, i32) {
    %c0_i32 = arith.constant 0 : i32
    %c0_i32_0 = arith.constant 0 : i32
    return %arg0, %c0_i32 : i32, i32
  }
}

module attributes {stable_mosaic.version = 14 : i64} {
  func.func @_qkv_body(%arg0: i32, %arg1: memref<8xi32, #tpu.memory_space<smem>>, %arg2: memref<256x1024xf32, #tpu.memory_space<vmem>>, %arg3: memref<1x1024xf32, #tpu.memory_space<vmem>>, %arg4: memref<1x1024xf32, #tpu.memory_space<vmem>>, %arg5: memref<256x1xi32, #tpu.memory_space<vmem>>, %arg6: memref<1024x1024xbf16, #tpu.memory_space<vmem>>, %arg7: memref<1024x1024xbf16, #tpu.memory_space<vmem>>, %arg8: memref<1024x1024xbf16, #tpu.memory_space<vmem>>, %arg9: memref<256x1024xbf16, #tpu.memory_space<vmem>>, %arg10: memref<256x1024xbf16, #tpu.memory_space<vmem>>, %arg11: memref<256x1024xbf16, #tpu.memory_space<vmem>>) attributes {dimension_semantics = [#tpu.dimension_semantics<arbitrary>], iteration_bounds = array<i64: 8>, scalar_prefetch = 1 : i64, scratch_operands = 0 : i64, tpu.core_type = #tpu.core_type<tc>, window_params = [{transform_indices = @transform_0, window_bounds = array<i64: 256, 1024>}, {pipeline_mode = #tpu.pipeline_mode<synchronous>, transform_indices = @transform_1, window_bounds = array<i64: 1, 1024>}, {pipeline_mode = #tpu.pipeline_mode<synchronous>, transform_indices = @transform_2, window_bounds = array<i64: 1, 1024>}, {transform_indices = @transform_3, window_bounds = array<i64: 256, 1>}, {pipeline_mode = #tpu.pipeline_mode<synchronous>, transform_indices = @transform_4, window_bounds = array<i64: 1024, 1024>}, {pipeline_mode = #tpu.pipeline_mode<synchronous>, transform_indices = @transform_5, window_bounds = array<i64: 1024, 1024>}, {pipeline_mode = #tpu.pipeline_mode<synchronous>, transform_indices = @transform_6, window_bounds = array<i64: 1024, 1024>}, {transform_indices = @transform_7, window_bounds = array<i64: 256, 1024>}, {transform_indices = @transform_8, window_bounds = array<i64: 256, 1024>}, {transform_indices = @transform_9, window_bounds = array<i64: 256, 1024>}]} {
    %get3A = arith.constant 1 : index
    %get3A_0 = memref.load %arg1[%get3A] : memref<8xi32, #tpu.memory_space<smem>>
    %mul3A = arith.constant 256 : i32
    %mul3A_1 = arith.muli %arg0, %mul3A : i32
    %lt3A = arith.cmpi slt, %mul3A_1, %get3A_0 : i32
    %convert_element_type3A = arith.extui %lt3A : i1 to i32
    %cond3A = arith.constant 0 : i32
    %cond3A_2 = arith.cmpi ne, %convert_element_type3A, %cond3A : i32
    scf.if %cond3A_2 {
      %get3A_8 = arith.constant 0 : index
      %get3A_9 = arith.constant 0 : index
      %get3A_10 = vector.load %arg2[%get3A_8, %get3A_9] : memref<256x1024xf32, #tpu.memory_space<vmem>>, vector<256x1024xf32>
      %get3A_11 = arith.constant 0 : index
      %get3A_12 = arith.constant 0 : index
      %get3A_13 = vector.load %arg3[%get3A_11, %get3A_12] : memref<1x1024xf32, #tpu.memory_space<vmem>>, vector<1x1024xf32>
      %add3A = vector.broadcast %get3A_13 : vector<1x1024xf32> to vector<256x1024xf32>
      %add3A_14 = arith.addf %get3A_10, %add3A : vector<256x1024xf32>
      %mul3A_15 = arith.mulf %add3A_14, %add3A_14 : vector<256x1024xf32>
      %reduce_sum3A = arith.constant dense<0.000000e+00> : vector<256xf32>
      %reduce_sum3A_16 = vector.multi_reduction <add>, %mul3A_15, %reduce_sum3A [1] : vector<256x1024xf32> to vector<256xf32>
      %broadcast_in_dim3A = vector.shape_cast %reduce_sum3A_16 : vector<256xf32> to vector<256x1xf32>
      %div3A = arith.constant 1.024000e+03 : f32
      %div3A_17 = vector.broadcast %div3A : f32 to vector<256x1xf32>
      %div3A_18 = arith.divf %broadcast_in_dim3A, %div3A_17 : vector<256x1xf32>
      %add3A_19 = arith.constant 9.99999997E-7 : f32
      %add3A_20 = vector.broadcast %add3A_19 : f32 to vector<256x1xf32>
      %add3A_21 = arith.addf %div3A_18, %add3A_20 : vector<256x1xf32>
      %rsqrt3A = math.rsqrt %add3A_21 : vector<256x1xf32>
      %mul3A_22 = vector.broadcast %rsqrt3A : vector<256x1xf32> to vector<256x1024xf32>
      %mul3A_23 = arith.mulf %add3A_14, %mul3A_22 : vector<256x1024xf32>
      %get3A_24 = arith.constant 0 : index
      %get3A_25 = arith.constant 0 : index
      %get3A_26 = vector.load %arg4[%get3A_24, %get3A_25] : memref<1x1024xf32, #tpu.memory_space<vmem>>, vector<1x1024xf32>
      %mul3A_27 = vector.broadcast %get3A_26 : vector<1x1024xf32> to vector<256x1024xf32>
      %mul3A_28 = arith.mulf %mul3A_23, %mul3A_27 : vector<256x1024xf32>
      %convert_element_type3A_29 = arith.truncf %mul3A_28 : vector<256x1024xf32> to vector<256x1024xbf16>
      %get3A_30 = arith.constant 0 : index
      %get3A_31 = arith.constant 0 : index
      %get3A_32 = vector.load %arg6[%get3A_30, %get3A_31] : memref<1024x1024xbf16, #tpu.memory_space<vmem>>, vector<1024x1024xbf16>
      %dot_general3A = arith.constant dense<0.000000e+00> : vector<256x1024xf32>
      %dot_general3A_33 = tpu.matmul %convert_element_type3A_29, %get3A_32, %dot_general3A {dimension_numbers = #tpu.dot_dimension_numbers<[1], [0], [0], [1], [0, 0, 1, 1], [], []>, transpose_lhs_hint = false} : vector<256x1024xbf16>, vector<1024x1024xbf16>, vector<256x1024xf32> -> vector<256x1024xf32>
      %get3A_34 = arith.constant 0 : index
      %get3A_35 = arith.constant 0 : index
      %get3A_36 = vector.load %arg7[%get3A_34, %get3A_35] : memref<1024x1024xbf16, #tpu.memory_space<vmem>>, vector<1024x1024xbf16>
      %dot_general3A_37 = arith.constant dense<0.000000e+00> : vector<256x1024xf32>
      %dot_general3A_38 = tpu.matmul %convert_element_type3A_29, %get3A_36, %dot_general3A_37 {dimension_numbers = #tpu.dot_dimension_numbers<[1], [0], [0], [1], [0, 0, 1, 1], [], []>, transpose_lhs_hint = false} : vector<256x1024xbf16>, vector<1024x1024xbf16>, vector<256x1024xf32> -> vector<256x1024xf32>
      %get3A_39 = arith.constant 0 : index
      %get3A_40 = arith.constant 0 : index
      %get3A_41 = vector.load %arg8[%get3A_39, %get3A_40] : memref<1024x1024xbf16, #tpu.memory_space<vmem>>, vector<1024x1024xbf16>
      %dot_general3A_42 = arith.constant dense<0.000000e+00> : vector<256x1024xf32>
      %dot_general3A_43 = tpu.matmul %convert_element_type3A_29, %get3A_41, %dot_general3A_42 {dimension_numbers = #tpu.dot_dimension_numbers<[1], [0], [0], [1], [0, 0, 1, 1], [], []>, transpose_lhs_hint = false} : vector<256x1024xbf16>, vector<1024x1024xbf16>, vector<256x1024xf32> -> vector<256x1024xf32>
      %get3A_44 = arith.constant 0 : index
      %get3A_45 = arith.constant 0 : index
      %get3A_46 = vector.load %arg5[%get3A_44, %get3A_45] : memref<256x1xi32, #tpu.memory_space<vmem>>, vector<256x1xi32>
      %convert_element_type3A_47 = arith.sitofp %get3A_46 : vector<256x1xi32> to vector<256x1xf32>
      %iota3A = tpu.iota {dimensions = array<i32: 1>} : vector<1x1024xi32>
      %jit3A = arith.constant 64 : i32
      %eq3A = arith.constant 0 : i32
      %eq3A_48 = arith.cmpi eq, %jit3A, %eq3A : i32
      %jit3A_49 = arith.constant 1 : i32
      %select_n3A = arith.select %eq3A_48, %jit3A_49, %jit3A : i32
      %rem3A = vector.broadcast %select_n3A : i32 to vector<1x1024xi32>
      %rem3A_50 = arith.remsi %iota3A, %rem3A : vector<1x1024xi32>
      %ne3A = arith.constant 0 : i32
      %ne3A_51 = vector.broadcast %ne3A : i32 to vector<1x1024xi32>
      %ne3A_52 = arith.cmpi ne, %rem3A_50, %ne3A_51 : vector<1x1024xi32>
      %lt3A_53 = arith.constant 0 : i32
      %lt3A_54 = vector.broadcast %lt3A_53 : i32 to vector<1x1024xi32>
      %lt3A_55 = arith.cmpi slt, %rem3A_50, %lt3A_54 : vector<1x1024xi32>
      %lt3A_56 = arith.constant 0 : i32
      %lt3A_57 = arith.cmpi slt, %select_n3A, %lt3A_56 : i32
      %ne3A_58 = vector.broadcast %lt3A_57 : i1 to vector<1x1024xi1>
      %ne3A_59 = vector.broadcast %ne3A_58 : vector<1x1024xi1> to vector<1x1024xi1>
      %ne3A_60 = arith.xori %lt3A_55, %ne3A_59 : vector<1x1024xi1>
      %and3A = arith.andi %ne3A_60, %ne3A_52 : vector<1x1024xi1>
      %add3A_61 = vector.broadcast %select_n3A : i32 to vector<1x1024xi32>
      %add3A_62 = arith.addi %rem3A_50, %add3A_61 : vector<1x1024xi32>
      %select_n3A_63 = arith.select %and3A, %add3A_62, %rem3A_50 : vector<1x1024xi1>, vector<1x1024xi32>
      %jit3A_64 = arith.constant 32 : i32
      %eq3A_65 = arith.constant 0 : i32
      %eq3A_66 = arith.cmpi eq, %jit3A_64, %eq3A_65 : i32
      %jit3A_67 = arith.constant 1 : i32
      %select_n3A_68 = arith.select %eq3A_66, %jit3A_67, %jit3A_64 : i32
      %rem3A_69 = vector.broadcast %select_n3A_68 : i32 to vector<1x1024xi32>
      %rem3A_70 = arith.remsi %select_n3A_63, %rem3A_69 : vector<1x1024xi32>
      %ne3A_71 = arith.constant 0 : i32
      %ne3A_72 = vector.broadcast %ne3A_71 : i32 to vector<1x1024xi32>
      %ne3A_73 = arith.cmpi ne, %rem3A_70, %ne3A_72 : vector<1x1024xi32>
      %lt3A_74 = arith.constant 0 : i32
      %lt3A_75 = vector.broadcast %lt3A_74 : i32 to vector<1x1024xi32>
      %lt3A_76 = arith.cmpi slt, %rem3A_70, %lt3A_75 : vector<1x1024xi32>
      %lt3A_77 = arith.constant 0 : i32
      %lt3A_78 = arith.cmpi slt, %select_n3A_68, %lt3A_77 : i32
      %ne3A_79 = vector.broadcast %lt3A_78 : i1 to vector<1x1024xi1>
      %ne3A_80 = vector.broadcast %ne3A_79 : vector<1x1024xi1> to vector<1x1024xi1>
      %ne3A_81 = arith.xori %lt3A_76, %ne3A_80 : vector<1x1024xi1>
      %and3A_82 = arith.andi %ne3A_81, %ne3A_73 : vector<1x1024xi1>
      %add3A_83 = vector.broadcast %select_n3A_68 : i32 to vector<1x1024xi32>
      %add3A_84 = arith.addi %rem3A_70, %add3A_83 : vector<1x1024xi32>
      %select_n3A_85 = arith.select %and3A_82, %add3A_84, %rem3A_70 : vector<1x1024xi1>, vector<1x1024xi32>
      %convert_element_type3A_86 = arith.sitofp %select_n3A_85 : vector<1x1024xi32> to vector<1x1024xf32>
      %mul3A_87 = arith.constant -0.287823141 : f32
      %mul3A_88 = vector.broadcast %mul3A_87 : f32 to vector<1x1024xf32>
      %mul3A_89 = arith.mulf %convert_element_type3A_86, %mul3A_88 : vector<1x1024xf32>
      %exp3A = math.exp %mul3A_89 : vector<1x1024xf32>
      %mul3A_90 = vector.broadcast %convert_element_type3A_47 : vector<256x1xf32> to vector<256x1024xf32>
      %mul3A_91 = vector.broadcast %exp3A : vector<1x1024xf32> to vector<256x1024xf32>
      %mul3A_92 = arith.mulf %mul3A_90, %mul3A_91 : vector<256x1024xf32>
      %cos3A = math.cos %mul3A_92 : vector<256x1024xf32>
      %sin3A = math.sin %mul3A_92 : vector<256x1024xf32>
      %lt3A_93 = arith.constant 32 : i32
      %lt3A_94 = vector.broadcast %lt3A_93 : i32 to vector<1x1024xi32>
      %lt3A_95 = arith.cmpi slt, %select_n3A_63, %lt3A_94 : vector<1x1024xi32>
      %slice3A = vector.extract_strided_slice %dot_general3A_33 {offsets = [0, 32], sizes = [256, 992], strides = [1, 1]} : vector<256x1024xf32> to vector<256x992xf32>
      %slice3A_96 = vector.extract_strided_slice %dot_general3A_33 {offsets = [0, 0], sizes = [256, 32], strides = [1, 1]} : vector<256x1024xf32> to vector<256x32xf32>
      %concatenate3A = tpu.concatenate %slice3A, %slice3A_96 in 1 : vector<256x992xf32>, vector<256x32xf32> -> vector<256x1024xf32>
      %slice3A_97 = vector.extract_strided_slice %dot_general3A_33 {offsets = [0, 992], sizes = [256, 32], strides = [1, 1]} : vector<256x1024xf32> to vector<256x32xf32>
      %slice3A_98 = vector.extract_strided_slice %dot_general3A_33 {offsets = [0, 0], sizes = [256, 992], strides = [1, 1]} : vector<256x1024xf32> to vector<256x992xf32>
      %concatenate3A_99 = tpu.concatenate %slice3A_97, %slice3A_98 in 1 : vector<256x32xf32>, vector<256x992xf32> -> vector<256x1024xf32>
      %neg3A = arith.constant 0.000000e+00 : f32
      %neg3A_100 = vector.broadcast %neg3A : f32 to vector<256x1024xf32>
      %neg3A_101 = arith.subf %neg3A_100, %concatenate3A : vector<256x1024xf32>
      %broadcast_in_dim3A_102 = vector.shape_cast %lt3A_95 : vector<1x1024xi1> to vector<1x1024xi1>
      %broadcast_in_dim3A_103 = vector.broadcast %broadcast_in_dim3A_102 : vector<1x1024xi1> to vector<256x1024xi1>
      %select_n3A_104 = arith.select %broadcast_in_dim3A_103, %neg3A_101, %concatenate3A_99 : vector<256x1024xi1>, vector<256x1024xf32>
      %mul3A_105 = arith.mulf %dot_general3A_33, %cos3A : vector<256x1024xf32>
      %mul3A_106 = arith.mulf %select_n3A_104, %sin3A : vector<256x1024xf32>
      %add3A_107 = arith.addf %mul3A_105, %mul3A_106 : vector<256x1024xf32>
      %mul3A_108 = arith.constant 1.250000e-01 : f32
      %mul3A_109 = vector.broadcast %mul3A_108 : f32 to vector<256x1024xf32>
      %mul3A_110 = arith.mulf %add3A_107, %mul3A_109 : vector<256x1024xf32>
      %convert_element_type3A_111 = arith.truncf %mul3A_110 : vector<256x1024xf32> to vector<256x1024xbf16>
      %swap3A = arith.constant 0 : index
      %swap3A_112 = arith.constant 0 : index
      %swap3A_113 = vector.load %arg9[%swap3A, %swap3A_112] : memref<256x1024xbf16, #tpu.memory_space<vmem>>, vector<256x1024xbf16>
      tpu.vector_store %arg9[%swap3A, %swap3A_112], %convert_element_type3A_111 {strides = array<i32>} : memref<256x1024xbf16, #tpu.memory_space<vmem>>, vector<256x1024xbf16>,
      %slice3A_114 = vector.extract_strided_slice %dot_general3A_38 {offsets = [0, 32], sizes = [256, 992], strides = [1, 1]} : vector<256x1024xf32> to vector<256x992xf32>
      %slice3A_115 = vector.extract_strided_slice %dot_general3A_38 {offsets = [0, 0], sizes = [256, 32], strides = [1, 1]} : vector<256x1024xf32> to vector<256x32xf32>
      %concatenate3A_116 = tpu.concatenate %slice3A_114, %slice3A_115 in 1 : vector<256x992xf32>, vector<256x32xf32> -> vector<256x1024xf32>
      %slice3A_117 = vector.extract_strided_slice %dot_general3A_38 {offsets = [0, 992], sizes = [256, 32], strides = [1, 1]} : vector<256x1024xf32> to vector<256x32xf32>
      %slice3A_118 = vector.extract_strided_slice %dot_general3A_38 {offsets = [0, 0], sizes = [256, 992], strides = [1, 1]} : vector<256x1024xf32> to vector<256x992xf32>
      %concatenate3A_119 = tpu.concatenate %slice3A_117, %slice3A_118 in 1 : vector<256x32xf32>, vector<256x992xf32> -> vector<256x1024xf32>
      %neg3A_120 = arith.constant 0.000000e+00 : f32
      %neg3A_121 = vector.broadcast %neg3A_120 : f32 to vector<256x1024xf32>
      %neg3A_122 = arith.subf %neg3A_121, %concatenate3A_116 : vector<256x1024xf32>
      %broadcast_in_dim3A_123 = vector.shape_cast %lt3A_95 : vector<1x1024xi1> to vector<1x1024xi1>
      %broadcast_in_dim3A_124 = vector.broadcast %broadcast_in_dim3A_123 : vector<1x1024xi1> to vector<256x1024xi1>
      %select_n3A_125 = arith.select %broadcast_in_dim3A_124, %neg3A_122, %concatenate3A_119 : vector<256x1024xi1>, vector<256x1024xf32>
      %mul3A_126 = arith.mulf %dot_general3A_38, %cos3A : vector<256x1024xf32>
      %mul3A_127 = arith.mulf %select_n3A_125, %sin3A : vector<256x1024xf32>
      %add3A_128 = arith.addf %mul3A_126, %mul3A_127 : vector<256x1024xf32>
      %convert_element_type3A_129 = arith.truncf %add3A_128 : vector<256x1024xf32> to vector<256x1024xbf16>
      %swap3A_130 = arith.constant 0 : index
      %swap3A_131 = arith.constant 0 : index
      %swap3A_132 = vector.load %arg10[%swap3A_130, %swap3A_131] : memref<256x1024xbf16, #tpu.memory_space<vmem>>, vector<256x1024xbf16>
      tpu.vector_store %arg10[%swap3A_130, %swap3A_131], %convert_element_type3A_129 {strides = array<i32>} : memref<256x1024xbf16, #tpu.memory_space<vmem>>, vector<256x1024xbf16>,
      %convert_element_type3A_133 = arith.truncf %dot_general3A_43 : vector<256x1024xf32> to vector<256x1024xbf16>
      %swap3A_134 = arith.constant 0 : index
      %swap3A_135 = arith.constant 0 : index
      %swap3A_136 = vector.load %arg11[%swap3A_134, %swap3A_135] : memref<256x1024xbf16, #tpu.memory_space<vmem>>, vector<256x1024xbf16>
      tpu.vector_store %arg11[%swap3A_134, %swap3A_135], %convert_element_type3A_133 {strides = array<i32>} : memref<256x1024xbf16, #tpu.memory_space<vmem>>, vector<256x1024xbf16>,
    } else {
    }
    %mul3A_3 = arith.constant 256 : i32
    %mul3A_4 = arith.muli %arg0, %mul3A_3 : i32
    %ge3A = arith.cmpi sge, %mul3A_4, %get3A_0 : i32
    %convert_element_type3A_5 = arith.extui %ge3A : i1 to i32
    %cond3A_6 = arith.constant 0 : i32
    %cond3A_7 = arith.cmpi ne, %convert_element_type3A_5, %cond3A_6 : i32
    scf.if %cond3A_7 {
      %broadcast_in_dim3A = arith.constant 0.000000e+00 : bf16
      %broadcast_in_dim3A_8 = vector.broadcast %broadcast_in_dim3A : bf16 to vector<256x1024xbf16>
      %swap3A = arith.constant 0 : index
      %swap3A_9 = arith.constant 0 : index
      %swap3A_10 = vector.load %arg9[%swap3A, %swap3A_9] : memref<256x1024xbf16, #tpu.memory_space<vmem>>, vector<256x1024xbf16>
      tpu.vector_store %arg9[%swap3A, %swap3A_9], %broadcast_in_dim3A_8 {strides = array<i32>} : memref<256x1024xbf16, #tpu.memory_space<vmem>>, vector<256x1024xbf16>,
      %broadcast_in_dim3A_11 = arith.constant 0.000000e+00 : bf16
      %broadcast_in_dim3A_12 = vector.broadcast %broadcast_in_dim3A_11 : bf16 to vector<256x1024xbf16>
      %swap3A_13 = arith.constant 0 : index
      %swap3A_14 = arith.constant 0 : index
      %swap3A_15 = vector.load %arg10[%swap3A_13, %swap3A_14] : memref<256x1024xbf16, #tpu.memory_space<vmem>>, vector<256x1024xbf16>
      tpu.vector_store %arg10[%swap3A_13, %swap3A_14], %broadcast_in_dim3A_12 {strides = array<i32>} : memref<256x1024xbf16, #tpu.memory_space<vmem>>, vector<256x1024xbf16>,
      %broadcast_in_dim3A_16 = arith.constant 0.000000e+00 : bf16
      %broadcast_in_dim3A_17 = vector.broadcast %broadcast_in_dim3A_16 : bf16 to vector<256x1024xbf16>
      %swap3A_18 = arith.constant 0 : index
      %swap3A_19 = arith.constant 0 : index
      %swap3A_20 = vector.load %arg11[%swap3A_18, %swap3A_19] : memref<256x1024xbf16, #tpu.memory_space<vmem>>, vector<256x1024xbf16>
      tpu.vector_store %arg11[%swap3A_18, %swap3A_19], %broadcast_in_dim3A_17 {strides = array<i32>} : memref<256x1024xbf16, #tpu.memory_space<vmem>>, vector<256x1024xbf16>,
    } else {
    }
    return
  }
  func.func @transform_0(%arg0: i32, %arg1: memref<8xi32, #tpu.memory_space<smem>>) -> (i32, i32) {
    %c0_i32 = arith.constant 0 : i32
    %c0_i32_0 = arith.constant 0 : i32
    return %arg0, %c0_i32 : i32, i32
  }
  func.func @transform_1(%arg0: i32, %arg1: memref<8xi32, #tpu.memory_space<smem>>) -> (i32, i32) {
    %c0_i32 = arith.constant 0 : i32
    %c0_i32_0 = arith.constant 0 : i32
    %c0_i32_1 = arith.constant 0 : i32
    return %c0_i32, %c0_i32_0 : i32, i32
  }
  func.func @transform_2(%arg0: i32, %arg1: memref<8xi32, #tpu.memory_space<smem>>) -> (i32, i32) {
    %c0_i32 = arith.constant 0 : i32
    %c0_i32_0 = arith.constant 0 : i32
    %c0_i32_1 = arith.constant 0 : i32
    return %c0_i32, %c0_i32_0 : i32, i32
  }
  func.func @transform_3(%arg0: i32, %arg1: memref<8xi32, #tpu.memory_space<smem>>) -> (i32, i32) {
    %c0_i32 = arith.constant 0 : i32
    %c0_i32_0 = arith.constant 0 : i32
    return %arg0, %c0_i32 : i32, i32
  }
  func.func @transform_4(%arg0: i32, %arg1: memref<8xi32, #tpu.memory_space<smem>>) -> (i32, i32) {
    %c0_i32 = arith.constant 0 : i32
    %c0_i32_0 = arith.constant 0 : i32
    %c0_i32_1 = arith.constant 0 : i32
    return %c0_i32, %c0_i32_0 : i32, i32
  }
  func.func @transform_5(%arg0: i32, %arg1: memref<8xi32, #tpu.memory_space<smem>>) -> (i32, i32) {
    %c0_i32 = arith.constant 0 : i32
    %c0_i32_0 = arith.constant 0 : i32
    %c0_i32_1 = arith.constant 0 : i32
    return %c0_i32, %c0_i32_0 : i32, i32
  }
  func.func @transform_6(%arg0: i32, %arg1: memref<8xi32, #tpu.memory_space<smem>>) -> (i32, i32) {
    %c0_i32 = arith.constant 0 : i32
    %c0_i32_0 = arith.constant 0 : i32
    %c0_i32_1 = arith.constant 0 : i32
    return %c0_i32, %c0_i32_0 : i32, i32
  }
  func.func @transform_7(%arg0: i32, %arg1: memref<8xi32, #tpu.memory_space<smem>>) -> (i32, i32) {
    %c0_i32 = arith.constant 0 : i32
    %c0_i32_0 = arith.constant 0 : i32
    return %arg0, %c0_i32 : i32, i32
  }
  func.func @transform_8(%arg0: i32, %arg1: memref<8xi32, #tpu.memory_space<smem>>) -> (i32, i32) {
    %c0_i32 = arith.constant 0 : i32
    %c0_i32_0 = arith.constant 0 : i32
    return %arg0, %c0_i32 : i32, i32
  }
  func.func @transform_9(%arg0: i32, %arg1: memref<8xi32, #tpu.memory_space<smem>>) -> (i32, i32) {
    %c0_i32 = arith.constant 0 : i32
    %c0_i32_0 = arith.constant 0 : i32
    return %arg0, %c0_i32 : i32, i32
  }
}

module attributes {stable_mosaic.version = 14 : i64} {
  func.func @_attn_body(%arg0: i32, %arg1: i32, %arg2: memref<8xi32, #tpu.memory_space<smem>>, %arg3: memref<256x128xbf16, #tpu.memory_space<vmem>>, %arg4: memref<2048x128xbf16, #tpu.memory_space<vmem>>, %arg5: memref<2048x128xbf16, #tpu.memory_space<vmem>>, %arg6: memref<256x128xbf16, #tpu.memory_space<vmem>>) attributes {dimension_semantics = [#tpu.dimension_semantics<arbitrary>, #tpu.dimension_semantics<arbitrary>], iteration_bounds = array<i64: 8, 8>, scalar_prefetch = 1 : i64, scratch_operands = 0 : i64, tpu.core_type = #tpu.core_type<tc>, window_params = [{transform_indices = @transform_0, window_bounds = array<i64: 256, 128>}, {transform_indices = @transform_1, window_bounds = array<i64: 2048, 128>}, {transform_indices = @transform_2, window_bounds = array<i64: 2048, 128>}, {transform_indices = @transform_3, window_bounds = array<i64: 256, 128>}]} {
    %get3A = arith.constant 1 : index
    %get3A_0 = memref.load %arg2[%get3A] : memref<8xi32, #tpu.memory_space<smem>>
    %mul3A = arith.constant 256 : i32
    %mul3A_1 = arith.muli %arg1, %mul3A : i32
    %lt3A = arith.cmpi slt, %mul3A_1, %get3A_0 : i32
    %convert_element_type3A = arith.extui %lt3A : i1 to i32
    %cond3A = arith.constant 0 : i32
    %cond3A_2 = arith.cmpi ne, %convert_element_type3A, %cond3A : i32
    scf.if %cond3A_2 {
      %le3A = arith.constant 512 : i32
      %le3A_8 = arith.cmpi sle, %get3A_0, %le3A : i32
      %convert_element_type3A_9 = arith.extui %le3A_8 : i1 to i32
      %cond3A_10 = arith.constant 0 : i32
      %cond3A_11 = arith.cmpi ne, %convert_element_type3A_9, %cond3A_10 : i32
      scf.if %cond3A_11 {
        %iota3A = tpu.iota {dimensions = array<i32: 1>} : vector<1x512xi32>
        %lt3A_31 = vector.broadcast %get3A_0 : i32 to vector<1x512xi32>
        %lt3A_32 = arith.cmpi slt, %iota3A, %lt3A_31 : vector<1x512xi32>
        %get3A_33 = arith.constant 0 : index
        %get3A_34 = arith.constant 0 : index
        %get3A_35 = vector.load %arg3[%get3A_33, %get3A_34] : memref<256x128xbf16, #tpu.memory_space<vmem>>, vector<256x64xbf16>
        %get3A_36 = arith.constant 0 : index
        %get3A_37 = arith.constant 0 : index
        %get3A_38 = vector.load %arg4[%get3A_36, %get3A_37] : memref<2048x128xbf16, #tpu.memory_space<vmem>>, vector<512x64xbf16>
        %dot_general3A = arith.constant dense<0.000000e+00> : vector<256x512xf32>
        %dot_general3A_39 = tpu.matmul %get3A_35, %get3A_38, %dot_general3A {dimension_numbers = #tpu.dot_dimension_numbers<[1], [1], [0], [0], [0, 0, 1, 0], [], []>, transpose_lhs_hint = false} : vector<256x64xbf16>, vector<512x64xbf16>, vector<256x512xf32> -> vector<256x512xf32>
        %jit3A = arith.constant -1.000000e+30 : f32
        %broadcast_in_dim3A = vector.shape_cast %lt3A_32 : vector<1x512xi1> to vector<1x512xi1>
        %broadcast_in_dim3A_40 = vector.broadcast %broadcast_in_dim3A : vector<1x512xi1> to vector<256x512xi1>
        %broadcast_in_dim3A_41 = vector.broadcast %jit3A : f32 to vector<256x512xf32>
        %select_n3A = arith.select %broadcast_in_dim3A_40, %dot_general3A_39, %broadcast_in_dim3A_41 : vector<256x512xi1>, vector<256x512xf32>
        %reduce_max3A = arith.constant dense<0xFF800000> : vector<256xf32>
        %reduce_max3A_42 = vector.multi_reduction <maximumf>, %select_n3A, %reduce_max3A [1] : vector<256x512xf32> to vector<256xf32>
        %broadcast_in_dim3A_43 = vector.shape_cast %reduce_max3A_42 : vector<256xf32> to vector<256x1xf32>
        %sub3A = vector.broadcast %broadcast_in_dim3A_43 : vector<256x1xf32> to vector<256x512xf32>
        %sub3A_44 = arith.subf %select_n3A, %sub3A : vector<256x512xf32>
        %exp3A = math.exp %sub3A_44 : vector<256x512xf32>
        %reduce_sum3A = arith.constant dense<0.000000e+00> : vector<256xf32>
        %reduce_sum3A_45 = vector.multi_reduction <add>, %exp3A, %reduce_sum3A [1] : vector<256x512xf32> to vector<256xf32>
        %broadcast_in_dim3A_46 = vector.shape_cast %reduce_sum3A_45 : vector<256xf32> to vector<256x1xf32>
        %convert_element_type3A_47 = arith.truncf %exp3A : vector<256x512xf32> to vector<256x512xbf16>
        %get3A_48 = arith.constant 0 : index
        %get3A_49 = arith.constant 0 : index
        %get3A_50 = vector.load %arg5[%get3A_48, %get3A_49] : memref<2048x128xbf16, #tpu.memory_space<vmem>>, vector<512x64xbf16>
        %dot_general3A_51 = arith.constant dense<0.000000e+00> : vector<256x64xf32>
        %dot_general3A_52 = tpu.matmul %convert_element_type3A_47, %get3A_50, %dot_general3A_51 {dimension_numbers = #tpu.dot_dimension_numbers<[1], [0], [0], [1], [0, 0, 1, 1], [], []>, transpose_lhs_hint = false} : vector<256x512xbf16>, vector<512x64xbf16>, vector<256x64xf32> -> vector<256x64xf32>
        %div3A = vector.broadcast %broadcast_in_dim3A_46 : vector<256x1xf32> to vector<256x64xf32>
        %div3A_53 = arith.divf %dot_general3A_52, %div3A : vector<256x64xf32>
        %convert_element_type3A_54 = arith.truncf %div3A_53 : vector<256x64xf32> to vector<256x64xbf16>
        %swap3A = arith.constant 0 : index
        %swap3A_55 = arith.constant 0 : index
        %swap3A_56 = vector.load %arg6[%swap3A, %swap3A_55] : memref<256x128xbf16, #tpu.memory_space<vmem>>, vector<256x64xbf16>
        tpu.vector_store %arg6[%swap3A, %swap3A_55], %convert_element_type3A_54 {strides = array<i32>} : memref<256x128xbf16, #tpu.memory_space<vmem>>, vector<256x64xbf16>,
        %get3A_57 = arith.constant 0 : index
        %get3A_58 = arith.constant 64 : index
        %get3A_59 = vector.load %arg3[%get3A_57, %get3A_58] : memref<256x128xbf16, #tpu.memory_space<vmem>>, vector<256x64xbf16>
        %get3A_60 = arith.constant 0 : index
        %get3A_61 = arith.constant 64 : index
        %get3A_62 = vector.load %arg4[%get3A_60, %get3A_61] : memref<2048x128xbf16, #tpu.memory_space<vmem>>, vector<512x64xbf16>
        %dot_general3A_63 = arith.constant dense<0.000000e+00> : vector<256x512xf32>
        %dot_general3A_64 = tpu.matmul %get3A_59, %get3A_62, %dot_general3A_63 {dimension_numbers = #tpu.dot_dimension_numbers<[1], [1], [0], [0], [0, 0, 1, 0], [], []>, transpose_lhs_hint = false} : vector<256x64xbf16>, vector<512x64xbf16>, vector<256x512xf32> -> vector<256x512xf32>
        %jit3A_65 = arith.constant -1.000000e+30 : f32
        %broadcast_in_dim3A_66 = vector.shape_cast %lt3A_32 : vector<1x512xi1> to vector<1x512xi1>
        %broadcast_in_dim3A_67 = vector.broadcast %broadcast_in_dim3A_66 : vector<1x512xi1> to vector<256x512xi1>
        %broadcast_in_dim3A_68 = vector.broadcast %jit3A_65 : f32 to vector<256x512xf32>
        %select_n3A_69 = arith.select %broadcast_in_dim3A_67, %dot_general3A_64, %broadcast_in_dim3A_68 : vector<256x512xi1>, vector<256x512xf32>
        %reduce_max3A_70 = arith.constant dense<0xFF800000> : vector<256xf32>
        %reduce_max3A_71 = vector.multi_reduction <maximumf>, %select_n3A_69, %reduce_max3A_70 [1] : vector<256x512xf32> to vector<256xf32>
        %broadcast_in_dim3A_72 = vector.shape_cast %reduce_max3A_71 : vector<256xf32> to vector<256x1xf32>
        %sub3A_73 = vector.broadcast %broadcast_in_dim3A_72 : vector<256x1xf32> to vector<256x512xf32>
        %sub3A_74 = arith.subf %select_n3A_69, %sub3A_73 : vector<256x512xf32>
        %exp3A_75 = math.exp %sub3A_74 : vector<256x512xf32>
        %reduce_sum3A_76 = arith.constant dense<0.000000e+00> : vector<256xf32>
        %reduce_sum3A_77 = vector.multi_reduction <add>, %exp3A_75, %reduce_sum3A_76 [1] : vector<256x512xf32> to vector<256xf32>
        %broadcast_in_dim3A_78 = vector.shape_cast %reduce_sum3A_77 : vector<256xf32> to vector<256x1xf32>
        %convert_element_type3A_79 = arith.truncf %exp3A_75 : vector<256x512xf32> to vector<256x512xbf16>
        %get3A_80 = arith.constant 0 : index
        %get3A_81 = arith.constant 64 : index
        %get3A_82 = vector.load %arg5[%get3A_80, %get3A_81] : memref<2048x128xbf16, #tpu.memory_space<vmem>>, vector<512x64xbf16>
        %dot_general3A_83 = arith.constant dense<0.000000e+00> : vector<256x64xf32>
        %dot_general3A_84 = tpu.matmul %convert_element_type3A_79, %get3A_82, %dot_general3A_83 {dimension_numbers = #tpu.dot_dimension_numbers<[1], [0], [0], [1], [0, 0, 1, 1], [], []>, transpose_lhs_hint = false} : vector<256x512xbf16>, vector<512x64xbf16>, vector<256x64xf32> -> vector<256x64xf32>
        %div3A_85 = vector.broadcast %broadcast_in_dim3A_78 : vector<256x1xf32> to vector<256x64xf32>
        %div3A_86 = arith.divf %dot_general3A_84, %div3A_85 : vector<256x64xf32>
        %convert_element_type3A_87 = arith.truncf %div3A_86 : vector<256x64xf32> to vector<256x64xbf16>
        %swap3A_88 = arith.constant 0 : index
        %swap3A_89 = arith.constant 64 : index
        %swap3A_90 = vector.load %arg6[%swap3A_88, %swap3A_89] : memref<256x128xbf16, #tpu.memory_space<vmem>>, vector<256x64xbf16>
        tpu.vector_store %arg6[%swap3A_88, %swap3A_89], %convert_element_type3A_87 {strides = array<i32>} : memref<256x128xbf16, #tpu.memory_space<vmem>>, vector<256x64xbf16>,
      } else {
      }
      %gt3A = arith.constant 512 : i32
      %gt3A_12 = arith.cmpi sgt, %get3A_0, %gt3A : i32
      %le3A_13 = arith.constant 1024 : i32
      %le3A_14 = arith.cmpi sle, %get3A_0, %le3A_13 : i32
      %and3A = arith.andi %gt3A_12, %le3A_14 : i1
      %convert_element_type3A_15 = arith.extui %and3A : i1 to i32
      %cond3A_16 = arith.constant 0 : i32
      %cond3A_17 = arith.cmpi ne, %convert_element_type3A_15, %cond3A_16 : i32
      scf.if %cond3A_17 {
        %iota3A = tpu.iota {dimensions = array<i32: 1>} : vector<1x1024xi32>
        %lt3A_31 = vector.broadcast %get3A_0 : i32 to vector<1x1024xi32>
        %lt3A_32 = arith.cmpi slt, %iota3A, %lt3A_31 : vector<1x1024xi32>
        %get3A_33 = arith.constant 0 : index
        %get3A_34 = arith.constant 0 : index
        %get3A_35 = vector.load %arg3[%get3A_33, %get3A_34] : memref<256x128xbf16, #tpu.memory_space<vmem>>, vector<256x64xbf16>
        %get3A_36 = arith.constant 0 : index
        %get3A_37 = arith.constant 0 : index
        %get3A_38 = vector.load %arg4[%get3A_36, %get3A_37] : memref<2048x128xbf16, #tpu.memory_space<vmem>>, vector<1024x64xbf16>
        %dot_general3A = arith.constant dense<0.000000e+00> : vector<256x1024xf32>
        %dot_general3A_39 = tpu.matmul %get3A_35, %get3A_38, %dot_general3A {dimension_numbers = #tpu.dot_dimension_numbers<[1], [1], [0], [0], [0, 0, 1, 0], [], []>, transpose_lhs_hint = false} : vector<256x64xbf16>, vector<1024x64xbf16>, vector<256x1024xf32> -> vector<256x1024xf32>
        %jit3A = arith.constant -1.000000e+30 : f32
        %broadcast_in_dim3A = vector.shape_cast %lt3A_32 : vector<1x1024xi1> to vector<1x1024xi1>
        %broadcast_in_dim3A_40 = vector.broadcast %broadcast_in_dim3A : vector<1x1024xi1> to vector<256x1024xi1>
        %broadcast_in_dim3A_41 = vector.broadcast %jit3A : f32 to vector<256x1024xf32>
        %select_n3A = arith.select %broadcast_in_dim3A_40, %dot_general3A_39, %broadcast_in_dim3A_41 : vector<256x1024xi1>, vector<256x1024xf32>
        %reduce_max3A = arith.constant dense<0xFF800000> : vector<256xf32>
        %reduce_max3A_42 = vector.multi_reduction <maximumf>, %select_n3A, %reduce_max3A [1] : vector<256x1024xf32> to vector<256xf32>
        %broadcast_in_dim3A_43 = vector.shape_cast %reduce_max3A_42 : vector<256xf32> to vector<256x1xf32>
        %sub3A = vector.broadcast %broadcast_in_dim3A_43 : vector<256x1xf32> to vector<256x1024xf32>
        %sub3A_44 = arith.subf %select_n3A, %sub3A : vector<256x1024xf32>
        %exp3A = math.exp %sub3A_44 : vector<256x1024xf32>
        %reduce_sum3A = arith.constant dense<0.000000e+00> : vector<256xf32>
        %reduce_sum3A_45 = vector.multi_reduction <add>, %exp3A, %reduce_sum3A [1] : vector<256x1024xf32> to vector<256xf32>
        %broadcast_in_dim3A_46 = vector.shape_cast %reduce_sum3A_45 : vector<256xf32> to vector<256x1xf32>
        %convert_element_type3A_47 = arith.truncf %exp3A : vector<256x1024xf32> to vector<256x1024xbf16>
        %get3A_48 = arith.constant 0 : index
        %get3A_49 = arith.constant 0 : index
        %get3A_50 = vector.load %arg5[%get3A_48, %get3A_49] : memref<2048x128xbf16, #tpu.memory_space<vmem>>, vector<1024x64xbf16>
        %dot_general3A_51 = arith.constant dense<0.000000e+00> : vector<256x64xf32>
        %dot_general3A_52 = tpu.matmul %convert_element_type3A_47, %get3A_50, %dot_general3A_51 {dimension_numbers = #tpu.dot_dimension_numbers<[1], [0], [0], [1], [0, 0, 1, 1], [], []>, transpose_lhs_hint = false} : vector<256x1024xbf16>, vector<1024x64xbf16>, vector<256x64xf32> -> vector<256x64xf32>
        %div3A = vector.broadcast %broadcast_in_dim3A_46 : vector<256x1xf32> to vector<256x64xf32>
        %div3A_53 = arith.divf %dot_general3A_52, %div3A : vector<256x64xf32>
        %convert_element_type3A_54 = arith.truncf %div3A_53 : vector<256x64xf32> to vector<256x64xbf16>
        %swap3A = arith.constant 0 : index
        %swap3A_55 = arith.constant 0 : index
        %swap3A_56 = vector.load %arg6[%swap3A, %swap3A_55] : memref<256x128xbf16, #tpu.memory_space<vmem>>, vector<256x64xbf16>
        tpu.vector_store %arg6[%swap3A, %swap3A_55], %convert_element_type3A_54 {strides = array<i32>} : memref<256x128xbf16, #tpu.memory_space<vmem>>, vector<256x64xbf16>,
        %get3A_57 = arith.constant 0 : index
        %get3A_58 = arith.constant 64 : index
        %get3A_59 = vector.load %arg3[%get3A_57, %get3A_58] : memref<256x128xbf16, #tpu.memory_space<vmem>>, vector<256x64xbf16>
        %get3A_60 = arith.constant 0 : index
        %get3A_61 = arith.constant 64 : index
        %get3A_62 = vector.load %arg4[%get3A_60, %get3A_61] : memref<2048x128xbf16, #tpu.memory_space<vmem>>, vector<1024x64xbf16>
        %dot_general3A_63 = arith.constant dense<0.000000e+00> : vector<256x1024xf32>
        %dot_general3A_64 = tpu.matmul %get3A_59, %get3A_62, %dot_general3A_63 {dimension_numbers = #tpu.dot_dimension_numbers<[1], [1], [0], [0], [0, 0, 1, 0], [], []>, transpose_lhs_hint = false} : vector<256x64xbf16>, vector<1024x64xbf16>, vector<256x1024xf32> -> vector<256x1024xf32>
        %jit3A_65 = arith.constant -1.000000e+30 : f32
        %broadcast_in_dim3A_66 = vector.shape_cast %lt3A_32 : vector<1x1024xi1> to vector<1x1024xi1>
        %broadcast_in_dim3A_67 = vector.broadcast %broadcast_in_dim3A_66 : vector<1x1024xi1> to vector<256x1024xi1>
        %broadcast_in_dim3A_68 = vector.broadcast %jit3A_65 : f32 to vector<256x1024xf32>
        %select_n3A_69 = arith.select %broadcast_in_dim3A_67, %dot_general3A_64, %broadcast_in_dim3A_68 : vector<256x1024xi1>, vector<256x1024xf32>
        %reduce_max3A_70 = arith.constant dense<0xFF800000> : vector<256xf32>
        %reduce_max3A_71 = vector.multi_reduction <maximumf>, %select_n3A_69, %reduce_max3A_70 [1] : vector<256x1024xf32> to vector<256xf32>
        %broadcast_in_dim3A_72 = vector.shape_cast %reduce_max3A_71 : vector<256xf32> to vector<256x1xf32>
        %sub3A_73 = vector.broadcast %broadcast_in_dim3A_72 : vector<256x1xf32> to vector<256x1024xf32>
        %sub3A_74 = arith.subf %select_n3A_69, %sub3A_73 : vector<256x1024xf32>
        %exp3A_75 = math.exp %sub3A_74 : vector<256x1024xf32>
        %reduce_sum3A_76 = arith.constant dense<0.000000e+00> : vector<256xf32>
        %reduce_sum3A_77 = vector.multi_reduction <add>, %exp3A_75, %reduce_sum3A_76 [1] : vector<256x1024xf32> to vector<256xf32>
        %broadcast_in_dim3A_78 = vector.shape_cast %reduce_sum3A_77 : vector<256xf32> to vector<256x1xf32>
        %convert_element_type3A_79 = arith.truncf %exp3A_75 : vector<256x1024xf32> to vector<256x1024xbf16>
        %get3A_80 = arith.constant 0 : index
        %get3A_81 = arith.constant 64 : index
        %get3A_82 = vector.load %arg5[%get3A_80, %get3A_81] : memref<2048x128xbf16, #tpu.memory_space<vmem>>, vector<1024x64xbf16>
        %dot_general3A_83 = arith.constant dense<0.000000e+00> : vector<256x64xf32>
        %dot_general3A_84 = tpu.matmul %convert_element_type3A_79, %get3A_82, %dot_general3A_83 {dimension_numbers = #tpu.dot_dimension_numbers<[1], [0], [0], [1], [0, 0, 1, 1], [], []>, transpose_lhs_hint = false} : vector<256x1024xbf16>, vector<1024x64xbf16>, vector<256x64xf32> -> vector<256x64xf32>
        %div3A_85 = vector.broadcast %broadcast_in_dim3A_78 : vector<256x1xf32> to vector<256x64xf32>
        %div3A_86 = arith.divf %dot_general3A_84, %div3A_85 : vector<256x64xf32>
        %convert_element_type3A_87 = arith.truncf %div3A_86 : vector<256x64xf32> to vector<256x64xbf16>
        %swap3A_88 = arith.constant 0 : index
        %swap3A_89 = arith.constant 64 : index
        %swap3A_90 = vector.load %arg6[%swap3A_88, %swap3A_89] : memref<256x128xbf16, #tpu.memory_space<vmem>>, vector<256x64xbf16>
        tpu.vector_store %arg6[%swap3A_88, %swap3A_89], %convert_element_type3A_87 {strides = array<i32>} : memref<256x128xbf16, #tpu.memory_space<vmem>>, vector<256x64xbf16>,
      } else {
      }
      %gt3A_18 = arith.constant 1024 : i32
      %gt3A_19 = arith.cmpi sgt, %get3A_0, %gt3A_18 : i32
      %le3A_20 = arith.constant 1536 : i32
      %le3A_21 = arith.cmpi sle, %get3A_0, %le3A_20 : i32
      %and3A_22 = arith.andi %gt3A_19, %le3A_21 : i1
      %convert_element_type3A_23 = arith.extui %and3A_22 : i1 to i32
      %cond3A_24 = arith.constant 0 : i32
      %cond3A_25 = arith.cmpi ne, %convert_element_type3A_23, %cond3A_24 : i32
      scf.if %cond3A_25 {
        %iota3A = tpu.iota {dimensions = array<i32: 1>} : vector<1x1536xi32>
        %lt3A_31 = vector.broadcast %get3A_0 : i32 to vector<1x1536xi32>
        %lt3A_32 = arith.cmpi slt, %iota3A, %lt3A_31 : vector<1x1536xi32>
        %get3A_33 = arith.constant 0 : index
        %get3A_34 = arith.constant 0 : index
        %get3A_35 = vector.load %arg3[%get3A_33, %get3A_34] : memref<256x128xbf16, #tpu.memory_space<vmem>>, vector<256x64xbf16>
        %get3A_36 = arith.constant 0 : index
        %get3A_37 = arith.constant 0 : index
        %get3A_38 = vector.load %arg4[%get3A_36, %get3A_37] : memref<2048x128xbf16, #tpu.memory_space<vmem>>, vector<1536x64xbf16>
        %dot_general3A = arith.constant dense<0.000000e+00> : vector<256x1536xf32>
        %dot_general3A_39 = tpu.matmul %get3A_35, %get3A_38, %dot_general3A {dimension_numbers = #tpu.dot_dimension_numbers<[1], [1], [0], [0], [0, 0, 1, 0], [], []>, transpose_lhs_hint = false} : vector<256x64xbf16>, vector<1536x64xbf16>, vector<256x1536xf32> -> vector<256x1536xf32>
        %jit3A = arith.constant -1.000000e+30 : f32
        %broadcast_in_dim3A = vector.shape_cast %lt3A_32 : vector<1x1536xi1> to vector<1x1536xi1>
        %broadcast_in_dim3A_40 = vector.broadcast %broadcast_in_dim3A : vector<1x1536xi1> to vector<256x1536xi1>
        %broadcast_in_dim3A_41 = vector.broadcast %jit3A : f32 to vector<256x1536xf32>
        %select_n3A = arith.select %broadcast_in_dim3A_40, %dot_general3A_39, %broadcast_in_dim3A_41 : vector<256x1536xi1>, vector<256x1536xf32>
        %reduce_max3A = arith.constant dense<0xFF800000> : vector<256xf32>
        %reduce_max3A_42 = vector.multi_reduction <maximumf>, %select_n3A, %reduce_max3A [1] : vector<256x1536xf32> to vector<256xf32>
        %broadcast_in_dim3A_43 = vector.shape_cast %reduce_max3A_42 : vector<256xf32> to vector<256x1xf32>
        %sub3A = vector.broadcast %broadcast_in_dim3A_43 : vector<256x1xf32> to vector<256x1536xf32>
        %sub3A_44 = arith.subf %select_n3A, %sub3A : vector<256x1536xf32>
        %exp3A = math.exp %sub3A_44 : vector<256x1536xf32>
        %reduce_sum3A = arith.constant dense<0.000000e+00> : vector<256xf32>
        %reduce_sum3A_45 = vector.multi_reduction <add>, %exp3A, %reduce_sum3A [1] : vector<256x1536xf32> to vector<256xf32>
        %broadcast_in_dim3A_46 = vector.shape_cast %reduce_sum3A_45 : vector<256xf32> to vector<256x1xf32>
        %convert_element_type3A_47 = arith.truncf %exp3A : vector<256x1536xf32> to vector<256x1536xbf16>
        %get3A_48 = arith.constant 0 : index
        %get3A_49 = arith.constant 0 : index
        %get3A_50 = vector.load %arg5[%get3A_48, %get3A_49] : memref<2048x128xbf16, #tpu.memory_space<vmem>>, vector<1536x64xbf16>
        %dot_general3A_51 = arith.constant dense<0.000000e+00> : vector<256x64xf32>
        %dot_general3A_52 = tpu.matmul %convert_element_type3A_47, %get3A_50, %dot_general3A_51 {dimension_numbers = #tpu.dot_dimension_numbers<[1], [0], [0], [1], [0, 0, 1, 1], [], []>, transpose_lhs_hint = false} : vector<256x1536xbf16>, vector<1536x64xbf16>, vector<256x64xf32> -> vector<256x64xf32>
        %div3A = vector.broadcast %broadcast_in_dim3A_46 : vector<256x1xf32> to vector<256x64xf32>
        %div3A_53 = arith.divf %dot_general3A_52, %div3A : vector<256x64xf32>
        %convert_element_type3A_54 = arith.truncf %div3A_53 : vector<256x64xf32> to vector<256x64xbf16>
        %swap3A = arith.constant 0 : index
        %swap3A_55 = arith.constant 0 : index
        %swap3A_56 = vector.load %arg6[%swap3A, %swap3A_55] : memref<256x128xbf16, #tpu.memory_space<vmem>>, vector<256x64xbf16>
        tpu.vector_store %arg6[%swap3A, %swap3A_55], %convert_element_type3A_54 {strides = array<i32>} : memref<256x128xbf16, #tpu.memory_space<vmem>>, vector<256x64xbf16>,
        %get3A_57 = arith.constant 0 : index
        %get3A_58 = arith.constant 64 : index
        %get3A_59 = vector.load %arg3[%get3A_57, %get3A_58] : memref<256x128xbf16, #tpu.memory_space<vmem>>, vector<256x64xbf16>
        %get3A_60 = arith.constant 0 : index
        %get3A_61 = arith.constant 64 : index
        %get3A_62 = vector.load %arg4[%get3A_60, %get3A_61] : memref<2048x128xbf16, #tpu.memory_space<vmem>>, vector<1536x64xbf16>
        %dot_general3A_63 = arith.constant dense<0.000000e+00> : vector<256x1536xf32>
        %dot_general3A_64 = tpu.matmul %get3A_59, %get3A_62, %dot_general3A_63 {dimension_numbers = #tpu.dot_dimension_numbers<[1], [1], [0], [0], [0, 0, 1, 0], [], []>, transpose_lhs_hint = false} : vector<256x64xbf16>, vector<1536x64xbf16>, vector<256x1536xf32> -> vector<256x1536xf32>
        %jit3A_65 = arith.constant -1.000000e+30 : f32
        %broadcast_in_dim3A_66 = vector.shape_cast %lt3A_32 : vector<1x1536xi1> to vector<1x1536xi1>
        %broadcast_in_dim3A_67 = vector.broadcast %broadcast_in_dim3A_66 : vector<1x1536xi1> to vector<256x1536xi1>
        %broadcast_in_dim3A_68 = vector.broadcast %jit3A_65 : f32 to vector<256x1536xf32>
        %select_n3A_69 = arith.select %broadcast_in_dim3A_67, %dot_general3A_64, %broadcast_in_dim3A_68 : vector<256x1536xi1>, vector<256x1536xf32>
        %reduce_max3A_70 = arith.constant dense<0xFF800000> : vector<256xf32>
        %reduce_max3A_71 = vector.multi_reduction <maximumf>, %select_n3A_69, %reduce_max3A_70 [1] : vector<256x1536xf32> to vector<256xf32>
        %broadcast_in_dim3A_72 = vector.shape_cast %reduce_max3A_71 : vector<256xf32> to vector<256x1xf32>
        %sub3A_73 = vector.broadcast %broadcast_in_dim3A_72 : vector<256x1xf32> to vector<256x1536xf32>
        %sub3A_74 = arith.subf %select_n3A_69, %sub3A_73 : vector<256x1536xf32>
        %exp3A_75 = math.exp %sub3A_74 : vector<256x1536xf32>
        %reduce_sum3A_76 = arith.constant dense<0.000000e+00> : vector<256xf32>
        %reduce_sum3A_77 = vector.multi_reduction <add>, %exp3A_75, %reduce_sum3A_76 [1] : vector<256x1536xf32> to vector<256xf32>
        %broadcast_in_dim3A_78 = vector.shape_cast %reduce_sum3A_77 : vector<256xf32> to vector<256x1xf32>
        %convert_element_type3A_79 = arith.truncf %exp3A_75 : vector<256x1536xf32> to vector<256x1536xbf16>
        %get3A_80 = arith.constant 0 : index
        %get3A_81 = arith.constant 64 : index
        %get3A_82 = vector.load %arg5[%get3A_80, %get3A_81] : memref<2048x128xbf16, #tpu.memory_space<vmem>>, vector<1536x64xbf16>
        %dot_general3A_83 = arith.constant dense<0.000000e+00> : vector<256x64xf32>
        %dot_general3A_84 = tpu.matmul %convert_element_type3A_79, %get3A_82, %dot_general3A_83 {dimension_numbers = #tpu.dot_dimension_numbers<[1], [0], [0], [1], [0, 0, 1, 1], [], []>, transpose_lhs_hint = false} : vector<256x1536xbf16>, vector<1536x64xbf16>, vector<256x64xf32> -> vector<256x64xf32>
        %div3A_85 = vector.broadcast %broadcast_in_dim3A_78 : vector<256x1xf32> to vector<256x64xf32>
        %div3A_86 = arith.divf %dot_general3A_84, %div3A_85 : vector<256x64xf32>
        %convert_element_type3A_87 = arith.truncf %div3A_86 : vector<256x64xf32> to vector<256x64xbf16>
        %swap3A_88 = arith.constant 0 : index
        %swap3A_89 = arith.constant 64 : index
        %swap3A_90 = vector.load %arg6[%swap3A_88, %swap3A_89] : memref<256x128xbf16, #tpu.memory_space<vmem>>, vector<256x64xbf16>
        tpu.vector_store %arg6[%swap3A_88, %swap3A_89], %convert_element_type3A_87 {strides = array<i32>} : memref<256x128xbf16, #tpu.memory_space<vmem>>, vector<256x64xbf16>,
      } else {
      }
      %gt3A_26 = arith.constant 1536 : i32
      %gt3A_27 = arith.cmpi sgt, %get3A_0, %gt3A_26 : i32
      %convert_element_type3A_28 = arith.extui %gt3A_27 : i1 to i32
      %cond3A_29 = arith.constant 0 : i32
      %cond3A_30 = arith.cmpi ne, %convert_element_type3A_28, %cond3A_29 : i32
      scf.if %cond3A_30 {
        %iota3A = tpu.iota {dimensions = array<i32: 1>} : vector<1x2048xi32>
        %lt3A_31 = vector.broadcast %get3A_0 : i32 to vector<1x2048xi32>
        %lt3A_32 = arith.cmpi slt, %iota3A, %lt3A_31 : vector<1x2048xi32>
        %get3A_33 = arith.constant 0 : index
        %get3A_34 = arith.constant 0 : index
        %get3A_35 = vector.load %arg3[%get3A_33, %get3A_34] : memref<256x128xbf16, #tpu.memory_space<vmem>>, vector<256x64xbf16>
        %get3A_36 = arith.constant 0 : index
        %get3A_37 = arith.constant 0 : index
        %get3A_38 = vector.load %arg4[%get3A_36, %get3A_37] : memref<2048x128xbf16, #tpu.memory_space<vmem>>, vector<2048x64xbf16>
        %dot_general3A = arith.constant dense<0.000000e+00> : vector<256x2048xf32>
        %dot_general3A_39 = tpu.matmul %get3A_35, %get3A_38, %dot_general3A {dimension_numbers = #tpu.dot_dimension_numbers<[1], [1], [0], [0], [0, 0, 1, 0], [], []>, transpose_lhs_hint = false} : vector<256x64xbf16>, vector<2048x64xbf16>, vector<256x2048xf32> -> vector<256x2048xf32>
        %jit3A = arith.constant -1.000000e+30 : f32
        %broadcast_in_dim3A = vector.shape_cast %lt3A_32 : vector<1x2048xi1> to vector<1x2048xi1>
        %broadcast_in_dim3A_40 = vector.broadcast %broadcast_in_dim3A : vector<1x2048xi1> to vector<256x2048xi1>
        %broadcast_in_dim3A_41 = vector.broadcast %jit3A : f32 to vector<256x2048xf32>
        %select_n3A = arith.select %broadcast_in_dim3A_40, %dot_general3A_39, %broadcast_in_dim3A_41 : vector<256x2048xi1>, vector<256x2048xf32>
        %reduce_max3A = arith.constant dense<0xFF800000> : vector<256xf32>
        %reduce_max3A_42 = vector.multi_reduction <maximumf>, %select_n3A, %reduce_max3A [1] : vector<256x2048xf32> to vector<256xf32>
        %broadcast_in_dim3A_43 = vector.shape_cast %reduce_max3A_42 : vector<256xf32> to vector<256x1xf32>
        %sub3A = vector.broadcast %broadcast_in_dim3A_43 : vector<256x1xf32> to vector<256x2048xf32>
        %sub3A_44 = arith.subf %select_n3A, %sub3A : vector<256x2048xf32>
        %exp3A = math.exp %sub3A_44 : vector<256x2048xf32>
        %reduce_sum3A = arith.constant dense<0.000000e+00> : vector<256xf32>
        %reduce_sum3A_45 = vector.multi_reduction <add>, %exp3A, %reduce_sum3A [1] : vector<256x2048xf32> to vector<256xf32>
        %broadcast_in_dim3A_46 = vector.shape_cast %reduce_sum3A_45 : vector<256xf32> to vector<256x1xf32>
        %convert_element_type3A_47 = arith.truncf %exp3A : vector<256x2048xf32> to vector<256x2048xbf16>
        %get3A_48 = arith.constant 0 : index
        %get3A_49 = arith.constant 0 : index
        %get3A_50 = vector.load %arg5[%get3A_48, %get3A_49] : memref<2048x128xbf16, #tpu.memory_space<vmem>>, vector<2048x64xbf16>
        %dot_general3A_51 = arith.constant dense<0.000000e+00> : vector<256x64xf32>
        %dot_general3A_52 = tpu.matmul %convert_element_type3A_47, %get3A_50, %dot_general3A_51 {dimension_numbers = #tpu.dot_dimension_numbers<[1], [0], [0], [1], [0, 0, 1, 1], [], []>, transpose_lhs_hint = false} : vector<256x2048xbf16>, vector<2048x64xbf16>, vector<256x64xf32> -> vector<256x64xf32>
        %div3A = vector.broadcast %broadcast_in_dim3A_46 : vector<256x1xf32> to vector<256x64xf32>
        %div3A_53 = arith.divf %dot_general3A_52, %div3A : vector<256x64xf32>
        %convert_element_type3A_54 = arith.truncf %div3A_53 : vector<256x64xf32> to vector<256x64xbf16>
        %swap3A = arith.constant 0 : index
        %swap3A_55 = arith.constant 0 : index
        %swap3A_56 = vector.load %arg6[%swap3A, %swap3A_55] : memref<256x128xbf16, #tpu.memory_space<vmem>>, vector<256x64xbf16>
        tpu.vector_store %arg6[%swap3A, %swap3A_55], %convert_element_type3A_54 {strides = array<i32>} : memref<256x128xbf16, #tpu.memory_space<vmem>>, vector<256x64xbf16>,
        %get3A_57 = arith.constant 0 : index
        %get3A_58 = arith.constant 64 : index
        %get3A_59 = vector.load %arg3[%get3A_57, %get3A_58] : memref<256x128xbf16, #tpu.memory_space<vmem>>, vector<256x64xbf16>
        %get3A_60 = arith.constant 0 : index
        %get3A_61 = arith.constant 64 : index
        %get3A_62 = vector.load %arg4[%get3A_60, %get3A_61] : memref<2048x128xbf16, #tpu.memory_space<vmem>>, vector<2048x64xbf16>
        %dot_general3A_63 = arith.constant dense<0.000000e+00> : vector<256x2048xf32>
        %dot_general3A_64 = tpu.matmul %get3A_59, %get3A_62, %dot_general3A_63 {dimension_numbers = #tpu.dot_dimension_numbers<[1], [1], [0], [0], [0, 0, 1, 0], [], []>, transpose_lhs_hint = false} : vector<256x64xbf16>, vector<2048x64xbf16>, vector<256x2048xf32> -> vector<256x2048xf32>
        %jit3A_65 = arith.constant -1.000000e+30 : f32
        %broadcast_in_dim3A_66 = vector.shape_cast %lt3A_32 : vector<1x2048xi1> to vector<1x2048xi1>
        %broadcast_in_dim3A_67 = vector.broadcast %broadcast_in_dim3A_66 : vector<1x2048xi1> to vector<256x2048xi1>
        %broadcast_in_dim3A_68 = vector.broadcast %jit3A_65 : f32 to vector<256x2048xf32>
        %select_n3A_69 = arith.select %broadcast_in_dim3A_67, %dot_general3A_64, %broadcast_in_dim3A_68 : vector<256x2048xi1>, vector<256x2048xf32>
        %reduce_max3A_70 = arith.constant dense<0xFF800000> : vector<256xf32>
        %reduce_max3A_71 = vector.multi_reduction <maximumf>, %select_n3A_69, %reduce_max3A_70 [1] : vector<256x2048xf32> to vector<256xf32>
        %broadcast_in_dim3A_72 = vector.shape_cast %reduce_max3A_71 : vector<256xf32> to vector<256x1xf32>
        %sub3A_73 = vector.broadcast %broadcast_in_dim3A_72 : vector<256x1xf32> to vector<256x2048xf32>
        %sub3A_74 = arith.subf %select_n3A_69, %sub3A_73 : vector<256x2048xf32>
        %exp3A_75 = math.exp %sub3A_74 : vector<256x2048xf32>
        %reduce_sum3A_76 = arith.constant dense<0.000000e+00> : vector<256xf32>
        %reduce_sum3A_77 = vector.multi_reduction <add>, %exp3A_75, %reduce_sum3A_76 [1] : vector<256x2048xf32> to vector<256xf32>
        %broadcast_in_dim3A_78 = vector.shape_cast %reduce_sum3A_77 : vector<256xf32> to vector<256x1xf32>
        %convert_element_type3A_79 = arith.truncf %exp3A_75 : vector<256x2048xf32> to vector<256x2048xbf16>
        %get3A_80 = arith.constant 0 : index
        %get3A_81 = arith.constant 64 : index
        %get3A_82 = vector.load %arg5[%get3A_80, %get3A_81] : memref<2048x128xbf16, #tpu.memory_space<vmem>>, vector<2048x64xbf16>
        %dot_general3A_83 = arith.constant dense<0.000000e+00> : vector<256x64xf32>
        %dot_general3A_84 = tpu.matmul %convert_element_type3A_79, %get3A_82, %dot_general3A_83 {dimension_numbers = #tpu.dot_dimension_numbers<[1], [0], [0], [1], [0, 0, 1, 1], [], []>, transpose_lhs_hint = false} : vector<256x2048xbf16>, vector<2048x64xbf16>, vector<256x64xf32> -> vector<256x64xf32>
        %div3A_85 = vector.broadcast %broadcast_in_dim3A_78 : vector<256x1xf32> to vector<256x64xf32>
        %div3A_86 = arith.divf %dot_general3A_84, %div3A_85 : vector<256x64xf32>
        %convert_element_type3A_87 = arith.truncf %div3A_86 : vector<256x64xf32> to vector<256x64xbf16>
        %swap3A_88 = arith.constant 0 : index
        %swap3A_89 = arith.constant 64 : index
        %swap3A_90 = vector.load %arg6[%swap3A_88, %swap3A_89] : memref<256x128xbf16, #tpu.memory_space<vmem>>, vector<256x64xbf16>
        tpu.vector_store %arg6[%swap3A_88, %swap3A_89], %convert_element_type3A_87 {strides = array<i32>} : memref<256x128xbf16, #tpu.memory_space<vmem>>, vector<256x64xbf16>,
      } else {
      }
    } else {
    }
    %mul3A_3 = arith.constant 256 : i32
    %mul3A_4 = arith.muli %arg1, %mul3A_3 : i32
    %ge3A = arith.cmpi sge, %mul3A_4, %get3A_0 : i32
    %convert_element_type3A_5 = arith.extui %ge3A : i1 to i32
    %cond3A_6 = arith.constant 0 : i32
    %cond3A_7 = arith.cmpi ne, %convert_element_type3A_5, %cond3A_6 : i32
    scf.if %cond3A_7 {
      %broadcast_in_dim3A = arith.constant 0.000000e+00 : bf16
      %broadcast_in_dim3A_8 = vector.broadcast %broadcast_in_dim3A : bf16 to vector<256x128xbf16>
      %swap3A = arith.constant 0 : index
      %swap3A_9 = arith.constant 0 : index
      %swap3A_10 = vector.load %arg6[%swap3A, %swap3A_9] : memref<256x128xbf16, #tpu.memory_space<vmem>>, vector<256x128xbf16>
      tpu.vector_store %arg6[%swap3A, %swap3A_9], %broadcast_in_dim3A_8 {strides = array<i32>} : memref<256x128xbf16, #tpu.memory_space<vmem>>, vector<256x128xbf16>,
    } else {
    }
    return
  }
  func.func @transform_0(%arg0: i32, %arg1: i32, %arg2: memref<8xi32, #tpu.memory_space<smem>>) -> (i32, i32) {
    %c0_i32 = arith.constant 0 : i32
    return %arg1, %arg0 : i32, i32
  }
  func.func @transform_1(%arg0: i32, %arg1: i32, %arg2: memref<8xi32, #tpu.memory_space<smem>>) -> (i32, i32) {
    %c0_i32 = arith.constant 0 : i32
    %c0_i32_0 = arith.constant 0 : i32
    return %c0_i32, %arg0 : i32, i32
  }
  func.func @transform_2(%arg0: i32, %arg1: i32, %arg2: memref<8xi32, #tpu.memory_space<smem>>) -> (i32, i32) {
    %c0_i32 = arith.constant 0 : i32
    %c0_i32_0 = arith.constant 0 : i32
    return %c0_i32, %arg0 : i32, i32
  }
  func.func @transform_3(%arg0: i32, %arg1: i32, %arg2: memref<8xi32, #tpu.memory_space<smem>>) -> (i32, i32) {
    %c0_i32 = arith.constant 0 : i32
    return %arg1, %arg0 : i32, i32
  }
}

module attributes {stable_mosaic.version = 14 : i64} {
  func.func @_post_body(%arg0: i32, %arg1: memref<8xi32, #tpu.memory_space<smem>>, %arg2: memref<256x1024xf32, #tpu.memory_space<vmem>>, %arg3: memref<1x1024xf32, #tpu.memory_space<vmem>>, %arg4: memref<256x1024xbf16, #tpu.memory_space<vmem>>, %arg5: memref<1024x1024xbf16, #tpu.memory_space<vmem>>, %arg6: memref<1x1024xf32, #tpu.memory_space<vmem>>, %arg7: memref<1024x2048xbf16, #tpu.memory_space<vmem>>, %arg8: memref<1024x2048xbf16, #tpu.memory_space<vmem>>, %arg9: memref<2048x1024xbf16, #tpu.memory_space<vmem>>, %arg10: memref<256x1024xf32, #tpu.memory_space<vmem>>) attributes {dimension_semantics = [#tpu.dimension_semantics<arbitrary>], iteration_bounds = array<i64: 8>, scalar_prefetch = 1 : i64, scratch_operands = 0 : i64, tpu.core_type = #tpu.core_type<tc>, window_params = [{transform_indices = @transform_0, window_bounds = array<i64: 256, 1024>}, {pipeline_mode = #tpu.pipeline_mode<synchronous>, transform_indices = @transform_1, window_bounds = array<i64: 1, 1024>}, {transform_indices = @transform_2, window_bounds = array<i64: 256, 1024>}, {pipeline_mode = #tpu.pipeline_mode<synchronous>, transform_indices = @transform_3, window_bounds = array<i64: 1024, 1024>}, {pipeline_mode = #tpu.pipeline_mode<synchronous>, transform_indices = @transform_4, window_bounds = array<i64: 1, 1024>}, {pipeline_mode = #tpu.pipeline_mode<synchronous>, transform_indices = @transform_5, window_bounds = array<i64: 1024, 2048>}, {pipeline_mode = #tpu.pipeline_mode<synchronous>, transform_indices = @transform_6, window_bounds = array<i64: 1024, 2048>}, {pipeline_mode = #tpu.pipeline_mode<synchronous>, transform_indices = @transform_7, window_bounds = array<i64: 2048, 1024>}, {transform_indices = @transform_8, window_bounds = array<i64: 256, 1024>}]} {
    %get3A = arith.constant 1 : index
    %get3A_0 = memref.load %arg1[%get3A] : memref<8xi32, #tpu.memory_space<smem>>
    %mul3A = arith.constant 256 : i32
    %mul3A_1 = arith.muli %arg0, %mul3A : i32
    %lt3A = arith.cmpi slt, %mul3A_1, %get3A_0 : i32
    %convert_element_type3A = arith.extui %lt3A : i1 to i32
    %cond3A = arith.constant 0 : i32
    %cond3A_2 = arith.cmpi ne, %convert_element_type3A, %cond3A : i32
    scf.if %cond3A_2 {
      %get3A_8 = arith.constant 0 : index
      %get3A_9 = arith.constant 0 : index
      %get3A_10 = vector.load %arg2[%get3A_8, %get3A_9] : memref<256x1024xf32, #tpu.memory_space<vmem>>, vector<256x1024xf32>
      %get3A_11 = arith.constant 0 : index
      %get3A_12 = arith.constant 0 : index
      %get3A_13 = vector.load %arg3[%get3A_11, %get3A_12] : memref<1x1024xf32, #tpu.memory_space<vmem>>, vector<1x1024xf32>
      %add3A = vector.broadcast %get3A_13 : vector<1x1024xf32> to vector<256x1024xf32>
      %add3A_14 = arith.addf %get3A_10, %add3A : vector<256x1024xf32>
      %get3A_15 = arith.constant 0 : index
      %get3A_16 = arith.constant 0 : index
      %get3A_17 = vector.load %arg4[%get3A_15, %get3A_16] : memref<256x1024xbf16, #tpu.memory_space<vmem>>, vector<256x1024xbf16>
      %get3A_18 = arith.constant 0 : index
      %get3A_19 = arith.constant 0 : index
      %get3A_20 = vector.load %arg5[%get3A_18, %get3A_19] : memref<1024x1024xbf16, #tpu.memory_space<vmem>>, vector<1024x1024xbf16>
      %dot_general3A = arith.constant dense<0.000000e+00> : vector<256x1024xf32>
      %dot_general3A_21 = tpu.matmul %get3A_17, %get3A_20, %dot_general3A {dimension_numbers = #tpu.dot_dimension_numbers<[1], [0], [0], [1], [0, 0, 1, 1], [], []>, transpose_lhs_hint = false} : vector<256x1024xbf16>, vector<1024x1024xbf16>, vector<256x1024xf32> -> vector<256x1024xf32>
      %add3A_22 = arith.addf %add3A_14, %dot_general3A_21 : vector<256x1024xf32>
      %mul3A_23 = arith.mulf %add3A_22, %add3A_22 : vector<256x1024xf32>
      %reduce_sum3A = arith.constant dense<0.000000e+00> : vector<256xf32>
      %reduce_sum3A_24 = vector.multi_reduction <add>, %mul3A_23, %reduce_sum3A [1] : vector<256x1024xf32> to vector<256xf32>
      %broadcast_in_dim3A = vector.shape_cast %reduce_sum3A_24 : vector<256xf32> to vector<256x1xf32>
      %div3A = arith.constant 1.024000e+03 : f32
      %div3A_25 = vector.broadcast %div3A : f32 to vector<256x1xf32>
      %div3A_26 = arith.divf %broadcast_in_dim3A, %div3A_25 : vector<256x1xf32>
      %add3A_27 = arith.constant 9.99999997E-7 : f32
      %add3A_28 = vector.broadcast %add3A_27 : f32 to vector<256x1xf32>
      %add3A_29 = arith.addf %div3A_26, %add3A_28 : vector<256x1xf32>
      %rsqrt3A = math.rsqrt %add3A_29 : vector<256x1xf32>
      %mul3A_30 = vector.broadcast %rsqrt3A : vector<256x1xf32> to vector<256x1024xf32>
      %mul3A_31 = arith.mulf %add3A_22, %mul3A_30 : vector<256x1024xf32>
      %get3A_32 = arith.constant 0 : index
      %get3A_33 = arith.constant 0 : index
      %get3A_34 = vector.load %arg6[%get3A_32, %get3A_33] : memref<1x1024xf32, #tpu.memory_space<vmem>>, vector<1x1024xf32>
      %mul3A_35 = vector.broadcast %get3A_34 : vector<1x1024xf32> to vector<256x1024xf32>
      %mul3A_36 = arith.mulf %mul3A_31, %mul3A_35 : vector<256x1024xf32>
      %convert_element_type3A_37 = arith.truncf %mul3A_36 : vector<256x1024xf32> to vector<256x1024xbf16>
      %get3A_38 = arith.constant 0 : index
      %get3A_39 = arith.constant 0 : index
      %get3A_40 = vector.load %arg7[%get3A_38, %get3A_39] : memref<1024x2048xbf16, #tpu.memory_space<vmem>>, vector<1024x2048xbf16>
      %dot_general3A_41 = arith.constant dense<0.000000e+00> : vector<256x2048xf32>
      %dot_general3A_42 = tpu.matmul %convert_element_type3A_37, %get3A_40, %dot_general3A_41 {dimension_numbers = #tpu.dot_dimension_numbers<[1], [0], [0], [1], [0, 0, 1, 1], [], []>, transpose_lhs_hint = false} : vector<256x1024xbf16>, vector<1024x2048xbf16>, vector<256x2048xf32> -> vector<256x2048xf32>
      %get3A_43 = arith.constant 0 : index
      %get3A_44 = arith.constant 0 : index
      %get3A_45 = vector.load %arg8[%get3A_43, %get3A_44] : memref<1024x2048xbf16, #tpu.memory_space<vmem>>, vector<1024x2048xbf16>
      %dot_general3A_46 = arith.constant dense<0.000000e+00> : vector<256x2048xf32>
      %dot_general3A_47 = tpu.matmul %convert_element_type3A_37, %get3A_45, %dot_general3A_46 {dimension_numbers = #tpu.dot_dimension_numbers<[1], [0], [0], [1], [0, 0, 1, 1], [], []>, transpose_lhs_hint = false} : vector<256x1024xbf16>, vector<1024x2048xbf16>, vector<256x2048xf32> -> vector<256x2048xf32>
      %logistic3A = arith.negf %dot_general3A_42 : vector<256x2048xf32>
      %logistic3A_48 = math.exp %logistic3A : vector<256x2048xf32>
      %logistic3A_49 = arith.constant 1.000000e+00 : f32
      %logistic3A_50 = vector.broadcast %logistic3A_49 : f32 to vector<256x2048xf32>
      %logistic3A_51 = arith.addf %logistic3A_50, %logistic3A_48 : vector<256x2048xf32>
      %logistic3A_52 = arith.divf %logistic3A_50, %logistic3A_51 : vector<256x2048xf32>
      %mul3A_53 = arith.mulf %dot_general3A_42, %logistic3A_52 : vector<256x2048xf32>
      %mul3A_54 = arith.mulf %mul3A_53, %dot_general3A_47 : vector<256x2048xf32>
      %convert_element_type3A_55 = arith.truncf %mul3A_54 : vector<256x2048xf32> to vector<256x2048xbf16>
      %get3A_56 = arith.constant 0 : index
      %get3A_57 = arith.constant 0 : index
      %get3A_58 = vector.load %arg9[%get3A_56, %get3A_57] : memref<2048x1024xbf16, #tpu.memory_space<vmem>>, vector<2048x1024xbf16>
      %dot_general3A_59 = arith.constant dense<0.000000e+00> : vector<256x1024xf32>
      %dot_general3A_60 = tpu.matmul %convert_element_type3A_55, %get3A_58, %dot_general3A_59 {dimension_numbers = #tpu.dot_dimension_numbers<[1], [0], [0], [1], [0, 0, 1, 1], [], []>, transpose_lhs_hint = false} : vector<256x2048xbf16>, vector<2048x1024xbf16>, vector<256x1024xf32> -> vector<256x1024xf32>
      %add3A_61 = arith.addf %add3A_22, %dot_general3A_60 : vector<256x1024xf32>
      %swap3A = arith.constant 0 : index
      %swap3A_62 = arith.constant 0 : index
      %swap3A_63 = vector.load %arg10[%swap3A, %swap3A_62] : memref<256x1024xf32, #tpu.memory_space<vmem>>, vector<256x1024xf32>
      tpu.vector_store %arg10[%swap3A, %swap3A_62], %add3A_61 {strides = array<i32>} : memref<256x1024xf32, #tpu.memory_space<vmem>>, vector<256x1024xf32>,
    } else {
    }
    %mul3A_3 = arith.constant 256 : i32
    %mul3A_4 = arith.muli %arg0, %mul3A_3 : i32
    %ge3A = arith.cmpi sge, %mul3A_4, %get3A_0 : i32
    %convert_element_type3A_5 = arith.extui %ge3A : i1 to i32
    %cond3A_6 = arith.constant 0 : i32
    %cond3A_7 = arith.cmpi ne, %convert_element_type3A_5, %cond3A_6 : i32
    scf.if %cond3A_7 {
      %broadcast_in_dim3A = arith.constant 0.000000e+00 : f32
      %broadcast_in_dim3A_8 = vector.broadcast %broadcast_in_dim3A : f32 to vector<256x1024xf32>
      %swap3A = arith.constant 0 : index
      %swap3A_9 = arith.constant 0 : index
      %swap3A_10 = vector.load %arg10[%swap3A, %swap3A_9] : memref<256x1024xf32, #tpu.memory_space<vmem>>, vector<256x1024xf32>
      tpu.vector_store %arg10[%swap3A, %swap3A_9], %broadcast_in_dim3A_8 {strides = array<i32>} : memref<256x1024xf32, #tpu.memory_space<vmem>>, vector<256x1024xf32>,
    } else {
    }
    return
  }
  func.func @transform_0(%arg0: i32, %arg1: memref<8xi32, #tpu.memory_space<smem>>) -> (i32, i32) {
    %c0_i32 = arith.constant 0 : i32
    %c0_i32_0 = arith.constant 0 : i32
    return %arg0, %c0_i32 : i32, i32
  }
  func.func @transform_1(%arg0: i32, %arg1: memref<8xi32, #tpu.memory_space<smem>>) -> (i32, i32) {
    %c0_i32 = arith.constant 0 : i32
    %c0_i32_0 = arith.constant 0 : i32
    %c0_i32_1 = arith.constant 0 : i32
    return %c0_i32, %c0_i32_0 : i32, i32
  }
  func.func @transform_2(%arg0: i32, %arg1: memref<8xi32, #tpu.memory_space<smem>>) -> (i32, i32) {
    %c0_i32 = arith.constant 0 : i32
    %c0_i32_0 = arith.constant 0 : i32
    return %arg0, %c0_i32 : i32, i32
  }
  func.func @transform_3(%arg0: i32, %arg1: memref<8xi32, #tpu.memory_space<smem>>) -> (i32, i32) {
    %c0_i32 = arith.constant 0 : i32
    %c0_i32_0 = arith.constant 0 : i32
    %c0_i32_1 = arith.constant 0 : i32
    return %c0_i32, %c0_i32_0 : i32, i32
  }
  func.func @transform_4(%arg0: i32, %arg1: memref<8xi32, #tpu.memory_space<smem>>) -> (i32, i32) {
    %c0_i32 = arith.constant 0 : i32
    %c0_i32_0 = arith.constant 0 : i32
    %c0_i32_1 = arith.constant 0 : i32
    return %c0_i32, %c0_i32_0 : i32, i32
  }
  func.func @transform_5(%arg0: i32, %arg1: memref<8xi32, #tpu.memory_space<smem>>) -> (i32, i32) {
    %c0_i32 = arith.constant 0 : i32
    %c0_i32_0 = arith.constant 0 : i32
    %c0_i32_1 = arith.constant 0 : i32
    return %c0_i32, %c0_i32_0 : i32, i32
  }
  func.func @transform_6(%arg0: i32, %arg1: memref<8xi32, #tpu.memory_space<smem>>) -> (i32, i32) {
    %c0_i32 = arith.constant 0 : i32
    %c0_i32_0 = arith.constant 0 : i32
    %c0_i32_1 = arith.constant 0 : i32
    return %c0_i32, %c0_i32_0 : i32, i32
  }
  func.func @transform_7(%arg0: i32, %arg1: memref<8xi32, #tpu.memory_space<smem>>) -> (i32, i32) {
    %c0_i32 = arith.constant 0 : i32
    %c0_i32_0 = arith.constant 0 : i32
    %c0_i32_1 = arith.constant 0 : i32
    return %c0_i32, %c0_i32_0 : i32, i32
  }
  func.func @transform_8(%arg0: i32, %arg1: memref<8xi32, #tpu.memory_space<smem>>) -> (i32, i32) {
    %c0_i32 = arith.constant 0 : i32
    %c0_i32_0 = arith.constant 0 : i32
    return %arg0, %c0_i32 : i32, i32
  }
}

module attributes {stable_mosaic.version = 14 : i64} {
  func.func @_qkv_body(%arg0: i32, %arg1: memref<8xi32, #tpu.memory_space<smem>>, %arg2: memref<256x1024xf32, #tpu.memory_space<vmem>>, %arg3: memref<1x1024xf32, #tpu.memory_space<vmem>>, %arg4: memref<1x1024xf32, #tpu.memory_space<vmem>>, %arg5: memref<256x1xi32, #tpu.memory_space<vmem>>, %arg6: memref<1024x1024xbf16, #tpu.memory_space<vmem>>, %arg7: memref<1024x1024xbf16, #tpu.memory_space<vmem>>, %arg8: memref<1024x1024xbf16, #tpu.memory_space<vmem>>, %arg9: memref<256x1024xbf16, #tpu.memory_space<vmem>>, %arg10: memref<256x1024xbf16, #tpu.memory_space<vmem>>, %arg11: memref<256x1024xbf16, #tpu.memory_space<vmem>>) attributes {dimension_semantics = [#tpu.dimension_semantics<arbitrary>], iteration_bounds = array<i64: 8>, scalar_prefetch = 1 : i64, scratch_operands = 0 : i64, tpu.core_type = #tpu.core_type<tc>, window_params = [{transform_indices = @transform_0, window_bounds = array<i64: 256, 1024>}, {pipeline_mode = #tpu.pipeline_mode<synchronous>, transform_indices = @transform_1, window_bounds = array<i64: 1, 1024>}, {pipeline_mode = #tpu.pipeline_mode<synchronous>, transform_indices = @transform_2, window_bounds = array<i64: 1, 1024>}, {transform_indices = @transform_3, window_bounds = array<i64: 256, 1>}, {pipeline_mode = #tpu.pipeline_mode<synchronous>, transform_indices = @transform_4, window_bounds = array<i64: 1024, 1024>}, {pipeline_mode = #tpu.pipeline_mode<synchronous>, transform_indices = @transform_5, window_bounds = array<i64: 1024, 1024>}, {pipeline_mode = #tpu.pipeline_mode<synchronous>, transform_indices = @transform_6, window_bounds = array<i64: 1024, 1024>}, {transform_indices = @transform_7, window_bounds = array<i64: 256, 1024>}, {transform_indices = @transform_8, window_bounds = array<i64: 256, 1024>}, {transform_indices = @transform_9, window_bounds = array<i64: 256, 1024>}]} {
    %get3A = arith.constant 2 : index
    %get3A_0 = memref.load %arg1[%get3A] : memref<8xi32, #tpu.memory_space<smem>>
    %mul3A = arith.constant 256 : i32
    %mul3A_1 = arith.muli %arg0, %mul3A : i32
    %lt3A = arith.cmpi slt, %mul3A_1, %get3A_0 : i32
    %convert_element_type3A = arith.extui %lt3A : i1 to i32
    %cond3A = arith.constant 0 : i32
    %cond3A_2 = arith.cmpi ne, %convert_element_type3A, %cond3A : i32
    scf.if %cond3A_2 {
      %get3A_8 = arith.constant 0 : index
      %get3A_9 = arith.constant 0 : index
      %get3A_10 = vector.load %arg2[%get3A_8, %get3A_9] : memref<256x1024xf32, #tpu.memory_space<vmem>>, vector<256x1024xf32>
      %get3A_11 = arith.constant 0 : index
      %get3A_12 = arith.constant 0 : index
      %get3A_13 = vector.load %arg3[%get3A_11, %get3A_12] : memref<1x1024xf32, #tpu.memory_space<vmem>>, vector<1x1024xf32>
      %add3A = vector.broadcast %get3A_13 : vector<1x1024xf32> to vector<256x1024xf32>
      %add3A_14 = arith.addf %get3A_10, %add3A : vector<256x1024xf32>
      %mul3A_15 = arith.mulf %add3A_14, %add3A_14 : vector<256x1024xf32>
      %reduce_sum3A = arith.constant dense<0.000000e+00> : vector<256xf32>
      %reduce_sum3A_16 = vector.multi_reduction <add>, %mul3A_15, %reduce_sum3A [1] : vector<256x1024xf32> to vector<256xf32>
      %broadcast_in_dim3A = vector.shape_cast %reduce_sum3A_16 : vector<256xf32> to vector<256x1xf32>
      %div3A = arith.constant 1.024000e+03 : f32
      %div3A_17 = vector.broadcast %div3A : f32 to vector<256x1xf32>
      %div3A_18 = arith.divf %broadcast_in_dim3A, %div3A_17 : vector<256x1xf32>
      %add3A_19 = arith.constant 9.99999997E-7 : f32
      %add3A_20 = vector.broadcast %add3A_19 : f32 to vector<256x1xf32>
      %add3A_21 = arith.addf %div3A_18, %add3A_20 : vector<256x1xf32>
      %rsqrt3A = math.rsqrt %add3A_21 : vector<256x1xf32>
      %mul3A_22 = vector.broadcast %rsqrt3A : vector<256x1xf32> to vector<256x1024xf32>
      %mul3A_23 = arith.mulf %add3A_14, %mul3A_22 : vector<256x1024xf32>
      %get3A_24 = arith.constant 0 : index
      %get3A_25 = arith.constant 0 : index
      %get3A_26 = vector.load %arg4[%get3A_24, %get3A_25] : memref<1x1024xf32, #tpu.memory_space<vmem>>, vector<1x1024xf32>
      %mul3A_27 = vector.broadcast %get3A_26 : vector<1x1024xf32> to vector<256x1024xf32>
      %mul3A_28 = arith.mulf %mul3A_23, %mul3A_27 : vector<256x1024xf32>
      %convert_element_type3A_29 = arith.truncf %mul3A_28 : vector<256x1024xf32> to vector<256x1024xbf16>
      %get3A_30 = arith.constant 0 : index
      %get3A_31 = arith.constant 0 : index
      %get3A_32 = vector.load %arg6[%get3A_30, %get3A_31] : memref<1024x1024xbf16, #tpu.memory_space<vmem>>, vector<1024x1024xbf16>
      %dot_general3A = arith.constant dense<0.000000e+00> : vector<256x1024xf32>
      %dot_general3A_33 = tpu.matmul %convert_element_type3A_29, %get3A_32, %dot_general3A {dimension_numbers = #tpu.dot_dimension_numbers<[1], [0], [0], [1], [0, 0, 1, 1], [], []>, transpose_lhs_hint = false} : vector<256x1024xbf16>, vector<1024x1024xbf16>, vector<256x1024xf32> -> vector<256x1024xf32>
      %get3A_34 = arith.constant 0 : index
      %get3A_35 = arith.constant 0 : index
      %get3A_36 = vector.load %arg7[%get3A_34, %get3A_35] : memref<1024x1024xbf16, #tpu.memory_space<vmem>>, vector<1024x1024xbf16>
      %dot_general3A_37 = arith.constant dense<0.000000e+00> : vector<256x1024xf32>
      %dot_general3A_38 = tpu.matmul %convert_element_type3A_29, %get3A_36, %dot_general3A_37 {dimension_numbers = #tpu.dot_dimension_numbers<[1], [0], [0], [1], [0, 0, 1, 1], [], []>, transpose_lhs_hint = false} : vector<256x1024xbf16>, vector<1024x1024xbf16>, vector<256x1024xf32> -> vector<256x1024xf32>
      %get3A_39 = arith.constant 0 : index
      %get3A_40 = arith.constant 0 : index
      %get3A_41 = vector.load %arg8[%get3A_39, %get3A_40] : memref<1024x1024xbf16, #tpu.memory_space<vmem>>, vector<1024x1024xbf16>
      %dot_general3A_42 = arith.constant dense<0.000000e+00> : vector<256x1024xf32>
      %dot_general3A_43 = tpu.matmul %convert_element_type3A_29, %get3A_41, %dot_general3A_42 {dimension_numbers = #tpu.dot_dimension_numbers<[1], [0], [0], [1], [0, 0, 1, 1], [], []>, transpose_lhs_hint = false} : vector<256x1024xbf16>, vector<1024x1024xbf16>, vector<256x1024xf32> -> vector<256x1024xf32>
      %get3A_44 = arith.constant 0 : index
      %get3A_45 = arith.constant 0 : index
      %get3A_46 = vector.load %arg5[%get3A_44, %get3A_45] : memref<256x1xi32, #tpu.memory_space<vmem>>, vector<256x1xi32>
      %convert_element_type3A_47 = arith.sitofp %get3A_46 : vector<256x1xi32> to vector<256x1xf32>
      %iota3A = tpu.iota {dimensions = array<i32: 1>} : vector<1x1024xi32>
      %jit3A = arith.constant 64 : i32
      %eq3A = arith.constant 0 : i32
      %eq3A_48 = arith.cmpi eq, %jit3A, %eq3A : i32
      %jit3A_49 = arith.constant 1 : i32
      %select_n3A = arith.select %eq3A_48, %jit3A_49, %jit3A : i32
      %rem3A = vector.broadcast %select_n3A : i32 to vector<1x1024xi32>
      %rem3A_50 = arith.remsi %iota3A, %rem3A : vector<1x1024xi32>
      %ne3A = arith.constant 0 : i32
      %ne3A_51 = vector.broadcast %ne3A : i32 to vector<1x1024xi32>
      %ne3A_52 = arith.cmpi ne, %rem3A_50, %ne3A_51 : vector<1x1024xi32>
      %lt3A_53 = arith.constant 0 : i32
      %lt3A_54 = vector.broadcast %lt3A_53 : i32 to vector<1x1024xi32>
      %lt3A_55 = arith.cmpi slt, %rem3A_50, %lt3A_54 : vector<1x1024xi32>
      %lt3A_56 = arith.constant 0 : i32
      %lt3A_57 = arith.cmpi slt, %select_n3A, %lt3A_56 : i32
      %ne3A_58 = vector.broadcast %lt3A_57 : i1 to vector<1x1024xi1>
      %ne3A_59 = vector.broadcast %ne3A_58 : vector<1x1024xi1> to vector<1x1024xi1>
      %ne3A_60 = arith.xori %lt3A_55, %ne3A_59 : vector<1x1024xi1>
      %and3A = arith.andi %ne3A_60, %ne3A_52 : vector<1x1024xi1>
      %add3A_61 = vector.broadcast %select_n3A : i32 to vector<1x1024xi32>
      %add3A_62 = arith.addi %rem3A_50, %add3A_61 : vector<1x1024xi32>
      %select_n3A_63 = arith.select %and3A, %add3A_62, %rem3A_50 : vector<1x1024xi1>, vector<1x1024xi32>
      %jit3A_64 = arith.constant 32 : i32
      %eq3A_65 = arith.constant 0 : i32
      %eq3A_66 = arith.cmpi eq, %jit3A_64, %eq3A_65 : i32
      %jit3A_67 = arith.constant 1 : i32
      %select_n3A_68 = arith.select %eq3A_66, %jit3A_67, %jit3A_64 : i32
      %rem3A_69 = vector.broadcast %select_n3A_68 : i32 to vector<1x1024xi32>
      %rem3A_70 = arith.remsi %select_n3A_63, %rem3A_69 : vector<1x1024xi32>
      %ne3A_71 = arith.constant 0 : i32
      %ne3A_72 = vector.broadcast %ne3A_71 : i32 to vector<1x1024xi32>
      %ne3A_73 = arith.cmpi ne, %rem3A_70, %ne3A_72 : vector<1x1024xi32>
      %lt3A_74 = arith.constant 0 : i32
      %lt3A_75 = vector.broadcast %lt3A_74 : i32 to vector<1x1024xi32>
      %lt3A_76 = arith.cmpi slt, %rem3A_70, %lt3A_75 : vector<1x1024xi32>
      %lt3A_77 = arith.constant 0 : i32
      %lt3A_78 = arith.cmpi slt, %select_n3A_68, %lt3A_77 : i32
      %ne3A_79 = vector.broadcast %lt3A_78 : i1 to vector<1x1024xi1>
      %ne3A_80 = vector.broadcast %ne3A_79 : vector<1x1024xi1> to vector<1x1024xi1>
      %ne3A_81 = arith.xori %lt3A_76, %ne3A_80 : vector<1x1024xi1>
      %and3A_82 = arith.andi %ne3A_81, %ne3A_73 : vector<1x1024xi1>
      %add3A_83 = vector.broadcast %select_n3A_68 : i32 to vector<1x1024xi32>
      %add3A_84 = arith.addi %rem3A_70, %add3A_83 : vector<1x1024xi32>
      %select_n3A_85 = arith.select %and3A_82, %add3A_84, %rem3A_70 : vector<1x1024xi1>, vector<1x1024xi32>
      %convert_element_type3A_86 = arith.sitofp %select_n3A_85 : vector<1x1024xi32> to vector<1x1024xf32>
      %mul3A_87 = arith.constant -0.287823141 : f32
      %mul3A_88 = vector.broadcast %mul3A_87 : f32 to vector<1x1024xf32>
      %mul3A_89 = arith.mulf %convert_element_type3A_86, %mul3A_88 : vector<1x1024xf32>
      %exp3A = math.exp %mul3A_89 : vector<1x1024xf32>
      %mul3A_90 = vector.broadcast %convert_element_type3A_47 : vector<256x1xf32> to vector<256x1024xf32>
      %mul3A_91 = vector.broadcast %exp3A : vector<1x1024xf32> to vector<256x1024xf32>
      %mul3A_92 = arith.mulf %mul3A_90, %mul3A_91 : vector<256x1024xf32>
      %cos3A = math.cos %mul3A_92 : vector<256x1024xf32>
      %sin3A = math.sin %mul3A_92 : vector<256x1024xf32>
      %lt3A_93 = arith.constant 32 : i32
      %lt3A_94 = vector.broadcast %lt3A_93 : i32 to vector<1x1024xi32>
      %lt3A_95 = arith.cmpi slt, %select_n3A_63, %lt3A_94 : vector<1x1024xi32>
      %slice3A = vector.extract_strided_slice %dot_general3A_33 {offsets = [0, 32], sizes = [256, 992], strides = [1, 1]} : vector<256x1024xf32> to vector<256x992xf32>
      %slice3A_96 = vector.extract_strided_slice %dot_general3A_33 {offsets = [0, 0], sizes = [256, 32], strides = [1, 1]} : vector<256x1024xf32> to vector<256x32xf32>
      %concatenate3A = tpu.concatenate %slice3A, %slice3A_96 in 1 : vector<256x992xf32>, vector<256x32xf32> -> vector<256x1024xf32>
      %slice3A_97 = vector.extract_strided_slice %dot_general3A_33 {offsets = [0, 992], sizes = [256, 32], strides = [1, 1]} : vector<256x1024xf32> to vector<256x32xf32>
      %slice3A_98 = vector.extract_strided_slice %dot_general3A_33 {offsets = [0, 0], sizes = [256, 992], strides = [1, 1]} : vector<256x1024xf32> to vector<256x992xf32>
      %concatenate3A_99 = tpu.concatenate %slice3A_97, %slice3A_98 in 1 : vector<256x32xf32>, vector<256x992xf32> -> vector<256x1024xf32>
      %neg3A = arith.constant 0.000000e+00 : f32
      %neg3A_100 = vector.broadcast %neg3A : f32 to vector<256x1024xf32>
      %neg3A_101 = arith.subf %neg3A_100, %concatenate3A : vector<256x1024xf32>
      %broadcast_in_dim3A_102 = vector.shape_cast %lt3A_95 : vector<1x1024xi1> to vector<1x1024xi1>
      %broadcast_in_dim3A_103 = vector.broadcast %broadcast_in_dim3A_102 : vector<1x1024xi1> to vector<256x1024xi1>
      %select_n3A_104 = arith.select %broadcast_in_dim3A_103, %neg3A_101, %concatenate3A_99 : vector<256x1024xi1>, vector<256x1024xf32>
      %mul3A_105 = arith.mulf %dot_general3A_33, %cos3A : vector<256x1024xf32>
      %mul3A_106 = arith.mulf %select_n3A_104, %sin3A : vector<256x1024xf32>
      %add3A_107 = arith.addf %mul3A_105, %mul3A_106 : vector<256x1024xf32>
      %mul3A_108 = arith.constant 1.250000e-01 : f32
      %mul3A_109 = vector.broadcast %mul3A_108 : f32 to vector<256x1024xf32>
      %mul3A_110 = arith.mulf %add3A_107, %mul3A_109 : vector<256x1024xf32>
      %convert_element_type3A_111 = arith.truncf %mul3A_110 : vector<256x1024xf32> to vector<256x1024xbf16>
      %swap3A = arith.constant 0 : index
      %swap3A_112 = arith.constant 0 : index
      %swap3A_113 = vector.load %arg9[%swap3A, %swap3A_112] : memref<256x1024xbf16, #tpu.memory_space<vmem>>, vector<256x1024xbf16>
      tpu.vector_store %arg9[%swap3A, %swap3A_112], %convert_element_type3A_111 {strides = array<i32>} : memref<256x1024xbf16, #tpu.memory_space<vmem>>, vector<256x1024xbf16>,
      %slice3A_114 = vector.extract_strided_slice %dot_general3A_38 {offsets = [0, 32], sizes = [256, 992], strides = [1, 1]} : vector<256x1024xf32> to vector<256x992xf32>
      %slice3A_115 = vector.extract_strided_slice %dot_general3A_38 {offsets = [0, 0], sizes = [256, 32], strides = [1, 1]} : vector<256x1024xf32> to vector<256x32xf32>
      %concatenate3A_116 = tpu.concatenate %slice3A_114, %slice3A_115 in 1 : vector<256x992xf32>, vector<256x32xf32> -> vector<256x1024xf32>
      %slice3A_117 = vector.extract_strided_slice %dot_general3A_38 {offsets = [0, 992], sizes = [256, 32], strides = [1, 1]} : vector<256x1024xf32> to vector<256x32xf32>
      %slice3A_118 = vector.extract_strided_slice %dot_general3A_38 {offsets = [0, 0], sizes = [256, 992], strides = [1, 1]} : vector<256x1024xf32> to vector<256x992xf32>
      %concatenate3A_119 = tpu.concatenate %slice3A_117, %slice3A_118 in 1 : vector<256x32xf32>, vector<256x992xf32> -> vector<256x1024xf32>
      %neg3A_120 = arith.constant 0.000000e+00 : f32
      %neg3A_121 = vector.broadcast %neg3A_120 : f32 to vector<256x1024xf32>
      %neg3A_122 = arith.subf %neg3A_121, %concatenate3A_116 : vector<256x1024xf32>
      %broadcast_in_dim3A_123 = vector.shape_cast %lt3A_95 : vector<1x1024xi1> to vector<1x1024xi1>
      %broadcast_in_dim3A_124 = vector.broadcast %broadcast_in_dim3A_123 : vector<1x1024xi1> to vector<256x1024xi1>
      %select_n3A_125 = arith.select %broadcast_in_dim3A_124, %neg3A_122, %concatenate3A_119 : vector<256x1024xi1>, vector<256x1024xf32>
      %mul3A_126 = arith.mulf %dot_general3A_38, %cos3A : vector<256x1024xf32>
      %mul3A_127 = arith.mulf %select_n3A_125, %sin3A : vector<256x1024xf32>
      %add3A_128 = arith.addf %mul3A_126, %mul3A_127 : vector<256x1024xf32>
      %convert_element_type3A_129 = arith.truncf %add3A_128 : vector<256x1024xf32> to vector<256x1024xbf16>
      %swap3A_130 = arith.constant 0 : index
      %swap3A_131 = arith.constant 0 : index
      %swap3A_132 = vector.load %arg10[%swap3A_130, %swap3A_131] : memref<256x1024xbf16, #tpu.memory_space<vmem>>, vector<256x1024xbf16>
      tpu.vector_store %arg10[%swap3A_130, %swap3A_131], %convert_element_type3A_129 {strides = array<i32>} : memref<256x1024xbf16, #tpu.memory_space<vmem>>, vector<256x1024xbf16>,
      %convert_element_type3A_133 = arith.truncf %dot_general3A_43 : vector<256x1024xf32> to vector<256x1024xbf16>
      %swap3A_134 = arith.constant 0 : index
      %swap3A_135 = arith.constant 0 : index
      %swap3A_136 = vector.load %arg11[%swap3A_134, %swap3A_135] : memref<256x1024xbf16, #tpu.memory_space<vmem>>, vector<256x1024xbf16>
      tpu.vector_store %arg11[%swap3A_134, %swap3A_135], %convert_element_type3A_133 {strides = array<i32>} : memref<256x1024xbf16, #tpu.memory_space<vmem>>, vector<256x1024xbf16>,
    } else {
    }
    %mul3A_3 = arith.constant 256 : i32
    %mul3A_4 = arith.muli %arg0, %mul3A_3 : i32
    %ge3A = arith.cmpi sge, %mul3A_4, %get3A_0 : i32
    %convert_element_type3A_5 = arith.extui %ge3A : i1 to i32
    %cond3A_6 = arith.constant 0 : i32
    %cond3A_7 = arith.cmpi ne, %convert_element_type3A_5, %cond3A_6 : i32
    scf.if %cond3A_7 {
      %broadcast_in_dim3A = arith.constant 0.000000e+00 : bf16
      %broadcast_in_dim3A_8 = vector.broadcast %broadcast_in_dim3A : bf16 to vector<256x1024xbf16>
      %swap3A = arith.constant 0 : index
      %swap3A_9 = arith.constant 0 : index
      %swap3A_10 = vector.load %arg9[%swap3A, %swap3A_9] : memref<256x1024xbf16, #tpu.memory_space<vmem>>, vector<256x1024xbf16>
      tpu.vector_store %arg9[%swap3A, %swap3A_9], %broadcast_in_dim3A_8 {strides = array<i32>} : memref<256x1024xbf16, #tpu.memory_space<vmem>>, vector<256x1024xbf16>,
      %broadcast_in_dim3A_11 = arith.constant 0.000000e+00 : bf16
      %broadcast_in_dim3A_12 = vector.broadcast %broadcast_in_dim3A_11 : bf16 to vector<256x1024xbf16>
      %swap3A_13 = arith.constant 0 : index
      %swap3A_14 = arith.constant 0 : index
      %swap3A_15 = vector.load %arg10[%swap3A_13, %swap3A_14] : memref<256x1024xbf16, #tpu.memory_space<vmem>>, vector<256x1024xbf16>
      tpu.vector_store %arg10[%swap3A_13, %swap3A_14], %broadcast_in_dim3A_12 {strides = array<i32>} : memref<256x1024xbf16, #tpu.memory_space<vmem>>, vector<256x1024xbf16>,
      %broadcast_in_dim3A_16 = arith.constant 0.000000e+00 : bf16
      %broadcast_in_dim3A_17 = vector.broadcast %broadcast_in_dim3A_16 : bf16 to vector<256x1024xbf16>
      %swap3A_18 = arith.constant 0 : index
      %swap3A_19 = arith.constant 0 : index
      %swap3A_20 = vector.load %arg11[%swap3A_18, %swap3A_19] : memref<256x1024xbf16, #tpu.memory_space<vmem>>, vector<256x1024xbf16>
      tpu.vector_store %arg11[%swap3A_18, %swap3A_19], %broadcast_in_dim3A_17 {strides = array<i32>} : memref<256x1024xbf16, #tpu.memory_space<vmem>>, vector<256x1024xbf16>,
    } else {
    }
    return
  }
  func.func @transform_0(%arg0: i32, %arg1: memref<8xi32, #tpu.memory_space<smem>>) -> (i32, i32) {
    %c0_i32 = arith.constant 0 : i32
    %c0_i32_0 = arith.constant 0 : i32
    return %arg0, %c0_i32 : i32, i32
  }
  func.func @transform_1(%arg0: i32, %arg1: memref<8xi32, #tpu.memory_space<smem>>) -> (i32, i32) {
    %c0_i32 = arith.constant 0 : i32
    %c0_i32_0 = arith.constant 0 : i32
    %c0_i32_1 = arith.constant 0 : i32
    return %c0_i32, %c0_i32_0 : i32, i32
  }
  func.func @transform_2(%arg0: i32, %arg1: memref<8xi32, #tpu.memory_space<smem>>) -> (i32, i32) {
    %c0_i32 = arith.constant 0 : i32
    %c0_i32_0 = arith.constant 0 : i32
    %c0_i32_1 = arith.constant 0 : i32
    return %c0_i32, %c0_i32_0 : i32, i32
  }
  func.func @transform_3(%arg0: i32, %arg1: memref<8xi32, #tpu.memory_space<smem>>) -> (i32, i32) {
    %c0_i32 = arith.constant 0 : i32
    %c0_i32_0 = arith.constant 0 : i32
    return %arg0, %c0_i32 : i32, i32
  }
  func.func @transform_4(%arg0: i32, %arg1: memref<8xi32, #tpu.memory_space<smem>>) -> (i32, i32) {
    %c0_i32 = arith.constant 0 : i32
    %c0_i32_0 = arith.constant 0 : i32
    %c0_i32_1 = arith.constant 0 : i32
    return %c0_i32, %c0_i32_0 : i32, i32
  }
  func.func @transform_5(%arg0: i32, %arg1: memref<8xi32, #tpu.memory_space<smem>>) -> (i32, i32) {
    %c0_i32 = arith.constant 0 : i32
    %c0_i32_0 = arith.constant 0 : i32
    %c0_i32_1 = arith.constant 0 : i32
    return %c0_i32, %c0_i32_0 : i32, i32
  }
  func.func @transform_6(%arg0: i32, %arg1: memref<8xi32, #tpu.memory_space<smem>>) -> (i32, i32) {
    %c0_i32 = arith.constant 0 : i32
    %c0_i32_0 = arith.constant 0 : i32
    %c0_i32_1 = arith.constant 0 : i32
    return %c0_i32, %c0_i32_0 : i32, i32
  }
  func.func @transform_7(%arg0: i32, %arg1: memref<8xi32, #tpu.memory_space<smem>>) -> (i32, i32) {
    %c0_i32 = arith.constant 0 : i32
    %c0_i32_0 = arith.constant 0 : i32
    return %arg0, %c0_i32 : i32, i32
  }
  func.func @transform_8(%arg0: i32, %arg1: memref<8xi32, #tpu.memory_space<smem>>) -> (i32, i32) {
    %c0_i32 = arith.constant 0 : i32
    %c0_i32_0 = arith.constant 0 : i32
    return %arg0, %c0_i32 : i32, i32
  }
  func.func @transform_9(%arg0: i32, %arg1: memref<8xi32, #tpu.memory_space<smem>>) -> (i32, i32) {
    %c0_i32 = arith.constant 0 : i32
    %c0_i32_0 = arith.constant 0 : i32
    return %arg0, %c0_i32 : i32, i32
  }
}

module attributes {stable_mosaic.version = 14 : i64} {
  func.func @_attn_body(%arg0: i32, %arg1: i32, %arg2: memref<8xi32, #tpu.memory_space<smem>>, %arg3: memref<256x128xbf16, #tpu.memory_space<vmem>>, %arg4: memref<2048x128xbf16, #tpu.memory_space<vmem>>, %arg5: memref<2048x128xbf16, #tpu.memory_space<vmem>>, %arg6: memref<256x128xbf16, #tpu.memory_space<vmem>>) attributes {dimension_semantics = [#tpu.dimension_semantics<arbitrary>, #tpu.dimension_semantics<arbitrary>], iteration_bounds = array<i64: 8, 8>, scalar_prefetch = 1 : i64, scratch_operands = 0 : i64, tpu.core_type = #tpu.core_type<tc>, window_params = [{transform_indices = @transform_0, window_bounds = array<i64: 256, 128>}, {transform_indices = @transform_1, window_bounds = array<i64: 2048, 128>}, {transform_indices = @transform_2, window_bounds = array<i64: 2048, 128>}, {transform_indices = @transform_3, window_bounds = array<i64: 256, 128>}]} {
    %get3A = arith.constant 2 : index
    %get3A_0 = memref.load %arg2[%get3A] : memref<8xi32, #tpu.memory_space<smem>>
    %mul3A = arith.constant 256 : i32
    %mul3A_1 = arith.muli %arg1, %mul3A : i32
    %lt3A = arith.cmpi slt, %mul3A_1, %get3A_0 : i32
    %convert_element_type3A = arith.extui %lt3A : i1 to i32
    %cond3A = arith.constant 0 : i32
    %cond3A_2 = arith.cmpi ne, %convert_element_type3A, %cond3A : i32
    scf.if %cond3A_2 {
      %le3A = arith.constant 512 : i32
      %le3A_8 = arith.cmpi sle, %get3A_0, %le3A : i32
      %convert_element_type3A_9 = arith.extui %le3A_8 : i1 to i32
      %cond3A_10 = arith.constant 0 : i32
      %cond3A_11 = arith.cmpi ne, %convert_element_type3A_9, %cond3A_10 : i32
      scf.if %cond3A_11 {
        %iota3A = tpu.iota {dimensions = array<i32: 1>} : vector<1x512xi32>
        %lt3A_31 = vector.broadcast %get3A_0 : i32 to vector<1x512xi32>
        %lt3A_32 = arith.cmpi slt, %iota3A, %lt3A_31 : vector<1x512xi32>
        %get3A_33 = arith.constant 0 : index
        %get3A_34 = arith.constant 0 : index
        %get3A_35 = vector.load %arg3[%get3A_33, %get3A_34] : memref<256x128xbf16, #tpu.memory_space<vmem>>, vector<256x64xbf16>
        %get3A_36 = arith.constant 0 : index
        %get3A_37 = arith.constant 0 : index
        %get3A_38 = vector.load %arg4[%get3A_36, %get3A_37] : memref<2048x128xbf16, #tpu.memory_space<vmem>>, vector<512x64xbf16>
        %dot_general3A = arith.constant dense<0.000000e+00> : vector<256x512xf32>
        %dot_general3A_39 = tpu.matmul %get3A_35, %get3A_38, %dot_general3A {dimension_numbers = #tpu.dot_dimension_numbers<[1], [1], [0], [0], [0, 0, 1, 0], [], []>, transpose_lhs_hint = false} : vector<256x64xbf16>, vector<512x64xbf16>, vector<256x512xf32> -> vector<256x512xf32>
        %jit3A = arith.constant -1.000000e+30 : f32
        %broadcast_in_dim3A = vector.shape_cast %lt3A_32 : vector<1x512xi1> to vector<1x512xi1>
        %broadcast_in_dim3A_40 = vector.broadcast %broadcast_in_dim3A : vector<1x512xi1> to vector<256x512xi1>
        %broadcast_in_dim3A_41 = vector.broadcast %jit3A : f32 to vector<256x512xf32>
        %select_n3A = arith.select %broadcast_in_dim3A_40, %dot_general3A_39, %broadcast_in_dim3A_41 : vector<256x512xi1>, vector<256x512xf32>
        %reduce_max3A = arith.constant dense<0xFF800000> : vector<256xf32>
        %reduce_max3A_42 = vector.multi_reduction <maximumf>, %select_n3A, %reduce_max3A [1] : vector<256x512xf32> to vector<256xf32>
        %broadcast_in_dim3A_43 = vector.shape_cast %reduce_max3A_42 : vector<256xf32> to vector<256x1xf32>
        %sub3A = vector.broadcast %broadcast_in_dim3A_43 : vector<256x1xf32> to vector<256x512xf32>
        %sub3A_44 = arith.subf %select_n3A, %sub3A : vector<256x512xf32>
        %exp3A = math.exp %sub3A_44 : vector<256x512xf32>
        %reduce_sum3A = arith.constant dense<0.000000e+00> : vector<256xf32>
        %reduce_sum3A_45 = vector.multi_reduction <add>, %exp3A, %reduce_sum3A [1] : vector<256x512xf32> to vector<256xf32>
        %broadcast_in_dim3A_46 = vector.shape_cast %reduce_sum3A_45 : vector<256xf32> to vector<256x1xf32>
        %convert_element_type3A_47 = arith.truncf %exp3A : vector<256x512xf32> to vector<256x512xbf16>
        %get3A_48 = arith.constant 0 : index
        %get3A_49 = arith.constant 0 : index
        %get3A_50 = vector.load %arg5[%get3A_48, %get3A_49] : memref<2048x128xbf16, #tpu.memory_space<vmem>>, vector<512x64xbf16>
        %dot_general3A_51 = arith.constant dense<0.000000e+00> : vector<256x64xf32>
        %dot_general3A_52 = tpu.matmul %convert_element_type3A_47, %get3A_50, %dot_general3A_51 {dimension_numbers = #tpu.dot_dimension_numbers<[1], [0], [0], [1], [0, 0, 1, 1], [], []>, transpose_lhs_hint = false} : vector<256x512xbf16>, vector<512x64xbf16>, vector<256x64xf32> -> vector<256x64xf32>
        %div3A = vector.broadcast %broadcast_in_dim3A_46 : vector<256x1xf32> to vector<256x64xf32>
        %div3A_53 = arith.divf %dot_general3A_52, %div3A : vector<256x64xf32>
        %convert_element_type3A_54 = arith.truncf %div3A_53 : vector<256x64xf32> to vector<256x64xbf16>
        %swap3A = arith.constant 0 : index
        %swap3A_55 = arith.constant 0 : index
        %swap3A_56 = vector.load %arg6[%swap3A, %swap3A_55] : memref<256x128xbf16, #tpu.memory_space<vmem>>, vector<256x64xbf16>
        tpu.vector_store %arg6[%swap3A, %swap3A_55], %convert_element_type3A_54 {strides = array<i32>} : memref<256x128xbf16, #tpu.memory_space<vmem>>, vector<256x64xbf16>,
        %get3A_57 = arith.constant 0 : index
        %get3A_58 = arith.constant 64 : index
        %get3A_59 = vector.load %arg3[%get3A_57, %get3A_58] : memref<256x128xbf16, #tpu.memory_space<vmem>>, vector<256x64xbf16>
        %get3A_60 = arith.constant 0 : index
        %get3A_61 = arith.constant 64 : index
        %get3A_62 = vector.load %arg4[%get3A_60, %get3A_61] : memref<2048x128xbf16, #tpu.memory_space<vmem>>, vector<512x64xbf16>
        %dot_general3A_63 = arith.constant dense<0.000000e+00> : vector<256x512xf32>
        %dot_general3A_64 = tpu.matmul %get3A_59, %get3A_62, %dot_general3A_63 {dimension_numbers = #tpu.dot_dimension_numbers<[1], [1], [0], [0], [0, 0, 1, 0], [], []>, transpose_lhs_hint = false} : vector<256x64xbf16>, vector<512x64xbf16>, vector<256x512xf32> -> vector<256x512xf32>
        %jit3A_65 = arith.constant -1.000000e+30 : f32
        %broadcast_in_dim3A_66 = vector.shape_cast %lt3A_32 : vector<1x512xi1> to vector<1x512xi1>
        %broadcast_in_dim3A_67 = vector.broadcast %broadcast_in_dim3A_66 : vector<1x512xi1> to vector<256x512xi1>
        %broadcast_in_dim3A_68 = vector.broadcast %jit3A_65 : f32 to vector<256x512xf32>
        %select_n3A_69 = arith.select %broadcast_in_dim3A_67, %dot_general3A_64, %broadcast_in_dim3A_68 : vector<256x512xi1>, vector<256x512xf32>
        %reduce_max3A_70 = arith.constant dense<0xFF800000> : vector<256xf32>
        %reduce_max3A_71 = vector.multi_reduction <maximumf>, %select_n3A_69, %reduce_max3A_70 [1] : vector<256x512xf32> to vector<256xf32>
        %broadcast_in_dim3A_72 = vector.shape_cast %reduce_max3A_71 : vector<256xf32> to vector<256x1xf32>
        %sub3A_73 = vector.broadcast %broadcast_in_dim3A_72 : vector<256x1xf32> to vector<256x512xf32>
        %sub3A_74 = arith.subf %select_n3A_69, %sub3A_73 : vector<256x512xf32>
        %exp3A_75 = math.exp %sub3A_74 : vector<256x512xf32>
        %reduce_sum3A_76 = arith.constant dense<0.000000e+00> : vector<256xf32>
        %reduce_sum3A_77 = vector.multi_reduction <add>, %exp3A_75, %reduce_sum3A_76 [1] : vector<256x512xf32> to vector<256xf32>
        %broadcast_in_dim3A_78 = vector.shape_cast %reduce_sum3A_77 : vector<256xf32> to vector<256x1xf32>
        %convert_element_type3A_79 = arith.truncf %exp3A_75 : vector<256x512xf32> to vector<256x512xbf16>
        %get3A_80 = arith.constant 0 : index
        %get3A_81 = arith.constant 64 : index
        %get3A_82 = vector.load %arg5[%get3A_80, %get3A_81] : memref<2048x128xbf16, #tpu.memory_space<vmem>>, vector<512x64xbf16>
        %dot_general3A_83 = arith.constant dense<0.000000e+00> : vector<256x64xf32>
        %dot_general3A_84 = tpu.matmul %convert_element_type3A_79, %get3A_82, %dot_general3A_83 {dimension_numbers = #tpu.dot_dimension_numbers<[1], [0], [0], [1], [0, 0, 1, 1], [], []>, transpose_lhs_hint = false} : vector<256x512xbf16>, vector<512x64xbf16>, vector<256x64xf32> -> vector<256x64xf32>
        %div3A_85 = vector.broadcast %broadcast_in_dim3A_78 : vector<256x1xf32> to vector<256x64xf32>
        %div3A_86 = arith.divf %dot_general3A_84, %div3A_85 : vector<256x64xf32>
        %convert_element_type3A_87 = arith.truncf %div3A_86 : vector<256x64xf32> to vector<256x64xbf16>
        %swap3A_88 = arith.constant 0 : index
        %swap3A_89 = arith.constant 64 : index
        %swap3A_90 = vector.load %arg6[%swap3A_88, %swap3A_89] : memref<256x128xbf16, #tpu.memory_space<vmem>>, vector<256x64xbf16>
        tpu.vector_store %arg6[%swap3A_88, %swap3A_89], %convert_element_type3A_87 {strides = array<i32>} : memref<256x128xbf16, #tpu.memory_space<vmem>>, vector<256x64xbf16>,
      } else {
      }
      %gt3A = arith.constant 512 : i32
      %gt3A_12 = arith.cmpi sgt, %get3A_0, %gt3A : i32
      %le3A_13 = arith.constant 1024 : i32
      %le3A_14 = arith.cmpi sle, %get3A_0, %le3A_13 : i32
      %and3A = arith.andi %gt3A_12, %le3A_14 : i1
      %convert_element_type3A_15 = arith.extui %and3A : i1 to i32
      %cond3A_16 = arith.constant 0 : i32
      %cond3A_17 = arith.cmpi ne, %convert_element_type3A_15, %cond3A_16 : i32
      scf.if %cond3A_17 {
        %iota3A = tpu.iota {dimensions = array<i32: 1>} : vector<1x1024xi32>
        %lt3A_31 = vector.broadcast %get3A_0 : i32 to vector<1x1024xi32>
        %lt3A_32 = arith.cmpi slt, %iota3A, %lt3A_31 : vector<1x1024xi32>
        %get3A_33 = arith.constant 0 : index
        %get3A_34 = arith.constant 0 : index
        %get3A_35 = vector.load %arg3[%get3A_33, %get3A_34] : memref<256x128xbf16, #tpu.memory_space<vmem>>, vector<256x64xbf16>
        %get3A_36 = arith.constant 0 : index
        %get3A_37 = arith.constant 0 : index
        %get3A_38 = vector.load %arg4[%get3A_36, %get3A_37] : memref<2048x128xbf16, #tpu.memory_space<vmem>>, vector<1024x64xbf16>
        %dot_general3A = arith.constant dense<0.000000e+00> : vector<256x1024xf32>
        %dot_general3A_39 = tpu.matmul %get3A_35, %get3A_38, %dot_general3A {dimension_numbers = #tpu.dot_dimension_numbers<[1], [1], [0], [0], [0, 0, 1, 0], [], []>, transpose_lhs_hint = false} : vector<256x64xbf16>, vector<1024x64xbf16>, vector<256x1024xf32> -> vector<256x1024xf32>
        %jit3A = arith.constant -1.000000e+30 : f32
        %broadcast_in_dim3A = vector.shape_cast %lt3A_32 : vector<1x1024xi1> to vector<1x1024xi1>
        %broadcast_in_dim3A_40 = vector.broadcast %broadcast_in_dim3A : vector<1x1024xi1> to vector<256x1024xi1>
        %broadcast_in_dim3A_41 = vector.broadcast %jit3A : f32 to vector<256x1024xf32>
        %select_n3A = arith.select %broadcast_in_dim3A_40, %dot_general3A_39, %broadcast_in_dim3A_41 : vector<256x1024xi1>, vector<256x1024xf32>
        %reduce_max3A = arith.constant dense<0xFF800000> : vector<256xf32>
        %reduce_max3A_42 = vector.multi_reduction <maximumf>, %select_n3A, %reduce_max3A [1] : vector<256x1024xf32> to vector<256xf32>
        %broadcast_in_dim3A_43 = vector.shape_cast %reduce_max3A_42 : vector<256xf32> to vector<256x1xf32>
        %sub3A = vector.broadcast %broadcast_in_dim3A_43 : vector<256x1xf32> to vector<256x1024xf32>
        %sub3A_44 = arith.subf %select_n3A, %sub3A : vector<256x1024xf32>
        %exp3A = math.exp %sub3A_44 : vector<256x1024xf32>
        %reduce_sum3A = arith.constant dense<0.000000e+00> : vector<256xf32>
        %reduce_sum3A_45 = vector.multi_reduction <add>, %exp3A, %reduce_sum3A [1] : vector<256x1024xf32> to vector<256xf32>
        %broadcast_in_dim3A_46 = vector.shape_cast %reduce_sum3A_45 : vector<256xf32> to vector<256x1xf32>
        %convert_element_type3A_47 = arith.truncf %exp3A : vector<256x1024xf32> to vector<256x1024xbf16>
        %get3A_48 = arith.constant 0 : index
        %get3A_49 = arith.constant 0 : index
        %get3A_50 = vector.load %arg5[%get3A_48, %get3A_49] : memref<2048x128xbf16, #tpu.memory_space<vmem>>, vector<1024x64xbf16>
        %dot_general3A_51 = arith.constant dense<0.000000e+00> : vector<256x64xf32>
        %dot_general3A_52 = tpu.matmul %convert_element_type3A_47, %get3A_50, %dot_general3A_51 {dimension_numbers = #tpu.dot_dimension_numbers<[1], [0], [0], [1], [0, 0, 1, 1], [], []>, transpose_lhs_hint = false} : vector<256x1024xbf16>, vector<1024x64xbf16>, vector<256x64xf32> -> vector<256x64xf32>
        %div3A = vector.broadcast %broadcast_in_dim3A_46 : vector<256x1xf32> to vector<256x64xf32>
        %div3A_53 = arith.divf %dot_general3A_52, %div3A : vector<256x64xf32>
        %convert_element_type3A_54 = arith.truncf %div3A_53 : vector<256x64xf32> to vector<256x64xbf16>
        %swap3A = arith.constant 0 : index
        %swap3A_55 = arith.constant 0 : index
        %swap3A_56 = vector.load %arg6[%swap3A, %swap3A_55] : memref<256x128xbf16, #tpu.memory_space<vmem>>, vector<256x64xbf16>
        tpu.vector_store %arg6[%swap3A, %swap3A_55], %convert_element_type3A_54 {strides = array<i32>} : memref<256x128xbf16, #tpu.memory_space<vmem>>, vector<256x64xbf16>,
        %get3A_57 = arith.constant 0 : index
        %get3A_58 = arith.constant 64 : index
        %get3A_59 = vector.load %arg3[%get3A_57, %get3A_58] : memref<256x128xbf16, #tpu.memory_space<vmem>>, vector<256x64xbf16>
        %get3A_60 = arith.constant 0 : index
        %get3A_61 = arith.constant 64 : index
        %get3A_62 = vector.load %arg4[%get3A_60, %get3A_61] : memref<2048x128xbf16, #tpu.memory_space<vmem>>, vector<1024x64xbf16>
        %dot_general3A_63 = arith.constant dense<0.000000e+00> : vector<256x1024xf32>
        %dot_general3A_64 = tpu.matmul %get3A_59, %get3A_62, %dot_general3A_63 {dimension_numbers = #tpu.dot_dimension_numbers<[1], [1], [0], [0], [0, 0, 1, 0], [], []>, transpose_lhs_hint = false} : vector<256x64xbf16>, vector<1024x64xbf16>, vector<256x1024xf32> -> vector<256x1024xf32>
        %jit3A_65 = arith.constant -1.000000e+30 : f32
        %broadcast_in_dim3A_66 = vector.shape_cast %lt3A_32 : vector<1x1024xi1> to vector<1x1024xi1>
        %broadcast_in_dim3A_67 = vector.broadcast %broadcast_in_dim3A_66 : vector<1x1024xi1> to vector<256x1024xi1>
        %broadcast_in_dim3A_68 = vector.broadcast %jit3A_65 : f32 to vector<256x1024xf32>
        %select_n3A_69 = arith.select %broadcast_in_dim3A_67, %dot_general3A_64, %broadcast_in_dim3A_68 : vector<256x1024xi1>, vector<256x1024xf32>
        %reduce_max3A_70 = arith.constant dense<0xFF800000> : vector<256xf32>
        %reduce_max3A_71 = vector.multi_reduction <maximumf>, %select_n3A_69, %reduce_max3A_70 [1] : vector<256x1024xf32> to vector<256xf32>
        %broadcast_in_dim3A_72 = vector.shape_cast %reduce_max3A_71 : vector<256xf32> to vector<256x1xf32>
        %sub3A_73 = vector.broadcast %broadcast_in_dim3A_72 : vector<256x1xf32> to vector<256x1024xf32>
        %sub3A_74 = arith.subf %select_n3A_69, %sub3A_73 : vector<256x1024xf32>
        %exp3A_75 = math.exp %sub3A_74 : vector<256x1024xf32>
        %reduce_sum3A_76 = arith.constant dense<0.000000e+00> : vector<256xf32>
        %reduce_sum3A_77 = vector.multi_reduction <add>, %exp3A_75, %reduce_sum3A_76 [1] : vector<256x1024xf32> to vector<256xf32>
        %broadcast_in_dim3A_78 = vector.shape_cast %reduce_sum3A_77 : vector<256xf32> to vector<256x1xf32>
        %convert_element_type3A_79 = arith.truncf %exp3A_75 : vector<256x1024xf32> to vector<256x1024xbf16>
        %get3A_80 = arith.constant 0 : index
        %get3A_81 = arith.constant 64 : index
        %get3A_82 = vector.load %arg5[%get3A_80, %get3A_81] : memref<2048x128xbf16, #tpu.memory_space<vmem>>, vector<1024x64xbf16>
        %dot_general3A_83 = arith.constant dense<0.000000e+00> : vector<256x64xf32>
        %dot_general3A_84 = tpu.matmul %convert_element_type3A_79, %get3A_82, %dot_general3A_83 {dimension_numbers = #tpu.dot_dimension_numbers<[1], [0], [0], [1], [0, 0, 1, 1], [], []>, transpose_lhs_hint = false} : vector<256x1024xbf16>, vector<1024x64xbf16>, vector<256x64xf32> -> vector<256x64xf32>
        %div3A_85 = vector.broadcast %broadcast_in_dim3A_78 : vector<256x1xf32> to vector<256x64xf32>
        %div3A_86 = arith.divf %dot_general3A_84, %div3A_85 : vector<256x64xf32>
        %convert_element_type3A_87 = arith.truncf %div3A_86 : vector<256x64xf32> to vector<256x64xbf16>
        %swap3A_88 = arith.constant 0 : index
        %swap3A_89 = arith.constant 64 : index
        %swap3A_90 = vector.load %arg6[%swap3A_88, %swap3A_89] : memref<256x128xbf16, #tpu.memory_space<vmem>>, vector<256x64xbf16>
        tpu.vector_store %arg6[%swap3A_88, %swap3A_89], %convert_element_type3A_87 {strides = array<i32>} : memref<256x128xbf16, #tpu.memory_space<vmem>>, vector<256x64xbf16>,
      } else {
      }
      %gt3A_18 = arith.constant 1024 : i32
      %gt3A_19 = arith.cmpi sgt, %get3A_0, %gt3A_18 : i32
      %le3A_20 = arith.constant 1536 : i32
      %le3A_21 = arith.cmpi sle, %get3A_0, %le3A_20 : i32
      %and3A_22 = arith.andi %gt3A_19, %le3A_21 : i1
      %convert_element_type3A_23 = arith.extui %and3A_22 : i1 to i32
      %cond3A_24 = arith.constant 0 : i32
      %cond3A_25 = arith.cmpi ne, %convert_element_type3A_23, %cond3A_24 : i32
      scf.if %cond3A_25 {
        %iota3A = tpu.iota {dimensions = array<i32: 1>} : vector<1x1536xi32>
        %lt3A_31 = vector.broadcast %get3A_0 : i32 to vector<1x1536xi32>
        %lt3A_32 = arith.cmpi slt, %iota3A, %lt3A_31 : vector<1x1536xi32>
        %get3A_33 = arith.constant 0 : index
        %get3A_34 = arith.constant 0 : index
        %get3A_35 = vector.load %arg3[%get3A_33, %get3A_34] : memref<256x128xbf16, #tpu.memory_space<vmem>>, vector<256x64xbf16>
        %get3A_36 = arith.constant 0 : index
        %get3A_37 = arith.constant 0 : index
        %get3A_38 = vector.load %arg4[%get3A_36, %get3A_37] : memref<2048x128xbf16, #tpu.memory_space<vmem>>, vector<1536x64xbf16>
        %dot_general3A = arith.constant dense<0.000000e+00> : vector<256x1536xf32>
        %dot_general3A_39 = tpu.matmul %get3A_35, %get3A_38, %dot_general3A {dimension_numbers = #tpu.dot_dimension_numbers<[1], [1], [0], [0], [0, 0, 1, 0], [], []>, transpose_lhs_hint = false} : vector<256x64xbf16>, vector<1536x64xbf16>, vector<256x1536xf32> -> vector<256x1536xf32>
        %jit3A = arith.constant -1.000000e+30 : f32
        %broadcast_in_dim3A = vector.shape_cast %lt3A_32 : vector<1x1536xi1> to vector<1x1536xi1>
        %broadcast_in_dim3A_40 = vector.broadcast %broadcast_in_dim3A : vector<1x1536xi1> to vector<256x1536xi1>
        %broadcast_in_dim3A_41 = vector.broadcast %jit3A : f32 to vector<256x1536xf32>
        %select_n3A = arith.select %broadcast_in_dim3A_40, %dot_general3A_39, %broadcast_in_dim3A_41 : vector<256x1536xi1>, vector<256x1536xf32>
        %reduce_max3A = arith.constant dense<0xFF800000> : vector<256xf32>
        %reduce_max3A_42 = vector.multi_reduction <maximumf>, %select_n3A, %reduce_max3A [1] : vector<256x1536xf32> to vector<256xf32>
        %broadcast_in_dim3A_43 = vector.shape_cast %reduce_max3A_42 : vector<256xf32> to vector<256x1xf32>
        %sub3A = vector.broadcast %broadcast_in_dim3A_43 : vector<256x1xf32> to vector<256x1536xf32>
        %sub3A_44 = arith.subf %select_n3A, %sub3A : vector<256x1536xf32>
        %exp3A = math.exp %sub3A_44 : vector<256x1536xf32>
        %reduce_sum3A = arith.constant dense<0.000000e+00> : vector<256xf32>
        %reduce_sum3A_45 = vector.multi_reduction <add>, %exp3A, %reduce_sum3A [1] : vector<256x1536xf32> to vector<256xf32>
        %broadcast_in_dim3A_46 = vector.shape_cast %reduce_sum3A_45 : vector<256xf32> to vector<256x1xf32>
        %convert_element_type3A_47 = arith.truncf %exp3A : vector<256x1536xf32> to vector<256x1536xbf16>
        %get3A_48 = arith.constant 0 : index
        %get3A_49 = arith.constant 0 : index
        %get3A_50 = vector.load %arg5[%get3A_48, %get3A_49] : memref<2048x128xbf16, #tpu.memory_space<vmem>>, vector<1536x64xbf16>
        %dot_general3A_51 = arith.constant dense<0.000000e+00> : vector<256x64xf32>
        %dot_general3A_52 = tpu.matmul %convert_element_type3A_47, %get3A_50, %dot_general3A_51 {dimension_numbers = #tpu.dot_dimension_numbers<[1], [0], [0], [1], [0, 0, 1, 1], [], []>, transpose_lhs_hint = false} : vector<256x1536xbf16>, vector<1536x64xbf16>, vector<256x64xf32> -> vector<256x64xf32>
        %div3A = vector.broadcast %broadcast_in_dim3A_46 : vector<256x1xf32> to vector<256x64xf32>
        %div3A_53 = arith.divf %dot_general3A_52, %div3A : vector<256x64xf32>
        %convert_element_type3A_54 = arith.truncf %div3A_53 : vector<256x64xf32> to vector<256x64xbf16>
        %swap3A = arith.constant 0 : index
        %swap3A_55 = arith.constant 0 : index
        %swap3A_56 = vector.load %arg6[%swap3A, %swap3A_55] : memref<256x128xbf16, #tpu.memory_space<vmem>>, vector<256x64xbf16>
        tpu.vector_store %arg6[%swap3A, %swap3A_55], %convert_element_type3A_54 {strides = array<i32>} : memref<256x128xbf16, #tpu.memory_space<vmem>>, vector<256x64xbf16>,
        %get3A_57 = arith.constant 0 : index
        %get3A_58 = arith.constant 64 : index
        %get3A_59 = vector.load %arg3[%get3A_57, %get3A_58] : memref<256x128xbf16, #tpu.memory_space<vmem>>, vector<256x64xbf16>
        %get3A_60 = arith.constant 0 : index
        %get3A_61 = arith.constant 64 : index
        %get3A_62 = vector.load %arg4[%get3A_60, %get3A_61] : memref<2048x128xbf16, #tpu.memory_space<vmem>>, vector<1536x64xbf16>
        %dot_general3A_63 = arith.constant dense<0.000000e+00> : vector<256x1536xf32>
        %dot_general3A_64 = tpu.matmul %get3A_59, %get3A_62, %dot_general3A_63 {dimension_numbers = #tpu.dot_dimension_numbers<[1], [1], [0], [0], [0, 0, 1, 0], [], []>, transpose_lhs_hint = false} : vector<256x64xbf16>, vector<1536x64xbf16>, vector<256x1536xf32> -> vector<256x1536xf32>
        %jit3A_65 = arith.constant -1.000000e+30 : f32
        %broadcast_in_dim3A_66 = vector.shape_cast %lt3A_32 : vector<1x1536xi1> to vector<1x1536xi1>
        %broadcast_in_dim3A_67 = vector.broadcast %broadcast_in_dim3A_66 : vector<1x1536xi1> to vector<256x1536xi1>
        %broadcast_in_dim3A_68 = vector.broadcast %jit3A_65 : f32 to vector<256x1536xf32>
        %select_n3A_69 = arith.select %broadcast_in_dim3A_67, %dot_general3A_64, %broadcast_in_dim3A_68 : vector<256x1536xi1>, vector<256x1536xf32>
        %reduce_max3A_70 = arith.constant dense<0xFF800000> : vector<256xf32>
        %reduce_max3A_71 = vector.multi_reduction <maximumf>, %select_n3A_69, %reduce_max3A_70 [1] : vector<256x1536xf32> to vector<256xf32>
        %broadcast_in_dim3A_72 = vector.shape_cast %reduce_max3A_71 : vector<256xf32> to vector<256x1xf32>
        %sub3A_73 = vector.broadcast %broadcast_in_dim3A_72 : vector<256x1xf32> to vector<256x1536xf32>
        %sub3A_74 = arith.subf %select_n3A_69, %sub3A_73 : vector<256x1536xf32>
        %exp3A_75 = math.exp %sub3A_74 : vector<256x1536xf32>
        %reduce_sum3A_76 = arith.constant dense<0.000000e+00> : vector<256xf32>
        %reduce_sum3A_77 = vector.multi_reduction <add>, %exp3A_75, %reduce_sum3A_76 [1] : vector<256x1536xf32> to vector<256xf32>
        %broadcast_in_dim3A_78 = vector.shape_cast %reduce_sum3A_77 : vector<256xf32> to vector<256x1xf32>
        %convert_element_type3A_79 = arith.truncf %exp3A_75 : vector<256x1536xf32> to vector<256x1536xbf16>
        %get3A_80 = arith.constant 0 : index
        %get3A_81 = arith.constant 64 : index
        %get3A_82 = vector.load %arg5[%get3A_80, %get3A_81] : memref<2048x128xbf16, #tpu.memory_space<vmem>>, vector<1536x64xbf16>
        %dot_general3A_83 = arith.constant dense<0.000000e+00> : vector<256x64xf32>
        %dot_general3A_84 = tpu.matmul %convert_element_type3A_79, %get3A_82, %dot_general3A_83 {dimension_numbers = #tpu.dot_dimension_numbers<[1], [0], [0], [1], [0, 0, 1, 1], [], []>, transpose_lhs_hint = false} : vector<256x1536xbf16>, vector<1536x64xbf16>, vector<256x64xf32> -> vector<256x64xf32>
        %div3A_85 = vector.broadcast %broadcast_in_dim3A_78 : vector<256x1xf32> to vector<256x64xf32>
        %div3A_86 = arith.divf %dot_general3A_84, %div3A_85 : vector<256x64xf32>
        %convert_element_type3A_87 = arith.truncf %div3A_86 : vector<256x64xf32> to vector<256x64xbf16>
        %swap3A_88 = arith.constant 0 : index
        %swap3A_89 = arith.constant 64 : index
        %swap3A_90 = vector.load %arg6[%swap3A_88, %swap3A_89] : memref<256x128xbf16, #tpu.memory_space<vmem>>, vector<256x64xbf16>
        tpu.vector_store %arg6[%swap3A_88, %swap3A_89], %convert_element_type3A_87 {strides = array<i32>} : memref<256x128xbf16, #tpu.memory_space<vmem>>, vector<256x64xbf16>,
      } else {
      }
      %gt3A_26 = arith.constant 1536 : i32
      %gt3A_27 = arith.cmpi sgt, %get3A_0, %gt3A_26 : i32
      %convert_element_type3A_28 = arith.extui %gt3A_27 : i1 to i32
      %cond3A_29 = arith.constant 0 : i32
      %cond3A_30 = arith.cmpi ne, %convert_element_type3A_28, %cond3A_29 : i32
      scf.if %cond3A_30 {
        %iota3A = tpu.iota {dimensions = array<i32: 1>} : vector<1x2048xi32>
        %lt3A_31 = vector.broadcast %get3A_0 : i32 to vector<1x2048xi32>
        %lt3A_32 = arith.cmpi slt, %iota3A, %lt3A_31 : vector<1x2048xi32>
        %get3A_33 = arith.constant 0 : index
        %get3A_34 = arith.constant 0 : index
        %get3A_35 = vector.load %arg3[%get3A_33, %get3A_34] : memref<256x128xbf16, #tpu.memory_space<vmem>>, vector<256x64xbf16>
        %get3A_36 = arith.constant 0 : index
        %get3A_37 = arith.constant 0 : index
        %get3A_38 = vector.load %arg4[%get3A_36, %get3A_37] : memref<2048x128xbf16, #tpu.memory_space<vmem>>, vector<2048x64xbf16>
        %dot_general3A = arith.constant dense<0.000000e+00> : vector<256x2048xf32>
        %dot_general3A_39 = tpu.matmul %get3A_35, %get3A_38, %dot_general3A {dimension_numbers = #tpu.dot_dimension_numbers<[1], [1], [0], [0], [0, 0, 1, 0], [], []>, transpose_lhs_hint = false} : vector<256x64xbf16>, vector<2048x64xbf16>, vector<256x2048xf32> -> vector<256x2048xf32>
        %jit3A = arith.constant -1.000000e+30 : f32
        %broadcast_in_dim3A = vector.shape_cast %lt3A_32 : vector<1x2048xi1> to vector<1x2048xi1>
        %broadcast_in_dim3A_40 = vector.broadcast %broadcast_in_dim3A : vector<1x2048xi1> to vector<256x2048xi1>
        %broadcast_in_dim3A_41 = vector.broadcast %jit3A : f32 to vector<256x2048xf32>
        %select_n3A = arith.select %broadcast_in_dim3A_40, %dot_general3A_39, %broadcast_in_dim3A_41 : vector<256x2048xi1>, vector<256x2048xf32>
        %reduce_max3A = arith.constant dense<0xFF800000> : vector<256xf32>
        %reduce_max3A_42 = vector.multi_reduction <maximumf>, %select_n3A, %reduce_max3A [1] : vector<256x2048xf32> to vector<256xf32>
        %broadcast_in_dim3A_43 = vector.shape_cast %reduce_max3A_42 : vector<256xf32> to vector<256x1xf32>
        %sub3A = vector.broadcast %broadcast_in_dim3A_43 : vector<256x1xf32> to vector<256x2048xf32>
        %sub3A_44 = arith.subf %select_n3A, %sub3A : vector<256x2048xf32>
        %exp3A = math.exp %sub3A_44 : vector<256x2048xf32>
        %reduce_sum3A = arith.constant dense<0.000000e+00> : vector<256xf32>
        %reduce_sum3A_45 = vector.multi_reduction <add>, %exp3A, %reduce_sum3A [1] : vector<256x2048xf32> to vector<256xf32>
        %broadcast_in_dim3A_46 = vector.shape_cast %reduce_sum3A_45 : vector<256xf32> to vector<256x1xf32>
        %convert_element_type3A_47 = arith.truncf %exp3A : vector<256x2048xf32> to vector<256x2048xbf16>
        %get3A_48 = arith.constant 0 : index
        %get3A_49 = arith.constant 0 : index
        %get3A_50 = vector.load %arg5[%get3A_48, %get3A_49] : memref<2048x128xbf16, #tpu.memory_space<vmem>>, vector<2048x64xbf16>
        %dot_general3A_51 = arith.constant dense<0.000000e+00> : vector<256x64xf32>
        %dot_general3A_52 = tpu.matmul %convert_element_type3A_47, %get3A_50, %dot_general3A_51 {dimension_numbers = #tpu.dot_dimension_numbers<[1], [0], [0], [1], [0, 0, 1, 1], [], []>, transpose_lhs_hint = false} : vector<256x2048xbf16>, vector<2048x64xbf16>, vector<256x64xf32> -> vector<256x64xf32>
        %div3A = vector.broadcast %broadcast_in_dim3A_46 : vector<256x1xf32> to vector<256x64xf32>
        %div3A_53 = arith.divf %dot_general3A_52, %div3A : vector<256x64xf32>
        %convert_element_type3A_54 = arith.truncf %div3A_53 : vector<256x64xf32> to vector<256x64xbf16>
        %swap3A = arith.constant 0 : index
        %swap3A_55 = arith.constant 0 : index
        %swap3A_56 = vector.load %arg6[%swap3A, %swap3A_55] : memref<256x128xbf16, #tpu.memory_space<vmem>>, vector<256x64xbf16>
        tpu.vector_store %arg6[%swap3A, %swap3A_55], %convert_element_type3A_54 {strides = array<i32>} : memref<256x128xbf16, #tpu.memory_space<vmem>>, vector<256x64xbf16>,
        %get3A_57 = arith.constant 0 : index
        %get3A_58 = arith.constant 64 : index
        %get3A_59 = vector.load %arg3[%get3A_57, %get3A_58] : memref<256x128xbf16, #tpu.memory_space<vmem>>, vector<256x64xbf16>
        %get3A_60 = arith.constant 0 : index
        %get3A_61 = arith.constant 64 : index
        %get3A_62 = vector.load %arg4[%get3A_60, %get3A_61] : memref<2048x128xbf16, #tpu.memory_space<vmem>>, vector<2048x64xbf16>
        %dot_general3A_63 = arith.constant dense<0.000000e+00> : vector<256x2048xf32>
        %dot_general3A_64 = tpu.matmul %get3A_59, %get3A_62, %dot_general3A_63 {dimension_numbers = #tpu.dot_dimension_numbers<[1], [1], [0], [0], [0, 0, 1, 0], [], []>, transpose_lhs_hint = false} : vector<256x64xbf16>, vector<2048x64xbf16>, vector<256x2048xf32> -> vector<256x2048xf32>
        %jit3A_65 = arith.constant -1.000000e+30 : f32
        %broadcast_in_dim3A_66 = vector.shape_cast %lt3A_32 : vector<1x2048xi1> to vector<1x2048xi1>
        %broadcast_in_dim3A_67 = vector.broadcast %broadcast_in_dim3A_66 : vector<1x2048xi1> to vector<256x2048xi1>
        %broadcast_in_dim3A_68 = vector.broadcast %jit3A_65 : f32 to vector<256x2048xf32>
        %select_n3A_69 = arith.select %broadcast_in_dim3A_67, %dot_general3A_64, %broadcast_in_dim3A_68 : vector<256x2048xi1>, vector<256x2048xf32>
        %reduce_max3A_70 = arith.constant dense<0xFF800000> : vector<256xf32>
        %reduce_max3A_71 = vector.multi_reduction <maximumf>, %select_n3A_69, %reduce_max3A_70 [1] : vector<256x2048xf32> to vector<256xf32>
        %broadcast_in_dim3A_72 = vector.shape_cast %reduce_max3A_71 : vector<256xf32> to vector<256x1xf32>
        %sub3A_73 = vector.broadcast %broadcast_in_dim3A_72 : vector<256x1xf32> to vector<256x2048xf32>
        %sub3A_74 = arith.subf %select_n3A_69, %sub3A_73 : vector<256x2048xf32>
        %exp3A_75 = math.exp %sub3A_74 : vector<256x2048xf32>
        %reduce_sum3A_76 = arith.constant dense<0.000000e+00> : vector<256xf32>
        %reduce_sum3A_77 = vector.multi_reduction <add>, %exp3A_75, %reduce_sum3A_76 [1] : vector<256x2048xf32> to vector<256xf32>
        %broadcast_in_dim3A_78 = vector.shape_cast %reduce_sum3A_77 : vector<256xf32> to vector<256x1xf32>
        %convert_element_type3A_79 = arith.truncf %exp3A_75 : vector<256x2048xf32> to vector<256x2048xbf16>
        %get3A_80 = arith.constant 0 : index
        %get3A_81 = arith.constant 64 : index
        %get3A_82 = vector.load %arg5[%get3A_80, %get3A_81] : memref<2048x128xbf16, #tpu.memory_space<vmem>>, vector<2048x64xbf16>
        %dot_general3A_83 = arith.constant dense<0.000000e+00> : vector<256x64xf32>
        %dot_general3A_84 = tpu.matmul %convert_element_type3A_79, %get3A_82, %dot_general3A_83 {dimension_numbers = #tpu.dot_dimension_numbers<[1], [0], [0], [1], [0, 0, 1, 1], [], []>, transpose_lhs_hint = false} : vector<256x2048xbf16>, vector<2048x64xbf16>, vector<256x64xf32> -> vector<256x64xf32>
        %div3A_85 = vector.broadcast %broadcast_in_dim3A_78 : vector<256x1xf32> to vector<256x64xf32>
        %div3A_86 = arith.divf %dot_general3A_84, %div3A_85 : vector<256x64xf32>
        %convert_element_type3A_87 = arith.truncf %div3A_86 : vector<256x64xf32> to vector<256x64xbf16>
        %swap3A_88 = arith.constant 0 : index
        %swap3A_89 = arith.constant 64 : index
        %swap3A_90 = vector.load %arg6[%swap3A_88, %swap3A_89] : memref<256x128xbf16, #tpu.memory_space<vmem>>, vector<256x64xbf16>
        tpu.vector_store %arg6[%swap3A_88, %swap3A_89], %convert_element_type3A_87 {strides = array<i32>} : memref<256x128xbf16, #tpu.memory_space<vmem>>, vector<256x64xbf16>,
      } else {
      }
    } else {
    }
    %mul3A_3 = arith.constant 256 : i32
    %mul3A_4 = arith.muli %arg1, %mul3A_3 : i32
    %ge3A = arith.cmpi sge, %mul3A_4, %get3A_0 : i32
    %convert_element_type3A_5 = arith.extui %ge3A : i1 to i32
    %cond3A_6 = arith.constant 0 : i32
    %cond3A_7 = arith.cmpi ne, %convert_element_type3A_5, %cond3A_6 : i32
    scf.if %cond3A_7 {
      %broadcast_in_dim3A = arith.constant 0.000000e+00 : bf16
      %broadcast_in_dim3A_8 = vector.broadcast %broadcast_in_dim3A : bf16 to vector<256x128xbf16>
      %swap3A = arith.constant 0 : index
      %swap3A_9 = arith.constant 0 : index
      %swap3A_10 = vector.load %arg6[%swap3A, %swap3A_9] : memref<256x128xbf16, #tpu.memory_space<vmem>>, vector<256x128xbf16>
      tpu.vector_store %arg6[%swap3A, %swap3A_9], %broadcast_in_dim3A_8 {strides = array<i32>} : memref<256x128xbf16, #tpu.memory_space<vmem>>, vector<256x128xbf16>,
    } else {
    }
    return
  }
  func.func @transform_0(%arg0: i32, %arg1: i32, %arg2: memref<8xi32, #tpu.memory_space<smem>>) -> (i32, i32) {
    %c0_i32 = arith.constant 0 : i32
    return %arg1, %arg0 : i32, i32
  }
  func.func @transform_1(%arg0: i32, %arg1: i32, %arg2: memref<8xi32, #tpu.memory_space<smem>>) -> (i32, i32) {
    %c0_i32 = arith.constant 0 : i32
    %c0_i32_0 = arith.constant 0 : i32
    return %c0_i32, %arg0 : i32, i32
  }
  func.func @transform_2(%arg0: i32, %arg1: i32, %arg2: memref<8xi32, #tpu.memory_space<smem>>) -> (i32, i32) {
    %c0_i32 = arith.constant 0 : i32
    %c0_i32_0 = arith.constant 0 : i32
    return %c0_i32, %arg0 : i32, i32
  }
  func.func @transform_3(%arg0: i32, %arg1: i32, %arg2: memref<8xi32, #tpu.memory_space<smem>>) -> (i32, i32) {
    %c0_i32 = arith.constant 0 : i32
    return %arg1, %arg0 : i32, i32
  }
}

module attributes {stable_mosaic.version = 14 : i64} {
  func.func @_post_body(%arg0: i32, %arg1: memref<8xi32, #tpu.memory_space<smem>>, %arg2: memref<256x1024xf32, #tpu.memory_space<vmem>>, %arg3: memref<1x1024xf32, #tpu.memory_space<vmem>>, %arg4: memref<256x1024xbf16, #tpu.memory_space<vmem>>, %arg5: memref<1024x1024xbf16, #tpu.memory_space<vmem>>, %arg6: memref<1x1024xf32, #tpu.memory_space<vmem>>, %arg7: memref<1024x2048xbf16, #tpu.memory_space<vmem>>, %arg8: memref<1024x2048xbf16, #tpu.memory_space<vmem>>, %arg9: memref<2048x1024xbf16, #tpu.memory_space<vmem>>, %arg10: memref<256x1024xf32, #tpu.memory_space<vmem>>) attributes {dimension_semantics = [#tpu.dimension_semantics<arbitrary>], iteration_bounds = array<i64: 8>, scalar_prefetch = 1 : i64, scratch_operands = 0 : i64, tpu.core_type = #tpu.core_type<tc>, window_params = [{transform_indices = @transform_0, window_bounds = array<i64: 256, 1024>}, {pipeline_mode = #tpu.pipeline_mode<synchronous>, transform_indices = @transform_1, window_bounds = array<i64: 1, 1024>}, {transform_indices = @transform_2, window_bounds = array<i64: 256, 1024>}, {pipeline_mode = #tpu.pipeline_mode<synchronous>, transform_indices = @transform_3, window_bounds = array<i64: 1024, 1024>}, {pipeline_mode = #tpu.pipeline_mode<synchronous>, transform_indices = @transform_4, window_bounds = array<i64: 1, 1024>}, {pipeline_mode = #tpu.pipeline_mode<synchronous>, transform_indices = @transform_5, window_bounds = array<i64: 1024, 2048>}, {pipeline_mode = #tpu.pipeline_mode<synchronous>, transform_indices = @transform_6, window_bounds = array<i64: 1024, 2048>}, {pipeline_mode = #tpu.pipeline_mode<synchronous>, transform_indices = @transform_7, window_bounds = array<i64: 2048, 1024>}, {transform_indices = @transform_8, window_bounds = array<i64: 256, 1024>}]} {
    %get3A = arith.constant 2 : index
    %get3A_0 = memref.load %arg1[%get3A] : memref<8xi32, #tpu.memory_space<smem>>
    %mul3A = arith.constant 256 : i32
    %mul3A_1 = arith.muli %arg0, %mul3A : i32
    %lt3A = arith.cmpi slt, %mul3A_1, %get3A_0 : i32
    %convert_element_type3A = arith.extui %lt3A : i1 to i32
    %cond3A = arith.constant 0 : i32
    %cond3A_2 = arith.cmpi ne, %convert_element_type3A, %cond3A : i32
    scf.if %cond3A_2 {
      %get3A_8 = arith.constant 0 : index
      %get3A_9 = arith.constant 0 : index
      %get3A_10 = vector.load %arg2[%get3A_8, %get3A_9] : memref<256x1024xf32, #tpu.memory_space<vmem>>, vector<256x1024xf32>
      %get3A_11 = arith.constant 0 : index
      %get3A_12 = arith.constant 0 : index
      %get3A_13 = vector.load %arg3[%get3A_11, %get3A_12] : memref<1x1024xf32, #tpu.memory_space<vmem>>, vector<1x1024xf32>
      %add3A = vector.broadcast %get3A_13 : vector<1x1024xf32> to vector<256x1024xf32>
      %add3A_14 = arith.addf %get3A_10, %add3A : vector<256x1024xf32>
      %get3A_15 = arith.constant 0 : index
      %get3A_16 = arith.constant 0 : index
      %get3A_17 = vector.load %arg4[%get3A_15, %get3A_16] : memref<256x1024xbf16, #tpu.memory_space<vmem>>, vector<256x1024xbf16>
      %get3A_18 = arith.constant 0 : index
      %get3A_19 = arith.constant 0 : index
      %get3A_20 = vector.load %arg5[%get3A_18, %get3A_19] : memref<1024x1024xbf16, #tpu.memory_space<vmem>>, vector<1024x1024xbf16>
      %dot_general3A = arith.constant dense<0.000000e+00> : vector<256x1024xf32>
      %dot_general3A_21 = tpu.matmul %get3A_17, %get3A_20, %dot_general3A {dimension_numbers = #tpu.dot_dimension_numbers<[1], [0], [0], [1], [0, 0, 1, 1], [], []>, transpose_lhs_hint = false} : vector<256x1024xbf16>, vector<1024x1024xbf16>, vector<256x1024xf32> -> vector<256x1024xf32>
      %add3A_22 = arith.addf %add3A_14, %dot_general3A_21 : vector<256x1024xf32>
      %mul3A_23 = arith.mulf %add3A_22, %add3A_22 : vector<256x1024xf32>
      %reduce_sum3A = arith.constant dense<0.000000e+00> : vector<256xf32>
      %reduce_sum3A_24 = vector.multi_reduction <add>, %mul3A_23, %reduce_sum3A [1] : vector<256x1024xf32> to vector<256xf32>
      %broadcast_in_dim3A = vector.shape_cast %reduce_sum3A_24 : vector<256xf32> to vector<256x1xf32>
      %div3A = arith.constant 1.024000e+03 : f32
      %div3A_25 = vector.broadcast %div3A : f32 to vector<256x1xf32>
      %div3A_26 = arith.divf %broadcast_in_dim3A, %div3A_25 : vector<256x1xf32>
      %add3A_27 = arith.constant 9.99999997E-7 : f32
      %add3A_28 = vector.broadcast %add3A_27 : f32 to vector<256x1xf32>
      %add3A_29 = arith.addf %div3A_26, %add3A_28 : vector<256x1xf32>
      %rsqrt3A = math.rsqrt %add3A_29 : vector<256x1xf32>
      %mul3A_30 = vector.broadcast %rsqrt3A : vector<256x1xf32> to vector<256x1024xf32>
      %mul3A_31 = arith.mulf %add3A_22, %mul3A_30 : vector<256x1024xf32>
      %get3A_32 = arith.constant 0 : index
      %get3A_33 = arith.constant 0 : index
      %get3A_34 = vector.load %arg6[%get3A_32, %get3A_33] : memref<1x1024xf32, #tpu.memory_space<vmem>>, vector<1x1024xf32>
      %mul3A_35 = vector.broadcast %get3A_34 : vector<1x1024xf32> to vector<256x1024xf32>
      %mul3A_36 = arith.mulf %mul3A_31, %mul3A_35 : vector<256x1024xf32>
      %convert_element_type3A_37 = arith.truncf %mul3A_36 : vector<256x1024xf32> to vector<256x1024xbf16>
      %get3A_38 = arith.constant 0 : index
      %get3A_39 = arith.constant 0 : index
      %get3A_40 = vector.load %arg7[%get3A_38, %get3A_39] : memref<1024x2048xbf16, #tpu.memory_space<vmem>>, vector<1024x2048xbf16>
      %dot_general3A_41 = arith.constant dense<0.000000e+00> : vector<256x2048xf32>
      %dot_general3A_42 = tpu.matmul %convert_element_type3A_37, %get3A_40, %dot_general3A_41 {dimension_numbers = #tpu.dot_dimension_numbers<[1], [0], [0], [1], [0, 0, 1, 1], [], []>, transpose_lhs_hint = false} : vector<256x1024xbf16>, vector<1024x2048xbf16>, vector<256x2048xf32> -> vector<256x2048xf32>
      %get3A_43 = arith.constant 0 : index
      %get3A_44 = arith.constant 0 : index
      %get3A_45 = vector.load %arg8[%get3A_43, %get3A_44] : memref<1024x2048xbf16, #tpu.memory_space<vmem>>, vector<1024x2048xbf16>
      %dot_general3A_46 = arith.constant dense<0.000000e+00> : vector<256x2048xf32>
      %dot_general3A_47 = tpu.matmul %convert_element_type3A_37, %get3A_45, %dot_general3A_46 {dimension_numbers = #tpu.dot_dimension_numbers<[1], [0], [0], [1], [0, 0, 1, 1], [], []>, transpose_lhs_hint = false} : vector<256x1024xbf16>, vector<1024x2048xbf16>, vector<256x2048xf32> -> vector<256x2048xf32>
      %logistic3A = arith.negf %dot_general3A_42 : vector<256x2048xf32>
      %logistic3A_48 = math.exp %logistic3A : vector<256x2048xf32>
      %logistic3A_49 = arith.constant 1.000000e+00 : f32
      %logistic3A_50 = vector.broadcast %logistic3A_49 : f32 to vector<256x2048xf32>
      %logistic3A_51 = arith.addf %logistic3A_50, %logistic3A_48 : vector<256x2048xf32>
      %logistic3A_52 = arith.divf %logistic3A_50, %logistic3A_51 : vector<256x2048xf32>
      %mul3A_53 = arith.mulf %dot_general3A_42, %logistic3A_52 : vector<256x2048xf32>
      %mul3A_54 = arith.mulf %mul3A_53, %dot_general3A_47 : vector<256x2048xf32>
      %convert_element_type3A_55 = arith.truncf %mul3A_54 : vector<256x2048xf32> to vector<256x2048xbf16>
      %get3A_56 = arith.constant 0 : index
      %get3A_57 = arith.constant 0 : index
      %get3A_58 = vector.load %arg9[%get3A_56, %get3A_57] : memref<2048x1024xbf16, #tpu.memory_space<vmem>>, vector<2048x1024xbf16>
      %dot_general3A_59 = arith.constant dense<0.000000e+00> : vector<256x1024xf32>
      %dot_general3A_60 = tpu.matmul %convert_element_type3A_55, %get3A_58, %dot_general3A_59 {dimension_numbers = #tpu.dot_dimension_numbers<[1], [0], [0], [1], [0, 0, 1, 1], [], []>, transpose_lhs_hint = false} : vector<256x2048xbf16>, vector<2048x1024xbf16>, vector<256x1024xf32> -> vector<256x1024xf32>
      %add3A_61 = arith.addf %add3A_22, %dot_general3A_60 : vector<256x1024xf32>
      %swap3A = arith.constant 0 : index
      %swap3A_62 = arith.constant 0 : index
      %swap3A_63 = vector.load %arg10[%swap3A, %swap3A_62] : memref<256x1024xf32, #tpu.memory_space<vmem>>, vector<256x1024xf32>
      tpu.vector_store %arg10[%swap3A, %swap3A_62], %add3A_61 {strides = array<i32>} : memref<256x1024xf32, #tpu.memory_space<vmem>>, vector<256x1024xf32>,
    } else {
    }
    %mul3A_3 = arith.constant 256 : i32
    %mul3A_4 = arith.muli %arg0, %mul3A_3 : i32
    %ge3A = arith.cmpi sge, %mul3A_4, %get3A_0 : i32
    %convert_element_type3A_5 = arith.extui %ge3A : i1 to i32
    %cond3A_6 = arith.constant 0 : i32
    %cond3A_7 = arith.cmpi ne, %convert_element_type3A_5, %cond3A_6 : i32
    scf.if %cond3A_7 {
      %broadcast_in_dim3A = arith.constant 0.000000e+00 : f32
      %broadcast_in_dim3A_8 = vector.broadcast %broadcast_in_dim3A : f32 to vector<256x1024xf32>
      %swap3A = arith.constant 0 : index
      %swap3A_9 = arith.constant 0 : index
      %swap3A_10 = vector.load %arg10[%swap3A, %swap3A_9] : memref<256x1024xf32, #tpu.memory_space<vmem>>, vector<256x1024xf32>
      tpu.vector_store %arg10[%swap3A, %swap3A_9], %broadcast_in_dim3A_8 {strides = array<i32>} : memref<256x1024xf32, #tpu.memory_space<vmem>>, vector<256x1024xf32>,
    } else {
    }
    return
  }
  func.func @transform_0(%arg0: i32, %arg1: memref<8xi32, #tpu.memory_space<smem>>) -> (i32, i32) {
    %c0_i32 = arith.constant 0 : i32
    %c0_i32_0 = arith.constant 0 : i32
    return %arg0, %c0_i32 : i32, i32
  }
  func.func @transform_1(%arg0: i32, %arg1: memref<8xi32, #tpu.memory_space<smem>>) -> (i32, i32) {
    %c0_i32 = arith.constant 0 : i32
    %c0_i32_0 = arith.constant 0 : i32
    %c0_i32_1 = arith.constant 0 : i32
    return %c0_i32, %c0_i32_0 : i32, i32
  }
  func.func @transform_2(%arg0: i32, %arg1: memref<8xi32, #tpu.memory_space<smem>>) -> (i32, i32) {
    %c0_i32 = arith.constant 0 : i32
    %c0_i32_0 = arith.constant 0 : i32
    return %arg0, %c0_i32 : i32, i32
  }
  func.func @transform_3(%arg0: i32, %arg1: memref<8xi32, #tpu.memory_space<smem>>) -> (i32, i32) {
    %c0_i32 = arith.constant 0 : i32
    %c0_i32_0 = arith.constant 0 : i32
    %c0_i32_1 = arith.constant 0 : i32
    return %c0_i32, %c0_i32_0 : i32, i32
  }
  func.func @transform_4(%arg0: i32, %arg1: memref<8xi32, #tpu.memory_space<smem>>) -> (i32, i32) {
    %c0_i32 = arith.constant 0 : i32
    %c0_i32_0 = arith.constant 0 : i32
    %c0_i32_1 = arith.constant 0 : i32
    return %c0_i32, %c0_i32_0 : i32, i32
  }
  func.func @transform_5(%arg0: i32, %arg1: memref<8xi32, #tpu.memory_space<smem>>) -> (i32, i32) {
    %c0_i32 = arith.constant 0 : i32
    %c0_i32_0 = arith.constant 0 : i32
    %c0_i32_1 = arith.constant 0 : i32
    return %c0_i32, %c0_i32_0 : i32, i32
  }
  func.func @transform_6(%arg0: i32, %arg1: memref<8xi32, #tpu.memory_space<smem>>) -> (i32, i32) {
    %c0_i32 = arith.constant 0 : i32
    %c0_i32_0 = arith.constant 0 : i32
    %c0_i32_1 = arith.constant 0 : i32
    return %c0_i32, %c0_i32_0 : i32, i32
  }
  func.func @transform_7(%arg0: i32, %arg1: memref<8xi32, #tpu.memory_space<smem>>) -> (i32, i32) {
    %c0_i32 = arith.constant 0 : i32
    %c0_i32_0 = arith.constant 0 : i32
    %c0_i32_1 = arith.constant 0 : i32
    return %c0_i32, %c0_i32_0 : i32, i32
  }
  func.func @transform_8(%arg0: i32, %arg1: memref<8xi32, #tpu.memory_space<smem>>) -> (i32, i32) {
    %c0_i32 = arith.constant 0 : i32
    %c0_i32_0 = arith.constant 0 : i32
    return %arg0, %c0_i32 : i32, i32
  }
}

module attributes {stable_mosaic.version = 14 : i64} {
  func.func @_combine_body(%arg0: i32, %arg1: memref<512x1024xf32, #tpu.memory_space<vmem>>, %arg2: memref<512x1024xf32, #tpu.memory_space<vmem>>, %arg3: memref<512x1xf32, #tpu.memory_space<vmem>>, %arg4: memref<512x1024xf32, #tpu.memory_space<vmem>>) attributes {dimension_semantics = [#tpu.dimension_semantics<arbitrary>], iteration_bounds = array<i64: 4>, scalar_prefetch = 0 : i64, scratch_operands = 0 : i64, tpu.core_type = #tpu.core_type<tc>, window_params = [{transform_indices = @transform_0, window_bounds = array<i64: 512, 1024>}, {transform_indices = @transform_1, window_bounds = array<i64: 512, 1024>}, {transform_indices = @transform_2, window_bounds = array<i64: 512, 1>}, {transform_indices = @transform_3, window_bounds = array<i64: 512, 1024>}]} {
    %get3A = arith.constant 0 : index
    %get3A_0 = arith.constant 0 : index
    %get3A_1 = vector.load %arg1[%get3A, %get3A_0] : memref<512x1024xf32, #tpu.memory_space<vmem>>, vector<512x1024xf32>
    %get3A_2 = arith.constant 0 : index
    %get3A_3 = arith.constant 0 : index
    %get3A_4 = vector.load %arg2[%get3A_2, %get3A_3] : memref<512x1024xf32, #tpu.memory_space<vmem>>, vector<512x1024xf32>
    %get3A_5 = arith.constant 0 : index
    %get3A_6 = arith.constant 0 : index
    %get3A_7 = vector.load %arg3[%get3A_5, %get3A_6] : memref<512x1xf32, #tpu.memory_space<vmem>>, vector<512x1xf32>
    %mul3A = vector.broadcast %get3A_7 : vector<512x1xf32> to vector<512x1024xf32>
    %mul3A_8 = arith.mulf %get3A_4, %mul3A : vector<512x1024xf32>
    %add3A = arith.addf %get3A_1, %mul3A_8 : vector<512x1024xf32>
    %swap3A = arith.constant 0 : index
    %swap3A_9 = arith.constant 0 : index
    %swap3A_10 = vector.load %arg4[%swap3A, %swap3A_9] : memref<512x1024xf32, #tpu.memory_space<vmem>>, vector<512x1024xf32>
    tpu.vector_store %arg4[%swap3A, %swap3A_9], %add3A {strides = array<i32>} : memref<512x1024xf32, #tpu.memory_space<vmem>>, vector<512x1024xf32>,
    return
  }
  func.func @transform_0(%arg0: i32) -> (i32, i32) {
    %c0_i32 = arith.constant 0 : i32
    %c0_i32_0 = arith.constant 0 : i32
    return %arg0, %c0_i32 : i32, i32
  }
  func.func @transform_1(%arg0: i32) -> (i32, i32) {
    %c0_i32 = arith.constant 0 : i32
    %c0_i32_0 = arith.constant 0 : i32
    return %arg0, %c0_i32 : i32, i32
  }
  func.func @transform_2(%arg0: i32) -> (i32, i32) {
    %c0_i32 = arith.constant 0 : i32
    %c0_i32_0 = arith.constant 0 : i32
    return %arg0, %c0_i32 : i32, i32
  }
  func.func @transform_3(%arg0: i32) -> (i32, i32) {
    %c0_i32 = arith.constant 0 : i32
    %c0_i32_0 = arith.constant 0 : i32
    return %arg0, %c0_i32 : i32, i32
  }
}

</mosaic_0001>

<sc_bundles>
// kernel: kernel.21.cloned.1.call-start
scs
__scs_entry_jumppad:
0x0: {  	(pc) =	sbr.rel $0x88, $3  }
0x1: {  	(tag) =	ssettag $0x0;
	lr =	simm.s32 $0x1  }
0x2: {  	[smem:$0x3F83] =	sst lr;
	_ =	strace $0xD0000000  }
0x3: {  	_ = 	snop  }
0x4: {  	_ = 	snop  }
0x5: {  	_ = 	snop  }
0x6: {  	_ = 	snop  }
0x7: {  	_ = 	snop  }
__scs_overlays_trampoline_lowered:
0x8: {  	[smem:$0x3F92] =	sst s0  }
0x9: {  	[smem:$0x3F93] =	sst s1  }
0xa: {  	[smem:$0x3F94] =	sst s2  }
0xb: {  	[smem:$0x3F95] =	sst s3  }
0xc: {  	[smem:$0x3F96] =	sst s4  }
0xd: {  	[smem:$0x3F97] =	sst s5  }
0xe: {  	[smem:$0x3F98] =	sst s6  }
0xf: {  	[smem:$0x3F99] =	sst s7  }
0x10: {  	[smem:$0x3F9A] =	sst s8  }
0x11: {  	[smem:$0x3F9B] =	sst s9;
	s0 =	simm.s32 @!p0 $0x0  }
0x12: {  	s1 =	sld [smem:$0x3F81];
	s0 =	simm.s32 @p0 $0x1  }
0x13: {  	[smem:$0x3F9C] =	sst s0;
	s0 =	simm.s32 @!p1 $0x0  }
0x14: {  	s2 =	sld [smem:$0x3F80];
	s0 =	simm.s32 @p1 $0x1  }
0x15: {  	[smem:$0x3F9D] =	sst s0;
	s0 =	simm.s32 @!p2 $0x0  }
0x16: {  	s3 =	sld [smem:$0x3FDB];
	s0 =	simm.s32 @p2 $0x1  }
0x17: {  	s4 =	simm.s32 $0x1BF5;
	[smem:$0x3F9F] =	sst s0  }
0x18: {  	s0 =	sld [smem:$0x3F82];
	_ =	swait.ge [sflag:s4], $0x0  }
0x19: {  	s7 =	sld [smem:$0x3F83]  }
0x1a: {  	s8 =	sadd.s32 $0xFFFFE003, lr  }
0x1b: {  	s9 =	sadd.s32 $0xFFFFFEF7, lr;
	s5 =	simm.s32 $0xFFFFFFFF;
	p2 =	slt.u32 s8, $0xFFFFF086  }
0x1c: {  	p1 =	slt.u32 s9, $0xF7A;
	s5 =	simm.s32 @!p2 $0x0  }
0x1d: {  	s5 =	simm.s32 @p1 $0x1;
	p0 =	seq.s32 s7, s2  }
0x1e: {  	s7 =	smul.u32 @!p0 $0xF7A, s2;
	p2 =	seq.s32 @!p0 s5, $0x0  }
0x1f: {  	s9 =	smul.u32 $0xF7A, s1;
	s8 =	simm.s32 @!p0 $0x1BF5;
	p2 =	por !p2, p0  }
0x20: {  	[sflag:s8] =	ssyncset.s32 @!p0 $0xFFFFF086;
	s6 =	sadd.s32 @!p0 s3, s7;
	s7 =	simm.s32 @!p0 $0x108  }
0x21: {  	s3 =	sadd.s32 s3, s9;
	s6 =	sadd.s32 @!p0 $0x88, s6;
	s7 =	simm.s32 @p2 $0x1082  }
0x22: {  	[simem:s7], [sflag:s8] =	dma.local @!p0 [hbm:s6], $0xF7A  }
0x23: {  	s9 =	sor.u32 $0xD0000000, s2;
	s6 =	simm.s32 $0x108;
	_ =	swait.ge @!p0 [sflag:s8], $0x0  }
0x24: {  	s3 =	sadd.s32 $0x88, s3;
	s6 =	simm.s32 @!p1 $0x1082;
	[sflag:s4] =	ssyncset.s32 $0xFFFFF086  }
0x25: {  	[simem:s6], [sflag:s4] =	dma.local [hbm:s3], $0xF7A  }
0x26: {  	[smem:$0x3F83] =	sst s1;
	(tag) =	ssettag s2;
	_ =	strace s9  }
0x27: {  	s1 =	sld [smem:$0x3F93]  }
0x28: {  	s2 =	sld [smem:$0x3F94]  }
0x29: {  	s4 =	sld [smem:$0x3F96]  }
0x2a: {  	p0 =	seq.s32 s5, $0x0;
	s5 =	sld [smem:$0x3F97]  }
0x2b: {  	s6 =	sld [smem:$0x3F98]  }
0x2c: {  	s7 =	sld [smem:$0x3F99]  }
0x2d: {  	s3 =	simm.s32 $0x108;
	s8 =	sld [smem:$0x3F9A]  }
0x2e: {  	s3 =	simm.s32 @!p0 $0x1082;
	s9 =	sld [smem:$0x3F9B]  }
0x2f: {  	lr =	sadd.s32 s0, s3;
	s0 =	sld [smem:$0x3F92]  }
0x30: {  	s3 =	sld [smem:$0x3F95]  }
0x31: {  	[smem:$0x3F9E] =	sst s10  }
0x32: {  	s10 =	sld [smem:$0x3F9C];
	_ =	sdelay $0x3  }
0x33: {  	p0 =	seq.s32 s10, $0x1;
	s10 =	sld [smem:$0x3F9E];
	_ =	sdelay $0x3  }
0x34: {  	[smem:$0x3F9E] =	sst s10  }
0x35: {  	s10 =	sld [smem:$0x3F9D];
	_ =	sdelay $0x3  }
0x36: {  	p1 =	seq.s32 s10, $0x1;
	s10 =	sld [smem:$0x3F9E];
	_ =	sdelay $0x3  }
0x37: {  	[smem:$0x3F9E] =	sst s10  }
0x38: {  	s10 =	sld [smem:$0x3F9F]  }
0x39: {  	_ = 	snop;
	(pc) =	sbr.ind lr, $3  }
0x3a: {  	_ = 	snop  }
0x3b: {  	_ = 	snop  }
0x3c: {  	p2 =	seq.s32 s10, $0x1;
	s10 =	sld [smem:$0x3F9E]  }
0x3d: {  	_ =	shalt  }
0x3e: {  	_ =	shalt  }
0x3f: {  	_ =	shalt  }
0x40: {  	_ =	shalt  }
0x41: {  	_ =	shalt  }
0x42: {  	_ =	shalt  }
0x43: {  	_ =	shalt  }
0x44: {  	_ =	shalt  }
0x45: {  	_ =	shalt  }
0x46: {  	_ =	shalt  }
0x47: {  	_ =	shalt  }
0x48: {  	_ =	shalt  }
0x49: {  	_ =	shalt  }
0x4a: {  	_ =	shalt  }
0x4b: {  	_ =	shalt  }
0x4c: {  	_ =	shalt  }
0x4d: {  	_ =	shalt  }
0x4e: {  	_ =	shalt  }
0x4f: {  	_ =	shalt  }
0x50: {  	_ =	shalt  }
0x51: {  	_ =	shalt  }
0x52: {  	_ =	shalt  }
0x53: {  	_ =	shalt  }
0x54: {  	_ =	shalt  }
0x55: {  	_ =	shalt  }
0x56: {  	_ =	shalt  }
0x57: {  	_ =	shalt  }
0x58: {  	_ =	shalt  }
0x59: {  	_ =	shalt  }
0x5a: {  	_ =	shalt  }
0x5b: {  	_ =	shalt  }
0x5c: {  	_ =	shalt  }
0x5d: {  	_ =	shalt  }
0x5e: {  	_ =	shalt  }
0x5f: {  	_ =	shalt  }
0x60: {  	_ =	shalt  }
0x61: {  	_ =	shalt  }
0x62: {  	_ =	shalt  }
0x63: {  	_ =	shalt  }
0x64: {  	_ =	shalt  }
0x65: {  	_ =	shalt  }
0x66: {  	_ =	shalt  }
0x67: {  	_ =	shalt  }
0x68: {  	_ =	shalt  }
0x69: {  	_ =	shalt  }
0x6a: {  	_ =	shalt  }
0x6b: {  	_ =	shalt  }
0x6c: {  	_ =	shalt  }
0x6d: {  	_ =	shalt  }
0x6e: {  	_ =	shalt  }
0x6f: {  	_ =	shalt  }
0x70: {  	_ =	shalt  }
0x71: {  	_ =	shalt  }
0x72: {  	_ =	shalt  }
0x73: {  	_ =	shalt  }
0x74: {  	_ =	shalt  }
0x75: {  	_ =	shalt  }
0x76: {  	_ =	shalt  }
0x77: {  	_ =	shalt  }
0x78: {  	_ =	shalt  }
0x79: {  	_ =	shalt  }
0x7a: {  	_ =	shalt  }
0x7b: {  	_ =	shalt  }
0x7c: {  	_ =	shalt  }
0x7d: {  	_ =	shalt  }
0x7e: {  	_ =	shalt  }
0x7f: {  	_ =	shalt  }
0x80: {  	_ =	shalt  }
0x81: {  	_ =	shalt  }
0x82: {  	_ =	shalt  }
0x83: {  	_ =	shalt  }
0x84: {  	_ =	shalt  }
0x85: {  	_ =	shalt  }
0x86: {  	_ =	shalt  }
0x87: {  	_ =	shalt  }
.Lfunc_end0:
.L_simem_size_0:
called_computation_lowered:
.L_overlay_start_0:
0x88: {  	s2 =	sld [smem:$0x3FD9]  }
0x89: {  	s3 =	sld [smem:$0x3FFE];
	_ =	sdelay $0x1  }
0x8a: {  	s1 =	srdreg.scid  }
0x8b: {  	s0 =	sand.u32 $0x1, s1  }
0x8c: {  	s17 =	sshll.u32 s0, $0xA;
	s2 =	sadd.s32 s3, s2  }
0x8d: {  	s2 =	sadd.s32 s2, s17  }
0x8e: {  	[smem:$0x3FAA] =	sst s2  }
0x8f: {  	_ = 	snop  }
0x90: {  	s2 =	sld [smem:$0x3FC9];
	(tm) =	ssettm $0x1  }
0x91: {  	s18 =	sld [smem:$0x3FFB];
	_ =	sdelay $0x3  }
0x92: {  	_ =	strace s18  }
0x93: {  	s3 =	sld [smem:$0x3FFC];
	_ =	sdelay $0x3  }
0x94: {  	_ =	strace s3  }
0x95: {  	s3 =	sld [smem:$0x3FFD];
	_ =	sdelay $0x3  }
0x96: {  	_ =	strace s3  }
0x97: {  	_ =	strace $0x8FFFFFFF  }
0x98: {  	s19 =	sld [smem:$0x3FDB];
	_ =	sdelay $0x1  }
0x99: {  	s4 =	simm.s32 $_scs_section_size  }
0x9a: {  	s5 =	simm.s32 $_size__tile_overlayer_lowered;
	s6 =	simm.s32 $_tile_overlayer_lowered  }
0x9b: {  	s22 =	simm.s32 $0x1BFF;
	s21 =	sshll.u32 s6, $0x1;
	s3 =	sadd.s32 s4, s19  }
0x9c: {  	s7 =	simm.s32 $0x0;
	s20 =	sshll.u32 s5, $0x1;
	s5 =	sadd.s32 s21, s3  }
0x9d: {  	[timem:s7], [sflag:s22] =	dma.local [hbm:s5], s20  }
0x9e: {  	_ =	swait.ge [sflag:s22], s20  }
0x9f: {  	s4 =	ssub.s32 $0x0, s20;
	[sflag:s22] =	ssyncset.done $0x0  }
0xa0: {  	[sflag:s22] =	ssyncadd.s32 s4;
	_ =	sdelay $0x1  }
0xa1: {  	s23 =	simm.s32 $0x1B8B  }
0xa2: {  	_ =	swait.ge [sflag:s23], $0x1  }
0xa3: {  	[sflag:s23] =	ssyncset.done $0x0  }
0xa4: {  	s25 =	simm.s32 $0x1B8E;
	s24 =	sld [smem:$0x3FFE];
	[sflag:s23] =	ssyncadd.s32 $0xFFFFFFFF  }
0xa5: {  	s26 =	simm.s32 $execute0_lowered;
	[smem:$0x3FD2] =	sst s25  }
0xa6: {  	s5 =	sshll.u32 s26, $0x1;
	_ =	strace $0x80000046;
	[dreg:$0x1] =	wrdreg $0xFFFFFFFF  }
0xa7: {  	s28 =	simm.s32 $_size_execute0_lowered;
	s3 =	sadd.s32 s3, s5;
	[dreg:$0x0] =	wrdreg $0x0  }
0xa8: {  	s5 =	sshll.u32 s28, $0x1;
	[dreg:$0x2] =	wrdreg s3  }
0xa9: {  	[dreg:$0x3] =	wrdreg s5  }
0xaa: {  	[dreg:$0x4] =	wrdreg $0xC0  }
0xab: {  	_ =	task [dreg:s7], $0x5FFFF  }
0xac: {  	[dreg:$0x1] =	wrdreg $0xFFFFFFFF  }
0xad: {  	[dreg:$0x0] =	wrdreg $0x60  }
0xae: {  	[dreg:$0x2] =	wrdreg s2  }
0xaf: {  	[dreg:$0x3] =	wrdreg s24  }
0xb0: {  	[dreg:$0x4] =	wrdreg $0x9  }
0xb1: {  	_ =	task.clear_ibuf [dreg:s7], $0x5FFFF;
	_ =	strace $0x90000046  }
0xb2: {  	s29 =	simm.s32 $0x9;
	_ =	strace $0x80000048  }
0xb3: {  	_ =	swait.ge [sflag:s29], $0x1  }
0xb4: {  	[sflag:s29] =	ssyncadd.s32 $0xFFFFFFFF  }
0xb5: {  	_ =	strace $0x90000048  }
0xb6: {  	_ =	sfence  }
0xb7: {  	s30 =	sld [smem:$0x0];
	_ =	sdelay $0x2  }
0xb8: {  	s31 =	sshll.u32 s1, $0xD;
	s1 =	sshrl.u32 s1, $0x2  }
0xb9: {  	s3 =	sand.u32 $0x4000, s31;
	s1 =	sadd.s32 s1, s30  }
0xba: {  	s0 =	sor.u32 s3, s0;
	s1 =	sshll.u32 s1, $0x11  }
0xbb: {  	s0 =	sor.u32 s1, s0  }
0xbc: {  	s0 =	sadd.s32 $0x8F2B, s0  }
0xbd: {  	[sflag:s0] =	ssyncadd.remote.s32 $0x1  }
0xbe: {  	_ =	sfence.sel $0xFFFF  }
0xbf: {  	[dreg:$0x0] =	wrdreg $0xFFFFFFFF;
	(pc) =	sbr.abs _section_cstart, $3  }
0xc0: {  	[dreg:$0x1] =	wrdreg $0xFFFFFFFF  }
0xc1: {  	_ =	task.clear_ibuf [dreg:s7], $0x2FFFF;
	_ =	strace $0x9FFFFFFF  }
0xc2: {  	(tm) =	ssettm $0x7FFFFFFF  }
0xc3: {  	_ =	shalt  }
tec
execute0_lowered:
.L_overlay_start_1:
0x0: {  	(tag) =	ssettag $0x1  }
0x1: {  	s1 =	srdreg.scid  }
0x2: {  	s0 =	stileid.u32;
	s3 =	rddreg [dreg:$0x0]  }
0x3: {  	s6 =	rddreg [dreg:$0x1];
	s18 =	simm.s32 $0x880;
	s19 =	simm.s32 $0x1080  }
0x4: {  	s20 =	simm.s32 $0x1880;
	s22 =	simm.s32 $0x2080;
	s23 =	simm.s32 $0x2880  }
0x5: {  	s7 =	simm.s32 $0x3080;
	s24 =	simm.s32 $0x3880;
	s8 =	simm.s32 $0x4080  }
0x6: {  	s25 =	simm.s32 $0x4880;
	s26 =	simm.s32 $0x5080;
	s1 =	sand.u32 $0x1, s1  }
0x7: {  	s9 =	simm.s32 $0x80;
	s2 =	sshll.u32 s0, $0x7;
	s4 =	sshll.u32 s1, $0x6  }
0x8: {  	s11 =	simm.s32 $0x6080;
	s4 =	sor.u32 s4, s2;
	s2 =	simm.s32 $0x0  }
0x9: {  	s12 =	simm.s32 $0x6880;
	s13 =	simm.s32 $0x7080;
	[smem:$0x7FF] =	sst s2  }
0xa: {  	s14 =	simm.s32 $0x7880;
	_ =	strace $0x80000047;
	[dreg:$0x5] =	wrdreg s18  }
0xb: {  	s15 =	simm.s32 $0x8080;
	s16 =	simm.s32 $0x8880;
	[dreg:$0x6] =	wrdreg s19  }
0xc: {  	s17 =	simm.s32 $0x9080;
	s28 =	simm.s32 $0xE080;
	[dreg:$0x7] =	wrdreg s20  }
0xd: {  	s29 =	simm.s32 $0xE880;
	s30 =	simm.s32 $0xF080;
	[dreg:$0x8] =	wrdreg s22  }
0xe: {  	s31 =	simm.s32 $0xF880;
	s1 =	ssub.s32 $0x2, s1;
	[dreg:$0x9] =	wrdreg s23  }
0xf: {  	s21 =	sshrl.u32 s1, $0x1;
	s5 =	sshrl.u32 s4, $0x3;
	[dreg:$0xa] =	wrdreg s7  }
0x10: {  	s4 =	sshll.u32 s4, $0x7;
	s1 =	ssub.s32 s1, s21;
	[dreg:$0xb] =	wrdreg s24  }
0x11: {  	s21 =	simm.s32 $0xB080;
	s5 =	sadd.s32 s5, s6;
	[dreg:$0xc] =	wrdreg s8  }
0x12: {  	s3 =	sadd.s32 s3, s4;
	s4 =	sadd.s32 $0x26300, s6;
	[dreg:$0xd] =	wrdreg s25  }
0x13: {  	s7 =	smax.u32 s1, $0x1;
	s8 =	simm.s32 $0x2;
	[dreg:$0xe] =	wrdreg s26  }
0x14: {  	s18 =	simm.s32 $0x9880;
	s19 =	simm.s32 $0xA080;
	s20 =	simm.s32 $0xA880  }
0x15: {  	s22 =	simm.s32 $0xB880;
	s23 =	simm.s32 $0xC080;
	s24 =	simm.s32 $0xC880  }
0x16: {  	v2 =	vlaneseq.u32;
	s25 =	simm.s32 $0xD080;
	s26 =	simm.s32 $0xD880;
	s1 =	simm.s32 $0x1  }
0x17: {  	vm0 =	vmmov $0xffff;
	v1 =	vshrl.u32 v2, $0x3;
	s5 =	sadd.s32 $0x15C00, s5;
	[dreg:$0x4] =	wrdreg s3;
	s3 =	sadd.s32 $0x26200, s6  }
0x18: {  	v0 =	vand.u32 $0x7, v2;
	v2 =	vor.u32 $0x8, v2;
	v1 =	vmul.u32 $0x8, v1;
	[dreg:$0x3] =	wrdreg s5;
	s5 =	sadd.s32 $0x26400, s6;
	s6 =	sadd.s32 $0x26500, s6  }
.LBB2_1:
0x19: {  	s0 =	rddreg [dreg:$0x3]  }
0x1a: {  	[tilespmem:s2], [sflag:$0x2] =	stream.linear.gather [hbm4b:s0+s2], $0x40, $0x38;
	[tilespmem:$0x10080] =	vst v63  }
0x1b: {  	_ =	swait.ge [sflag:s8], $0x40  }
0x1c: {  	[sflag:s8] =	ssyncset.done $0x0  }
0x1d: {  	s10 =	rddreg [dreg:$0x4];
	[sflag:s8] =	ssyncadd.s32 $0xFFFFFFC0  }
0x1e: {  	[tilespmem:s9], [sflag:$0x2] =	stream.linear.gather [hbm4b:s10+s2], $0x10000, $0x38;
	[tilespmem:$0x10080] =	vst v63  }
0x1f: {  	_ =	swait.ge [sflag:s8], $0x10000  }
0x20: {  	[sflag:s8] =	ssyncset.done $0x0  }
0x21: {  	[sflag:s8] =	ssyncadd.s32 $0xFFFF0000  }
0x22: {  	v3 =	vld [tilespmem:$0x0];
	_ =	sdelay $0x4  }
0x23: {  	v4 =	vshll.u32 v3, $0x3  }
0x24: {  	v3 =	vand.u32 $0x7, v3;
	v4 =	vand.u32 $0xFFFFFFC0, v4  }
0x25: {  	v3 =	vor.u32 v3, v4  }
0x26: {  	v4 =	vperm.xlane v3, v0;
	_ =	sdelay $0x1  }
0x27: {  	v4 =	vadd.s32 v1, v4;
	_ =	sdelay $0x4  }
0x28: {  	[hbm4b:s3+s2] =	stream.indirect_vreg.scatter [tilespmem:s9], [sflag:$0x1], $0x80, v4, vm0, $0xb8;
	[tilespmem:$0x10080] =	vst v63  }
0x29: {  	s0 =	rddreg [dreg:$0x5];
	v3 =	vperm.xlane v3, v2  }
0x2a: {  	[hbm4b:s4+s2] =	stream.indirect_vreg.scatter [tilespmem:s0], [sflag:$0x1], $0x80, v4, vm0, $0xb8;
	[tilespmem:$0x10080] =	vst v63  }
0x2b: {  	s10 =	rddreg [dreg:$0x6];
	v3 =	vadd.s32 v1, v3  }
0x2c: {  	[hbm4b:s5+s2] =	stream.indirect_vreg.scatter [tilespmem:s10], [sflag:$0x1], $0x80, v4, vm0, $0xb8;
	[tilespmem:$0x10080] =	vst v63  }
0x2d: {  	s0 =	rddreg [dreg:$0x7]  }
0x2e: {  	[hbm4b:s6+s2] =	stream.indirect_vreg.scatter [tilespmem:s0], [sflag:$0x1], $0x80, v4, vm0, $0xb8;
	[tilespmem:$0x10080] =	vst v63  }
0x2f: {  	s10 =	rddreg [dreg:$0x8]  }
0x30: {  	[hbm4b:s3+s2] =	stream.indirect_vreg.scatter [tilespmem:s10], [sflag:$0x1], $0x80, v3, vm0, $0xb8;
	[tilespmem:$0x10080] =	vst v63  }
0x31: {  	s0 =	rddreg [dreg:$0x9]  }
0x32: {  	[hbm4b:s4+s2] =	stream.indirect_vreg.scatter [tilespmem:s0], [sflag:$0x1], $0x80, v3, vm0, $0xb8;
	[tilespmem:$0x10080] =	vst v63  }
0x33: {  	s10 =	rddreg [dreg:$0xa]  }
0x34: {  	[hbm4b:s5+s2] =	stream.indirect_vreg.scatter [tilespmem:s10], [sflag:$0x1], $0x80, v3, vm0, $0xb8;
	[tilespmem:$0x10080] =	vst v63  }
0x35: {  	s0 =	rddreg [dreg:$0xb]  }
0x36: {  	[hbm4b:s6+s2] =	stream.indirect_vreg.scatter [tilespmem:s0], [sflag:$0x1], $0x80, v3, vm0, $0xb8;
	[tilespmem:$0x10080] =	vst v63  }
0x37: {  	v3 =	vld [tilespmem:$0x10];
	_ =	sdelay $0x4  }
0x38: {  	v61 =	vshll.u32 v3, $0x3  }
0x39: {  	v3 =	vand.u32 $0x7, v3;
	v4 =	vand.u32 $0xFFFFFFC0, v61  }
0x3a: {  	v3 =	vor.u32 v3, v4  }
0x3b: {  	v4 =	vperm.xlane v3, v0;
	_ =	sdelay $0x1  }
0x3c: {  	v4 =	vadd.s32 v1, v4;
	_ =	sdelay $0x3  }
0x3d: {  	s0 =	rddreg [dreg:$0xc]  }
0x3e: {  	[hbm4b:s3+s2] =	stream.indirect_vreg.scatter [tilespmem:s0], [sflag:$0x1], $0x80, v4, vm0, $0xb8;
	[tilespmem:$0x10080] =	vst v63  }
0x3f: {  	s10 =	rddreg [dreg:$0xd];
	v3 =	vperm.xlane v3, v2  }
0x40: {  	[hbm4b:s4+s2] =	stream.indirect_vreg.scatter [tilespmem:s10], [sflag:$0x1], $0x80, v4, vm0, $0xb8;
	[tilespmem:$0x10080] =	vst v63  }
0x41: {  	v3 =	vadd.s32 v1, v3;
	s0 =	rddreg [dreg:$0xe]  }
0x42: {  	[hbm4b:s5+s2] =	stream.indirect_vreg.scatter [tilespmem:s0], [sflag:$0x1], $0x80, v4, vm0, $0xb8;
	[tilespmem:$0x10080] =	vst v63  }
0x43: {  	s10 =	simm.s32 $0x5880  }
0x44: {  	[hbm4b:s6+s2] =	stream.indirect_vreg.scatter [tilespmem:s10], [sflag:$0x1], $0x80, v4, vm0, $0xb8;
	[tilespmem:$0x10080] =	vst v63  }
0x45: {  	_ = 	snop  }
0x46: {  	[hbm4b:s3+s2] =	stream.indirect_vreg.scatter [tilespmem:s11], [sflag:$0x1], $0x80, v3, vm0, $0xb8;
	[tilespmem:$0x10080] =	vst v63  }
0x47: {  	_ = 	snop  }
0x48: {  	[hbm4b:s4+s2] =	stream.indirect_vreg.scatter [tilespmem:s12], [sflag:$0x1], $0x80, v3, vm0, $0xb8;
	[tilespmem:$0x10080] =	vst v63  }
0x49: {  	_ = 	snop  }
0x4a: {  	[hbm4b:s5+s2] =	stream.indirect_vreg.scatter [tilespmem:s13], [sflag:$0x1], $0x80, v3, vm0, $0xb8;
	[tilespmem:$0x10080] =	vst v63  }
0x4b: {  	_ = 	snop  }
0x4c: {  	[hbm4b:s6+s2] =	stream.indirect_vreg.scatter [tilespmem:s14], [sflag:$0x1], $0x80, v3, vm0, $0xb8;
	[tilespmem:$0x10080] =	vst v63  }
0x4d: {  	v3 =	vld [tilespmem:$0x20];
	_ =	sdelay $0x4  }
0x4e: {  	v62 =	vshll.u32 v3, $0x3  }
0x4f: {  	v3 =	vand.u32 $0x7, v3;
	v4 =	vand.u32 $0xFFFFFFC0, v62  }
0x50: {  	v3 =	vor.u32 v3, v4  }
0x51: {  	v4 =	vperm.xlane v3, v0;
	_ =	sdelay $0x1  }
0x52: {  	v4 =	vadd.s32 v1, v4;
	_ =	sdelay $0x4  }
0x53: {  	[hbm4b:s3+s2] =	stream.indirect_vreg.scatter [tilespmem:s15], [sflag:$0x1], $0x80, v4, vm0, $0xb8;
	[tilespmem:$0x10080] =	vst v63  }
0x54: {  	v3 =	vperm.xlane v3, v2  }
0x55: {  	[hbm4b:s4+s2] =	stream.indirect_vreg.scatter [tilespmem:s16], [sflag:$0x1], $0x80, v4, vm0, $0xb8;
	[tilespmem:$0x10080] =	vst v63  }
0x56: {  	v3 =	vadd.s32 v1, v3  }
0x57: {  	[hbm4b:s5+s2] =	stream.indirect_vreg.scatter [tilespmem:s17], [sflag:$0x1], $0x80, v4, vm0, $0xb8;
	[tilespmem:$0x10080] =	vst v63  }
0x58: {  	_ = 	snop  }
0x59: {  	[hbm4b:s6+s2] =	stream.indirect_vreg.scatter [tilespmem:s18], [sflag:$0x1], $0x80, v4, vm0, $0xb8;
	[tilespmem:$0x10080] =	vst v63  }
0x5a: {  	_ = 	snop  }
0x5b: {  	[hbm4b:s3+s2] =	stream.indirect_vreg.scatter [tilespmem:s19], [sflag:$0x1], $0x80, v3, vm0, $0xb8;
	[tilespmem:$0x10080] =	vst v63  }
0x5c: {  	_ = 	snop  }
0x5d: {  	[hbm4b:s4+s2] =	stream.indirect_vreg.scatter [tilespmem:s20], [sflag:$0x1], $0x80, v3, vm0, $0xb8;
	[tilespmem:$0x10080] =	vst v63  }
0x5e: {  	_ = 	snop  }
0x5f: {  	[hbm4b:s5+s2] =	stream.indirect_vreg.scatter [tilespmem:s21], [sflag:$0x1], $0x80, v3, vm0, $0xb8;
	[tilespmem:$0x10080] =	vst v63  }
0x60: {  	_ = 	snop  }
0x61: {  	[hbm4b:s6+s2] =	stream.indirect_vreg.scatter [tilespmem:s22], [sflag:$0x1], $0x80, v3, vm0, $0xb8;
	[tilespmem:$0x10080] =	vst v63  }
0x62: {  	v3 =	vld [tilespmem:$0x30];
	_ =	sdelay $0x4  }
0x63: {  	v63 =	vshll.u32 v3, $0x3  }
0x64: {  	v3 =	vand.u32 $0x7, v3;
	v4 =	vand.u32 $0xFFFFFFC0, v63  }
0x65: {  	v3 =	vor.u32 v3, v4  }
0x66: {  	v4 =	vperm.xlane v3, v0;
	_ =	sdelay $0x1  }
0x67: {  	v4 =	vadd.s32 v1, v4;
	_ =	sdelay $0x4  }
0x68: {  	[hbm4b:s3+s2] =	stream.indirect_vreg.scatter [tilespmem:s23], [sflag:$0x1], $0x80, v4, vm0, $0xb8;
	[tilespmem:$0x10080] =	vst v63  }
0x69: {  	v3 =	vperm.xlane v3, v2  }
0x6a: {  	[hbm4b:s4+s2] =	stream.indirect_vreg.scatter [tilespmem:s24], [sflag:$0x1], $0x80, v4, vm0, $0xb8;
	[tilespmem:$0x10080] =	vst v63  }
0x6b: {  	v3 =	vadd.s32 v1, v3  }
0x6c: {  	[hbm4b:s5+s2] =	stream.indirect_vreg.scatter [tilespmem:s25], [sflag:$0x1], $0x80, v4, vm0, $0xb8;
	[tilespmem:$0x10080] =	vst v63  }
0x6d: {  	_ = 	snop  }
0x6e: {  	[hbm4b:s6+s2] =	stream.indirect_vreg.scatter [tilespmem:s26], [sflag:$0x1], $0x80, v4, vm0, $0xb8;
	[tilespmem:$0x10080] =	vst v63  }
0x6f: {  	_ = 	snop  }
0x70: {  	[hbm4b:s3+s2] =	stream.indirect_vreg.scatter [tilespmem:s28], [sflag:$0x1], $0x80, v3, vm0, $0xb8;
	[tilespmem:$0x10080] =	vst v63  }
0x71: {  	_ = 	snop  }
0x72: {  	[hbm4b:s4+s2] =	stream.indirect_vreg.scatter [tilespmem:s29], [sflag:$0x1], $0x80, v3, vm0, $0xb8;
	[tilespmem:$0x10080] =	vst v63  }
0x73: {  	p0 =	sne.s32 s7, $0x1  }
0x74: {  	[hbm4b:s5+s2] =	stream.indirect_vreg.scatter [tilespmem:s30], [sflag:$0x1], $0x80, v3, vm0, $0xb8;
	[tilespmem:$0x10080] =	vst v63  }
.Ltmp0:
0x75: {  	_ = 	snop;
	(pc) =	sbr.rel @p0 .LBB2_1-.Ltmp0, $4  }
0x76: {  	[hbm4b:s6+s2] =	stream.indirect_vreg.scatter [tilespmem:s31], [sflag:$0x1], $0x80, v3, vm0, $0xb8;
	[tilespmem:$0x10080] =	vst v63  }
0x77: {  	_ =	swait.ge [sflag:s1], $0x10000  }
0x78: {  	[sflag:s1] =	ssyncset.done $0x0  }
0x79: {  	s7 =	sadd.s32 $0xFFFFFFFF, s7;
	[sflag:s1] =	ssyncadd.s32 $0xFFFF0000  }
0x7a: {  	_ =	sfence.sel $0x180000  }
0x7b: {  	[bflag:$0x0] =	sbarrier.arrive $0xFFFF  }
0x7c: {  	_ =	strace $0x90000047  }
0x7d: {  	s0 =	stileid.u32;
	[bflag:$0x2] =	sbarrier.arrive $0xFFFF  }
0x7e: {  	p0 =	sne.s32 s0, $0x0;
	s0 =	rddreg [dreg:$0x2]  }
0x7f: {  	s0 =	sadd.s32 @!p0 $0x100000, s0  }
0x80: {  	[sflag:s0] =	ssyncadd.tile.s32 @!p0 $0x1;
	_ =	shalt  }
.Lfunc_end2:
_tile_overlayer_lowered:
.L_overlay_start_2:
0x81: {  	(tag) =	ssettag $0x2  }
0x82: {  	s0 =	rddreg [dreg:$0x0];
	s2 =	stileid.u32  }
0x83: {  	s1 =	rddreg [dreg:$0x1];
	p0 =	sne.s32 s2, $0x0  }
0x84: {  	s3 =	rddreg [dreg:$0x2];
	[bflag:$0x3] =	sbarrier.arrive $0xFFFF;
	s2 =	simm.s32 @!p0 $0x1C02  }
0x85: {  	[timem:s3], [sflag:s2] =	dma.local @!p0 [hbm:s0], s1  }
0x86: {  	s0 =	simm.s32 @!p0 $0x2  }
0x87: {  	_ =	swait.ge @!p0 [sflag:s0], s1  }
0x88: {  	s1 =	ssub.s32 @!p0 $0x0, s1;
	[sflag:s0] =	ssyncset.done @!p0 $0x0  }
0x89: {  	[sflag:s0] =	ssyncadd.s32 @!p0 s1  }
0x8a: {  	[bflag:$0x3] =	sbarrier.arrive $0xFFFF  }
0x8b: {  	_ =	shalt  }

// kernel: kernel.24.cloned.1.call-start
scs
__scs_entry_jumppad:
0x0: {  	(pc) =	sbr.rel $0x88, $3  }
0x1: {  	(tag) =	ssettag $0x0;
	lr =	simm.s32 $0x1  }
0x2: {  	[smem:$0x3F83] =	sst lr;
	_ =	strace $0xD0000000  }
0x3: {  	_ = 	snop  }
0x4: {  	_ = 	snop  }
0x5: {  	_ = 	snop  }
0x6: {  	_ = 	snop  }
0x7: {  	_ = 	snop  }
__scs_overlays_trampoline_lowered:
0x8: {  	[smem:$0x3F92] =	sst s0  }
0x9: {  	[smem:$0x3F93] =	sst s1  }
0xa: {  	[smem:$0x3F94] =	sst s2  }
0xb: {  	[smem:$0x3F95] =	sst s3  }
0xc: {  	[smem:$0x3F96] =	sst s4  }
0xd: {  	[smem:$0x3F97] =	sst s5  }
0xe: {  	[smem:$0x3F98] =	sst s6  }
0xf: {  	[smem:$0x3F99] =	sst s7  }
0x10: {  	[smem:$0x3F9A] =	sst s8  }
0x11: {  	[smem:$0x3F9B] =	sst s9;
	s0 =	simm.s32 @!p0 $0x0  }
0x12: {  	s1 =	sld [smem:$0x3F81];
	s0 =	simm.s32 @p0 $0x1  }
0x13: {  	[smem:$0x3F9C] =	sst s0;
	s0 =	simm.s32 @!p1 $0x0  }
0x14: {  	s2 =	sld [smem:$0x3F80];
	s0 =	simm.s32 @p1 $0x1  }
0x15: {  	[smem:$0x3F9D] =	sst s0;
	s0 =	simm.s32 @!p2 $0x0  }
0x16: {  	s3 =	sld [smem:$0x3FDB];
	s0 =	simm.s32 @p2 $0x1  }
0x17: {  	s4 =	simm.s32 $0x1BF5;
	[smem:$0x3F9F] =	sst s0  }
0x18: {  	s0 =	sld [smem:$0x3F82];
	_ =	swait.ge [sflag:s4], $0x0  }
0x19: {  	s7 =	sld [smem:$0x3F83]  }
0x1a: {  	s8 =	sadd.s32 $0xFFFFE003, lr  }
0x1b: {  	s9 =	sadd.s32 $0xFFFFFEF7, lr;
	s5 =	simm.s32 $0xFFFFFFFF;
	p2 =	slt.u32 s8, $0xFFFFF086  }
0x1c: {  	p1 =	slt.u32 s9, $0xF7A;
	s5 =	simm.s32 @!p2 $0x0  }
0x1d: {  	s5 =	simm.s32 @p1 $0x1;
	p0 =	seq.s32 s7, s2  }
0x1e: {  	s7 =	smul.u32 @!p0 $0xF7A, s2;
	p2 =	seq.s32 @!p0 s5, $0x0  }
0x1f: {  	s9 =	smul.u32 $0xF7A, s1;
	s8 =	simm.s32 @!p0 $0x1BF5;
	p2 =	por !p2, p0  }
0x20: {  	[sflag:s8] =	ssyncset.s32 @!p0 $0xFFFFF086;
	s6 =	sadd.s32 @!p0 s3, s7;
	s7 =	simm.s32 @!p0 $0x108  }
0x21: {  	s3 =	sadd.s32 s3, s9;
	s6 =	sadd.s32 @!p0 $0x88, s6;
	s7 =	simm.s32 @p2 $0x1082  }
0x22: {  	[simem:s7], [sflag:s8] =	dma.local @!p0 [hbm:s6], $0xF7A  }
0x23: {  	s9 =	sor.u32 $0xD0000000, s2;
	s6 =	simm.s32 $0x108;
	_ =	swait.ge @!p0 [sflag:s8], $0x0  }
0x24: {  	s3 =	sadd.s32 $0x88, s3;
	s6 =	simm.s32 @!p1 $0x1082;
	[sflag:s4] =	ssyncset.s32 $0xFFFFF086  }
0x25: {  	[simem:s6], [sflag:s4] =	dma.local [hbm:s3], $0xF7A  }
0x26: {  	[smem:$0x3F83] =	sst s1;
	(tag) =	ssettag s2;
	_ =	strace s9  }
0x27: {  	s1 =	sld [smem:$0x3F93]  }
0x28: {  	s2 =	sld [smem:$0x3F94]  }
0x29: {  	s4 =	sld [smem:$0x3F96]  }
0x2a: {  	p0 =	seq.s32 s5, $0x0;
	s5 =	sld [smem:$0x3F97]  }
0x2b: {  	s6 =	sld [smem:$0x3F98]  }
0x2c: {  	s7 =	sld [smem:$0x3F99]  }
0x2d: {  	s3 =	simm.s32 $0x108;
	s8 =	sld [smem:$0x3F9A]  }
0x2e: {  	s3 =	simm.s32 @!p0 $0x1082;
	s9 =	sld [smem:$0x3F9B]  }
0x2f: {  	lr =	sadd.s32 s0, s3;
	s0 =	sld [smem:$0x3F92]  }
0x30: {  	s3 =	sld [smem:$0x3F95]  }
0x31: {  	[smem:$0x3F9E] =	sst s10  }
0x32: {  	s10 =	sld [smem:$0x3F9C];
	_ =	sdelay $0x3  }
0x33: {  	p0 =	seq.s32 s10, $0x1;
	s10 =	sld [smem:$0x3F9E];
	_ =	sdelay $0x3  }
0x34: {  	[smem:$0x3F9E] =	sst s10  }
0x35: {  	s10 =	sld [smem:$0x3F9D];
	_ =	sdelay $0x3  }
0x36: {  	p1 =	seq.s32 s10, $0x1;
	s10 =	sld [smem:$0x3F9E];
	_ =	sdelay $0x3  }
0x37: {  	[smem:$0x3F9E] =	sst s10  }
0x38: {  	s10 =	sld [smem:$0x3F9F]  }
0x39: {  	_ = 	snop;
	(pc) =	sbr.ind lr, $3  }
0x3a: {  	_ = 	snop  }
0x3b: {  	_ = 	snop  }
0x3c: {  	p2 =	seq.s32 s10, $0x1;
	s10 =	sld [smem:$0x3F9E]  }
0x3d: {  	_ =	shalt  }
0x3e: {  	_ =	shalt  }
0x3f: {  	_ =	shalt  }
0x40: {  	_ =	shalt  }
0x41: {  	_ =	shalt  }
0x42: {  	_ =	shalt  }
0x43: {  	_ =	shalt  }
0x44: {  	_ =	shalt  }
0x45: {  	_ =	shalt  }
0x46: {  	_ =	shalt  }
0x47: {  	_ =	shalt  }
0x48: {  	_ =	shalt  }
0x49: {  	_ =	shalt  }
0x4a: {  	_ =	shalt  }
0x4b: {  	_ =	shalt  }
0x4c: {  	_ =	shalt  }
0x4d: {  	_ =	shalt  }
0x4e: {  	_ =	shalt  }
0x4f: {  	_ =	shalt  }
0x50: {  	_ =	shalt  }
0x51: {  	_ =	shalt  }
0x52: {  	_ =	shalt  }
0x53: {  	_ =	shalt  }
0x54: {  	_ =	shalt  }
0x55: {  	_ =	shalt  }
0x56: {  	_ =	shalt  }
0x57: {  	_ =	shalt  }
0x58: {  	_ =	shalt  }
0x59: {  	_ =	shalt  }
0x5a: {  	_ =	shalt  }
0x5b: {  	_ =	shalt  }
0x5c: {  	_ =	shalt  }
0x5d: {  	_ =	shalt  }
0x5e: {  	_ =	shalt  }
0x5f: {  	_ =	shalt  }
0x60: {  	_ =	shalt  }
0x61: {  	_ =	shalt  }
0x62: {  	_ =	shalt  }
0x63: {  	_ =	shalt  }
0x64: {  	_ =	shalt  }
0x65: {  	_ =	shalt  }
0x66: {  	_ =	shalt  }
0x67: {  	_ =	shalt  }
0x68: {  	_ =	shalt  }
0x69: {  	_ =	shalt  }
0x6a: {  	_ =	shalt  }
0x6b: {  	_ =	shalt  }
0x6c: {  	_ =	shalt  }
0x6d: {  	_ =	shalt  }
0x6e: {  	_ =	shalt  }
0x6f: {  	_ =	shalt  }
0x70: {  	_ =	shalt  }
0x71: {  	_ =	shalt  }
0x72: {  	_ =	shalt  }
0x73: {  	_ =	shalt  }
0x74: {  	_ =	shalt  }
0x75: {  	_ =	shalt  }
0x76: {  	_ =	shalt  }
0x77: {  	_ =	shalt  }
0x78: {  	_ =	shalt  }
0x79: {  	_ =	shalt  }
0x7a: {  	_ =	shalt  }
0x7b: {  	_ =	shalt  }
0x7c: {  	_ =	shalt  }
0x7d: {  	_ =	shalt  }
0x7e: {  	_ =	shalt  }
0x7f: {  	_ =	shalt  }
0x80: {  	_ =	shalt  }
0x81: {  	_ =	shalt  }
0x82: {  	_ =	shalt  }
0x83: {  	_ =	shalt  }
0x84: {  	_ =	shalt  }
0x85: {  	_ =	shalt  }
0x86: {  	_ =	shalt  }
0x87: {  	_ =	shalt  }
.Lfunc_end0:
.L_simem_size_0:
called_computation.1_lowered:
.L_overlay_start_0:
0x88: {  	s2 =	sld [smem:$0x3FD9]  }
0x89: {  	s3 =	sld [smem:$0x3FFE];
	_ =	sdelay $0x1  }
0x8a: {  	s1 =	srdreg.scid  }
0x8b: {  	s0 =	sand.u32 $0x1, s1  }
0x8c: {  	s17 =	sshll.u32 s0, $0xA;
	s2 =	sadd.s32 s3, s2  }
0x8d: {  	s2 =	sadd.s32 s2, s17  }
0x8e: {  	[smem:$0x3FAA] =	sst s2  }
0x8f: {  	_ = 	snop  }
0x90: {  	s2 =	sld [smem:$0x3FD0];
	(tm) =	ssettm $0x1  }
0x91: {  	s18 =	sld [smem:$0x3FFB];
	_ =	sdelay $0x3  }
0x92: {  	_ =	strace s18  }
0x93: {  	s3 =	sld [smem:$0x3FFC];
	_ =	sdelay $0x3  }
0x94: {  	_ =	strace s3  }
0x95: {  	s3 =	sld [smem:$0x3FFD];
	_ =	sdelay $0x3  }
0x96: {  	_ =	strace s3  }
0x97: {  	_ =	strace $0x8FFFFFFF  }
0x98: {  	s19 =	sld [smem:$0x3FDB];
	_ =	sdelay $0x1  }
0x99: {  	s4 =	simm.s32 $_scs_section_size  }
0x9a: {  	s5 =	simm.s32 $_size__tile_overlayer_lowered;
	s6 =	simm.s32 $_tile_overlayer_lowered  }
0x9b: {  	s22 =	simm.s32 $0x1BFF;
	s21 =	sshll.u32 s6, $0x1;
	s3 =	sadd.s32 s4, s19  }
0x9c: {  	s7 =	simm.s32 $0x0;
	s20 =	sshll.u32 s5, $0x1;
	s5 =	sadd.s32 s21, s3  }
0x9d: {  	[timem:s7], [sflag:s22] =	dma.local [hbm:s5], s20  }
0x9e: {  	_ =	swait.ge [sflag:s22], s20  }
0x9f: {  	s4 =	ssub.s32 $0x0, s20;
	[sflag:s22] =	ssyncset.done $0x0  }
0xa0: {  	[sflag:s22] =	ssyncadd.s32 s4;
	_ =	sdelay $0x1  }
0xa1: {  	s23 =	simm.s32 $0x1B8B  }
0xa2: {  	_ =	swait.ge [sflag:s23], $0x1  }
0xa3: {  	[sflag:s23] =	ssyncset.done $0x0  }
0xa4: {  	s25 =	simm.s32 $0x1B8E;
	s24 =	sld [smem:$0x3FFE];
	[sflag:s23] =	ssyncadd.s32 $0xFFFFFFFF  }
0xa5: {  	s26 =	simm.s32 $execute0_lowered;
	[smem:$0x3FD2] =	sst s25  }
0xa6: {  	s5 =	sshll.u32 s26, $0x1;
	_ =	strace $0x80000049;
	[dreg:$0x1] =	wrdreg $0xFFFFFFFF  }
0xa7: {  	s28 =	simm.s32 $_size_execute0_lowered;
	s3 =	sadd.s32 s3, s5;
	[dreg:$0x0] =	wrdreg $0x0  }
0xa8: {  	s5 =	sshll.u32 s28, $0x1;
	[dreg:$0x2] =	wrdreg s3  }
0xa9: {  	[dreg:$0x3] =	wrdreg s5  }
0xaa: {  	[dreg:$0x4] =	wrdreg $0xC0  }
0xab: {  	_ =	task [dreg:s7], $0x5FFFF  }
0xac: {  	[dreg:$0x1] =	wrdreg $0xFFFFFFFF  }
0xad: {  	[dreg:$0x0] =	wrdreg $0x60  }
0xae: {  	[dreg:$0x2] =	wrdreg s2  }
0xaf: {  	[dreg:$0x3] =	wrdreg s24  }
0xb0: {  	[dreg:$0x4] =	wrdreg $0x9  }
0xb1: {  	_ =	task.clear_ibuf [dreg:s7], $0x5FFFF;
	_ =	strace $0x90000049  }
0xb2: {  	s29 =	simm.s32 $0x9;
	_ =	strace $0x8000004B  }
0xb3: {  	_ =	swait.ge [sflag:s29], $0x1  }
0xb4: {  	[sflag:s29] =	ssyncadd.s32 $0xFFFFFFFF  }
0xb5: {  	_ =	strace $0x9000004B  }
0xb6: {  	_ =	sfence  }
0xb7: {  	s30 =	sld [smem:$0x0];
	_ =	sdelay $0x2  }
0xb8: {  	s31 =	sshll.u32 s1, $0xD;
	s1 =	sshrl.u32 s1, $0x2  }
0xb9: {  	s3 =	sand.u32 $0x4000, s31;
	s1 =	sadd.s32 s1, s30  }
0xba: {  	s0 =	sor.u32 s3, s0;
	s1 =	sshll.u32 s1, $0x11  }
0xbb: {  	s0 =	sor.u32 s1, s0  }
0xbc: {  	s0 =	sadd.s32 $0x8F2B, s0  }
0xbd: {  	[sflag:s0] =	ssyncadd.remote.s32 $0x1  }
0xbe: {  	_ =	sfence.sel $0xFFFF  }
0xbf: {  	[dreg:$0x0] =	wrdreg $0xFFFFFFFF;
	(pc) =	sbr.abs _section_cstart, $3  }
0xc0: {  	[dreg:$0x1] =	wrdreg $0xFFFFFFFF  }
0xc1: {  	_ =	task.clear_ibuf [dreg:s7], $0x2FFFF;
	_ =	strace $0x9FFFFFFF  }
0xc2: {  	(tm) =	ssettm $0x7FFFFFFF  }
0xc3: {  	_ =	shalt  }
tec
execute0_lowered:
.L_overlay_start_1:
0x0: {  	(tag) =	ssettag $0x1  }
0x1: {  	s1 =	srdreg.scid  }
0x2: {  	s0 =	stileid.u32;
	s2 =	rddreg [dreg:$0x0]  }
0x3: {  	s5 =	rddreg [dreg:$0x1];
	s18 =	simm.s32 $0x880;
	s19 =	simm.s32 $0x1080  }
0x4: {  	s20 =	simm.s32 $0x1880;
	s22 =	simm.s32 $0x2080;
	s23 =	simm.s32 $0x2880  }
0x5: {  	s24 =	simm.s32 $0x3080;
	s7 =	simm.s32 $0x3880;
	s8 =	simm.s32 $0x4080  }
0x6: {  	s25 =	simm.s32 $0x4880;
	s26 =	simm.s32 $0x5080;
	s1 =	sand.u32 $0x1, s1  }
0x7: {  	s9 =	simm.s32 $0x80;
	s3 =	sshll.u32 s0, $0x7;
	s4 =	sshll.u32 s1, $0x6  }
0x8: {  	s11 =	simm.s32 $0x6080;
	s4 =	sor.u32 s4, s3;
	s3 =	simm.s32 $0x0  }
0x9: {  	s12 =	simm.s32 $0x6880;
	s13 =	simm.s32 $0x7080;
	[smem:$0x7FF] =	sst s3  }
0xa: {  	s14 =	simm.s32 $0x7880;
	_ =	strace $0x8000004A;
	[dreg:$0x5] =	wrdreg s18  }
0xb: {  	s15 =	simm.s32 $0x8080;
	s16 =	simm.s32 $0x8880;
	[dreg:$0x6] =	wrdreg s19  }
0xc: {  	s28 =	simm.s32 $0xE080;
	s29 =	simm.s32 $0xE880;
	[dreg:$0x7] =	wrdreg s20  }
0xd: {  	s30 =	simm.s32 $0xF080;
	s1 =	ssub.s32 $0x2, s1;
	[dreg:$0x8] =	wrdreg s22  }
0xe: {  	s31 =	simm.s32 $0xF880;
	s21 =	sshrl.u32 s1, $0x1;
	[dreg:$0x9] =	wrdreg s23  }
0xf: {  	s6 =	sshrl.u32 s4, $0x3;
	s4 =	sshll.u32 s4, $0x7;
	[dreg:$0xa] =	wrdreg s24  }
0x10: {  	s1 =	ssub.s32 s1, s21;
	s21 =	simm.s32 $0xB080;
	[dreg:$0xb] =	wrdreg s7  }
0x11: {  	s6 =	sadd.s32 s6, s5;
	s4 =	sadd.s32 s4, s5;
	[dreg:$0xc] =	wrdreg s8  }
0x12: {  	s5 =	sadd.s32 $0x200, s2;
	s7 =	smax.u32 s1, $0x1;
	[dreg:$0xd] =	wrdreg s25  }
0x13: {  	s8 =	simm.s32 $0x2;
	[dreg:$0xe] =	wrdreg s26;
	s18 =	simm.s32 $0x9880  }
0x14: {  	s19 =	simm.s32 $0xA080;
	s20 =	simm.s32 $0xA880;
	s22 =	simm.s32 $0xB880  }
0x15: {  	s23 =	simm.s32 $0xC080;
	s24 =	simm.s32 $0xC880;
	s25 =	simm.s32 $0xD080  }
0x16: {  	v2 =	vlaneseq.u32;
	s26 =	simm.s32 $0xD880;
	s1 =	simm.s32 $0x1;
	s17 =	sadd.s32 $0x15C00, s6  }
0x17: {  	vm0 =	vmmov $0xffff;
	v1 =	vshrl.u32 v2, $0x3;
	s4 =	sadd.s32 $0x26200, s4;
	s6 =	sadd.s32 $0x300, s2;
	[dreg:$0x3] =	wrdreg s17  }
0x18: {  	v0 =	vand.u32 $0x7, v2;
	v2 =	vor.u32 $0x8, v2;
	v1 =	vmul.u32 $0x8, v1;
	[dreg:$0x4] =	wrdreg s4;
	s4 =	sadd.s32 $0x100, s2;
	s17 =	simm.s32 $0x9080  }
.LBB2_1:
0x19: {  	s0 =	rddreg [dreg:$0x3]  }
0x1a: {  	[tilespmem:s3], [sflag:$0x2] =	stream.linear.gather [hbm4b:s0+s3], $0x40, $0x38;
	[tilespmem:$0x10080] =	vst v63  }
0x1b: {  	_ =	swait.ge [sflag:s8], $0x40  }
0x1c: {  	[sflag:s8] =	ssyncset.done $0x0  }
0x1d: {  	[sflag:s8] =	ssyncadd.s32 $0xFFFFFFC0  }
0x1e: {  	v3 =	vld [tilespmem:$0x0];
	_ =	sdelay $0x4  }
0x1f: {  	v4 =	vshll.u32 v3, $0x3  }
0x20: {  	v3 =	vand.u32 $0x7, v3;
	v4 =	vand.u32 $0xFFFFFFC0, v4  }
0x21: {  	v3 =	vor.u32 v3, v4  }
0x22: {  	v4 =	vperm.xlane v3, v0;
	_ =	sdelay $0x1  }
0x23: {  	v4 =	vadd.s32 v1, v4;
	_ =	sdelay $0x4  }
0x24: {  	[tilespmem:s9], [sflag:$0x1] =	stream.indirect_vreg.gather [hbm4b:s2+s3], $0x80, v4, vm0, $0xb8;
	[tilespmem:$0x10080] =	vst v63  }
0x25: {  	s0 =	rddreg [dreg:$0x5];
	v3 =	vperm.xlane v3, v2  }
0x26: {  	[tilespmem:s0], [sflag:$0x1] =	stream.indirect_vreg.gather [hbm4b:s4+s3], $0x80, v4, vm0, $0xb8;
	[tilespmem:$0x10080] =	vst v63  }
0x27: {  	s10 =	rddreg [dreg:$0x6];
	v3 =	vadd.s32 v1, v3  }
0x28: {  	[tilespmem:s10], [sflag:$0x1] =	stream.indirect_vreg.gather [hbm4b:s5+s3], $0x80, v4, vm0, $0xb8;
	[tilespmem:$0x10080] =	vst v63  }
0x29: {  	s0 =	rddreg [dreg:$0x7]  }
0x2a: {  	[tilespmem:s0], [sflag:$0x1] =	stream.indirect_vreg.gather [hbm4b:s6+s3], $0x80, v4, vm0, $0xb8;
	[tilespmem:$0x10080] =	vst v63  }
0x2b: {  	s10 =	rddreg [dreg:$0x8]  }
0x2c: {  	[tilespmem:s10], [sflag:$0x1] =	stream.indirect_vreg.gather [hbm4b:s2+s3], $0x80, v3, vm0, $0xb8;
	[tilespmem:$0x10080] =	vst v63  }
0x2d: {  	s0 =	rddreg [dreg:$0x9]  }
0x2e: {  	[tilespmem:s0], [sflag:$0x1] =	stream.indirect_vreg.gather [hbm4b:s4+s3], $0x80, v3, vm0, $0xb8;
	[tilespmem:$0x10080] =	vst v63  }
0x2f: {  	s10 =	rddreg [dreg:$0xa]  }
0x30: {  	[tilespmem:s10], [sflag:$0x1] =	stream.indirect_vreg.gather [hbm4b:s5+s3], $0x80, v3, vm0, $0xb8;
	[tilespmem:$0x10080] =	vst v63  }
0x31: {  	s0 =	rddreg [dreg:$0xb]  }
0x32: {  	[tilespmem:s0], [sflag:$0x1] =	stream.indirect_vreg.gather [hbm4b:s6+s3], $0x80, v3, vm0, $0xb8;
	[tilespmem:$0x10080] =	vst v63  }
0x33: {  	v3 =	vld [tilespmem:$0x10];
	_ =	sdelay $0x4  }
0x34: {  	v61 =	vshll.u32 v3, $0x3  }
0x35: {  	v3 =	vand.u32 $0x7, v3;
	v4 =	vand.u32 $0xFFFFFFC0, v61  }
0x36: {  	v3 =	vor.u32 v3, v4  }
0x37: {  	v4 =	vperm.xlane v3, v0;
	_ =	sdelay $0x1  }
0x38: {  	v4 =	vadd.s32 v1, v4;
	_ =	sdelay $0x3  }
0x39: {  	s0 =	rddreg [dreg:$0xc]  }
0x3a: {  	[tilespmem:s0], [sflag:$0x1] =	stream.indirect_vreg.gather [hbm4b:s2+s3], $0x80, v4, vm0, $0xb8;
	[tilespmem:$0x10080] =	vst v63  }
0x3b: {  	s10 =	rddreg [dreg:$0xd];
	v3 =	vperm.xlane v3, v2  }
0x3c: {  	[tilespmem:s10], [sflag:$0x1] =	stream.indirect_vreg.gather [hbm4b:s4+s3], $0x80, v4, vm0, $0xb8;
	[tilespmem:$0x10080] =	vst v63  }
0x3d: {  	v3 =	vadd.s32 v1, v3;
	s0 =	rddreg [dreg:$0xe]  }
0x3e: {  	[tilespmem:s0], [sflag:$0x1] =	stream.indirect_vreg.gather [hbm4b:s5+s3], $0x80, v4, vm0, $0xb8;
	[tilespmem:$0x10080] =	vst v63  }
0x3f: {  	s10 =	simm.s32 $0x5880  }
0x40: {  	[tilespmem:s10], [sflag:$0x1] =	stream.indirect_vreg.gather [hbm4b:s6+s3], $0x80, v4, vm0, $0xb8;
	[tilespmem:$0x10080] =	vst v63  }
0x41: {  	_ = 	snop  }
0x42: {  	[tilespmem:s11], [sflag:$0x1] =	stream.indirect_vreg.gather [hbm4b:s2+s3], $0x80, v3, vm0, $0xb8;
	[tilespmem:$0x10080] =	vst v63  }
0x43: {  	_ = 	snop  }
0x44: {  	[tilespmem:s12], [sflag:$0x1] =	stream.indirect_vreg.gather [hbm4b:s4+s3], $0x80, v3, vm0, $0xb8;
	[tilespmem:$0x10080] =	vst v63  }
0x45: {  	_ = 	snop  }
0x46: {  	[tilespmem:s13], [sflag:$0x1] =	stream.indirect_vreg.gather [hbm4b:s5+s3], $0x80, v3, vm0, $0xb8;
	[tilespmem:$0x10080] =	vst v63  }
0x47: {  	_ = 	snop  }
0x48: {  	[tilespmem:s14], [sflag:$0x1] =	stream.indirect_vreg.gather [hbm4b:s6+s3], $0x80, v3, vm0, $0xb8;
	[tilespmem:$0x10080] =	vst v63  }
0x49: {  	v3 =	vld [tilespmem:$0x20];
	_ =	sdelay $0x4  }
0x4a: {  	v62 =	vshll.u32 v3, $0x3  }
0x4b: {  	v3 =	vand.u32 $0x7, v3;
	v4 =	vand.u32 $0xFFFFFFC0, v62  }
0x4c: {  	v3 =	vor.u32 v3, v4  }
0x4d: {  	v4 =	vperm.xlane v3, v0;
	_ =	sdelay $0x1  }
0x4e: {  	v4 =	vadd.s32 v1, v4;
	_ =	sdelay $0x4  }
0x4f: {  	[tilespmem:s15], [sflag:$0x1] =	stream.indirect_vreg.gather [hbm4b:s2+s3], $0x80, v4, vm0, $0xb8;
	[tilespmem:$0x10080] =	vst v63  }
0x50: {  	v3 =	vperm.xlane v3, v2  }
0x51: {  	[tilespmem:s16], [sflag:$0x1] =	stream.indirect_vreg.gather [hbm4b:s4+s3], $0x80, v4, vm0, $0xb8;
	[tilespmem:$0x10080] =	vst v63  }
0x52: {  	v3 =	vadd.s32 v1, v3  }
0x53: {  	[tilespmem:s17], [sflag:$0x1] =	stream.indirect_vreg.gather [hbm4b:s5+s3], $0x80, v4, vm0, $0xb8;
	[tilespmem:$0x10080] =	vst v63  }
0x54: {  	_ = 	snop  }
0x55: {  	[tilespmem:s18], [sflag:$0x1] =	stream.indirect_vreg.gather [hbm4b:s6+s3], $0x80, v4, vm0, $0xb8;
	[tilespmem:$0x10080] =	vst v63  }
0x56: {  	_ = 	snop  }
0x57: {  	[tilespmem:s19], [sflag:$0x1] =	stream.indirect_vreg.gather [hbm4b:s2+s3], $0x80, v3, vm0, $0xb8;
	[tilespmem:$0x10080] =	vst v63  }
0x58: {  	_ = 	snop  }
0x59: {  	[tilespmem:s20], [sflag:$0x1] =	stream.indirect_vreg.gather [hbm4b:s4+s3], $0x80, v3, vm0, $0xb8;
	[tilespmem:$0x10080] =	vst v63  }
0x5a: {  	_ = 	snop  }
0x5b: {  	[tilespmem:s21], [sflag:$0x1] =	stream.indirect_vreg.gather [hbm4b:s5+s3], $0x80, v3, vm0, $0xb8;
	[tilespmem:$0x10080] =	vst v63  }
0x5c: {  	_ = 	snop  }
0x5d: {  	[tilespmem:s22], [sflag:$0x1] =	stream.indirect_vreg.gather [hbm4b:s6+s3], $0x80, v3, vm0, $0xb8;
	[tilespmem:$0x10080] =	vst v63  }
0x5e: {  	v3 =	vld [tilespmem:$0x30];
	_ =	sdelay $0x4  }
0x5f: {  	v63 =	vshll.u32 v3, $0x3  }
0x60: {  	v3 =	vand.u32 $0x7, v3;
	v4 =	vand.u32 $0xFFFFFFC0, v63  }
0x61: {  	v3 =	vor.u32 v3, v4  }
0x62: {  	v4 =	vperm.xlane v3, v0;
	_ =	sdelay $0x1  }
0x63: {  	v4 =	vadd.s32 v1, v4;
	_ =	sdelay $0x4  }
0x64: {  	[tilespmem:s23], [sflag:$0x1] =	stream.indirect_vreg.gather [hbm4b:s2+s3], $0x80, v4, vm0, $0xb8;
	[tilespmem:$0x10080] =	vst v63  }
0x65: {  	v3 =	vperm.xlane v3, v2  }
0x66: {  	[tilespmem:s24], [sflag:$0x1] =	stream.indirect_vreg.gather [hbm4b:s4+s3], $0x80, v4, vm0, $0xb8;
	[tilespmem:$0x10080] =	vst v63  }
0x67: {  	v3 =	vadd.s32 v1, v3  }
0x68: {  	[tilespmem:s25], [sflag:$0x1] =	stream.indirect_vreg.gather [hbm4b:s5+s3], $0x80, v4, vm0, $0xb8;
	[tilespmem:$0x10080] =	vst v63  }
0x69: {  	_ = 	snop  }
0x6a: {  	[tilespmem:s26], [sflag:$0x1] =	stream.indirect_vreg.gather [hbm4b:s6+s3], $0x80, v4, vm0, $0xb8;
	[tilespmem:$0x10080] =	vst v63  }
0x6b: {  	_ = 	snop  }
0x6c: {  	[tilespmem:s28], [sflag:$0x1] =	stream.indirect_vreg.gather [hbm4b:s2+s3], $0x80, v3, vm0, $0xb8;
	[tilespmem:$0x10080] =	vst v63  }
0x6d: {  	_ = 	snop  }
0x6e: {  	[tilespmem:s29], [sflag:$0x1] =	stream.indirect_vreg.gather [hbm4b:s4+s3], $0x80, v3, vm0, $0xb8;
	[tilespmem:$0x10080] =	vst v63  }
0x6f: {  	_ = 	snop  }
0x70: {  	[tilespmem:s30], [sflag:$0x1] =	stream.indirect_vreg.gather [hbm4b:s5+s3], $0x80, v3, vm0, $0xb8;
	[tilespmem:$0x10080] =	vst v63  }
0x71: {  	_ = 	snop  }
0x72: {  	[tilespmem:s31], [sflag:$0x1] =	stream.indirect_vreg.gather [hbm4b:s6+s3], $0x80, v3, vm0, $0xb8;
	[tilespmem:$0x10080] =	vst v63  }
0x73: {  	_ =	swait.ge [sflag:s1], $0x10000  }
0x74: {  	p0 =	sne.s32 s7, $0x1;
	[sflag:s1] =	ssyncset.done $0x0  }
.Ltmp0:
0x75: {  	s10 =	rddreg [dreg:$0x4];
	[sflag:s1] =	ssyncadd.s32 $0xFFFF0000;
	(pc) =	sbr.rel @p0 .LBB2_1-.Ltmp0, $4  }
0x76: {  	[hbm4b:s10+s3] =	stream.linear.scatter [tilespmem:s9], [sflag:$0x2], $0x10000, $0x38;
	[tilespmem:$0x10080] =	vst v63  }
0x77: {  	_ =	swait.ge [sflag:s8], $0x10000  }
0x78: {  	[sflag:s8] =	ssyncset.done $0x0  }
0x79: {  	s7 =	sadd.s32 $0xFFFFFFFF, s7;
	[sflag:s8] =	ssyncadd.s32 $0xFFFF0000  }
0x7a: {  	_ =	sfence.sel $0x180000  }
0x7b: {  	[bflag:$0x0] =	sbarrier.arrive $0xFFFF  }
0x7c: {  	_ =	strace $0x9000004A  }
0x7d: {  	s0 =	stileid.u32;
	[bflag:$0x2] =	sbarrier.arrive $0xFFFF  }
0x7e: {  	p0 =	sne.s32 s0, $0x0;
	s0 =	rddreg [dreg:$0x2]  }
0x7f: {  	s0 =	sadd.s32 @!p0 $0x100000, s0  }
0x80: {  	[sflag:s0] =	ssyncadd.tile.s32 @!p0 $0x1;
	_ =	shalt  }
.Lfunc_end2:
_tile_overlayer_lowered:
.L_overlay_start_2:
0x81: {  	(tag) =	ssettag $0x2  }
0x82: {  	s0 =	rddreg [dreg:$0x0];
	s2 =	stileid.u32  }
0x83: {  	s1 =	rddreg [dreg:$0x1];
	p0 =	sne.s32 s2, $0x0  }
0x84: {  	s3 =	rddreg [dreg:$0x2];
	[bflag:$0x3] =	sbarrier.arrive $0xFFFF;
	s2 =	simm.s32 @!p0 $0x1C02  }
0x85: {  	[timem:s3], [sflag:s2] =	dma.local @!p0 [hbm:s0], s1  }
0x86: {  	s0 =	simm.s32 @!p0 $0x2  }
0x87: {  	_ =	swait.ge @!p0 [sflag:s0], s1  }
0x88: {  	s1 =	ssub.s32 @!p0 $0x0, s1;
	[sflag:s0] =	ssyncset.done @!p0 $0x0  }
0x89: {  	[sflag:s0] =	ssyncadd.s32 @!p0 s1  }
0x8a: {  	[bflag:$0x3] =	sbarrier.arrive $0xFFFF  }
0x8b: {  	_ =	shalt  }

// kernel: kernel.27.cloned.1.call-start
scs
__scs_entry_jumppad:
0x0: {  	(pc) =	sbr.rel $0x88, $3  }
0x1: {  	(tag) =	ssettag $0x0;
	lr =	simm.s32 $0x1  }
0x2: {  	[smem:$0x3F83] =	sst lr;
	_ =	strace $0xD0000000  }
0x3: {  	_ = 	snop  }
0x4: {  	_ = 	snop  }
0x5: {  	_ = 	snop  }
0x6: {  	_ = 	snop  }
0x7: {  	_ = 	snop  }
__scs_overlays_trampoline_lowered:
0x8: {  	[smem:$0x3F92] =	sst s0  }
0x9: {  	[smem:$0x3F93] =	sst s1  }
0xa: {  	[smem:$0x3F94] =	sst s2  }
0xb: {  	[smem:$0x3F95] =	sst s3  }
0xc: {  	[smem:$0x3F96] =	sst s4  }
0xd: {  	[smem:$0x3F97] =	sst s5  }
0xe: {  	[smem:$0x3F98] =	sst s6  }
0xf: {  	[smem:$0x3F99] =	sst s7  }
0x10: {  	[smem:$0x3F9A] =	sst s8  }
0x11: {  	[smem:$0x3F9B] =	sst s9;
	s0 =	simm.s32 @!p0 $0x0  }
0x12: {  	s1 =	sld [smem:$0x3F81];
	s0 =	simm.s32 @p0 $0x1  }
0x13: {  	[smem:$0x3F9C] =	sst s0;
	s0 =	simm.s32 @!p1 $0x0  }
0x14: {  	s2 =	sld [smem:$0x3F80];
	s0 =	simm.s32 @p1 $0x1  }
0x15: {  	[smem:$0x3F9D] =	sst s0;
	s0 =	simm.s32 @!p2 $0x0  }
0x16: {  	s3 =	sld [smem:$0x3FDB];
	s0 =	simm.s32 @p2 $0x1  }
0x17: {  	s4 =	simm.s32 $0x1BF5;
	[smem:$0x3F9F] =	sst s0  }
0x18: {  	s0 =	sld [smem:$0x3F82];
	_ =	swait.ge [sflag:s4], $0x0  }
0x19: {  	s7 =	sld [smem:$0x3F83]  }
0x1a: {  	s8 =	sadd.s32 $0xFFFFE003, lr  }
0x1b: {  	s9 =	sadd.s32 $0xFFFFFEF7, lr;
	s5 =	simm.s32 $0xFFFFFFFF;
	p2 =	slt.u32 s8, $0xFFFFF086  }
0x1c: {  	p1 =	slt.u32 s9, $0xF7A;
	s5 =	simm.s32 @!p2 $0x0  }
0x1d: {  	s5 =	simm.s32 @p1 $0x1;
	p0 =	seq.s32 s7, s2  }
0x1e: {  	s7 =	smul.u32 @!p0 $0xF7A, s2;
	p2 =	seq.s32 @!p0 s5, $0x0  }
0x1f: {  	s9 =	smul.u32 $0xF7A, s1;
	s8 =	simm.s32 @!p0 $0x1BF5;
	p2 =	por !p2, p0  }
0x20: {  	[sflag:s8] =	ssyncset.s32 @!p0 $0xFFFFF086;
	s6 =	sadd.s32 @!p0 s3, s7;
	s7 =	simm.s32 @!p0 $0x108  }
0x21: {  	s3 =	sadd.s32 s3, s9;
	s6 =	sadd.s32 @!p0 $0x88, s6;
	s7 =	simm.s32 @p2 $0x1082  }
0x22: {  	[simem:s7], [sflag:s8] =	dma.local @!p0 [hbm:s6], $0xF7A  }
0x23: {  	s9 =	sor.u32 $0xD0000000, s2;
	s6 =	simm.s32 $0x108;
	_ =	swait.ge @!p0 [sflag:s8], $0x0  }
0x24: {  	s3 =	sadd.s32 $0x88, s3;
	s6 =	simm.s32 @!p1 $0x1082;
	[sflag:s4] =	ssyncset.s32 $0xFFFFF086  }
0x25: {  	[simem:s6], [sflag:s4] =	dma.local [hbm:s3], $0xF7A  }
0x26: {  	[smem:$0x3F83] =	sst s1;
	(tag) =	ssettag s2;
	_ =	strace s9  }
0x27: {  	s1 =	sld [smem:$0x3F93]  }
0x28: {  	s2 =	sld [smem:$0x3F94]  }
0x29: {  	s4 =	sld [smem:$0x3F96]  }
0x2a: {  	p0 =	seq.s32 s5, $0x0;
	s5 =	sld [smem:$0x3F97]  }
0x2b: {  	s6 =	sld [smem:$0x3F98]  }
0x2c: {  	s7 =	sld [smem:$0x3F99]  }
0x2d: {  	s3 =	simm.s32 $0x108;
	s8 =	sld [smem:$0x3F9A]  }
0x2e: {  	s3 =	simm.s32 @!p0 $0x1082;
	s9 =	sld [smem:$0x3F9B]  }
0x2f: {  	lr =	sadd.s32 s0, s3;
	s0 =	sld [smem:$0x3F92]  }
0x30: {  	s3 =	sld [smem:$0x3F95]  }
0x31: {  	[smem:$0x3F9E] =	sst s10  }
0x32: {  	s10 =	sld [smem:$0x3F9C];
	_ =	sdelay $0x3  }
0x33: {  	p0 =	seq.s32 s10, $0x1;
	s10 =	sld [smem:$0x3F9E];
	_ =	sdelay $0x3  }
0x34: {  	[smem:$0x3F9E] =	sst s10  }
0x35: {  	s10 =	sld [smem:$0x3F9D];
	_ =	sdelay $0x3  }
0x36: {  	p1 =	seq.s32 s10, $0x1;
	s10 =	sld [smem:$0x3F9E];
	_ =	sdelay $0x3  }
0x37: {  	[smem:$0x3F9E] =	sst s10  }
0x38: {  	s10 =	sld [smem:$0x3F9F]  }
0x39: {  	_ = 	snop;
	(pc) =	sbr.ind lr, $3  }
0x3a: {  	_ = 	snop  }
0x3b: {  	_ = 	snop  }
0x3c: {  	p2 =	seq.s32 s10, $0x1;
	s10 =	sld [smem:$0x3F9E]  }
0x3d: {  	_ =	shalt  }
0x3e: {  	_ =	shalt  }
0x3f: {  	_ =	shalt  }
0x40: {  	_ =	shalt  }
0x41: {  	_ =	shalt  }
0x42: {  	_ =	shalt  }
0x43: {  	_ =	shalt  }
0x44: {  	_ =	shalt  }
0x45: {  	_ =	shalt  }
0x46: {  	_ =	shalt  }
0x47: {  	_ =	shalt  }
0x48: {  	_ =	shalt  }
0x49: {  	_ =	shalt  }
0x4a: {  	_ =	shalt  }
0x4b: {  	_ =	shalt  }
0x4c: {  	_ =	shalt  }
0x4d: {  	_ =	shalt  }
0x4e: {  	_ =	shalt  }
0x4f: {  	_ =	shalt  }
0x50: {  	_ =	shalt  }
0x51: {  	_ =	shalt  }
0x52: {  	_ =	shalt  }
0x53: {  	_ =	shalt  }
0x54: {  	_ =	shalt  }
0x55: {  	_ =	shalt  }
0x56: {  	_ =	shalt  }
0x57: {  	_ =	shalt  }
0x58: {  	_ =	shalt  }
0x59: {  	_ =	shalt  }
0x5a: {  	_ =	shalt  }
0x5b: {  	_ =	shalt  }
0x5c: {  	_ =	shalt  }
0x5d: {  	_ =	shalt  }
0x5e: {  	_ =	shalt  }
0x5f: {  	_ =	shalt  }
0x60: {  	_ =	shalt  }
0x61: {  	_ =	shalt  }
0x62: {  	_ =	shalt  }
0x63: {  	_ =	shalt  }
0x64: {  	_ =	shalt  }
0x65: {  	_ =	shalt  }
0x66: {  	_ =	shalt  }
0x67: {  	_ =	shalt  }
0x68: {  	_ =	shalt  }
0x69: {  	_ =	shalt  }
0x6a: {  	_ =	shalt  }
0x6b: {  	_ =	shalt  }
0x6c: {  	_ =	shalt  }
0x6d: {  	_ =	shalt  }
0x6e: {  	_ =	shalt  }
0x6f: {  	_ =	shalt  }
0x70: {  	_ =	shalt  }
0x71: {  	_ =	shalt  }
0x72: {  	_ =	shalt  }
0x73: {  	_ =	shalt  }
0x74: {  	_ =	shalt  }
0x75: {  	_ =	shalt  }
0x76: {  	_ =	shalt  }
0x77: {  	_ =	shalt  }
0x78: {  	_ =	shalt  }
0x79: {  	_ =	shalt  }
0x7a: {  	_ =	shalt  }
0x7b: {  	_ =	shalt  }
0x7c: {  	_ =	shalt  }
0x7d: {  	_ =	shalt  }
0x7e: {  	_ =	shalt  }
0x7f: {  	_ =	shalt  }
0x80: {  	_ =	shalt  }
0x81: {  	_ =	shalt  }
0x82: {  	_ =	shalt  }
0x83: {  	_ =	shalt  }
0x84: {  	_ =	shalt  }
0x85: {  	_ =	shalt  }
0x86: {  	_ =	shalt  }
0x87: {  	_ =	shalt  }
.Lfunc_end0:
.L_simem_size_0:
called_computation.2_lowered:
.L_overlay_start_0:
0x88: {  	s2 =	sld [smem:$0x3FD9]  }
0x89: {  	s3 =	sld [smem:$0x3FFE];
	_ =	sdelay $0x1  }
0x8a: {  	s1 =	srdreg.scid  }
0x8b: {  	s0 =	sand.u32 $0x1, s1  }
0x8c: {  	s17 =	sshll.u32 s0, $0xA;
	s2 =	sadd.s32 s3, s2  }
0x8d: {  	s2 =	sadd.s32 s2, s17  }
0x8e: {  	[smem:$0x3FAA] =	sst s2  }
0x8f: {  	_ = 	snop  }
0x90: {  	s2 =	sld [smem:$0x3FD0];
	(tm) =	ssettm $0x1  }
0x91: {  	s18 =	sld [smem:$0x3FFB];
	_ =	sdelay $0x3  }
0x92: {  	_ =	strace s18  }
0x93: {  	s3 =	sld [smem:$0x3FFC];
	_ =	sdelay $0x3  }
0x94: {  	_ =	strace s3  }
0x95: {  	s3 =	sld [smem:$0x3FFD];
	_ =	sdelay $0x3  }
0x96: {  	_ =	strace s3  }
0x97: {  	_ =	strace $0x8FFFFFFF  }
0x98: {  	s19 =	sld [smem:$0x3FDB];
	_ =	sdelay $0x1  }
0x99: {  	s4 =	simm.s32 $_scs_section_size  }
0x9a: {  	s5 =	simm.s32 $_size__tile_overlayer_lowered;
	s6 =	simm.s32 $_tile_overlayer_lowered  }
0x9b: {  	s22 =	simm.s32 $0x1BFF;
	s21 =	sshll.u32 s6, $0x1;
	s3 =	sadd.s32 s4, s19  }
0x9c: {  	s7 =	simm.s32 $0x0;
	s20 =	sshll.u32 s5, $0x1;
	s5 =	sadd.s32 s21, s3  }
0x9d: {  	[timem:s7], [sflag:s22] =	dma.local [hbm:s5], s20  }
0x9e: {  	_ =	swait.ge [sflag:s22], s20  }
0x9f: {  	s4 =	ssub.s32 $0x0, s20;
	[sflag:s22] =	ssyncset.done $0x0  }
0xa0: {  	[sflag:s22] =	ssyncadd.s32 s4;
	_ =	sdelay $0x1  }
0xa1: {  	s23 =	simm.s32 $0x1B8B  }
0xa2: {  	_ =	swait.ge [sflag:s23], $0x1  }
0xa3: {  	[sflag:s23] =	ssyncset.done $0x0  }
0xa4: {  	s25 =	simm.s32 $0x1B8E;
	s24 =	sld [smem:$0x3FFE];
	[sflag:s23] =	ssyncadd.s32 $0xFFFFFFFF  }
0xa5: {  	s26 =	simm.s32 $execute0_lowered;
	[smem:$0x3FD2] =	sst s25  }
0xa6: {  	s5 =	sshll.u32 s26, $0x1;
	_ =	strace $0x8000004C;
	[dreg:$0x1] =	wrdreg $0xFFFFFFFF  }
0xa7: {  	s28 =	simm.s32 $_size_execute0_lowered;
	s3 =	sadd.s32 s3, s5;
	[dreg:$0x0] =	wrdreg $0x0  }
0xa8: {  	s5 =	sshll.u32 s28, $0x1;
	[dreg:$0x2] =	wrdreg s3  }
0xa9: {  	[dreg:$0x3] =	wrdreg s5  }
0xaa: {  	[dreg:$0x4] =	wrdreg $0xC0  }
0xab: {  	_ =	task [dreg:s7], $0x5FFFF  }
0xac: {  	[dreg:$0x1] =	wrdreg $0xFFFFFFFF  }
0xad: {  	[dreg:$0x0] =	wrdreg $0x60  }
0xae: {  	[dreg:$0x2] =	wrdreg s2  }
0xaf: {  	[dreg:$0x3] =	wrdreg s24  }
0xb0: {  	[dreg:$0x4] =	wrdreg $0x9  }
0xb1: {  	_ =	task.clear_ibuf [dreg:s7], $0x5FFFF;
	_ =	strace $0x9000004C  }
0xb2: {  	s29 =	simm.s32 $0x9;
	_ =	strace $0x8000004E  }
0xb3: {  	_ =	swait.ge [sflag:s29], $0x1  }
0xb4: {  	[sflag:s29] =	ssyncadd.s32 $0xFFFFFFFF  }
0xb5: {  	_ =	strace $0x9000004E  }
0xb6: {  	_ =	sfence  }
0xb7: {  	s30 =	sld [smem:$0x0];
	_ =	sdelay $0x2  }
0xb8: {  	s31 =	sshll.u32 s1, $0xD;
	s1 =	sshrl.u32 s1, $0x2  }
0xb9: {  	s3 =	sand.u32 $0x4000, s31;
	s1 =	sadd.s32 s1, s30  }
0xba: {  	s0 =	sor.u32 s3, s0;
	s1 =	sshll.u32 s1, $0x11  }
0xbb: {  	s0 =	sor.u32 s1, s0  }
0xbc: {  	s0 =	sadd.s32 $0x8F2B, s0  }
0xbd: {  	[sflag:s0] =	ssyncadd.remote.s32 $0x1  }
0xbe: {  	_ =	sfence.sel $0xFFFF  }
0xbf: {  	[dreg:$0x0] =	wrdreg $0xFFFFFFFF;
	(pc) =	sbr.abs _section_cstart, $3  }
0xc0: {  	[dreg:$0x1] =	wrdreg $0xFFFFFFFF  }
0xc1: {  	_ =	task.clear_ibuf [dreg:s7], $0x2FFFF;
	_ =	strace $0x9FFFFFFF  }
0xc2: {  	(tm) =	ssettm $0x7FFFFFFF  }
0xc3: {  	_ =	shalt  }
tec
execute0_lowered:
.L_overlay_start_1:
0x0: {  	(tag) =	ssettag $0x1  }
0x1: {  	s1 =	srdreg.scid  }
0x2: {  	s0 =	stileid.u32;
	s3 =	rddreg [dreg:$0x0]  }
0x3: {  	s6 =	rddreg [dreg:$0x1];
	s18 =	simm.s32 $0x880;
	s19 =	simm.s32 $0x1080  }
0x4: {  	s20 =	simm.s32 $0x1880;
	s22 =	simm.s32 $0x2080;
	s23 =	simm.s32 $0x2880  }
0x5: {  	s7 =	simm.s32 $0x3080;
	s24 =	simm.s32 $0x3880;
	s8 =	simm.s32 $0x4080  }
0x6: {  	s25 =	simm.s32 $0x4880;
	s26 =	simm.s32 $0x5080;
	s1 =	sand.u32 $0x1, s1  }
0x7: {  	s9 =	simm.s32 $0x80;
	s2 =	sshll.u32 s0, $0x7;
	s4 =	sshll.u32 s1, $0x6  }
0x8: {  	s11 =	simm.s32 $0x6080;
	s4 =	sor.u32 s4, s2;
	s2 =	simm.s32 $0x0  }
0x9: {  	s12 =	simm.s32 $0x6880;
	s13 =	simm.s32 $0x7080;
	[smem:$0x7FF] =	sst s2  }
0xa: {  	s14 =	simm.s32 $0x7880;
	_ =	strace $0x8000004D;
	[dreg:$0x5] =	wrdreg s18  }
0xb: {  	s15 =	simm.s32 $0x8080;
	s16 =	simm.s32 $0x8880;
	[dreg:$0x6] =	wrdreg s19  }
0xc: {  	s17 =	simm.s32 $0x9080;
	s28 =	simm.s32 $0xE080;
	[dreg:$0x7] =	wrdreg s20  }
0xd: {  	s29 =	simm.s32 $0xE880;
	s30 =	simm.s32 $0xF080;
	[dreg:$0x8] =	wrdreg s22  }
0xe: {  	s31 =	simm.s32 $0xF880;
	s1 =	ssub.s32 $0x2, s1;
	[dreg:$0x9] =	wrdreg s23  }
0xf: {  	s21 =	sshrl.u32 s1, $0x1;
	s5 =	sshrl.u32 s4, $0x3;
	[dreg:$0xa] =	wrdreg s7  }
0x10: {  	s4 =	sshll.u32 s4, $0x7;
	s1 =	ssub.s32 s1, s21;
	[dreg:$0xb] =	wrdreg s24  }
0x11: {  	s21 =	simm.s32 $0xB080;
	s5 =	sadd.s32 s5, s6;
	[dreg:$0xc] =	wrdreg s8  }
0x12: {  	s3 =	sadd.s32 s3, s4;
	s4 =	sadd.s32 $0x26300, s6;
	[dreg:$0xd] =	wrdreg s25  }
0x13: {  	s7 =	smax.u32 s1, $0x1;
	s8 =	simm.s32 $0x2;
	[dreg:$0xe] =	wrdreg s26  }
0x14: {  	s18 =	simm.s32 $0x9880;
	s19 =	simm.s32 $0xA080;
	s20 =	simm.s32 $0xA880  }
0x15: {  	s22 =	simm.s32 $0xB880;
	s23 =	simm.s32 $0xC080;
	s24 =	simm.s32 $0xC880  }
0x16: {  	v2 =	vlaneseq.u32;
	s25 =	simm.s32 $0xD080;
	s26 =	simm.s32 $0xD880;
	s1 =	simm.s32 $0x1  }
0x17: {  	vm0 =	vmmov $0xffff;
	v1 =	vshrl.u32 v2, $0x3;
	s5 =	sadd.s32 $0x1DE00, s5;
	[dreg:$0x4] =	wrdreg s3;
	s3 =	sadd.s32 $0x26200, s6  }
0x18: {  	v0 =	vand.u32 $0x7, v2;
	v2 =	vor.u32 $0x8, v2;
	v1 =	vmul.u32 $0x8, v1;
	[dreg:$0x3] =	wrdreg s5;
	s5 =	sadd.s32 $0x26400, s6;
	s6 =	sadd.s32 $0x26500, s6  }
.LBB2_1:
0x19: {  	s0 =	rddreg [dreg:$0x3]  }
0x1a: {  	[tilespmem:s2], [sflag:$0x2] =	stream.linear.gather [hbm4b:s0+s2], $0x40, $0x38;
	[tilespmem:$0x10080] =	vst v63  }
0x1b: {  	_ =	swait.ge [sflag:s8], $0x40  }
0x1c: {  	[sflag:s8] =	ssyncset.done $0x0  }
0x1d: {  	s10 =	rddreg [dreg:$0x4];
	[sflag:s8] =	ssyncadd.s32 $0xFFFFFFC0  }
0x1e: {  	[tilespmem:s9], [sflag:$0x2] =	stream.linear.gather [hbm4b:s10+s2], $0x10000, $0x38;
	[tilespmem:$0x10080] =	vst v63  }
0x1f: {  	_ =	swait.ge [sflag:s8], $0x10000  }
0x20: {  	[sflag:s8] =	ssyncset.done $0x0  }
0x21: {  	[sflag:s8] =	ssyncadd.s32 $0xFFFF0000  }
0x22: {  	v3 =	vld [tilespmem:$0x0];
	_ =	sdelay $0x4  }
0x23: {  	v4 =	vshll.u32 v3, $0x3  }
0x24: {  	v3 =	vand.u32 $0x7, v3;
	v4 =	vand.u32 $0xFFFFFFC0, v4  }
0x25: {  	v3 =	vor.u32 v3, v4  }
0x26: {  	v4 =	vperm.xlane v3, v0;
	_ =	sdelay $0x1  }
0x27: {  	v4 =	vadd.s32 v1, v4;
	_ =	sdelay $0x4  }
0x28: {  	[hbm4b:s3+s2] =	stream.indirect_vreg.scatter [tilespmem:s9], [sflag:$0x1], $0x80, v4, vm0, $0xb8;
	[tilespmem:$0x10080] =	vst v63  }
0x29: {  	s0 =	rddreg [dreg:$0x5];
	v3 =	vperm.xlane v3, v2  }
0x2a: {  	[hbm4b:s4+s2] =	stream.indirect_vreg.scatter [tilespmem:s0], [sflag:$0x1], $0x80, v4, vm0, $0xb8;
	[tilespmem:$0x10080] =	vst v63  }
0x2b: {  	s10 =	rddreg [dreg:$0x6];
	v3 =	vadd.s32 v1, v3  }
0x2c: {  	[hbm4b:s5+s2] =	stream.indirect_vreg.scatter [tilespmem:s10], [sflag:$0x1], $0x80, v4, vm0, $0xb8;
	[tilespmem:$0x10080] =	vst v63  }
0x2d: {  	s0 =	rddreg [dreg:$0x7]  }
0x2e: {  	[hbm4b:s6+s2] =	stream.indirect_vreg.scatter [tilespmem:s0], [sflag:$0x1], $0x80, v4, vm0, $0xb8;
	[tilespmem:$0x10080] =	vst v63  }
0x2f: {  	s10 =	rddreg [dreg:$0x8]  }
0x30: {  	[hbm4b:s3+s2] =	stream.indirect_vreg.scatter [tilespmem:s10], [sflag:$0x1], $0x80, v3, vm0, $0xb8;
	[tilespmem:$0x10080] =	vst v63  }
0x31: {  	s0 =	rddreg [dreg:$0x9]  }
0x32: {  	[hbm4b:s4+s2] =	stream.indirect_vreg.scatter [tilespmem:s0], [sflag:$0x1], $0x80, v3, vm0, $0xb8;
	[tilespmem:$0x10080] =	vst v63  }
0x33: {  	s10 =	rddreg [dreg:$0xa]  }
0x34: {  	[hbm4b:s5+s2] =	stream.indirect_vreg.scatter [tilespmem:s10], [sflag:$0x1], $0x80, v3, vm0, $0xb8;
	[tilespmem:$0x10080] =	vst v63  }
0x35: {  	s0 =	rddreg [dreg:$0xb]  }
0x36: {  	[hbm4b:s6+s2] =	stream.indirect_vreg.scatter [tilespmem:s0], [sflag:$0x1], $0x80, v3, vm0, $0xb8;
	[tilespmem:$0x10080] =	vst v63  }
0x37: {  	v3 =	vld [tilespmem:$0x10];
	_ =	sdelay $0x4  }
0x38: {  	v61 =	vshll.u32 v3, $0x3  }
0x39: {  	v3 =	vand.u32 $0x7, v3;
	v4 =	vand.u32 $0xFFFFFFC0, v61  }
0x3a: {  	v3 =	vor.u32 v3, v4  }
0x3b: {  	v4 =	vperm.xlane v3, v0;
	_ =	sdelay $0x1  }
0x3c: {  	v4 =	vadd.s32 v1, v4;
	_ =	sdelay $0x3  }
0x3d: {  	s0 =	rddreg [dreg:$0xc]  }
0x3e: {  	[hbm4b:s3+s2] =	stream.indirect_vreg.scatter [tilespmem:s0], [sflag:$0x1], $0x80, v4, vm0, $0xb8;
	[tilespmem:$0x10080] =	vst v63  }
0x3f: {  	s10 =	rddreg [dreg:$0xd];
	v3 =	vperm.xlane v3, v2  }
0x40: {  	[hbm4b:s4+s2] =	stream.indirect_vreg.scatter [tilespmem:s10], [sflag:$0x1], $0x80, v4, vm0, $0xb8;
	[tilespmem:$0x10080] =	vst v63  }
0x41: {  	v3 =	vadd.s32 v1, v3;
	s0 =	rddreg [dreg:$0xe]  }
0x42: {  	[hbm4b:s5+s2] =	stream.indirect_vreg.scatter [tilespmem:s0], [sflag:$0x1], $0x80, v4, vm0, $0xb8;
	[tilespmem:$0x10080] =	vst v63  }
0x43: {  	s10 =	simm.s32 $0x5880  }
0x44: {  	[hbm4b:s6+s2] =	stream.indirect_vreg.scatter [tilespmem:s10], [sflag:$0x1], $0x80, v4, vm0, $0xb8;
	[tilespmem:$0x10080] =	vst v63  }
0x45: {  	_ = 	snop  }
0x46: {  	[hbm4b:s3+s2] =	stream.indirect_vreg.scatter [tilespmem:s11], [sflag:$0x1], $0x80, v3, vm0, $0xb8;
	[tilespmem:$0x10080] =	vst v63  }
0x47: {  	_ = 	snop  }
0x48: {  	[hbm4b:s4+s2] =	stream.indirect_vreg.scatter [tilespmem:s12], [sflag:$0x1], $0x80, v3, vm0, $0xb8;
	[tilespmem:$0x10080] =	vst v63  }
0x49: {  	_ = 	snop  }
0x4a: {  	[hbm4b:s5+s2] =	stream.indirect_vreg.scatter [tilespmem:s13], [sflag:$0x1], $0x80, v3, vm0, $0xb8;
	[tilespmem:$0x10080] =	vst v63  }
0x4b: {  	_ = 	snop  }
0x4c: {  	[hbm4b:s6+s2] =	stream.indirect_vreg.scatter [tilespmem:s14], [sflag:$0x1], $0x80, v3, vm0, $0xb8;
	[tilespmem:$0x10080] =	vst v63  }
0x4d: {  	v3 =	vld [tilespmem:$0x20];
	_ =	sdelay $0x4  }
0x4e: {  	v62 =	vshll.u32 v3, $0x3  }
0x4f: {  	v3 =	vand.u32 $0x7, v3;
	v4 =	vand.u32 $0xFFFFFFC0, v62  }
0x50: {  	v3 =	vor.u32 v3, v4  }
0x51: {  	v4 =	vperm.xlane v3, v0;
	_ =	sdelay $0x1  }
0x52: {  	v4 =	vadd.s32 v1, v4;
	_ =	sdelay $0x4  }
0x53: {  	[hbm4b:s3+s2] =	stream.indirect_vreg.scatter [tilespmem:s15], [sflag:$0x1], $0x80, v4, vm0, $0xb8;
	[tilespmem:$0x10080] =	vst v63  }
0x54: {  	v3 =	vperm.xlane v3, v2  }
0x55: {  	[hbm4b:s4+s2] =	stream.indirect_vreg.scatter [tilespmem:s16], [sflag:$0x1], $0x80, v4, vm0, $0xb8;
	[tilespmem:$0x10080] =	vst v63  }
0x56: {  	v3 =	vadd.s32 v1, v3  }
0x57: {  	[hbm4b:s5+s2] =	stream.indirect_vreg.scatter [tilespmem:s17], [sflag:$0x1], $0x80, v4, vm0, $0xb8;
	[tilespmem:$0x10080] =	vst v63  }
0x58: {  	_ = 	snop  }
0x59: {  	[hbm4b:s6+s2] =	stream.indirect_vreg.scatter [tilespmem:s18], [sflag:$0x1], $0x80, v4, vm0, $0xb8;
	[tilespmem:$0x10080] =	vst v63  }
0x5a: {  	_ = 	snop  }
0x5b: {  	[hbm4b:s3+s2] =	stream.indirect_vreg.scatter [tilespmem:s19], [sflag:$0x1], $0x80, v3, vm0, $0xb8;
	[tilespmem:$0x10080] =	vst v63  }
0x5c: {  	_ = 	snop  }
0x5d: {  	[hbm4b:s4+s2] =	stream.indirect_vreg.scatter [tilespmem:s20], [sflag:$0x1], $0x80, v3, vm0, $0xb8;
	[tilespmem:$0x10080] =	vst v63  }
0x5e: {  	_ = 	snop  }
0x5f: {  	[hbm4b:s5+s2] =	stream.indirect_vreg.scatter [tilespmem:s21], [sflag:$0x1], $0x80, v3, vm0, $0xb8;
	[tilespmem:$0x10080] =	vst v63  }
0x60: {  	_ = 	snop  }
0x61: {  	[hbm4b:s6+s2] =	stream.indirect_vreg.scatter [tilespmem:s22], [sflag:$0x1], $0x80, v3, vm0, $0xb8;
	[tilespmem:$0x10080] =	vst v63  }
0x62: {  	v3 =	vld [tilespmem:$0x30];
	_ =	sdelay $0x4  }
0x63: {  	v63 =	vshll.u32 v3, $0x3  }
0x64: {  	v3 =	vand.u32 $0x7, v3;
	v4 =	vand.u32 $0xFFFFFFC0, v63  }
0x65: {  	v3 =	vor.u32 v3, v4  }
0x66: {  	v4 =	vperm.xlane v3, v0;
	_ =	sdelay $0x1  }
0x67: {  	v4 =	vadd.s32 v1, v4;
	_ =	sdelay $0x4  }
0x68: {  	[hbm4b:s3+s2] =	stream.indirect_vreg.scatter [tilespmem:s23], [sflag:$0x1], $0x80, v4, vm0, $0xb8;
	[tilespmem:$0x10080] =	vst v63  }
0x69: {  	v3 =	vperm.xlane v3, v2  }
0x6a: {  	[hbm4b:s4+s2] =	stream.indirect_vreg.scatter [tilespmem:s24], [sflag:$0x1], $0x80, v4, vm0, $0xb8;
	[tilespmem:$0x10080] =	vst v63  }
0x6b: {  	v3 =	vadd.s32 v1, v3  }
0x6c: {  	[hbm4b:s5+s2] =	stream.indirect_vreg.scatter [tilespmem:s25], [sflag:$0x1], $0x80, v4, vm0, $0xb8;
	[tilespmem:$0x10080] =	vst v63  }
0x6d: {  	_ = 	snop  }
0x6e: {  	[hbm4b:s6+s2] =	stream.indirect_vreg.scatter [tilespmem:s26], [sflag:$0x1], $0x80, v4, vm0, $0xb8;
	[tilespmem:$0x10080] =	vst v63  }
0x6f: {  	_ = 	snop  }
0x70: {  	[hbm4b:s3+s2] =	stream.indirect_vreg.scatter [tilespmem:s28], [sflag:$0x1], $0x80, v3, vm0, $0xb8;
	[tilespmem:$0x10080] =	vst v63  }
0x71: {  	_ = 	snop  }
0x72: {  	[hbm4b:s4+s2] =	stream.indirect_vreg.scatter [tilespmem:s29], [sflag:$0x1], $0x80, v3, vm0, $0xb8;
	[tilespmem:$0x10080] =	vst v63  }
0x73: {  	p0 =	sne.s32 s7, $0x1  }
0x74: {  	[hbm4b:s5+s2] =	stream.indirect_vreg.scatter [tilespmem:s30], [sflag:$0x1], $0x80, v3, vm0, $0xb8;
	[tilespmem:$0x10080] =	vst v63  }
.Ltmp0:
0x75: {  	_ = 	snop;
	(pc) =	sbr.rel @p0 .LBB2_1-.Ltmp0, $4  }
0x76: {  	[hbm4b:s6+s2] =	stream.indirect_vreg.scatter [tilespmem:s31], [sflag:$0x1], $0x80, v3, vm0, $0xb8;
	[tilespmem:$0x10080] =	vst v63  }
0x77: {  	_ =	swait.ge [sflag:s1], $0x10000  }
0x78: {  	[sflag:s1] =	ssyncset.done $0x0  }
0x79: {  	s7 =	sadd.s32 $0xFFFFFFFF, s7;
	[sflag:s1] =	ssyncadd.s32 $0xFFFF0000  }
0x7a: {  	_ =	sfence.sel $0x180000  }
0x7b: {  	[bflag:$0x0] =	sbarrier.arrive $0xFFFF  }
0x7c: {  	_ =	strace $0x9000004D  }
0x7d: {  	s0 =	stileid.u32;
	[bflag:$0x2] =	sbarrier.arrive $0xFFFF  }
0x7e: {  	p0 =	sne.s32 s0, $0x0;
	s0 =	rddreg [dreg:$0x2]  }
0x7f: {  	s0 =	sadd.s32 @!p0 $0x100000, s0  }
0x80: {  	[sflag:s0] =	ssyncadd.tile.s32 @!p0 $0x1;
	_ =	shalt  }
.Lfunc_end2:
_tile_overlayer_lowered:
.L_overlay_start_2:
0x81: {  	(tag) =	ssettag $0x2  }
0x82: {  	s0 =	rddreg [dreg:$0x0];
	s2 =	stileid.u32  }
0x83: {  	s1 =	rddreg [dreg:$0x1];
	p0 =	sne.s32 s2, $0x0  }
0x84: {  	s3 =	rddreg [dreg:$0x2];
	[bflag:$0x3] =	sbarrier.arrive $0xFFFF;
	s2 =	simm.s32 @!p0 $0x1C02  }
0x85: {  	[timem:s3], [sflag:s2] =	dma.local @!p0 [hbm:s0], s1  }
0x86: {  	s0 =	simm.s32 @!p0 $0x2  }
0x87: {  	_ =	swait.ge @!p0 [sflag:s0], s1  }
0x88: {  	s1 =	ssub.s32 @!p0 $0x0, s1;
	[sflag:s0] =	ssyncset.done @!p0 $0x0  }
0x89: {  	[sflag:s0] =	ssyncadd.s32 @!p0 s1  }
0x8a: {  	[bflag:$0x3] =	sbarrier.arrive $0xFFFF  }
0x8b: {  	_ =	shalt  }

// kernel: kernel.30.cloned.1.call-start
scs
__scs_entry_jumppad:
0x0: {  	(pc) =	sbr.rel $0x88, $3  }
0x1: {  	(tag) =	ssettag $0x0;
	lr =	simm.s32 $0x1  }
0x2: {  	[smem:$0x3F83] =	sst lr;
	_ =	strace $0xD0000000  }
0x3: {  	_ = 	snop  }
0x4: {  	_ = 	snop  }
0x5: {  	_ = 	snop  }
0x6: {  	_ = 	snop  }
0x7: {  	_ = 	snop  }
__scs_overlays_trampoline_lowered:
0x8: {  	[smem:$0x3F92] =	sst s0  }
0x9: {  	[smem:$0x3F93] =	sst s1  }
0xa: {  	[smem:$0x3F94] =	sst s2  }
0xb: {  	[smem:$0x3F95] =	sst s3  }
0xc: {  	[smem:$0x3F96] =	sst s4  }
0xd: {  	[smem:$0x3F97] =	sst s5  }
0xe: {  	[smem:$0x3F98] =	sst s6  }
0xf: {  	[smem:$0x3F99] =	sst s7  }
0x10: {  	[smem:$0x3F9A] =	sst s8  }
0x11: {  	[smem:$0x3F9B] =	sst s9;
	s0 =	simm.s32 @!p0 $0x0  }
0x12: {  	s1 =	sld [smem:$0x3F81];
	s0 =	simm.s32 @p0 $0x1  }
0x13: {  	[smem:$0x3F9C] =	sst s0;
	s0 =	simm.s32 @!p1 $0x0  }
0x14: {  	s2 =	sld [smem:$0x3F80];
	s0 =	simm.s32 @p1 $0x1  }
0x15: {  	[smem:$0x3F9D] =	sst s0;
	s0 =	simm.s32 @!p2 $0x0  }
0x16: {  	s3 =	sld [smem:$0x3FDB];
	s0 =	simm.s32 @p2 $0x1  }
0x17: {  	s4 =	simm.s32 $0x1BF5;
	[smem:$0x3F9F] =	sst s0  }
0x18: {  	s0 =	sld [smem:$0x3F82];
	_ =	swait.ge [sflag:s4], $0x0  }
0x19: {  	s7 =	sld [smem:$0x3F83]  }
0x1a: {  	s8 =	sadd.s32 $0xFFFFE003, lr  }
0x1b: {  	s9 =	sadd.s32 $0xFFFFFEF7, lr;
	s5 =	simm.s32 $0xFFFFFFFF;
	p2 =	slt.u32 s8, $0xFFFFF086  }
0x1c: {  	p1 =	slt.u32 s9, $0xF7A;
	s5 =	simm.s32 @!p2 $0x0  }
0x1d: {  	s5 =	simm.s32 @p1 $0x1;
	p0 =	seq.s32 s7, s2  }
0x1e: {  	s7 =	smul.u32 @!p0 $0xF7A, s2;
	p2 =	seq.s32 @!p0 s5, $0x0  }
0x1f: {  	s9 =	smul.u32 $0xF7A, s1;
	s8 =	simm.s32 @!p0 $0x1BF5;
	p2 =	por !p2, p0  }
0x20: {  	[sflag:s8] =	ssyncset.s32 @!p0 $0xFFFFF086;
	s6 =	sadd.s32 @!p0 s3, s7;
	s7 =	simm.s32 @!p0 $0x108  }
0x21: {  	s3 =	sadd.s32 s3, s9;
	s6 =	sadd.s32 @!p0 $0x88, s6;
	s7 =	simm.s32 @p2 $0x1082  }
0x22: {  	[simem:s7], [sflag:s8] =	dma.local @!p0 [hbm:s6], $0xF7A  }
0x23: {  	s9 =	sor.u32 $0xD0000000, s2;
	s6 =	simm.s32 $0x108;
	_ =	swait.ge @!p0 [sflag:s8], $0x0  }
0x24: {  	s3 =	sadd.s32 $0x88, s3;
	s6 =	simm.s32 @!p1 $0x1082;
	[sflag:s4] =	ssyncset.s32 $0xFFFFF086  }
0x25: {  	[simem:s6], [sflag:s4] =	dma.local [hbm:s3], $0xF7A  }
0x26: {  	[smem:$0x3F83] =	sst s1;
	(tag) =	ssettag s2;
	_ =	strace s9  }
0x27: {  	s1 =	sld [smem:$0x3F93]  }
0x28: {  	s2 =	sld [smem:$0x3F94]  }
0x29: {  	s4 =	sld [smem:$0x3F96]  }
0x2a: {  	p0 =	seq.s32 s5, $0x0;
	s5 =	sld [smem:$0x3F97]  }
0x2b: {  	s6 =	sld [smem:$0x3F98]  }
0x2c: {  	s7 =	sld [smem:$0x3F99]  }
0x2d: {  	s3 =	simm.s32 $0x108;
	s8 =	sld [smem:$0x3F9A]  }
0x2e: {  	s3 =	simm.s32 @!p0 $0x1082;
	s9 =	sld [smem:$0x3F9B]  }
0x2f: {  	lr =	sadd.s32 s0, s3;
	s0 =	sld [smem:$0x3F92]  }
0x30: {  	s3 =	sld [smem:$0x3F95]  }
0x31: {  	[smem:$0x3F9E] =	sst s10  }
0x32: {  	s10 =	sld [smem:$0x3F9C];
	_ =	sdelay $0x3  }
0x33: {  	p0 =	seq.s32 s10, $0x1;
	s10 =	sld [smem:$0x3F9E];
	_ =	sdelay $0x3  }
0x34: {  	[smem:$0x3F9E] =	sst s10  }
0x35: {  	s10 =	sld [smem:$0x3F9D];
	_ =	sdelay $0x3  }
0x36: {  	p1 =	seq.s32 s10, $0x1;
	s10 =	sld [smem:$0x3F9E];
	_ =	sdelay $0x3  }
0x37: {  	[smem:$0x3F9E] =	sst s10  }
0x38: {  	s10 =	sld [smem:$0x3F9F]  }
0x39: {  	_ = 	snop;
	(pc) =	sbr.ind lr, $3  }
0x3a: {  	_ = 	snop  }
0x3b: {  	_ = 	snop  }
0x3c: {  	p2 =	seq.s32 s10, $0x1;
	s10 =	sld [smem:$0x3F9E]  }
0x3d: {  	_ =	shalt  }
0x3e: {  	_ =	shalt  }
0x3f: {  	_ =	shalt  }
0x40: {  	_ =	shalt  }
0x41: {  	_ =	shalt  }
0x42: {  	_ =	shalt  }
0x43: {  	_ =	shalt  }
0x44: {  	_ =	shalt  }
0x45: {  	_ =	shalt  }
0x46: {  	_ =	shalt  }
0x47: {  	_ =	shalt  }
0x48: {  	_ =	shalt  }
0x49: {  	_ =	shalt  }
0x4a: {  	_ =	shalt  }
0x4b: {  	_ =	shalt  }
0x4c: {  	_ =	shalt  }
0x4d: {  	_ =	shalt  }
0x4e: {  	_ =	shalt  }
0x4f: {  	_ =	shalt  }
0x50: {  	_ =	shalt  }
0x51: {  	_ =	shalt  }
0x52: {  	_ =	shalt  }
0x53: {  	_ =	shalt  }
0x54: {  	_ =	shalt  }
0x55: {  	_ =	shalt  }
0x56: {  	_ =	shalt  }
0x57: {  	_ =	shalt  }
0x58: {  	_ =	shalt  }
0x59: {  	_ =	shalt  }
0x5a: {  	_ =	shalt  }
0x5b: {  	_ =	shalt  }
0x5c: {  	_ =	shalt  }
0x5d: {  	_ =	shalt  }
0x5e: {  	_ =	shalt  }
0x5f: {  	_ =	shalt  }
0x60: {  	_ =	shalt  }
0x61: {  	_ =	shalt  }
0x62: {  	_ =	shalt  }
0x63: {  	_ =	shalt  }
0x64: {  	_ =	shalt  }
0x65: {  	_ =	shalt  }
0x66: {  	_ =	shalt  }
0x67: {  	_ =	shalt  }
0x68: {  	_ =	shalt  }
0x69: {  	_ =	shalt  }
0x6a: {  	_ =	shalt  }
0x6b: {  	_ =	shalt  }
0x6c: {  	_ =	shalt  }
0x6d: {  	_ =	shalt  }
0x6e: {  	_ =	shalt  }
0x6f: {  	_ =	shalt  }
0x70: {  	_ =	shalt  }
0x71: {  	_ =	shalt  }
0x72: {  	_ =	shalt  }
0x73: {  	_ =	shalt  }
0x74: {  	_ =	shalt  }
0x75: {  	_ =	shalt  }
0x76: {  	_ =	shalt  }
0x77: {  	_ =	shalt  }
0x78: {  	_ =	shalt  }
0x79: {  	_ =	shalt  }
0x7a: {  	_ =	shalt  }
0x7b: {  	_ =	shalt  }
0x7c: {  	_ =	shalt  }
0x7d: {  	_ =	shalt  }
0x7e: {  	_ =	shalt  }
0x7f: {  	_ =	shalt  }
0x80: {  	_ =	shalt  }
0x81: {  	_ =	shalt  }
0x82: {  	_ =	shalt  }
0x83: {  	_ =	shalt  }
0x84: {  	_ =	shalt  }
0x85: {  	_ =	shalt  }
0x86: {  	_ =	shalt  }
0x87: {  	_ =	shalt  }
.Lfunc_end0:
.L_simem_size_0:
called_computation.3_lowered:
.L_overlay_start_0:
0x88: {  	s2 =	sld [smem:$0x3FD9]  }
0x89: {  	s3 =	sld [smem:$0x3FFE];
	_ =	sdelay $0x1  }
0x8a: {  	s1 =	srdreg.scid  }
0x8b: {  	s0 =	sand.u32 $0x1, s1  }
0x8c: {  	s16 =	sshll.u32 s0, $0xA;
	s2 =	sadd.s32 s3, s2  }
0x8d: {  	s2 =	sadd.s32 s2, s16  }
0x8e: {  	[smem:$0x3FAA] =	sst s2  }
0x8f: {  	_ = 	snop  }
0x90: {  	(tm) =	ssettm $0x1  }
0x91: {  	s17 =	sld [smem:$0x3FFB];
	_ =	sdelay $0x3  }
0x92: {  	_ =	strace s17  }
0x93: {  	s2 =	sld [smem:$0x3FFC];
	_ =	sdelay $0x3  }
0x94: {  	_ =	strace s2  }
0x95: {  	s2 =	sld [smem:$0x3FFD];
	_ =	sdelay $0x3  }
0x96: {  	_ =	strace s2  }
0x97: {  	_ =	strace $0x8FFFFFFF  }
0x98: {  	s18 =	sld [smem:$0x3FDB];
	_ =	sdelay $0x1  }
0x99: {  	s19 =	simm.s32 $_scs_section_size  }
0x9a: {  	s4 =	simm.s32 $_size__tile_overlayer_lowered;
	s5 =	simm.s32 $_tile_overlayer_lowered  }
0x9b: {  	s22 =	simm.s32 $0x1BFF;
	s21 =	sshll.u32 s5, $0x1;
	s2 =	sadd.s32 s19, s18  }
0x9c: {  	s6 =	simm.s32 $0x0;
	s20 =	sshll.u32 s4, $0x1;
	s4 =	sadd.s32 s21, s2  }
0x9d: {  	[timem:s6], [sflag:s22] =	dma.local [hbm:s4], s20  }
0x9e: {  	_ =	swait.ge [sflag:s22], s20  }
0x9f: {  	s3 =	ssub.s32 $0x0, s20;
	[sflag:s22] =	ssyncset.done $0x0  }
0xa0: {  	[sflag:s22] =	ssyncadd.s32 s3;
	_ =	sdelay $0x1  }
0xa1: {  	s23 =	simm.s32 $0x1B8B  }
0xa2: {  	_ =	swait.ge [sflag:s23], $0x1  }
0xa3: {  	[sflag:s23] =	ssyncset.done $0x0  }
0xa4: {  	s25 =	simm.s32 $0x1B8E;
	s24 =	sld [smem:$0x3FFE];
	[sflag:s23] =	ssyncadd.s32 $0xFFFFFFFF  }
0xa5: {  	s26 =	simm.s32 $execute0_lowered;
	[smem:$0x3FD2] =	sst s25  }
0xa6: {  	s4 =	sshll.u32 s26, $0x1;
	_ =	strace $0x8000004F;
	[dreg:$0x1] =	wrdreg $0xFFFFFFFF  }
0xa7: {  	s28 =	simm.s32 $_size_execute0_lowered;
	s2 =	sadd.s32 s2, s4;
	[dreg:$0x0] =	wrdreg $0x0  }
0xa8: {  	s4 =	sshll.u32 s28, $0x1;
	[dreg:$0x2] =	wrdreg s2  }
0xa9: {  	[dreg:$0x3] =	wrdreg s4  }
0xaa: {  	[dreg:$0x4] =	wrdreg $0xC0  }
0xab: {  	_ =	task [dreg:s6], $0x5FFFF  }
0xac: {  	[dreg:$0x1] =	wrdreg $0xFFFFFFFF  }
0xad: {  	[dreg:$0x0] =	wrdreg $0x60  }
0xae: {  	[dreg:$0x2] =	wrdreg s24  }
0xaf: {  	[dreg:$0x3] =	wrdreg $0x9  }
0xb0: {  	_ =	task.clear_ibuf [dreg:s6], $0x4FFFF;
	_ =	strace $0x9000004F  }
0xb1: {  	s29 =	simm.s32 $0x9;
	_ =	strace $0x80000051  }
0xb2: {  	_ =	swait.ge [sflag:s29], $0x1  }
0xb3: {  	[sflag:s29] =	ssyncadd.s32 $0xFFFFFFFF  }
0xb4: {  	_ =	strace $0x90000051  }
0xb5: {  	_ =	sfence  }
0xb6: {  	s30 =	sld [smem:$0x0];
	_ =	sdelay $0x2  }
0xb7: {  	s31 =	sshll.u32 s1, $0xD;
	s1 =	sshrl.u32 s1, $0x2  }
0xb8: {  	s3 =	sand.u32 $0x4000, s31;
	s1 =	sadd.s32 s1, s30  }
0xb9: {  	s0 =	sor.u32 s3, s0;
	s1 =	sshll.u32 s1, $0x11  }
0xba: {  	s0 =	sor.u32 s1, s0  }
0xbb: {  	s0 =	sadd.s32 $0x8F2B, s0  }
0xbc: {  	[sflag:s0] =	ssyncadd.remote.s32 $0x1  }
0xbd: {  	_ =	sfence.sel $0xFFFF  }
0xbe: {  	[dreg:$0x0] =	wrdreg $0xFFFFFFFF;
	(pc) =	sbr.abs _section_cstart, $3  }
0xbf: {  	[dreg:$0x1] =	wrdreg $0xFFFFFFFF  }
0xc0: {  	_ =	task.clear_ibuf [dreg:s6], $0x2FFFF;
	_ =	strace $0x9FFFFFFF  }
0xc1: {  	(tm) =	ssettm $0x7FFFFFFF  }
tec
execute0_lowered:
.L_overlay_start_1:
0x0: {  	(tag) =	ssettag $0x1  }
0x1: {  	s1 =	srdreg.scid  }
0x2: {  	s0 =	stileid.u32;
	s6 =	rddreg [dreg:$0x0]  }
0x3: {  	s19 =	simm.s32 $0x880;
	s20 =	simm.s32 $0x1080;
	s21 =	simm.s32 $0x1880  }
0x4: {  	s22 =	simm.s32 $0x2080;
	s23 =	simm.s32 $0x2880;
	s7 =	simm.s32 $0x3080  }
0x5: {  	s24 =	simm.s32 $0x3880;
	s8 =	simm.s32 $0x4080;
	s25 =	simm.s32 $0x4880  }
0x6: {  	s26 =	simm.s32 $0x5080;
	s9 =	simm.s32 $0x80;
	s1 =	sand.u32 $0x1, s1  }
0x7: {  	s11 =	simm.s32 $0x6080;
	s2 =	sshll.u32 s0, $0x7;
	s3 =	sshll.u32 s1, $0x6  }
0x8: {  	s12 =	simm.s32 $0x6880;
	s3 =	sor.u32 s3, s2;
	s2 =	simm.s32 $0x0  }
0x9: {  	s13 =	simm.s32 $0x7080;
	s14 =	simm.s32 $0x7880;
	[smem:$0x7FF] =	sst s2  }
0xa: {  	s15 =	simm.s32 $0x8080;
	_ =	strace $0x80000050;
	[dreg:$0x4] =	wrdreg s19  }
0xb: {  	s16 =	simm.s32 $0x8880;
	s17 =	simm.s32 $0x9080;
	[dreg:$0x5] =	wrdreg s20  }
0xc: {  	s18 =	simm.s32 $0x9880;
	s28 =	simm.s32 $0xE080;
	[dreg:$0x6] =	wrdreg s21  }
0xd: {  	s29 =	simm.s32 $0xE880;
	s30 =	simm.s32 $0xF080;
	[dreg:$0x7] =	wrdreg s22  }
0xe: {  	s31 =	simm.s32 $0xF880;
	s1 =	ssub.s32 $0x2, s1;
	[dreg:$0x8] =	wrdreg s23  }
0xf: {  	s5 =	sshrl.u32 s1, $0x1;
	s4 =	sshrl.u32 s3, $0x3;
	[dreg:$0x9] =	wrdreg s7  }
0x10: {  	s3 =	sshll.u32 s3, $0x7;
	s1 =	ssub.s32 s1, s5;
	[dreg:$0xa] =	wrdreg s24  }
0x11: {  	s5 =	sadd.s32 $0x76600, s6;
	s4 =	sadd.s32 s4, s6;
	[dreg:$0xb] =	wrdreg s8  }
0x12: {  	s3 =	sadd.s32 s3, s6;
	s7 =	smax.u32 s1, $0x1;
	[dreg:$0xc] =	wrdreg s25  }
0x13: {  	s8 =	simm.s32 $0x2;
	[dreg:$0xd] =	wrdreg s26;
	s19 =	simm.s32 $0xA080  }
0x14: {  	s20 =	simm.s32 $0xA880;
	s21 =	simm.s32 $0xB080;
	s22 =	simm.s32 $0xB880  }
0x15: {  	s23 =	simm.s32 $0xC080;
	s24 =	simm.s32 $0xC880;
	s4 =	sadd.s32 $0x1DE00, s4  }
0x16: {  	v2 =	vlaneseq.u32;
	s25 =	simm.s32 $0xD080;
	s3 =	sadd.s32 $0x26200, s3;
	[dreg:$0x2] =	wrdreg s4  }
0x17: {  	vm0 =	vmmov $0xffff;
	v1 =	vshrl.u32 v2, $0x3;
	s26 =	simm.s32 $0xD880;
	s1 =	simm.s32 $0x1;
	[dreg:$0x3] =	wrdreg s3  }
0x18: {  	v0 =	vand.u32 $0x7, v2;
	v2 =	vor.u32 $0x8, v2;
	v1 =	vmul.u32 $0x8, v1;
	s3 =	sadd.s32 $0x76400, s6;
	s4 =	sadd.s32 $0x76500, s6;
	s6 =	sadd.s32 $0x76700, s6  }
.LBB2_1:
0x19: {  	s0 =	rddreg [dreg:$0x2]  }
0x1a: {  	[tilespmem:s2], [sflag:$0x2] =	stream.linear.gather [hbm4b:s0+s2], $0x40, $0x38;
	[tilespmem:$0x10080] =	vst v63  }
0x1b: {  	_ =	swait.ge [sflag:s8], $0x40  }
0x1c: {  	[sflag:s8] =	ssyncset.done $0x0  }
0x1d: {  	[sflag:s8] =	ssyncadd.s32 $0xFFFFFFC0  }
0x1e: {  	v3 =	vld [tilespmem:$0x0];
	_ =	sdelay $0x4  }
0x1f: {  	v4 =	vshll.u32 v3, $0x3  }
0x20: {  	v3 =	vand.u32 $0x7, v3;
	v4 =	vand.u32 $0xFFFFFFC0, v4  }
0x21: {  	v3 =	vor.u32 v3, v4  }
0x22: {  	v4 =	vperm.xlane v3, v0;
	_ =	sdelay $0x1  }
0x23: {  	v4 =	vadd.s32 v1, v4;
	_ =	sdelay $0x4  }
0x24: {  	[tilespmem:s9], [sflag:$0x1] =	stream.indirect_vreg.gather [hbm4b:s3+s2], $0x80, v4, vm0, $0xb8;
	[tilespmem:$0x10080] =	vst v63  }
0x25: {  	s0 =	rddreg [dreg:$0x4];
	v3 =	vperm.xlane v3, v2  }
0x26: {  	[tilespmem:s0], [sflag:$0x1] =	stream.indirect_vreg.gather [hbm4b:s4+s2], $0x80, v4, vm0, $0xb8;
	[tilespmem:$0x10080] =	vst v63  }
0x27: {  	s10 =	rddreg [dreg:$0x5];
	v3 =	vadd.s32 v1, v3  }
0x28: {  	[tilespmem:s10], [sflag:$0x1] =	stream.indirect_vreg.gather [hbm4b:s5+s2], $0x80, v4, vm0, $0xb8;
	[tilespmem:$0x10080] =	vst v63  }
0x29: {  	s0 =	rddreg [dreg:$0x6]  }
0x2a: {  	[tilespmem:s0], [sflag:$0x1] =	stream.indirect_vreg.gather [hbm4b:s6+s2], $0x80, v4, vm0, $0xb8;
	[tilespmem:$0x10080] =	vst v63  }
0x2b: {  	s10 =	rddreg [dreg:$0x7]  }
0x2c: {  	[tilespmem:s10], [sflag:$0x1] =	stream.indirect_vreg.gather [hbm4b:s3+s2], $0x80, v3, vm0, $0xb8;
	[tilespmem:$0x10080] =	vst v63  }
0x2d: {  	s0 =	rddreg [dreg:$0x8]  }
0x2e: {  	[tilespmem:s0], [sflag:$0x1] =	stream.indirect_vreg.gather [hbm4b:s4+s2], $0x80, v3, vm0, $0xb8;
	[tilespmem:$0x10080] =	vst v63  }
0x2f: {  	s10 =	rddreg [dreg:$0x9]  }
0x30: {  	[tilespmem:s10], [sflag:$0x1] =	stream.indirect_vreg.gather [hbm4b:s5+s2], $0x80, v3, vm0, $0xb8;
	[tilespmem:$0x10080] =	vst v63  }
0x31: {  	s0 =	rddreg [dreg:$0xa]  }
0x32: {  	[tilespmem:s0], [sflag:$0x1] =	stream.indirect_vreg.gather [hbm4b:s6+s2], $0x80, v3, vm0, $0xb8;
	[tilespmem:$0x10080] =	vst v63  }
0x33: {  	v3 =	vld [tilespmem:$0x10];
	_ =	sdelay $0x4  }
0x34: {  	v61 =	vshll.u32 v3, $0x3  }
0x35: {  	v3 =	vand.u32 $0x7, v3;
	v4 =	vand.u32 $0xFFFFFFC0, v61  }
0x36: {  	v3 =	vor.u32 v3, v4  }
0x37: {  	v4 =	vperm.xlane v3, v0;
	_ =	sdelay $0x1  }
0x38: {  	v4 =	vadd.s32 v1, v4;
	_ =	sdelay $0x3  }
0x39: {  	s0 =	rddreg [dreg:$0xb]  }
0x3a: {  	[tilespmem:s0], [sflag:$0x1] =	stream.indirect_vreg.gather [hbm4b:s3+s2], $0x80, v4, vm0, $0xb8;
	[tilespmem:$0x10080] =	vst v63  }
0x3b: {  	s10 =	rddreg [dreg:$0xc];
	v3 =	vperm.xlane v3, v2  }
0x3c: {  	[tilespmem:s10], [sflag:$0x1] =	stream.indirect_vreg.gather [hbm4b:s4+s2], $0x80, v4, vm0, $0xb8;
	[tilespmem:$0x10080] =	vst v63  }
0x3d: {  	v3 =	vadd.s32 v1, v3;
	s0 =	rddreg [dreg:$0xd]  }
0x3e: {  	[tilespmem:s0], [sflag:$0x1] =	stream.indirect_vreg.gather [hbm4b:s5+s2], $0x80, v4, vm0, $0xb8;
	[tilespmem:$0x10080] =	vst v63  }
0x3f: {  	s10 =	simm.s32 $0x5880  }
0x40: {  	[tilespmem:s10], [sflag:$0x1] =	stream.indirect_vreg.gather [hbm4b:s6+s2], $0x80, v4, vm0, $0xb8;
	[tilespmem:$0x10080] =	vst v63  }
0x41: {  	_ = 	snop  }
0x42: {  	[tilespmem:s11], [sflag:$0x1] =	stream.indirect_vreg.gather [hbm4b:s3+s2], $0x80, v3, vm0, $0xb8;
	[tilespmem:$0x10080] =	vst v63  }
0x43: {  	_ = 	snop  }
0x44: {  	[tilespmem:s12], [sflag:$0x1] =	stream.indirect_vreg.gather [hbm4b:s4+s2], $0x80, v3, vm0, $0xb8;
	[tilespmem:$0x10080] =	vst v63  }
0x45: {  	_ = 	snop  }
0x46: {  	[tilespmem:s13], [sflag:$0x1] =	stream.indirect_vreg.gather [hbm4b:s5+s2], $0x80, v3, vm0, $0xb8;
	[tilespmem:$0x10080] =	vst v63  }
0x47: {  	_ = 	snop  }
0x48: {  	[tilespmem:s14], [sflag:$0x1] =	stream.indirect_vreg.gather [hbm4b:s6+s2], $0x80, v3, vm0, $0xb8;
	[tilespmem:$0x10080] =	vst v63  }
0x49: {  	v3 =	vld [tilespmem:$0x20];
	_ =	sdelay $0x4  }
0x4a: {  	v62 =	vshll.u32 v3, $0x3  }
0x4b: {  	v3 =	vand.u32 $0x7, v3;
	v4 =	vand.u32 $0xFFFFFFC0, v62  }
0x4c: {  	v3 =	vor.u32 v3, v4  }
0x4d: {  	v4 =	vperm.xlane v3, v0;
	_ =	sdelay $0x1  }
0x4e: {  	v4 =	vadd.s32 v1, v4;
	_ =	sdelay $0x4  }
0x4f: {  	[tilespmem:s15], [sflag:$0x1] =	stream.indirect_vreg.gather [hbm4b:s3+s2], $0x80, v4, vm0, $0xb8;
	[tilespmem:$0x10080] =	vst v63  }
0x50: {  	v3 =	vperm.xlane v3, v2  }
0x51: {  	[tilespmem:s16], [sflag:$0x1] =	stream.indirect_vreg.gather [hbm4b:s4+s2], $0x80, v4, vm0, $0xb8;
	[tilespmem:$0x10080] =	vst v63  }
0x52: {  	v3 =	vadd.s32 v1, v3  }
0x53: {  	[tilespmem:s17], [sflag:$0x1] =	stream.indirect_vreg.gather [hbm4b:s5+s2], $0x80, v4, vm0, $0xb8;
	[tilespmem:$0x10080] =	vst v63  }
0x54: {  	_ = 	snop  }
0x55: {  	[tilespmem:s18], [sflag:$0x1] =	stream.indirect_vreg.gather [hbm4b:s6+s2], $0x80, v4, vm0, $0xb8;
	[tilespmem:$0x10080] =	vst v63  }
0x56: {  	_ = 	snop  }
0x57: {  	[tilespmem:s19], [sflag:$0x1] =	stream.indirect_vreg.gather [hbm4b:s3+s2], $0x80, v3, vm0, $0xb8;
	[tilespmem:$0x10080] =	vst v63  }
0x58: {  	_ = 	snop  }
0x59: {  	[tilespmem:s20], [sflag:$0x1] =	stream.indirect_vreg.gather [hbm4b:s4+s2], $0x80, v3, vm0, $0xb8;
	[tilespmem:$0x10080] =	vst v63  }
0x5a: {  	_ = 	snop  }
0x5b: {  	[tilespmem:s21], [sflag:$0x1] =	stream.indirect_vreg.gather [hbm4b:s5+s2], $0x80, v3, vm0, $0xb8;
	[tilespmem:$0x10080] =	vst v63  }
0x5c: {  	_ = 	snop  }
0x5d: {  	[tilespmem:s22], [sflag:$0x1] =	stream.indirect_vreg.gather [hbm4b:s6+s2], $0x80, v3, vm0, $0xb8;
	[tilespmem:$0x10080] =	vst v63  }
0x5e: {  	v3 =	vld [tilespmem:$0x30];
	_ =	sdelay $0x4  }
0x5f: {  	v63 =	vshll.u32 v3, $0x3  }
0x60: {  	v3 =	vand.u32 $0x7, v3;
	v4 =	vand.u32 $0xFFFFFFC0, v63  }
0x61: {  	v3 =	vor.u32 v3, v4  }
0x62: {  	v4 =	vperm.xlane v3, v0;
	_ =	sdelay $0x1  }
0x63: {  	v4 =	vadd.s32 v1, v4;
	_ =	sdelay $0x4  }
0x64: {  	[tilespmem:s23], [sflag:$0x1] =	stream.indirect_vreg.gather [hbm4b:s3+s2], $0x80, v4, vm0, $0xb8;
	[tilespmem:$0x10080] =	vst v63  }
0x65: {  	v3 =	vperm.xlane v3, v2  }
0x66: {  	[tilespmem:s24], [sflag:$0x1] =	stream.indirect_vreg.gather [hbm4b:s4+s2], $0x80, v4, vm0, $0xb8;
	[tilespmem:$0x10080] =	vst v63  }
0x67: {  	v3 =	vadd.s32 v1, v3  }
0x68: {  	[tilespmem:s25], [sflag:$0x1] =	stream.indirect_vreg.gather [hbm4b:s5+s2], $0x80, v4, vm0, $0xb8;
	[tilespmem:$0x10080] =	vst v63  }
0x69: {  	_ = 	snop  }
0x6a: {  	[tilespmem:s26], [sflag:$0x1] =	stream.indirect_vreg.gather [hbm4b:s6+s2], $0x80, v4, vm0, $0xb8;
	[tilespmem:$0x10080] =	vst v63  }
0x6b: {  	_ = 	snop  }
0x6c: {  	[tilespmem:s28], [sflag:$0x1] =	stream.indirect_vreg.gather [hbm4b:s3+s2], $0x80, v3, vm0, $0xb8;
	[tilespmem:$0x10080] =	vst v63  }
0x6d: {  	_ = 	snop  }
0x6e: {  	[tilespmem:s29], [sflag:$0x1] =	stream.indirect_vreg.gather [hbm4b:s4+s2], $0x80, v3, vm0, $0xb8;
	[tilespmem:$0x10080] =	vst v63  }
0x6f: {  	_ = 	snop  }
0x70: {  	[tilespmem:s30], [sflag:$0x1] =	stream.indirect_vreg.gather [hbm4b:s5+s2], $0x80, v3, vm0, $0xb8;
	[tilespmem:$0x10080] =	vst v63  }
0x71: {  	_ = 	snop  }
0x72: {  	[tilespmem:s31], [sflag:$0x1] =	stream.indirect_vreg.gather [hbm4b:s6+s2], $0x80, v3, vm0, $0xb8;
	[tilespmem:$0x10080] =	vst v63  }
0x73: {  	_ =	swait.ge [sflag:s1], $0x10000  }
0x74: {  	p0 =	sne.s32 s7, $0x1;
	[sflag:s1] =	ssyncset.done $0x0  }
.Ltmp0:
0x75: {  	s10 =	rddreg [dreg:$0x3];
	[sflag:s1] =	ssyncadd.s32 $0xFFFF0000;
	(pc) =	sbr.rel @p0 .LBB2_1-.Ltmp0, $4  }
0x76: {  	[hbm4b:s10+s2] =	stream.linear.scatter [tilespmem:s9], [sflag:$0x2], $0x10000, $0x38;
	[tilespmem:$0x10080] =	vst v63  }
0x77: {  	_ =	swait.ge [sflag:s8], $0x10000  }
0x78: {  	[sflag:s8] =	ssyncset.done $0x0  }
0x79: {  	s7 =	sadd.s32 $0xFFFFFFFF, s7;
	[sflag:s8] =	ssyncadd.s32 $0xFFFF0000  }
0x7a: {  	_ =	sfence.sel $0x180000  }
0x7b: {  	[bflag:$0x0] =	sbarrier.arrive $0xFFFF  }
0x7c: {  	_ =	strace $0x90000050  }
0x7d: {  	s0 =	stileid.u32;
	[bflag:$0x2] =	sbarrier.arrive $0xFFFF  }
0x7e: {  	p0 =	sne.s32 s0, $0x0;
	s0 =	rddreg [dreg:$0x1]  }
0x7f: {  	s0 =	sadd.s32 @!p0 $0x100000, s0  }
0x80: {  	[sflag:s0] =	ssyncadd.tile.s32 @!p0 $0x1;
	_ =	shalt  }
.Lfunc_end2:
_tile_overlayer_lowered:
.L_overlay_start_2:
0x81: {  	(tag) =	ssettag $0x2  }
0x82: {  	s0 =	rddreg [dreg:$0x0];
	s2 =	stileid.u32  }
0x83: {  	s1 =	rddreg [dreg:$0x1];
	p0 =	sne.s32 s2, $0x0  }
0x84: {  	s3 =	rddreg [dreg:$0x2];
	[bflag:$0x3] =	sbarrier.arrive $0xFFFF;
	s2 =	simm.s32 @!p0 $0x1C02  }
0x85: {  	[timem:s3], [sflag:s2] =	dma.local @!p0 [hbm:s0], s1  }
0x86: {  	s0 =	simm.s32 @!p0 $0x2  }
0x87: {  	_ =	swait.ge @!p0 [sflag:s0], s1  }
0x88: {  	s1 =	ssub.s32 @!p0 $0x0, s1;
	[sflag:s0] =	ssyncset.done @!p0 $0x0  }
0x89: {  	[sflag:s0] =	ssyncadd.s32 @!p0 s1  }
0x8a: {  	[bflag:$0x3] =	sbarrier.arrive $0xFFFF  }
0x8b: {  	_ =	shalt  }

// kernel: kernel.33.cloned.1.call-start
scs
__scs_entry_jumppad:
0x0: {  	(pc) =	sbr.rel $0x88, $3  }
0x1: {  	(tag) =	ssettag $0x0;
	lr =	simm.s32 $0x1  }
0x2: {  	[smem:$0x3F83] =	sst lr;
	_ =	strace $0xD0000000  }
0x3: {  	_ = 	snop  }
0x4: {  	_ = 	snop  }
0x5: {  	_ = 	snop  }
0x6: {  	_ = 	snop  }
0x7: {  	_ = 	snop  }
__scs_overlays_trampoline_lowered:
0x8: {  	[smem:$0x3F92] =	sst s0  }
0x9: {  	[smem:$0x3F93] =	sst s1  }
0xa: {  	[smem:$0x3F94] =	sst s2  }
0xb: {  	[smem:$0x3F95] =	sst s3  }
0xc: {  	[smem:$0x3F96] =	sst s4  }
0xd: {  	[smem:$0x3F97] =	sst s5  }
0xe: {  	[smem:$0x3F98] =	sst s6  }
0xf: {  	[smem:$0x3F99] =	sst s7  }
0x10: {  	[smem:$0x3F9A] =	sst s8  }
0x11: {  	[smem:$0x3F9B] =	sst s9;
	s0 =	simm.s32 @!p0 $0x0  }
0x12: {  	s1 =	sld [smem:$0x3F81];
	s0 =	simm.s32 @p0 $0x1  }
0x13: {  	[smem:$0x3F9C] =	sst s0;
	s0 =	simm.s32 @!p1 $0x0  }
0x14: {  	s2 =	sld [smem:$0x3F80];
	s0 =	simm.s32 @p1 $0x1  }
0x15: {  	[smem:$0x3F9D] =	sst s0;
	s0 =	simm.s32 @!p2 $0x0  }
0x16: {  	s3 =	sld [smem:$0x3FDB];
	s0 =	simm.s32 @p2 $0x1  }
0x17: {  	s4 =	simm.s32 $0x1BF5;
	[smem:$0x3F9F] =	sst s0  }
0x18: {  	s0 =	sld [smem:$0x3F82];
	_ =	swait.ge [sflag:s4], $0x0  }
0x19: {  	s7 =	sld [smem:$0x3F83]  }
0x1a: {  	s8 =	sadd.s32 $0xFFFFE003, lr  }
0x1b: {  	s9 =	sadd.s32 $0xFFFFFEF7, lr;
	s5 =	simm.s32 $0xFFFFFFFF;
	p2 =	slt.u32 s8, $0xFFFFF086  }
0x1c: {  	p1 =	slt.u32 s9, $0xF7A;
	s5 =	simm.s32 @!p2 $0x0  }
0x1d: {  	s5 =	simm.s32 @p1 $0x1;
	p0 =	seq.s32 s7, s2  }
0x1e: {  	s7 =	smul.u32 @!p0 $0xF7A, s2;
	p2 =	seq.s32 @!p0 s5, $0x0  }
0x1f: {  	s9 =	smul.u32 $0xF7A, s1;
	s8 =	simm.s32 @!p0 $0x1BF5;
	p2 =	por !p2, p0  }
0x20: {  	[sflag:s8] =	ssyncset.s32 @!p0 $0xFFFFF086;
	s6 =	sadd.s32 @!p0 s3, s7;
	s7 =	simm.s32 @!p0 $0x108  }
0x21: {  	s3 =	sadd.s32 s3, s9;
	s6 =	sadd.s32 @!p0 $0x88, s6;
	s7 =	simm.s32 @p2 $0x1082  }
0x22: {  	[simem:s7], [sflag:s8] =	dma.local @!p0 [hbm:s6], $0xF7A  }
0x23: {  	s9 =	sor.u32 $0xD0000000, s2;
	s6 =	simm.s32 $0x108;
	_ =	swait.ge @!p0 [sflag:s8], $0x0  }
0x24: {  	s3 =	sadd.s32 $0x88, s3;
	s6 =	simm.s32 @!p1 $0x1082;
	[sflag:s4] =	ssyncset.s32 $0xFFFFF086  }
0x25: {  	[simem:s6], [sflag:s4] =	dma.local [hbm:s3], $0xF7A  }
0x26: {  	[smem:$0x3F83] =	sst s1;
	(tag) =	ssettag s2;
	_ =	strace s9  }
0x27: {  	s1 =	sld [smem:$0x3F93]  }
0x28: {  	s2 =	sld [smem:$0x3F94]  }
0x29: {  	s4 =	sld [smem:$0x3F96]  }
0x2a: {  	p0 =	seq.s32 s5, $0x0;
	s5 =	sld [smem:$0x3F97]  }
0x2b: {  	s6 =	sld [smem:$0x3F98]  }
0x2c: {  	s7 =	sld [smem:$0x3F99]  }
0x2d: {  	s3 =	simm.s32 $0x108;
	s8 =	sld [smem:$0x3F9A]  }
0x2e: {  	s3 =	simm.s32 @!p0 $0x1082;
	s9 =	sld [smem:$0x3F9B]  }
0x2f: {  	lr =	sadd.s32 s0, s3;
	s0 =	sld [smem:$0x3F92]  }
0x30: {  	s3 =	sld [smem:$0x3F95]  }
0x31: {  	[smem:$0x3F9E] =	sst s10  }
0x32: {  	s10 =	sld [smem:$0x3F9C];
	_ =	sdelay $0x3  }
0x33: {  	p0 =	seq.s32 s10, $0x1;
	s10 =	sld [smem:$0x3F9E];
	_ =	sdelay $0x3  }
0x34: {  	[smem:$0x3F9E] =	sst s10  }
0x35: {  	s10 =	sld [smem:$0x3F9D];
	_ =	sdelay $0x3  }
0x36: {  	p1 =	seq.s32 s10, $0x1;
	s10 =	sld [smem:$0x3F9E];
	_ =	sdelay $0x3  }
0x37: {  	[smem:$0x3F9E] =	sst s10  }
0x38: {  	s10 =	sld [smem:$0x3F9F]  }
0x39: {  	_ = 	snop;
	(pc) =	sbr.ind lr, $3  }
0x3a: {  	_ = 	snop  }
0x3b: {  	_ = 	snop  }
0x3c: {  	p2 =	seq.s32 s10, $0x1;
	s10 =	sld [smem:$0x3F9E]  }
0x3d: {  	_ =	shalt  }
0x3e: {  	_ =	shalt  }
0x3f: {  	_ =	shalt  }
0x40: {  	_ =	shalt  }
0x41: {  	_ =	shalt  }
0x42: {  	_ =	shalt  }
0x43: {  	_ =	shalt  }
0x44: {  	_ =	shalt  }
0x45: {  	_ =	shalt  }
0x46: {  	_ =	shalt  }
0x47: {  	_ =	shalt  }
0x48: {  	_ =	shalt  }
0x49: {  	_ =	shalt  }
0x4a: {  	_ =	shalt  }
0x4b: {  	_ =	shalt  }
0x4c: {  	_ =	shalt  }
0x4d: {  	_ =	shalt  }
0x4e: {  	_ =	shalt  }
0x4f: {  	_ =	shalt  }
0x50: {  	_ =	shalt  }
0x51: {  	_ =	shalt  }
0x52: {  	_ =	shalt  }
0x53: {  	_ =	shalt  }
0x54: {  	_ =	shalt  }
0x55: {  	_ =	shalt  }
0x56: {  	_ =	shalt  }
0x57: {  	_ =	shalt  }
0x58: {  	_ =	shalt  }
0x59: {  	_ =	shalt  }
0x5a: {  	_ =	shalt  }
0x5b: {  	_ =	shalt  }
0x5c: {  	_ =	shalt  }
0x5d: {  	_ =	shalt  }
0x5e: {  	_ =	shalt  }
0x5f: {  	_ =	shalt  }
0x60: {  	_ =	shalt  }
0x61: {  	_ =	shalt  }
0x62: {  	_ =	shalt  }
0x63: {  	_ =	shalt  }
0x64: {  	_ =	shalt  }
0x65: {  	_ =	shalt  }
0x66: {  	_ =	shalt  }
0x67: {  	_ =	shalt  }
0x68: {  	_ =	shalt  }
0x69: {  	_ =	shalt  }
0x6a: {  	_ =	shalt  }
0x6b: {  	_ =	shalt  }
0x6c: {  	_ =	shalt  }
0x6d: {  	_ =	shalt  }
0x6e: {  	_ =	shalt  }
0x6f: {  	_ =	shalt  }
0x70: {  	_ =	shalt  }
0x71: {  	_ =	shalt  }
0x72: {  	_ =	shalt  }
0x73: {  	_ =	shalt  }
0x74: {  	_ =	shalt  }
0x75: {  	_ =	shalt  }
0x76: {  	_ =	shalt  }
0x77: {  	_ =	shalt  }
0x78: {  	_ =	shalt  }
0x79: {  	_ =	shalt  }
0x7a: {  	_ =	shalt  }
0x7b: {  	_ =	shalt  }
0x7c: {  	_ =	shalt  }
0x7d: {  	_ =	shalt  }
0x7e: {  	_ =	shalt  }
0x7f: {  	_ =	shalt  }
0x80: {  	_ =	shalt  }
0x81: {  	_ =	shalt  }
0x82: {  	_ =	shalt  }
0x83: {  	_ =	shalt  }
0x84: {  	_ =	shalt  }
0x85: {  	_ =	shalt  }
0x86: {  	_ =	shalt  }
0x87: {  	_ =	shalt  }
.Lfunc_end0:
.L_simem_size_0:
called_computation.4_lowered:
.L_overlay_start_0:
0x88: {  	s2 =	sld [smem:$0x3FD9]  }
0x89: {  	s3 =	sld [smem:$0x3FFE];
	_ =	sdelay $0x1  }
0x8a: {  	s1 =	srdreg.scid  }
0x8b: {  	s0 =	sand.u32 $0x1, s1  }
0x8c: {  	s17 =	sshll.u32 s0, $0xA;
	s2 =	sadd.s32 s3, s2  }
0x8d: {  	s2 =	sadd.s32 s2, s17  }
0x8e: {  	[smem:$0x3FAA] =	sst s2  }
0x8f: {  	_ = 	snop  }
0x90: {  	s2 =	sld [smem:$0x3FD0];
	(tm) =	ssettm $0x1  }
0x91: {  	s18 =	sld [smem:$0x3FFB];
	_ =	sdelay $0x3  }
0x92: {  	_ =	strace s18  }
0x93: {  	s3 =	sld [smem:$0x3FFC];
	_ =	sdelay $0x3  }
0x94: {  	_ =	strace s3  }
0x95: {  	s3 =	sld [smem:$0x3FFD];
	_ =	sdelay $0x3  }
0x96: {  	_ =	strace s3  }
0x97: {  	_ =	strace $0x8FFFFFFF  }
0x98: {  	s19 =	sld [smem:$0x3FDB];
	_ =	sdelay $0x1  }
0x99: {  	s4 =	simm.s32 $_scs_section_size  }
0x9a: {  	s5 =	simm.s32 $_size__tile_overlayer_lowered;
	s6 =	simm.s32 $_tile_overlayer_lowered  }
0x9b: {  	s22 =	simm.s32 $0x1BFF;
	s21 =	sshll.u32 s6, $0x1;
	s3 =	sadd.s32 s4, s19  }
0x9c: {  	s7 =	simm.s32 $0x0;
	s20 =	sshll.u32 s5, $0x1;
	s5 =	sadd.s32 s21, s3  }
0x9d: {  	[timem:s7], [sflag:s22] =	dma.local [hbm:s5], s20  }
0x9e: {  	_ =	swait.ge [sflag:s22], s20  }
0x9f: {  	s4 =	ssub.s32 $0x0, s20;
	[sflag:s22] =	ssyncset.done $0x0  }
0xa0: {  	[sflag:s22] =	ssyncadd.s32 s4;
	_ =	sdelay $0x1  }
0xa1: {  	s23 =	simm.s32 $0x1B8B  }
0xa2: {  	_ =	swait.ge [sflag:s23], $0x1  }
0xa3: {  	[sflag:s23] =	ssyncset.done $0x0  }
0xa4: {  	s25 =	simm.s32 $0x1B8E;
	s24 =	sld [smem:$0x3FFE];
	[sflag:s23] =	ssyncadd.s32 $0xFFFFFFFF  }
0xa5: {  	s26 =	simm.s32 $execute0_lowered;
	[smem:$0x3FD2] =	sst s25  }
0xa6: {  	s5 =	sshll.u32 s26, $0x1;
	_ =	strace $0x80000052;
	[dreg:$0x1] =	wrdreg $0xFFFFFFFF  }
0xa7: {  	s28 =	simm.s32 $_size_execute0_lowered;
	s3 =	sadd.s32 s3, s5;
	[dreg:$0x0] =	wrdreg $0x0  }
0xa8: {  	s5 =	sshll.u32 s28, $0x1;
	[dreg:$0x2] =	wrdreg s3  }
0xa9: {  	[dreg:$0x3] =	wrdreg s5  }
0xaa: {  	[dreg:$0x4] =	wrdreg $0xC0  }
0xab: {  	_ =	task [dreg:s7], $0x5FFFF  }
0xac: {  	[dreg:$0x1] =	wrdreg $0xFFFFFFFF  }
0xad: {  	[dreg:$0x0] =	wrdreg $0x60  }
0xae: {  	[dreg:$0x2] =	wrdreg s2  }
0xaf: {  	[dreg:$0x3] =	wrdreg s24  }
0xb0: {  	[dreg:$0x4] =	wrdreg $0x9  }
0xb1: {  	_ =	task.clear_ibuf [dreg:s7], $0x5FFFF;
	_ =	strace $0x90000052  }
0xb2: {  	s29 =	simm.s32 $0x9;
	_ =	strace $0x80000054  }
0xb3: {  	_ =	swait.ge [sflag:s29], $0x1  }
0xb4: {  	[sflag:s29] =	ssyncadd.s32 $0xFFFFFFFF  }
0xb5: {  	_ =	strace $0x90000054  }
0xb6: {  	_ =	sfence  }
0xb7: {  	s30 =	sld [smem:$0x0];
	_ =	sdelay $0x2  }
0xb8: {  	s31 =	sshll.u32 s1, $0xD;
	s1 =	sshrl.u32 s1, $0x2  }
0xb9: {  	s3 =	sand.u32 $0x4000, s31;
	s1 =	sadd.s32 s1, s30  }
0xba: {  	s0 =	sor.u32 s3, s0;
	s1 =	sshll.u32 s1, $0x11  }
0xbb: {  	s0 =	sor.u32 s1, s0  }
0xbc: {  	s0 =	sadd.s32 $0x8F2B, s0  }
0xbd: {  	[sflag:s0] =	ssyncadd.remote.s32 $0x1  }
0xbe: {  	_ =	sfence.sel $0xFFFF  }
0xbf: {  	[dreg:$0x0] =	wrdreg $0xFFFFFFFF;
	(pc) =	sbr.abs _section_cstart, $3  }
0xc0: {  	[dreg:$0x1] =	wrdreg $0xFFFFFFFF  }
0xc1: {  	_ =	task.clear_ibuf [dreg:s7], $0x2FFFF;
	_ =	strace $0x9FFFFFFF  }
0xc2: {  	(tm) =	ssettm $0x7FFFFFFF  }
0xc3: {  	_ =	shalt  }
tec
execute0_lowered:
.L_overlay_start_1:
0x0: {  	(tag) =	ssettag $0x1  }
0x1: {  	s1 =	srdreg.scid  }
0x2: {  	s0 =	stileid.u32;
	s3 =	rddreg [dreg:$0x0]  }
0x3: {  	s6 =	rddreg [dreg:$0x1];
	s18 =	simm.s32 $0x880;
	s19 =	simm.s32 $0x1080  }
0x4: {  	s20 =	simm.s32 $0x1880;
	s22 =	simm.s32 $0x2080;
	s23 =	simm.s32 $0x2880  }
0x5: {  	s7 =	simm.s32 $0x3080;
	s24 =	simm.s32 $0x3880;
	s8 =	simm.s32 $0x4080  }
0x6: {  	s25 =	simm.s32 $0x4880;
	s26 =	simm.s32 $0x5080;
	s1 =	sand.u32 $0x1, s1  }
0x7: {  	s9 =	simm.s32 $0x80;
	s2 =	sshll.u32 s0, $0x7;
	s4 =	sshll.u32 s1, $0x6  }
0x8: {  	s11 =	simm.s32 $0x6080;
	s4 =	sor.u32 s4, s2;
	s2 =	simm.s32 $0x0  }
0x9: {  	s12 =	simm.s32 $0x6880;
	s13 =	simm.s32 $0x7080;
	[smem:$0x7FF] =	sst s2  }
0xa: {  	s14 =	simm.s32 $0x7880;
	_ =	strace $0x80000053;
	[dreg:$0x5] =	wrdreg s18  }
0xb: {  	s15 =	simm.s32 $0x8080;
	s16 =	simm.s32 $0x8880;
	[dreg:$0x6] =	wrdreg s19  }
0xc: {  	s17 =	simm.s32 $0x9080;
	s28 =	simm.s32 $0xE080;
	[dreg:$0x7] =	wrdreg s20  }
0xd: {  	s29 =	simm.s32 $0xE880;
	s30 =	simm.s32 $0xF080;
	[dreg:$0x8] =	wrdreg s22  }
0xe: {  	s31 =	simm.s32 $0xF880;
	s1 =	ssub.s32 $0x2, s1;
	[dreg:$0x9] =	wrdreg s23  }
0xf: {  	s21 =	sshrl.u32 s1, $0x1;
	s5 =	sshrl.u32 s4, $0x3;
	[dreg:$0xa] =	wrdreg s7  }
0x10: {  	s4 =	sshll.u32 s4, $0x7;
	s1 =	ssub.s32 s1, s21;
	[dreg:$0xb] =	wrdreg s24  }
0x11: {  	s21 =	simm.s32 $0xB080;
	s5 =	sadd.s32 s5, s6;
	[dreg:$0xc] =	wrdreg s8  }
0x12: {  	s3 =	sadd.s32 s3, s4;
	s4 =	sadd.s32 $0x26300, s6;
	[dreg:$0xd] =	wrdreg s25  }
0x13: {  	s7 =	smax.u32 s1, $0x1;
	s8 =	simm.s32 $0x2;
	[dreg:$0xe] =	wrdreg s26  }
0x14: {  	s18 =	simm.s32 $0x9880;
	s19 =	simm.s32 $0xA080;
	s20 =	simm.s32 $0xA880  }
0x15: {  	s22 =	simm.s32 $0xB880;
	s23 =	simm.s32 $0xC080;
	s24 =	simm.s32 $0xC880  }
0x16: {  	v2 =	vlaneseq.u32;
	s25 =	simm.s32 $0xD080;
	s26 =	simm.s32 $0xD880;
	s1 =	simm.s32 $0x1  }
0x17: {  	vm0 =	vmmov $0xffff;
	v1 =	vshrl.u32 v2, $0x3;
	s5 =	sadd.s32 $0x26000, s5;
	[dreg:$0x4] =	wrdreg s3;
	s3 =	sadd.s32 $0x26200, s6  }
0x18: {  	v0 =	vand.u32 $0x7, v2;
	v2 =	vor.u32 $0x8, v2;
	v1 =	vmul.u32 $0x8, v1;
	[dreg:$0x3] =	wrdreg s5;
	s5 =	sadd.s32 $0x26400, s6;
	s6 =	sadd.s32 $0x26500, s6  }
.LBB2_1:
0x19: {  	s0 =	rddreg [dreg:$0x3]  }
0x1a: {  	[tilespmem:s2], [sflag:$0x2] =	stream.linear.gather [hbm4b:s0+s2], $0x40, $0x38;
	[tilespmem:$0x10080] =	vst v63  }
0x1b: {  	_ =	swait.ge [sflag:s8], $0x40  }
0x1c: {  	[sflag:s8] =	ssyncset.done $0x0  }
0x1d: {  	s10 =	rddreg [dreg:$0x4];
	[sflag:s8] =	ssyncadd.s32 $0xFFFFFFC0  }
0x1e: {  	[tilespmem:s9], [sflag:$0x2] =	stream.linear.gather [hbm4b:s10+s2], $0x10000, $0x38;
	[tilespmem:$0x10080] =	vst v63  }
0x1f: {  	_ =	swait.ge [sflag:s8], $0x10000  }
0x20: {  	[sflag:s8] =	ssyncset.done $0x0  }
0x21: {  	[sflag:s8] =	ssyncadd.s32 $0xFFFF0000  }
0x22: {  	v3 =	vld [tilespmem:$0x0];
	_ =	sdelay $0x4  }
0x23: {  	v4 =	vshll.u32 v3, $0x3  }
0x24: {  	v3 =	vand.u32 $0x7, v3;
	v4 =	vand.u32 $0xFFFFFFC0, v4  }
0x25: {  	v3 =	vor.u32 v3, v4  }
0x26: {  	v4 =	vperm.xlane v3, v0;
	_ =	sdelay $0x1  }
0x27: {  	v4 =	vadd.s32 v1, v4;
	_ =	sdelay $0x4  }
0x28: {  	[hbm4b:s3+s2] =	stream.indirect_vreg.scatter [tilespmem:s9], [sflag:$0x1], $0x80, v4, vm0, $0xb8;
	[tilespmem:$0x10080] =	vst v63  }
0x29: {  	s0 =	rddreg [dreg:$0x5];
	v3 =	vperm.xlane v3, v2  }
0x2a: {  	[hbm4b:s4+s2] =	stream.indirect_vreg.scatter [tilespmem:s0], [sflag:$0x1], $0x80, v4, vm0, $0xb8;
	[tilespmem:$0x10080] =	vst v63  }
0x2b: {  	s10 =	rddreg [dreg:$0x6];
	v3 =	vadd.s32 v1, v3  }
0x2c: {  	[hbm4b:s5+s2] =	stream.indirect_vreg.scatter [tilespmem:s10], [sflag:$0x1], $0x80, v4, vm0, $0xb8;
	[tilespmem:$0x10080] =	vst v63  }
0x2d: {  	s0 =	rddreg [dreg:$0x7]  }
0x2e: {  	[hbm4b:s6+s2] =	stream.indirect_vreg.scatter [tilespmem:s0], [sflag:$0x1], $0x80, v4, vm0, $0xb8;
	[tilespmem:$0x10080] =	vst v63  }
0x2f: {  	s10 =	rddreg [dreg:$0x8]  }
0x30: {  	[hbm4b:s3+s2] =	stream.indirect_vreg.scatter [tilespmem:s10], [sflag:$0x1], $0x80, v3, vm0, $0xb8;
	[tilespmem:$0x10080] =	vst v63  }
0x31: {  	s0 =	rddreg [dreg:$0x9]  }
0x32: {  	[hbm4b:s4+s2] =	stream.indirect_vreg.scatter [tilespmem:s0], [sflag:$0x1], $0x80, v3, vm0, $0xb8;
	[tilespmem:$0x10080] =	vst v63  }
0x33: {  	s10 =	rddreg [dreg:$0xa]  }
0x34: {  	[hbm4b:s5+s2] =	stream.indirect_vreg.scatter [tilespmem:s10], [sflag:$0x1], $0x80, v3, vm0, $0xb8;
	[tilespmem:$0x10080] =	vst v63  }
0x35: {  	s0 =	rddreg [dreg:$0xb]  }
0x36: {  	[hbm4b:s6+s2] =	stream.indirect_vreg.scatter [tilespmem:s0], [sflag:$0x1], $0x80, v3, vm0, $0xb8;
	[tilespmem:$0x10080] =	vst v63  }
0x37: {  	v3 =	vld [tilespmem:$0x10];
	_ =	sdelay $0x4  }
0x38: {  	v61 =	vshll.u32 v3, $0x3  }
0x39: {  	v3 =	vand.u32 $0x7, v3;
	v4 =	vand.u32 $0xFFFFFFC0, v61  }
0x3a: {  	v3 =	vor.u32 v3, v4  }
0x3b: {  	v4 =	vperm.xlane v3, v0;
	_ =	sdelay $0x1  }
0x3c: {  	v4 =	vadd.s32 v1, v4;
	_ =	sdelay $0x3  }
0x3d: {  	s0 =	rddreg [dreg:$0xc]  }
0x3e: {  	[hbm4b:s3+s2] =	stream.indirect_vreg.scatter [tilespmem:s0], [sflag:$0x1], $0x80, v4, vm0, $0xb8;
	[tilespmem:$0x10080] =	vst v63  }
0x3f: {  	s10 =	rddreg [dreg:$0xd];
	v3 =	vperm.xlane v3, v2  }
0x40: {  	[hbm4b:s4+s2] =	stream.indirect_vreg.scatter [tilespmem:s10], [sflag:$0x1], $0x80, v4, vm0, $0xb8;
	[tilespmem:$0x10080] =	vst v63  }
0x41: {  	v3 =	vadd.s32 v1, v3;
	s0 =	rddreg [dreg:$0xe]  }
0x42: {  	[hbm4b:s5+s2] =	stream.indirect_vreg.scatter [tilespmem:s0], [sflag:$0x1], $0x80, v4, vm0, $0xb8;
	[tilespmem:$0x10080] =	vst v63  }
0x43: {  	s10 =	simm.s32 $0x5880  }
0x44: {  	[hbm4b:s6+s2] =	stream.indirect_vreg.scatter [tilespmem:s10], [sflag:$0x1], $0x80, v4, vm0, $0xb8;
	[tilespmem:$0x10080] =	vst v63  }
0x45: {  	_ = 	snop  }
0x46: {  	[hbm4b:s3+s2] =	stream.indirect_vreg.scatter [tilespmem:s11], [sflag:$0x1], $0x80, v3, vm0, $0xb8;
	[tilespmem:$0x10080] =	vst v63  }
0x47: {  	_ = 	snop  }
0x48: {  	[hbm4b:s4+s2] =	stream.indirect_vreg.scatter [tilespmem:s12], [sflag:$0x1], $0x80, v3, vm0, $0xb8;
	[tilespmem:$0x10080] =	vst v63  }
0x49: {  	_ = 	snop  }
0x4a: {  	[hbm4b:s5+s2] =	stream.indirect_vreg.scatter [tilespmem:s13], [sflag:$0x1], $0x80, v3, vm0, $0xb8;
	[tilespmem:$0x10080] =	vst v63  }
0x4b: {  	_ = 	snop  }
0x4c: {  	[hbm4b:s6+s2] =	stream.indirect_vreg.scatter [tilespmem:s14], [sflag:$0x1], $0x80, v3, vm0, $0xb8;
	[tilespmem:$0x10080] =	vst v63  }
0x4d: {  	v3 =	vld [tilespmem:$0x20];
	_ =	sdelay $0x4  }
0x4e: {  	v62 =	vshll.u32 v3, $0x3  }
0x4f: {  	v3 =	vand.u32 $0x7, v3;
	v4 =	vand.u32 $0xFFFFFFC0, v62  }
0x50: {  	v3 =	vor.u32 v3, v4  }
0x51: {  	v4 =	vperm.xlane v3, v0;
	_ =	sdelay $0x1  }
0x52: {  	v4 =	vadd.s32 v1, v4;
	_ =	sdelay $0x4  }
0x53: {  	[hbm4b:s3+s2] =	stream.indirect_vreg.scatter [tilespmem:s15], [sflag:$0x1], $0x80, v4, vm0, $0xb8;
	[tilespmem:$0x10080] =	vst v63  }
0x54: {  	v3 =	vperm.xlane v3, v2  }
0x55: {  	[hbm4b:s4+s2] =	stream.indirect_vreg.scatter [tilespmem:s16], [sflag:$0x1], $0x80, v4, vm0, $0xb8;
	[tilespmem:$0x10080] =	vst v63  }
0x56: {  	v3 =	vadd.s32 v1, v3  }
0x57: {  	[hbm4b:s5+s2] =	stream.indirect_vreg.scatter [tilespmem:s17], [sflag:$0x1], $0x80, v4, vm0, $0xb8;
	[tilespmem:$0x10080] =	vst v63  }
0x58: {  	_ = 	snop  }
0x59: {  	[hbm4b:s6+s2] =	stream.indirect_vreg.scatter [tilespmem:s18], [sflag:$0x1], $0x80, v4, vm0, $0xb8;
	[tilespmem:$0x10080] =	vst v63  }
0x5a: {  	_ = 	snop  }
0x5b: {  	[hbm4b:s3+s2] =	stream.indirect_vreg.scatter [tilespmem:s19], [sflag:$0x1], $0x80, v3, vm0, $0xb8;
	[tilespmem:$0x10080] =	vst v63  }
0x5c: {  	_ = 	snop  }
0x5d: {  	[hbm4b:s4+s2] =	stream.indirect_vreg.scatter [tilespmem:s20], [sflag:$0x1], $0x80, v3, vm0, $0xb8;
	[tilespmem:$0x10080] =	vst v63  }
0x5e: {  	_ = 	snop  }
0x5f: {  	[hbm4b:s5+s2] =	stream.indirect_vreg.scatter [tilespmem:s21], [sflag:$0x1], $0x80, v3, vm0, $0xb8;
	[tilespmem:$0x10080] =	vst v63  }
0x60: {  	_ = 	snop  }
0x61: {  	[hbm4b:s6+s2] =	stream.indirect_vreg.scatter [tilespmem:s22], [sflag:$0x1], $0x80, v3, vm0, $0xb8;
	[tilespmem:$0x10080] =	vst v63  }
0x62: {  	v3 =	vld [tilespmem:$0x30];
	_ =	sdelay $0x4  }
0x63: {  	v63 =	vshll.u32 v3, $0x3  }
0x64: {  	v3 =	vand.u32 $0x7, v3;
	v4 =	vand.u32 $0xFFFFFFC0, v63  }
0x65: {  	v3 =	vor.u32 v3, v4  }
0x66: {  	v4 =	vperm.xlane v3, v0;
	_ =	sdelay $0x1  }
0x67: {  	v4 =	vadd.s32 v1, v4;
	_ =	sdelay $0x4  }
0x68: {  	[hbm4b:s3+s2] =	stream.indirect_vreg.scatter [tilespmem:s23], [sflag:$0x1], $0x80, v4, vm0, $0xb8;
	[tilespmem:$0x10080] =	vst v63  }
0x69: {  	v3 =	vperm.xlane v3, v2  }
0x6a: {  	[hbm4b:s4+s2] =	stream.indirect_vreg.scatter [tilespmem:s24], [sflag:$0x1], $0x80, v4, vm0, $0xb8;
	[tilespmem:$0x10080] =	vst v63  }
0x6b: {  	v3 =	vadd.s32 v1, v3  }
0x6c: {  	[hbm4b:s5+s2] =	stream.indirect_vreg.scatter [tilespmem:s25], [sflag:$0x1], $0x80, v4, vm0, $0xb8;
	[tilespmem:$0x10080] =	vst v63  }
0x6d: {  	_ = 	snop  }
0x6e: {  	[hbm4b:s6+s2] =	stream.indirect_vreg.scatter [tilespmem:s26], [sflag:$0x1], $0x80, v4, vm0, $0xb8;
	[tilespmem:$0x10080] =	vst v63  }
0x6f: {  	_ = 	snop  }
0x70: {  	[hbm4b:s3+s2] =	stream.indirect_vreg.scatter [tilespmem:s28], [sflag:$0x1], $0x80, v3, vm0, $0xb8;
	[tilespmem:$0x10080] =	vst v63  }
0x71: {  	_ = 	snop  }
0x72: {  	[hbm4b:s4+s2] =	stream.indirect_vreg.scatter [tilespmem:s29], [sflag:$0x1], $0x80, v3, vm0, $0xb8;
	[tilespmem:$0x10080] =	vst v63  }
0x73: {  	p0 =	sne.s32 s7, $0x1  }
0x74: {  	[hbm4b:s5+s2] =	stream.indirect_vreg.scatter [tilespmem:s30], [sflag:$0x1], $0x80, v3, vm0, $0xb8;
	[tilespmem:$0x10080] =	vst v63  }
.Ltmp0:
0x75: {  	_ = 	snop;
	(pc) =	sbr.rel @p0 .LBB2_1-.Ltmp0, $4  }
0x76: {  	[hbm4b:s6+s2] =	stream.indirect_vreg.scatter [tilespmem:s31], [sflag:$0x1], $0x80, v3, vm0, $0xb8;
	[tilespmem:$0x10080] =	vst v63  }
0x77: {  	_ =	swait.ge [sflag:s1], $0x10000  }
0x78: {  	[sflag:s1] =	ssyncset.done $0x0  }
0x79: {  	s7 =	sadd.s32 $0xFFFFFFFF, s7;
	[sflag:s1] =	ssyncadd.s32 $0xFFFF0000  }
0x7a: {  	_ =	sfence.sel $0x180000  }
0x7b: {  	[bflag:$0x0] =	sbarrier.arrive $0xFFFF  }
0x7c: {  	_ =	strace $0x90000053  }
0x7d: {  	s0 =	stileid.u32;
	[bflag:$0x2] =	sbarrier.arrive $0xFFFF  }
0x7e: {  	p0 =	sne.s32 s0, $0x0;
	s0 =	rddreg [dreg:$0x2]  }
0x7f: {  	s0 =	sadd.s32 @!p0 $0x100000, s0  }
0x80: {  	[sflag:s0] =	ssyncadd.tile.s32 @!p0 $0x1;
	_ =	shalt  }
.Lfunc_end2:
_tile_overlayer_lowered:
.L_overlay_start_2:
0x81: {  	(tag) =	ssettag $0x2  }
0x82: {  	s0 =	rddreg [dreg:$0x0];
	s2 =	stileid.u32  }
0x83: {  	s1 =	rddreg [dreg:$0x1];
	p0 =	sne.s32 s2, $0x0  }
0x84: {  	s3 =	rddreg [dreg:$0x2];
	[bflag:$0x3] =	sbarrier.arrive $0xFFFF;
	s2 =	simm.s32 @!p0 $0x1C02  }
0x85: {  	[timem:s3], [sflag:s2] =	dma.local @!p0 [hbm:s0], s1  }
0x86: {  	s0 =	simm.s32 @!p0 $0x2  }
0x87: {  	_ =	swait.ge @!p0 [sflag:s0], s1  }
0x88: {  	s1 =	ssub.s32 @!p0 $0x0, s1;
	[sflag:s0] =	ssyncset.done @!p0 $0x0  }
0x89: {  	[sflag:s0] =	ssyncadd.s32 @!p0 s1  }
0x8a: {  	[bflag:$0x3] =	sbarrier.arrive $0xFFFF  }
0x8b: {  	_ =	shalt  }

// kernel: kernel.36.cloned.1.call-start
scs
__scs_entry_jumppad:
0x0: {  	(pc) =	sbr.rel $0x88, $3  }
0x1: {  	(tag) =	ssettag $0x0;
	lr =	simm.s32 $0x1  }
0x2: {  	[smem:$0x3F83] =	sst lr;
	_ =	strace $0xD0000000  }
0x3: {  	_ = 	snop  }
0x4: {  	_ = 	snop  }
0x5: {  	_ = 	snop  }
0x6: {  	_ = 	snop  }
0x7: {  	_ = 	snop  }
__scs_overlays_trampoline_lowered:
0x8: {  	[smem:$0x3F92] =	sst s0  }
0x9: {  	[smem:$0x3F93] =	sst s1  }
0xa: {  	[smem:$0x3F94] =	sst s2  }
0xb: {  	[smem:$0x3F95] =	sst s3  }
0xc: {  	[smem:$0x3F96] =	sst s4  }
0xd: {  	[smem:$0x3F97] =	sst s5  }
0xe: {  	[smem:$0x3F98] =	sst s6  }
0xf: {  	[smem:$0x3F99] =	sst s7  }
0x10: {  	[smem:$0x3F9A] =	sst s8  }
0x11: {  	[smem:$0x3F9B] =	sst s9;
	s0 =	simm.s32 @!p0 $0x0  }
0x12: {  	s1 =	sld [smem:$0x3F81];
	s0 =	simm.s32 @p0 $0x1  }
0x13: {  	[smem:$0x3F9C] =	sst s0;
	s0 =	simm.s32 @!p1 $0x0  }
0x14: {  	s2 =	sld [smem:$0x3F80];
	s0 =	simm.s32 @p1 $0x1  }
0x15: {  	[smem:$0x3F9D] =	sst s0;
	s0 =	simm.s32 @!p2 $0x0  }
0x16: {  	s3 =	sld [smem:$0x3FDB];
	s0 =	simm.s32 @p2 $0x1  }
0x17: {  	s4 =	simm.s32 $0x1BF5;
	[smem:$0x3F9F] =	sst s0  }
0x18: {  	s0 =	sld [smem:$0x3F82];
	_ =	swait.ge [sflag:s4], $0x0  }
0x19: {  	s7 =	sld [smem:$0x3F83]  }
0x1a: {  	s8 =	sadd.s32 $0xFFFFE003, lr  }
0x1b: {  	s9 =	sadd.s32 $0xFFFFFEF7, lr;
	s5 =	simm.s32 $0xFFFFFFFF;
	p2 =	slt.u32 s8, $0xFFFFF086  }
0x1c: {  	p1 =	slt.u32 s9, $0xF7A;
	s5 =	simm.s32 @!p2 $0x0  }
0x1d: {  	s5 =	simm.s32 @p1 $0x1;
	p0 =	seq.s32 s7, s2  }
0x1e: {  	s7 =	smul.u32 @!p0 $0xF7A, s2;
	p2 =	seq.s32 @!p0 s5, $0x0  }
0x1f: {  	s9 =	smul.u32 $0xF7A, s1;
	s8 =	simm.s32 @!p0 $0x1BF5;
	p2 =	por !p2, p0  }
0x20: {  	[sflag:s8] =	ssyncset.s32 @!p0 $0xFFFFF086;
	s6 =	sadd.s32 @!p0 s3, s7;
	s7 =	simm.s32 @!p0 $0x108  }
0x21: {  	s3 =	sadd.s32 s3, s9;
	s6 =	sadd.s32 @!p0 $0x88, s6;
	s7 =	simm.s32 @p2 $0x1082  }
0x22: {  	[simem:s7], [sflag:s8] =	dma.local @!p0 [hbm:s6], $0xF7A  }
0x23: {  	s9 =	sor.u32 $0xD0000000, s2;
	s6 =	simm.s32 $0x108;
	_ =	swait.ge @!p0 [sflag:s8], $0x0  }
0x24: {  	s3 =	sadd.s32 $0x88, s3;
	s6 =	simm.s32 @!p1 $0x1082;
	[sflag:s4] =	ssyncset.s32 $0xFFFFF086  }
0x25: {  	[simem:s6], [sflag:s4] =	dma.local [hbm:s3], $0xF7A  }
0x26: {  	[smem:$0x3F83] =	sst s1;
	(tag) =	ssettag s2;
	_ =	strace s9  }
0x27: {  	s1 =	sld [smem:$0x3F93]  }
0x28: {  	s2 =	sld [smem:$0x3F94]  }
0x29: {  	s4 =	sld [smem:$0x3F96]  }
0x2a: {  	p0 =	seq.s32 s5, $0x0;
	s5 =	sld [smem:$0x3F97]  }
0x2b: {  	s6 =	sld [smem:$0x3F98]  }
0x2c: {  	s7 =	sld [smem:$0x3F99]  }
0x2d: {  	s3 =	simm.s32 $0x108;
	s8 =	sld [smem:$0x3F9A]  }
0x2e: {  	s3 =	simm.s32 @!p0 $0x1082;
	s9 =	sld [smem:$0x3F9B]  }
0x2f: {  	lr =	sadd.s32 s0, s3;
	s0 =	sld [smem:$0x3F92]  }
0x30: {  	s3 =	sld [smem:$0x3F95]  }
0x31: {  	[smem:$0x3F9E] =	sst s10  }
0x32: {  	s10 =	sld [smem:$0x3F9C];
	_ =	sdelay $0x3  }
0x33: {  	p0 =	seq.s32 s10, $0x1;
	s10 =	sld [smem:$0x3F9E];
	_ =	sdelay $0x3  }
0x34: {  	[smem:$0x3F9E] =	sst s10  }
0x35: {  	s10 =	sld [smem:$0x3F9D];
	_ =	sdelay $0x3  }
0x36: {  	p1 =	seq.s32 s10, $0x1;
	s10 =	sld [smem:$0x3F9E];
	_ =	sdelay $0x3  }
0x37: {  	[smem:$0x3F9E] =	sst s10  }
0x38: {  	s10 =	sld [smem:$0x3F9F]  }
0x39: {  	_ = 	snop;
	(pc) =	sbr.ind lr, $3  }
0x3a: {  	_ = 	snop  }
0x3b: {  	_ = 	snop  }
0x3c: {  	p2 =	seq.s32 s10, $0x1;
	s10 =	sld [smem:$0x3F9E]  }
0x3d: {  	_ =	shalt  }
0x3e: {  	_ =	shalt  }
0x3f: {  	_ =	shalt  }
0x40: {  	_ =	shalt  }
0x41: {  	_ =	shalt  }
0x42: {  	_ =	shalt  }
0x43: {  	_ =	shalt  }
0x44: {  	_ =	shalt  }
0x45: {  	_ =	shalt  }
0x46: {  	_ =	shalt  }
0x47: {  	_ =	shalt  }
0x48: {  	_ =	shalt  }
0x49: {  	_ =	shalt  }
0x4a: {  	_ =	shalt  }
0x4b: {  	_ =	shalt  }
0x4c: {  	_ =	shalt  }
0x4d: {  	_ =	shalt  }
0x4e: {  	_ =	shalt  }
0x4f: {  	_ =	shalt  }
0x50: {  	_ =	shalt  }
0x51: {  	_ =	shalt  }
0x52: {  	_ =	shalt  }
0x53: {  	_ =	shalt  }
0x54: {  	_ =	shalt  }
0x55: {  	_ =	shalt  }
0x56: {  	_ =	shalt  }
0x57: {  	_ =	shalt  }
0x58: {  	_ =	shalt  }
0x59: {  	_ =	shalt  }
0x5a: {  	_ =	shalt  }
0x5b: {  	_ =	shalt  }
0x5c: {  	_ =	shalt  }
0x5d: {  	_ =	shalt  }
0x5e: {  	_ =	shalt  }
0x5f: {  	_ =	shalt  }
0x60: {  	_ =	shalt  }
0x61: {  	_ =	shalt  }
0x62: {  	_ =	shalt  }
0x63: {  	_ =	shalt  }
0x64: {  	_ =	shalt  }
0x65: {  	_ =	shalt  }
0x66: {  	_ =	shalt  }
0x67: {  	_ =	shalt  }
0x68: {  	_ =	shalt  }
0x69: {  	_ =	shalt  }
0x6a: {  	_ =	shalt  }
0x6b: {  	_ =	shalt  }
0x6c: {  	_ =	shalt  }
0x6d: {  	_ =	shalt  }
0x6e: {  	_ =	shalt  }
0x6f: {  	_ =	shalt  }
0x70: {  	_ =	shalt  }
0x71: {  	_ =	shalt  }
0x72: {  	_ =	shalt  }
0x73: {  	_ =	shalt  }
0x74: {  	_ =	shalt  }
0x75: {  	_ =	shalt  }
0x76: {  	_ =	shalt  }
0x77: {  	_ =	shalt  }
0x78: {  	_ =	shalt  }
0x79: {  	_ =	shalt  }
0x7a: {  	_ =	shalt  }
0x7b: {  	_ =	shalt  }
0x7c: {  	_ =	shalt  }
0x7d: {  	_ =	shalt  }
0x7e: {  	_ =	shalt  }
0x7f: {  	_ =	shalt  }
0x80: {  	_ =	shalt  }
0x81: {  	_ =	shalt  }
0x82: {  	_ =	shalt  }
0x83: {  	_ =	shalt  }
0x84: {  	_ =	shalt  }
0x85: {  	_ =	shalt  }
0x86: {  	_ =	shalt  }
0x87: {  	_ =	shalt  }
.Lfunc_end0:
.L_simem_size_0:
called_computation.5_lowered:
.L_overlay_start_0:
0x88: {  	s2 =	sld [smem:$0x3FD9]  }
0x89: {  	s3 =	sld [smem:$0x3FFE];
	_ =	sdelay $0x1  }
0x8a: {  	s1 =	srdreg.scid  }
0x8b: {  	s0 =	sand.u32 $0x1, s1  }
0x8c: {  	s16 =	sshll.u32 s0, $0xA;
	s2 =	sadd.s32 s3, s2  }
0x8d: {  	s2 =	sadd.s32 s2, s16  }
0x8e: {  	[smem:$0x3FAA] =	sst s2  }
0x8f: {  	_ = 	snop  }
0x90: {  	(tm) =	ssettm $0x1  }
0x91: {  	s17 =	sld [smem:$0x3FFB];
	_ =	sdelay $0x3  }
0x92: {  	_ =	strace s17  }
0x93: {  	s2 =	sld [smem:$0x3FFC];
	_ =	sdelay $0x3  }
0x94: {  	_ =	strace s2  }
0x95: {  	s2 =	sld [smem:$0x3FFD];
	_ =	sdelay $0x3  }
0x96: {  	_ =	strace s2  }
0x97: {  	_ =	strace $0x8FFFFFFF  }
0x98: {  	s18 =	sld [smem:$0x3FDB];
	_ =	sdelay $0x1  }
0x99: {  	s19 =	simm.s32 $_scs_section_size  }
0x9a: {  	s4 =	simm.s32 $_size__tile_overlayer_lowered;
	s5 =	simm.s32 $_tile_overlayer_lowered  }
0x9b: {  	s22 =	simm.s32 $0x1BFF;
	s21 =	sshll.u32 s5, $0x1;
	s2 =	sadd.s32 s19, s18  }
0x9c: {  	s6 =	simm.s32 $0x0;
	s20 =	sshll.u32 s4, $0x1;
	s4 =	sadd.s32 s21, s2  }
0x9d: {  	[timem:s6], [sflag:s22] =	dma.local [hbm:s4], s20  }
0x9e: {  	_ =	swait.ge [sflag:s22], s20  }
0x9f: {  	s3 =	ssub.s32 $0x0, s20;
	[sflag:s22] =	ssyncset.done $0x0  }
0xa0: {  	[sflag:s22] =	ssyncadd.s32 s3;
	_ =	sdelay $0x1  }
0xa1: {  	s23 =	simm.s32 $0x1B8B  }
0xa2: {  	_ =	swait.ge [sflag:s23], $0x1  }
0xa3: {  	[sflag:s23] =	ssyncset.done $0x0  }
0xa4: {  	s25 =	simm.s32 $0x1B8E;
	s24 =	sld [smem:$0x3FFE];
	[sflag:s23] =	ssyncadd.s32 $0xFFFFFFFF  }
0xa5: {  	s26 =	simm.s32 $execute0_lowered;
	[smem:$0x3FD2] =	sst s25  }
0xa6: {  	s4 =	sshll.u32 s26, $0x1;
	_ =	strace $0x80000055;
	[dreg:$0x1] =	wrdreg $0xFFFFFFFF  }
0xa7: {  	s28 =	simm.s32 $_size_execute0_lowered;
	s2 =	sadd.s32 s2, s4;
	[dreg:$0x0] =	wrdreg $0x0  }
0xa8: {  	s4 =	sshll.u32 s28, $0x1;
	[dreg:$0x2] =	wrdreg s2  }
0xa9: {  	[dreg:$0x3] =	wrdreg s4  }
0xaa: {  	[dreg:$0x4] =	wrdreg $0xC0  }
0xab: {  	_ =	task [dreg:s6], $0x5FFFF  }
0xac: {  	[dreg:$0x1] =	wrdreg $0xFFFFFFFF  }
0xad: {  	[dreg:$0x0] =	wrdreg $0x60  }
0xae: {  	[dreg:$0x2] =	wrdreg s24  }
0xaf: {  	[dreg:$0x3] =	wrdreg $0x9  }
0xb0: {  	_ =	task.clear_ibuf [dreg:s6], $0x4FFFF;
	_ =	strace $0x90000055  }
0xb1: {  	s29 =	simm.s32 $0x9;
	_ =	strace $0x80000057  }
0xb2: {  	_ =	swait.ge [sflag:s29], $0x1  }
0xb3: {  	[sflag:s29] =	ssyncadd.s32 $0xFFFFFFFF  }
0xb4: {  	_ =	strace $0x90000057  }
0xb5: {  	_ =	sfence  }
0xb6: {  	s30 =	sld [smem:$0x0];
	_ =	sdelay $0x2  }
0xb7: {  	s31 =	sshll.u32 s1, $0xD;
	s1 =	sshrl.u32 s1, $0x2  }
0xb8: {  	s3 =	sand.u32 $0x4000, s31;
	s1 =	sadd.s32 s1, s30  }
0xb9: {  	s0 =	sor.u32 s3, s0;
	s1 =	sshll.u32 s1, $0x11  }
0xba: {  	s0 =	sor.u32 s1, s0  }
0xbb: {  	s0 =	sadd.s32 $0x8F2B, s0  }
0xbc: {  	[sflag:s0] =	ssyncadd.remote.s32 $0x1  }
0xbd: {  	_ =	sfence.sel $0xFFFF  }
0xbe: {  	[dreg:$0x0] =	wrdreg $0xFFFFFFFF;
	(pc) =	sbr.abs _section_cstart, $3  }
0xbf: {  	[dreg:$0x1] =	wrdreg $0xFFFFFFFF  }
0xc0: {  	_ =	task.clear_ibuf [dreg:s6], $0x2FFFF;
	_ =	strace $0x9FFFFFFF  }
0xc1: {  	(tm) =	ssettm $0x7FFFFFFF  }
tec
execute0_lowered:
.L_overlay_start_1:
0x0: {  	(tag) =	ssettag $0x1  }
0x1: {  	s1 =	srdreg.scid  }
0x2: {  	s0 =	stileid.u32;
	s6 =	rddreg [dreg:$0x0]  }
0x3: {  	s19 =	simm.s32 $0x880;
	s20 =	simm.s32 $0x1080;
	s21 =	simm.s32 $0x1880  }
0x4: {  	s22 =	simm.s32 $0x2080;
	s23 =	simm.s32 $0x2880;
	s7 =	simm.s32 $0x3080  }
0x5: {  	s24 =	simm.s32 $0x3880;
	s8 =	simm.s32 $0x4080;
	s25 =	simm.s32 $0x4880  }
0x6: {  	s26 =	simm.s32 $0x5080;
	s9 =	simm.s32 $0x80;
	s1 =	sand.u32 $0x1, s1  }
0x7: {  	s11 =	simm.s32 $0x6080;
	s2 =	sshll.u32 s0, $0x7;
	s3 =	sshll.u32 s1, $0x6  }
0x8: {  	s12 =	simm.s32 $0x6880;
	s3 =	sor.u32 s3, s2;
	s2 =	simm.s32 $0x0  }
0x9: {  	s13 =	simm.s32 $0x7080;
	s14 =	simm.s32 $0x7880;
	[smem:$0x7FF] =	sst s2  }
0xa: {  	s15 =	simm.s32 $0x8080;
	_ =	strace $0x80000056;
	[dreg:$0x4] =	wrdreg s19  }
0xb: {  	s16 =	simm.s32 $0x8880;
	s17 =	simm.s32 $0x9080;
	[dreg:$0x5] =	wrdreg s20  }
0xc: {  	s18 =	simm.s32 $0x9880;
	s28 =	simm.s32 $0xE080;
	[dreg:$0x6] =	wrdreg s21  }
0xd: {  	s29 =	simm.s32 $0xE880;
	s30 =	simm.s32 $0xF080;
	[dreg:$0x7] =	wrdreg s22  }
0xe: {  	s31 =	simm.s32 $0xF880;
	s1 =	ssub.s32 $0x2, s1;
	[dreg:$0x8] =	wrdreg s23  }
0xf: {  	s5 =	sshrl.u32 s1, $0x1;
	s4 =	sshrl.u32 s3, $0x3;
	[dreg:$0x9] =	wrdreg s7  }
0x10: {  	s3 =	sshll.u32 s3, $0x7;
	s1 =	ssub.s32 s1, s5;
	[dreg:$0xa] =	wrdreg s24  }
0x11: {  	s5 =	sadd.s32 $0x6E400, s6;
	s4 =	sadd.s32 s4, s6;
	[dreg:$0xb] =	wrdreg s8  }
0x12: {  	s3 =	sadd.s32 s3, s6;
	s7 =	smax.u32 s1, $0x1;
	[dreg:$0xc] =	wrdreg s25  }
0x13: {  	s8 =	simm.s32 $0x2;
	[dreg:$0xd] =	wrdreg s26;
	s19 =	simm.s32 $0xA080  }
0x14: {  	s20 =	simm.s32 $0xA880;
	s21 =	simm.s32 $0xB080;
	s22 =	simm.s32 $0xB880  }
0x15: {  	s23 =	simm.s32 $0xC080;
	s24 =	simm.s32 $0xC880;
	s4 =	sadd.s32 $0x26000, s4  }
0x16: {  	v2 =	vlaneseq.u32;
	s25 =	simm.s32 $0xD080;
	s3 =	sadd.s32 $0x26200, s3;
	[dreg:$0x2] =	wrdreg s4  }
0x17: {  	vm0 =	vmmov $0xffff;
	v1 =	vshrl.u32 v2, $0x3;
	s26 =	simm.s32 $0xD880;
	s1 =	simm.s32 $0x1;
	[dreg:$0x3] =	wrdreg s3  }
0x18: {  	v0 =	vand.u32 $0x7, v2;
	v2 =	vor.u32 $0x8, v2;
	v1 =	vmul.u32 $0x8, v1;
	s3 =	sadd.s32 $0x6E200, s6;
	s4 =	sadd.s32 $0x6E300, s6;
	s6 =	sadd.s32 $0x6E500, s6  }
.LBB2_1:
0x19: {  	s0 =	rddreg [dreg:$0x2]  }
0x1a: {  	[tilespmem:s2], [sflag:$0x2] =	stream.linear.gather [hbm4b:s0+s2], $0x40, $0x38;
	[tilespmem:$0x10080] =	vst v63  }
0x1b: {  	_ =	swait.ge [sflag:s8], $0x40  }
0x1c: {  	[sflag:s8] =	ssyncset.done $0x0  }
0x1d: {  	[sflag:s8] =	ssyncadd.s32 $0xFFFFFFC0  }
0x1e: {  	v3 =	vld [tilespmem:$0x0];
	_ =	sdelay $0x4  }
0x1f: {  	v4 =	vshll.u32 v3, $0x3  }
0x20: {  	v3 =	vand.u32 $0x7, v3;
	v4 =	vand.u32 $0xFFFFFFC0, v4  }
0x21: {  	v3 =	vor.u32 v3, v4  }
0x22: {  	v4 =	vperm.xlane v3, v0;
	_ =	sdelay $0x1  }
0x23: {  	v4 =	vadd.s32 v1, v4;
	_ =	sdelay $0x4  }
0x24: {  	[tilespmem:s9], [sflag:$0x1] =	stream.indirect_vreg.gather [hbm4b:s3+s2], $0x80, v4, vm0, $0xb8;
	[tilespmem:$0x10080] =	vst v63  }
0x25: {  	s0 =	rddreg [dreg:$0x4];
	v3 =	vperm.xlane v3, v2  }
0x26: {  	[tilespmem:s0], [sflag:$0x1] =	stream.indirect_vreg.gather [hbm4b:s4+s2], $0x80, v4, vm0, $0xb8;
	[tilespmem:$0x10080] =	vst v63  }
0x27: {  	s10 =	rddreg [dreg:$0x5];
	v3 =	vadd.s32 v1, v3  }
0x28: {  	[tilespmem:s10], [sflag:$0x1] =	stream.indirect_vreg.gather [hbm4b:s5+s2], $0x80, v4, vm0, $0xb8;
	[tilespmem:$0x10080] =	vst v63  }
0x29: {  	s0 =	rddreg [dreg:$0x6]  }
0x2a: {  	[tilespmem:s0], [sflag:$0x1] =	stream.indirect_vreg.gather [hbm4b:s6+s2], $0x80, v4, vm0, $0xb8;
	[tilespmem:$0x10080] =	vst v63  }
0x2b: {  	s10 =	rddreg [dreg:$0x7]  }
0x2c: {  	[tilespmem:s10], [sflag:$0x1] =	stream.indirect_vreg.gather [hbm4b:s3+s2], $0x80, v3, vm0, $0xb8;
	[tilespmem:$0x10080] =	vst v63  }
0x2d: {  	s0 =	rddreg [dreg:$0x8]  }
0x2e: {  	[tilespmem:s0], [sflag:$0x1] =	stream.indirect_vreg.gather [hbm4b:s4+s2], $0x80, v3, vm0, $0xb8;
	[tilespmem:$0x10080] =	vst v63  }
0x2f: {  	s10 =	rddreg [dreg:$0x9]  }
0x30: {  	[tilespmem:s10], [sflag:$0x1] =	stream.indirect_vreg.gather [hbm4b:s5+s2], $0x80, v3, vm0, $0xb8;
	[tilespmem:$0x10080] =	vst v63  }
0x31: {  	s0 =	rddreg [dreg:$0xa]  }
0x32: {  	[tilespmem:s0], [sflag:$0x1] =	stream.indirect_vreg.gather [hbm4b:s6+s2], $0x80, v3, vm0, $0xb8;
	[tilespmem:$0x10080] =	vst v63  }
0x33: {  	v3 =	vld [tilespmem:$0x10];
	_ =	sdelay $0x4  }
0x34: {  	v61 =	vshll.u32 v3, $0x3  }
0x35: {  	v3 =	vand.u32 $0x7, v3;
	v4 =	vand.u32 $0xFFFFFFC0, v61  }
0x36: {  	v3 =	vor.u32 v3, v4  }
0x37: {  	v4 =	vperm.xlane v3, v0;
	_ =	sdelay $0x1  }
0x38: {  	v4 =	vadd.s32 v1, v4;
	_ =	sdelay $0x3  }
0x39: {  	s0 =	rddreg [dreg:$0xb]  }
0x3a: {  	[tilespmem:s0], [sflag:$0x1] =	stream.indirect_vreg.gather [hbm4b:s3+s2], $0x80, v4, vm0, $0xb8;
	[tilespmem:$0x10080] =	vst v63  }
0x3b: {  	s10 =	rddreg [dreg:$0xc];
	v3 =	vperm.xlane v3, v2  }
0x3c: {  	[tilespmem:s10], [sflag:$0x1] =	stream.indirect_vreg.gather [hbm4b:s4+s2], $0x80, v4, vm0, $0xb8;
	[tilespmem:$0x10080] =	vst v63  }
0x3d: {  	v3 =	vadd.s32 v1, v3;
	s0 =	rddreg [dreg:$0xd]  }
0x3e: {  	[tilespmem:s0], [sflag:$0x1] =	stream.indirect_vreg.gather [hbm4b:s5+s2], $0x80, v4, vm0, $0xb8;
	[tilespmem:$0x10080] =	vst v63  }
0x3f: {  	s10 =	simm.s32 $0x5880  }
0x40: {  	[tilespmem:s10], [sflag:$0x1] =	stream.indirect_vreg.gather [hbm4b:s6+s2], $0x80, v4, vm0, $0xb8;
	[tilespmem:$0x10080] =	vst v63  }
0x41: {  	_ = 	snop  }
0x42: {  	[tilespmem:s11], [sflag:$0x1] =	stream.indirect_vreg.gather [hbm4b:s3+s2], $0x80, v3, vm0, $0xb8;
	[tilespmem:$0x10080] =	vst v63  }
0x43: {  	_ = 	snop  }
0x44: {  	[tilespmem:s12], [sflag:$0x1] =	stream.indirect_vreg.gather [hbm4b:s4+s2], $0x80, v3, vm0, $0xb8;
	[tilespmem:$0x10080] =	vst v63  }
0x45: {  	_ = 	snop  }
0x46: {  	[tilespmem:s13], [sflag:$0x1] =	stream.indirect_vreg.gather [hbm4b:s5+s2], $0x80, v3, vm0, $0xb8;
	[tilespmem:$0x10080] =	vst v63  }
0x47: {  	_ = 	snop  }
0x48: {  	[tilespmem:s14], [sflag:$0x1] =	stream.indirect_vreg.gather [hbm4b:s6+s2], $0x80, v3, vm0, $0xb8;
	[tilespmem:$0x10080] =	vst v63  }
0x49: {  	v3 =	vld [tilespmem:$0x20];
	_ =	sdelay $0x4  }
0x4a: {  	v62 =	vshll.u32 v3, $0x3  }
0x4b: {  	v3 =	vand.u32 $0x7, v3;
	v4 =	vand.u32 $0xFFFFFFC0, v62  }
0x4c: {  	v3 =	vor.u32 v3, v4  }
0x4d: {  	v4 =	vperm.xlane v3, v0;
	_ =	sdelay $0x1  }
0x4e: {  	v4 =	vadd.s32 v1, v4;
	_ =	sdelay $0x4  }
0x4f: {  	[tilespmem:s15], [sflag:$0x1] =	stream.indirect_vreg.gather [hbm4b:s3+s2], $0x80, v4, vm0, $0xb8;
	[tilespmem:$0x10080] =	vst v63  }
0x50: {  	v3 =	vperm.xlane v3, v2  }
0x51: {  	[tilespmem:s16], [sflag:$0x1] =	stream.indirect_vreg.gather [hbm4b:s4+s2], $0x80, v4, vm0, $0xb8;
	[tilespmem:$0x10080] =	vst v63  }
0x52: {  	v3 =	vadd.s32 v1, v3  }
0x53: {  	[tilespmem:s17], [sflag:$0x1] =	stream.indirect_vreg.gather [hbm4b:s5+s2], $0x80, v4, vm0, $0xb8;
	[tilespmem:$0x10080] =	vst v63  }
0x54: {  	_ = 	snop  }
0x55: {  	[tilespmem:s18], [sflag:$0x1] =	stream.indirect_vreg.gather [hbm4b:s6+s2], $0x80, v4, vm0, $0xb8;
	[tilespmem:$0x10080] =	vst v63  }
0x56: {  	_ = 	snop  }
0x57: {  	[tilespmem:s19], [sflag:$0x1] =	stream.indirect_vreg.gather [hbm4b:s3+s2], $0x80, v3, vm0, $0xb8;
	[tilespmem:$0x10080] =	vst v63  }
0x58: {  	_ = 	snop  }
0x59: {  	[tilespmem:s20], [sflag:$0x1] =	stream.indirect_vreg.gather [hbm4b:s4+s2], $0x80, v3, vm0, $0xb8;
	[tilespmem:$0x10080] =	vst v63  }
0x5a: {  	_ = 	snop  }
0x5b: {  	[tilespmem:s21], [sflag:$0x1] =	stream.indirect_vreg.gather [hbm4b:s5+s2], $0x80, v3, vm0, $0xb8;
	[tilespmem:$0x10080] =	vst v63  }
0x5c: {  	_ = 	snop  }
0x5d: {  	[tilespmem:s22], [sflag:$0x1] =	stream.indirect_vreg.gather [hbm4b:s6+s2], $0x80, v3, vm0, $0xb8;
	[tilespmem:$0x10080] =	vst v63  }
0x5e: {  	v3 =	vld [tilespmem:$0x30];
	_ =	sdelay $0x4  }
0x5f: {  	v63 =	vshll.u32 v3, $0x3  }
0x60: {  	v3 =	vand.u32 $0x7, v3;
	v4 =	vand.u32 $0xFFFFFFC0, v63  }
0x61: {  	v3 =	vor.u32 v3, v4  }
0x62: {  	v4 =	vperm.xlane v3, v0;
	_ =	sdelay $0x1  }
0x63: {  	v4 =	vadd.s32 v1, v4;
	_ =	sdelay $0x4  }
0x64: {  	[tilespmem:s23], [sflag:$0x1] =	stream.indirect_vreg.gather [hbm4b:s3+s2], $0x80, v4, vm0, $0xb8;
	[tilespmem:$0x10080] =	vst v63  }
0x65: {  	v3 =	vperm.xlane v3, v2  }
0x66: {  	[tilespmem:s24], [sflag:$0x1] =	stream.indirect_vreg.gather [hbm4b:s4+s2], $0x80, v4, vm0, $0xb8;
	[tilespmem:$0x10080] =	vst v63  }
0x67: {  	v3 =	vadd.s32 v1, v3  }
0x68: {  	[tilespmem:s25], [sflag:$0x1] =	stream.indirect_vreg.gather [hbm4b:s5+s2], $0x80, v4, vm0, $0xb8;
	[tilespmem:$0x10080] =	vst v63  }
0x69: {  	_ = 	snop  }
0x6a: {  	[tilespmem:s26], [sflag:$0x1] =	stream.indirect_vreg.gather [hbm4b:s6+s2], $0x80, v4, vm0, $0xb8;
	[tilespmem:$0x10080] =	vst v63  }
0x6b: {  	_ = 	snop  }
0x6c: {  	[tilespmem:s28], [sflag:$0x1] =	stream.indirect_vreg.gather [hbm4b:s3+s2], $0x80, v3, vm0, $0xb8;
	[tilespmem:$0x10080] =	vst v63  }
0x6d: {  	_ = 	snop  }
0x6e: {  	[tilespmem:s29], [sflag:$0x1] =	stream.indirect_vreg.gather [hbm4b:s4+s2], $0x80, v3, vm0, $0xb8;
	[tilespmem:$0x10080] =	vst v63  }
0x6f: {  	_ = 	snop  }
0x70: {  	[tilespmem:s30], [sflag:$0x1] =	stream.indirect_vreg.gather [hbm4b:s5+s2], $0x80, v3, vm0, $0xb8;
	[tilespmem:$0x10080] =	vst v63  }
0x71: {  	_ = 	snop  }
0x72: {  	[tilespmem:s31], [sflag:$0x1] =	stream.indirect_vreg.gather [hbm4b:s6+s2], $0x80, v3, vm0, $0xb8;
	[tilespmem:$0x10080] =	vst v63  }
0x73: {  	_ =	swait.ge [sflag:s1], $0x10000  }
0x74: {  	p0 =	sne.s32 s7, $0x1;
	[sflag:s1] =	ssyncset.done $0x0  }
.Ltmp0:
0x75: {  	s10 =	rddreg [dreg:$0x3];
	[sflag:s1] =	ssyncadd.s32 $0xFFFF0000;
	(pc) =	sbr.rel @p0 .LBB2_1-.Ltmp0, $4  }
0x76: {  	[hbm4b:s10+s2] =	stream.linear.scatter [tilespmem:s9], [sflag:$0x2], $0x10000, $0x38;
	[tilespmem:$0x10080] =	vst v63  }
0x77: {  	_ =	swait.ge [sflag:s8], $0x10000  }
0x78: {  	[sflag:s8] =	ssyncset.done $0x0  }
0x79: {  	s7 =	sadd.s32 $0xFFFFFFFF, s7;
	[sflag:s8] =	ssyncadd.s32 $0xFFFF0000  }
0x7a: {  	_ =	sfence.sel $0x180000  }
0x7b: {  	[bflag:$0x0] =	sbarrier.arrive $0xFFFF  }
0x7c: {  	_ =	strace $0x90000056  }
0x7d: {  	s0 =	stileid.u32;
	[bflag:$0x2] =	sbarrier.arrive $0xFFFF  }
0x7e: {  	p0 =	sne.s32 s0, $0x0;
	s0 =	rddreg [dreg:$0x1]  }
0x7f: {  	s0 =	sadd.s32 @!p0 $0x100000, s0  }
0x80: {  	[sflag:s0] =	ssyncadd.tile.s32 @!p0 $0x1;
	_ =	shalt  }
.Lfunc_end2:
_tile_overlayer_lowered:
.L_overlay_start_2:
0x81: {  	(tag) =	ssettag $0x2  }
0x82: {  	s0 =	rddreg [dreg:$0x0];
	s2 =	stileid.u32  }
0x83: {  	s1 =	rddreg [dreg:$0x1];
	p0 =	sne.s32 s2, $0x0  }
0x84: {  	s3 =	rddreg [dreg:$0x2];
	[bflag:$0x3] =	sbarrier.arrive $0xFFFF;
	s2 =	simm.s32 @!p0 $0x1C02  }
0x85: {  	[timem:s3], [sflag:s2] =	dma.local @!p0 [hbm:s0], s1  }
0x86: {  	s0 =	simm.s32 @!p0 $0x2  }
0x87: {  	_ =	swait.ge @!p0 [sflag:s0], s1  }
0x88: {  	s1 =	ssub.s32 @!p0 $0x0, s1;
	[sflag:s0] =	ssyncset.done @!p0 $0x0  }
0x89: {  	[sflag:s0] =	ssyncadd.s32 @!p0 s1  }
0x8a: {  	[bflag:$0x3] =	sbarrier.arrive $0xFFFF  }
0x8b: {  	_ =	shalt  }

</sc_bundles>
